<compile_context>
chip_gen: v7x
topology: tpu7x:2x2x1
jax: 0.10.2.dev20260603
libtpu: 0.0.44.dev20260713+nightly
codegen_flags: <defaults>
</compile_context>

<pallas_src>
import functools

import jax
import jax.numpy as jnp
from jax import lax
from jax.experimental import pallas as pl
from jax.experimental.pallas import tpu as pltpu
from jax.experimental.pallas import tpu_sc as plsc

N_NODES = 10000
N_EDGES = 320000
FEATS = 128

NC = 2
NS = 16
NW = NC * NS
CHUNK = 128
NCHUNK = 84
NSUPER = NCHUNK // 2
E_PAD = NW * NCHUNK * CHUNK
ACC_ROWS = 10040
RPT = 632
RPT_LAST = ACC_ROWS - 15 * RPT
ROW_BLK = 1000


def _matmul_body(h_ref, w_ref, norm_ref, out_ref):
    out_ref[...] = (
        jnp.dot(h_ref[...], w_ref[...], preferred_element_type=jnp.float32)
        * norm_ref[...]
    )


def _post_body(p_ref, norm_ref, bias_ref, out_ref):
    z = (p_ref[0] + p_ref[1]) * norm_ref[...] + bias_ref[...]
    out_ref[...] = jnp.maximum(z, 0.2 * z)


def _agg_body(m_hbm, src_hbm, dst_hbm, zeros_hbm, out_hbm,
              srcs0, srcs1, srcs2, dsts0, dsts1, buf0, buf1, buf2, acc,
              gs0, gs1, gs2, is0, is1, is2, id0, id1):
    c = lax.axis_index("c")
    s = lax.axis_index("s")
    wid = s * NC + c

    src_slots = (srcs0, srcs1, srcs2)
    dst_slots = (dsts0, dsts1)
    bufs = (buf0, buf1, buf2)
    gsems = (gs0, gs1, gs2)
    isems = (is0, is1, is2)
    dsems = (id0, id1)

    @pl.when(s < NS - 1)
    def _():
        pltpu.sync_copy(zeros_hbm, acc.at[pl.ds(s * RPT, RPT)])

    @pl.when(s == NS - 1)
    def _():
        pltpu.sync_copy(zeros_hbm.at[pl.ds(0, RPT_LAST)],
                        acc.at[pl.ds((NS - 1) * RPT, RPT_LAST)])

    plsc.subcore_barrier()

    def emit(S, k0, l, src_refill, dst_refill, fire_gather):
        if l % 2 == 0:
            if src_refill:
                sl = (2 + l // 2) % 3
                pltpu.async_copy(src_hbm.at[wid, S + 2 + l // 2],
                                 src_slots[sl], isems[sl])
            if dst_refill:
                dl = (1 + l // 2) % 2
                pltpu.async_copy(dst_hbm.at[wid, S + 1 + l // 2],
                                 dst_slots[dl], dsems[dl])
        if fire_gather:
            sf = (1 + l // 2) % 3
            if l % 2 == 0:
                pltpu.make_async_copy(
                    src_hbm.at[wid, k0], src_slots[sf], isems[sf]).wait()
            bg = (l + 2) % 3
            pltpu.async_copy(m_hbm.at[src_slots[sf].at[(l + 2) % 2]],
                             bufs[bg], gsems[bg])
        b = l % 3
        pltpu.make_async_copy(m_hbm.at[src_slots[0].at[0]],
                              bufs[b], gsems[b]).wait()
        dd = (l // 2) % 2
        if l % 2 == 0:
            pltpu.make_async_copy(
                dst_hbm.at[wid, k0], dst_slots[dd], dsems[dd]).wait()
        pltpu.sync_copy(bufs[b], acc.at[dst_slots[dd].at[l % 2]], add=True)

    pltpu.sync_copy(src_hbm.at[wid, 0], srcs0)
    pltpu.async_copy(src_hbm.at[wid, 1], srcs1, is1)
    pltpu.async_copy(src_hbm.at[wid, 2], srcs2, is2)
    pltpu.async_copy(dst_hbm.at[wid, 0], dsts0, id0)
    pltpu.async_copy(m_hbm.at[srcs0.at[0]], buf0, gs0)
    pltpu.async_copy(m_hbm.at[srcs0.at[1]], buf1, gs1)
    for l in range(12):
        emit(0, 0, l, l >= 2, True, True)

    def body(k):
        S = 6 * k
        for l in range(12):
            emit(S, S, l, True, True, True)

    pl.loop(1, 6)(body)

    for l in range(12):
        emit(36, 36, l, l <= 6, l <= 8, l <= 9)

    plsc.subcore_barrier()

    @pl.when(s < NS - 1)
    def _():
        pltpu.sync_copy(acc.at[pl.ds(s * RPT, RPT)],
                        out_hbm.at[c].at[pl.ds(s * RPT, RPT)])

    @pl.when(s == NS - 1)
    def _():
        pltpu.sync_copy(acc.at[pl.ds((NS - 1) * RPT, RPT_LAST)],
                        out_hbm.at[c].at[pl.ds((NS - 1) * RPT, RPT_LAST)])


def kernel(h, edge_index, W, bias, norm):
    m = pl.pallas_call(
        _matmul_body,
        grid=(N_NODES // ROW_BLK,),
        in_specs=[
            pl.BlockSpec((ROW_BLK, FEATS), lambda i: (i, 0)),
            pl.BlockSpec((FEATS, FEATS), lambda i: (0, 0)),
            pl.BlockSpec((ROW_BLK, 1), lambda i: (i, 0)),
        ],
        out_specs=pl.BlockSpec((ROW_BLK, FEATS), lambda i: (i, 0)),
        out_shape=jax.ShapeDtypeStruct((N_NODES, FEATS), jnp.float32),
    )(h, W, norm)

    pad = E_PAD - N_EDGES
    pad_ids = jnp.arange(pad, dtype=jnp.int32)
    src = jnp.concatenate([edge_index[0], pad_ids % N_NODES])
    dst = jnp.concatenate(
        [edge_index[1], N_NODES + pad_ids % (ACC_ROWS - N_NODES)]
    )
    src4 = src.reshape(NW, NSUPER, 2, CHUNK)
    dst4 = dst.reshape(NW, NSUPER, 2, CHUNK)
    zeros = jnp.zeros((RPT, FEATS), jnp.float32)

    agg = functools.partial(
        pl.kernel,
        out_type=jax.ShapeDtypeStruct((NC, ACC_ROWS, FEATS), jnp.float32),
        mesh=plsc.VectorSubcoreMesh(core_axis_name="c", subcore_axis_name="s"),
        scratch_types=[
            pltpu.VMEM((2, CHUNK), jnp.int32),
            pltpu.VMEM((2, CHUNK), jnp.int32),
            pltpu.VMEM((2, CHUNK), jnp.int32),
            pltpu.VMEM((2, CHUNK), jnp.int32),
            pltpu.VMEM((2, CHUNK), jnp.int32),
            pltpu.VMEM((CHUNK, FEATS), jnp.float32),
            pltpu.VMEM((CHUNK, FEATS), jnp.float32),
            pltpu.VMEM((CHUNK, FEATS), jnp.float32),
            pltpu.VMEM_SHARED((ACC_ROWS, FEATS), jnp.float32),
            pltpu.SemaphoreType.DMA,
            pltpu.SemaphoreType.DMA,
            pltpu.SemaphoreType.DMA,
            pltpu.SemaphoreType.DMA,
            pltpu.SemaphoreType.DMA,
            pltpu.SemaphoreType.DMA,
            pltpu.SemaphoreType.DMA,
            pltpu.SemaphoreType.DMA,
        ],
    )(_agg_body)
    partial = agg(m, src4, dst4, zeros)

    n = pl.pallas_call(
        _post_body,
        grid=(N_NODES // ROW_BLK,),
        in_specs=[
            pl.BlockSpec((NC, ROW_BLK, FEATS), lambda i: (0, i, 0)),
            pl.BlockSpec((ROW_BLK, 1), lambda i: (i, 0)),
            pl.BlockSpec((1, FEATS), lambda i: (0, 0)),
        ],
        out_specs=pl.BlockSpec((ROW_BLK, FEATS), lambda i: (i, 0)),
        out_shape=jax.ShapeDtypeStruct((N_NODES, FEATS), jnp.float32),
    )(partial, norm, bias.reshape(1, FEATS))
    return n

# --- scband reference (transcript-rebuilt; emitter-appended) ---
"""Pipeline reference for scband-gcnlayer-30966714204803 (READ-ONLY COPY).

The authoritative reference and input builder live on the scoring server;
editing this copy changes nothing except your own understanding.
"""

import jax, jax.numpy as jnp
import numpy as np
import math

N_NODES = 10000
N_EDGES = 320000
IN_FEATS = 128
OUT_FEATS = 128


def setup_inputs(seed: int = 0) -> dict:
    key = jax.random.key(seed)
    k1, k2, k3, k4 = jax.random.split(key, 4)
    h = jax.random.normal(k1, (N_NODES, IN_FEATS), dtype=jnp.float32)
    edge_index = jax.random.randint(k2, (2, N_EDGES), 0, N_NODES, dtype=jnp.int32)
    # xavier_uniform_ with gain = calculate_gain('relu') = sqrt(2)
    gain = math.sqrt(2.0)
    bound = gain * math.sqrt(6.0 / (IN_FEATS + OUT_FEATS))
    W = jax.random.uniform(k3, (IN_FEATS, OUT_FEATS), dtype=jnp.float32, minval=-bound, maxval=bound)
    stdv = 1.0 / math.sqrt(OUT_FEATS)
    bias = jax.random.uniform(k4, (OUT_FEATS,), dtype=jnp.float32, minval=-stdv, maxval=stdv)
    # symmetric GCN normalization stored in g.ndata['norm']: deg^{-1/2}, shape [N, 1]
    deg = jnp.bincount(edge_index[1], length=N_NODES).astype(jnp.float32)
    norm = jnp.where(deg > 0, deg, 1.0) ** -0.5
    norm = norm.reshape(N_NODES, 1)
    return {"h": h, "edge_index": edge_index, "W": W, "bias": bias, "norm": norm}


def reference(h, edge_index, W, bias, norm):
    # dropout p=0.0 -> identity (self.dropout is falsy in the torch module)
    m = jnp.matmul(h, W) * norm  # pre-normalize messages
    src = edge_index[0]
    dst = edge_index[1]
    # update_all(copy_src('m'), sum -> 'n'): scatter-add messages from src to dst
    n = jax.ops.segment_sum(m[src], dst, num_segments=N_NODES)
    n = n * norm  # post-normalize
    n = n + bias
    n = jax.nn.leaky_relu(n, negative_slope=0.2)
    return n

if __name__ == "__main__":
    import jax
    _d = setup_inputs()
    print(jax.jit(kernel)(*tuple(_d.values())))

</pallas_src>

<mosaic_0001>
#map = affine_map<(d0, d1) -> (0, 0)>
#map1 = affine_map<(d0, d1) -> (0, 0, 0, 0)>
#map2 = affine_map<(d0, d1) -> (0, 0, 0)>
module attributes {stable_mosaic.version = 14 : i64} {
  func.func @_agg_body(%arg0: i32, %arg1: i32, %arg2: memref<10000x128xf32, #tpu.memory_space<hbm>>, %arg3: memref<32x42x2x128xi32, #tpu.memory_space<hbm>>, %arg4: memref<32x42x2x128xi32, #tpu.memory_space<hbm>>, %arg5: memref<632x128xf32, #tpu.memory_space<hbm>>, %arg6: memref<2x10040x128xf32, #tpu.memory_space<hbm>>, %arg7: memref<2x128xi32, #tpu.memory_space<vmem>>, %arg8: memref<2x128xi32, #tpu.memory_space<vmem>>, %arg9: memref<2x128xi32, #tpu.memory_space<vmem>>, %arg10: memref<2x128xi32, #tpu.memory_space<vmem>>, %arg11: memref<2x128xi32, #tpu.memory_space<vmem>>, %arg12: memref<128x128xf32, #tpu.memory_space<vmem>>, %arg13: memref<128x128xf32, #tpu.memory_space<vmem>>, %arg14: memref<128x128xf32, #tpu.memory_space<vmem>>, %arg15: memref<10040x128xf32, #tpu.memory_space<vmem_shared>>, %arg16: memref<!tpu.dma_semaphore, #tpu.memory_space<semaphore_mem>>, %arg17: memref<!tpu.dma_semaphore, #tpu.memory_space<semaphore_mem>>, %arg18: memref<!tpu.dma_semaphore, #tpu.memory_space<semaphore_mem>>, %arg19: memref<!tpu.dma_semaphore, #tpu.memory_space<semaphore_mem>>, %arg20: memref<!tpu.dma_semaphore, #tpu.memory_space<semaphore_mem>>, %arg21: memref<!tpu.dma_semaphore, #tpu.memory_space<semaphore_mem>>, %arg22: memref<!tpu.dma_semaphore, #tpu.memory_space<semaphore_mem>>, %arg23: memref<!tpu.dma_semaphore, #tpu.memory_space<semaphore_mem>>) attributes {dimension_semantics = [#tpu.dimension_semantics<core_parallel>, #tpu.dimension_semantics<subcore_parallel>], iteration_bounds = array<i64: 2, 16>, scalar_prefetch = 0 : i64, scratch_operands = 17 : i64, tpu.core_type = #tpu.core_type<sc_vector_subcore>, window_params = [{transform_indices = #map}, {transform_indices = #map1}, {transform_indices = #map1}, {transform_indices = #map}, {transform_indices = #map2}]} {
    %mul3A = arith.constant 2 : i32
    %mul3A_0 = arith.muli %arg1, %mul3A : i32
    %add3A = arith.addi %mul3A_0, %arg0 : i32
    %lt3A = arith.constant 15 : i32
    %lt3A_1 = arith.cmpi slt, %arg1, %lt3A : i32
    %convert_element_type3A = arith.extui %lt3A_1 : i1 to i32
    %cond3A = arith.constant 0 : i32
    %cond3A_2 = arith.cmpi ne, %convert_element_type3A, %cond3A : i32
    scf.if %cond3A_2 {
      %mul3A_794 = arith.constant 632 : i32
      %mul3A_795 = arith.muli %arg1, %mul3A_794 : i32
      "tpu.region"() ({
        %run_scoped3A_796 = tpu.sem_alloc : memref<!tpu.dma_semaphore, #tpu.memory_space<semaphore_mem>>
        %dma_start3A_797 = arith.constant 0 : i32
        %dma_start3A_798 = tpu.memref_slice %arg15[%mul3A_795, %dma_start3A_797] : memref<10040x128xf32, #tpu.memory_space<vmem_shared>> -> memref<632x128xf32, #tpu.memory_space<vmem_shared>>
        tpu.enqueue_dma source(%arg5 : memref<632x128xf32, #tpu.memory_space<hbm>>) target(%dma_start3A_798 : memref<632x128xf32, #tpu.memory_space<vmem_shared>>) target_semaphore(%run_scoped3A_796 : memref<!tpu.dma_semaphore, #tpu.memory_space<semaphore_mem>>)
        %dma_wait3A_799 = arith.constant 0 : i32
        %dma_wait3A_800 = tpu.memref_slice %arg15[%mul3A_795, %dma_wait3A_799] : memref<10040x128xf32, #tpu.memory_space<vmem_shared>> -> memref<632x128xf32, #tpu.memory_space<vmem_shared>>
        tpu.wait_dma2 semaphore(%run_scoped3A_796 : memref<!tpu.dma_semaphore, #tpu.memory_space<semaphore_mem>>) src(%arg5 : memref<632x128xf32, #tpu.memory_space<hbm>>) dst(%dma_wait3A_800 : memref<632x128xf32, #tpu.memory_space<vmem_shared>>)
        tpu.yield
      }) : () -> ()
    } else {
    }
    %eq3A = arith.constant 15 : i32
    %eq3A_3 = arith.cmpi eq, %arg1, %eq3A : i32
    %convert_element_type3A_4 = arith.extui %eq3A_3 : i1 to i32
    %cond3A_5 = arith.constant 0 : i32
    %cond3A_6 = arith.cmpi ne, %convert_element_type3A_4, %cond3A_5 : i32
    scf.if %cond3A_6 {
      "tpu.region"() ({
        %run_scoped3A_794 = tpu.sem_alloc : memref<!tpu.dma_semaphore, #tpu.memory_space<semaphore_mem>>
        %dma_start3A_795 = arith.constant 9480 : i32
        %dma_start3A_796 = arith.constant 0 : i32
        %dma_start3A_797 = tpu.memref_slice %arg15[%dma_start3A_795, %dma_start3A_796] : memref<10040x128xf32, #tpu.memory_space<vmem_shared>> -> memref<560x128xf32, #tpu.memory_space<vmem_shared>>
        %dma_start3A_798 = arith.constant 0 : i32
        %dma_start3A_799 = arith.constant 0 : i32
        %dma_start3A_800 = tpu.memref_slice %arg5[%dma_start3A_798, %dma_start3A_799] : memref<632x128xf32, #tpu.memory_space<hbm>> -> memref<560x128xf32, #tpu.memory_space<hbm>>
        tpu.enqueue_dma source(%dma_start3A_800 : memref<560x128xf32, #tpu.memory_space<hbm>>) target(%dma_start3A_797 : memref<560x128xf32, #tpu.memory_space<vmem_shared>>) target_semaphore(%run_scoped3A_794 : memref<!tpu.dma_semaphore, #tpu.memory_space<semaphore_mem>>)
        %dma_wait3A_801 = arith.constant 9480 : i32
        %dma_wait3A_802 = arith.constant 0 : i32
        %dma_wait3A_803 = tpu.memref_slice %arg15[%dma_wait3A_801, %dma_wait3A_802] : memref<10040x128xf32, #tpu.memory_space<vmem_shared>> -> memref<560x128xf32, #tpu.memory_space<vmem_shared>>
        %dma_wait3A_804 = arith.constant 0 : i32
        %dma_wait3A_805 = arith.constant 0 : i32
        %dma_wait3A_806 = tpu.memref_slice %arg5[%dma_wait3A_804, %dma_wait3A_805] : memref<632x128xf32, #tpu.memory_space<hbm>> -> memref<560x128xf32, #tpu.memory_space<hbm>>
        tpu.wait_dma2 semaphore(%run_scoped3A_794 : memref<!tpu.dma_semaphore, #tpu.memory_space<semaphore_mem>>) src(%dma_wait3A_806 : memref<560x128xf32, #tpu.memory_space<hbm>>) dst(%dma_wait3A_803 : memref<560x128xf32, #tpu.memory_space<vmem_shared>>)
        tpu.yield
      }) : () -> ()
    } else {
    }
    %barrier3A = arith.constant 0 : index
    tpu.barrier barrier_id(%barrier3A)
    %run_scoped3A = arith.constant 0 : i32
    "tpu.region"() ({
      %run_scoped3A_794 = tpu.sem_alloc : memref<!tpu.dma_semaphore, #tpu.memory_space<semaphore_mem>>
      %dma_start3A_795 = arith.constant 0 : i32
      %dma_start3A_796 = arith.constant 0 : i32
      %dma_start3A_797 = tpu.memref_slice %arg3[%add3A, %run_scoped3A, %dma_start3A_795, %dma_start3A_796] : memref<32x42x2x128xi32, #tpu.memory_space<hbm>> -> memref<1x1x2x128xi32, #tpu.memory_space<hbm>>
      %dma_start3A_798 = tpu.memref_squeeze %dma_start3A_797 : memref<1x1x2x128xi32, #tpu.memory_space<hbm>> -> memref<2x128xi32, #tpu.memory_space<hbm>>
      %dma_start3A_799 = arith.constant 0 : i32
      %dma_start3A_800 = arith.constant 0 : i32
      %dma_start3A_801 = tpu.memref_slice %arg3[%add3A, %run_scoped3A, %dma_start3A_799, %dma_start3A_800] : memref<32x42x2x128xi32, #tpu.memory_space<hbm>> -> memref<1x1x2x128xi32, #tpu.memory_space<hbm>>
      %dma_start3A_802 = tpu.memref_squeeze %dma_start3A_801 : memref<1x1x2x128xi32, #tpu.memory_space<hbm>> -> memref<2x128xi32, #tpu.memory_space<hbm>>
      tpu.enqueue_dma source(%dma_start3A_802 : memref<2x128xi32, #tpu.memory_space<hbm>>) target(%arg7 : memref<2x128xi32, #tpu.memory_space<vmem>>) target_semaphore(%run_scoped3A_794 : memref<!tpu.dma_semaphore, #tpu.memory_space<semaphore_mem>>)
      %dma_wait3A_803 = arith.constant 0 : i32
      %dma_wait3A_804 = arith.constant 0 : i32
      %dma_wait3A_805 = tpu.memref_slice %arg3[%add3A, %run_scoped3A, %dma_wait3A_803, %dma_wait3A_804] : memref<32x42x2x128xi32, #tpu.memory_space<hbm>> -> memref<1x1x2x128xi32, #tpu.memory_space<hbm>>
      %dma_wait3A_806 = tpu.memref_squeeze %dma_wait3A_805 : memref<1x1x2x128xi32, #tpu.memory_space<hbm>> -> memref<2x128xi32, #tpu.memory_space<hbm>>
      %dma_wait3A_807 = arith.constant 0 : i32
      %dma_wait3A_808 = arith.constant 0 : i32
      %dma_wait3A_809 = tpu.memref_slice %arg3[%add3A, %run_scoped3A, %dma_wait3A_807, %dma_wait3A_808] : memref<32x42x2x128xi32, #tpu.memory_space<hbm>> -> memref<1x1x2x128xi32, #tpu.memory_space<hbm>>
      %dma_wait3A_810 = tpu.memref_squeeze %dma_wait3A_809 : memref<1x1x2x128xi32, #tpu.memory_space<hbm>> -> memref<2x128xi32, #tpu.memory_space<hbm>>
      tpu.wait_dma2 semaphore(%run_scoped3A_794 : memref<!tpu.dma_semaphore, #tpu.memory_space<semaphore_mem>>) src(%dma_wait3A_810 : memref<2x128xi32, #tpu.memory_space<hbm>>) dst(%arg7 : memref<2x128xi32, #tpu.memory_space<vmem>>)
      tpu.yield
    }) : () -> ()
    %dma_start3A = arith.constant 1 : i32
    %dma_start3A_7 = arith.constant 0 : i32
    %dma_start3A_8 = arith.constant 0 : i32
    %dma_start3A_9 = tpu.memref_slice %arg3[%add3A, %dma_start3A, %dma_start3A_7, %dma_start3A_8] : memref<32x42x2x128xi32, #tpu.memory_space<hbm>> -> memref<1x1x2x128xi32, #tpu.memory_space<hbm>>
    %dma_start3A_10 = tpu.memref_squeeze %dma_start3A_9 : memref<1x1x2x128xi32, #tpu.memory_space<hbm>> -> memref<2x128xi32, #tpu.memory_space<hbm>>
    %dma_start3A_11 = arith.constant 0 : i32
    %dma_start3A_12 = arith.constant 0 : i32
    %dma_start3A_13 = tpu.memref_slice %arg3[%add3A, %dma_start3A, %dma_start3A_11, %dma_start3A_12] : memref<32x42x2x128xi32, #tpu.memory_space<hbm>> -> memref<1x1x2x128xi32, #tpu.memory_space<hbm>>
    %dma_start3A_14 = tpu.memref_squeeze %dma_start3A_13 : memref<1x1x2x128xi32, #tpu.memory_space<hbm>> -> memref<2x128xi32, #tpu.memory_space<hbm>>
    tpu.enqueue_dma source(%dma_start3A_14 : memref<2x128xi32, #tpu.memory_space<hbm>>) target(%arg8 : memref<2x128xi32, #tpu.memory_space<vmem>>) target_semaphore(%arg20 : memref<!tpu.dma_semaphore, #tpu.memory_space<semaphore_mem>>)
    %dma_start3A_15 = arith.constant 2 : i32
    %dma_start3A_16 = arith.constant 0 : i32
    %dma_start3A_17 = arith.constant 0 : i32
    %dma_start3A_18 = tpu.memref_slice %arg3[%add3A, %dma_start3A_15, %dma_start3A_16, %dma_start3A_17] : memref<32x42x2x128xi32, #tpu.memory_space<hbm>> -> memref<1x1x2x128xi32, #tpu.memory_space<hbm>>
    %dma_start3A_19 = tpu.memref_squeeze %dma_start3A_18 : memref<1x1x2x128xi32, #tpu.memory_space<hbm>> -> memref<2x128xi32, #tpu.memory_space<hbm>>
    %dma_start3A_20 = arith.constant 0 : i32
    %dma_start3A_21 = arith.constant 0 : i32
    %dma_start3A_22 = tpu.memref_slice %arg3[%add3A, %dma_start3A_15, %dma_start3A_20, %dma_start3A_21] : memref<32x42x2x128xi32, #tpu.memory_space<hbm>> -> memref<1x1x2x128xi32, #tpu.memory_space<hbm>>
    %dma_start3A_23 = tpu.memref_squeeze %dma_start3A_22 : memref<1x1x2x128xi32, #tpu.memory_space<hbm>> -> memref<2x128xi32, #tpu.memory_space<hbm>>
    tpu.enqueue_dma source(%dma_start3A_23 : memref<2x128xi32, #tpu.memory_space<hbm>>) target(%arg9 : memref<2x128xi32, #tpu.memory_space<vmem>>) target_semaphore(%arg21 : memref<!tpu.dma_semaphore, #tpu.memory_space<semaphore_mem>>)
    %dma_start3A_24 = arith.constant 0 : i32
    %dma_start3A_25 = arith.constant 0 : i32
    %dma_start3A_26 = arith.constant 0 : i32
    %dma_start3A_27 = tpu.memref_slice %arg4[%add3A, %dma_start3A_24, %dma_start3A_25, %dma_start3A_26] : memref<32x42x2x128xi32, #tpu.memory_space<hbm>> -> memref<1x1x2x128xi32, #tpu.memory_space<hbm>>
    %dma_start3A_28 = tpu.memref_squeeze %dma_start3A_27 : memref<1x1x2x128xi32, #tpu.memory_space<hbm>> -> memref<2x128xi32, #tpu.memory_space<hbm>>
    %dma_start3A_29 = arith.constant 0 : i32
    %dma_start3A_30 = arith.constant 0 : i32
    %dma_start3A_31 = tpu.memref_slice %arg4[%add3A, %dma_start3A_24, %dma_start3A_29, %dma_start3A_30] : memref<32x42x2x128xi32, #tpu.memory_space<hbm>> -> memref<1x1x2x128xi32, #tpu.memory_space<hbm>>
    %dma_start3A_32 = tpu.memref_squeeze %dma_start3A_31 : memref<1x1x2x128xi32, #tpu.memory_space<hbm>> -> memref<2x128xi32, #tpu.memory_space<hbm>>
    tpu.enqueue_dma source(%dma_start3A_32 : memref<2x128xi32, #tpu.memory_space<hbm>>) target(%arg10 : memref<2x128xi32, #tpu.memory_space<vmem>>) target_semaphore(%arg22 : memref<!tpu.dma_semaphore, #tpu.memory_space<semaphore_mem>>)
    %dma_start3A_33 = arith.constant 0 : i32
    %dma_start3A_34 = arith.constant 0 : i32
    %dma_start3A_35 = tpu.memref_slice %arg7[%dma_start3A_33, %dma_start3A_34] : memref<2x128xi32, #tpu.memory_space<vmem>> -> memref<1x128xi32, #tpu.memory_space<vmem>>
    %dma_start3A_36 = tpu.memref_squeeze %dma_start3A_35 : memref<1x128xi32, #tpu.memory_space<vmem>> -> memref<128xi32, #tpu.memory_space<vmem>>
    %dma_start3A_37 = arith.constant 0 : i32
    %dma_start3A_38 = arith.constant 0 : i32
    %dma_start3A_39 = tpu.memref_slice %arg2[%dma_start3A_37, %dma_start3A_38] : memref<10000x128xf32, #tpu.memory_space<hbm>> -> memref<10000x128xf32, #tpu.memory_space<hbm>>
    tpu.enqueue_indirect_dma source(%dma_start3A_39 : memref<10000x128xf32, #tpu.memory_space<hbm>>) target(%arg12 : memref<128x128xf32, #tpu.memory_space<vmem>>) offsets(%dma_start3A_36 : memref<128xi32, #tpu.memory_space<vmem>>) semaphore(%arg16 : memref<!tpu.dma_semaphore, #tpu.memory_space<semaphore_mem>>)
    %dma_start3A_40 = arith.constant 1 : i32
    %dma_start3A_41 = arith.constant 0 : i32
    %dma_start3A_42 = tpu.memref_slice %arg7[%dma_start3A_40, %dma_start3A_41] : memref<2x128xi32, #tpu.memory_space<vmem>> -> memref<1x128xi32, #tpu.memory_space<vmem>>
    %dma_start3A_43 = tpu.memref_squeeze %dma_start3A_42 : memref<1x128xi32, #tpu.memory_space<vmem>> -> memref<128xi32, #tpu.memory_space<vmem>>
    %dma_start3A_44 = arith.constant 0 : i32
    %dma_start3A_45 = arith.constant 0 : i32
    %dma_start3A_46 = tpu.memref_slice %arg2[%dma_start3A_44, %dma_start3A_45] : memref<10000x128xf32, #tpu.memory_space<hbm>> -> memref<10000x128xf32, #tpu.memory_space<hbm>>
    tpu.enqueue_indirect_dma source(%dma_start3A_46 : memref<10000x128xf32, #tpu.memory_space<hbm>>) target(%arg13 : memref<128x128xf32, #tpu.memory_space<vmem>>) offsets(%dma_start3A_43 : memref<128xi32, #tpu.memory_space<vmem>>) semaphore(%arg17 : memref<!tpu.dma_semaphore, #tpu.memory_space<semaphore_mem>>)
    %dma_start3A_47 = arith.constant 1 : i32
    %dma_start3A_48 = arith.constant 0 : i32
    %dma_start3A_49 = arith.constant 0 : i32
    %dma_start3A_50 = tpu.memref_slice %arg4[%add3A, %dma_start3A_47, %dma_start3A_48, %dma_start3A_49] : memref<32x42x2x128xi32, #tpu.memory_space<hbm>> -> memref<1x1x2x128xi32, #tpu.memory_space<hbm>>
    %dma_start3A_51 = tpu.memref_squeeze %dma_start3A_50 : memref<1x1x2x128xi32, #tpu.memory_space<hbm>> -> memref<2x128xi32, #tpu.memory_space<hbm>>
    %dma_start3A_52 = arith.constant 0 : i32
    %dma_start3A_53 = arith.constant 0 : i32
    %dma_start3A_54 = tpu.memref_slice %arg4[%add3A, %dma_start3A_47, %dma_start3A_52, %dma_start3A_53] : memref<32x42x2x128xi32, #tpu.memory_space<hbm>> -> memref<1x1x2x128xi32, #tpu.memory_space<hbm>>
    %dma_start3A_55 = tpu.memref_squeeze %dma_start3A_54 : memref<1x1x2x128xi32, #tpu.memory_space<hbm>> -> memref<2x128xi32, #tpu.memory_space<hbm>>
    tpu.enqueue_dma source(%dma_start3A_55 : memref<2x128xi32, #tpu.memory_space<hbm>>) target(%arg11 : memref<2x128xi32, #tpu.memory_space<vmem>>) target_semaphore(%arg23 : memref<!tpu.dma_semaphore, #tpu.memory_space<semaphore_mem>>)
    %dma_wait3A = arith.constant 0 : i32
    %dma_wait3A_56 = arith.constant 0 : i32
    %dma_wait3A_57 = arith.constant 0 : i32
    %dma_wait3A_58 = tpu.memref_slice %arg3[%add3A, %dma_wait3A, %dma_wait3A_56, %dma_wait3A_57] : memref<32x42x2x128xi32, #tpu.memory_space<hbm>> -> memref<1x1x2x128xi32, #tpu.memory_space<hbm>>
    %dma_wait3A_59 = tpu.memref_squeeze %dma_wait3A_58 : memref<1x1x2x128xi32, #tpu.memory_space<hbm>> -> memref<2x128xi32, #tpu.memory_space<hbm>>
    %dma_wait3A_60 = arith.constant 0 : i32
    %dma_wait3A_61 = arith.constant 0 : i32
    %dma_wait3A_62 = tpu.memref_slice %arg3[%add3A, %dma_wait3A, %dma_wait3A_60, %dma_wait3A_61] : memref<32x42x2x128xi32, #tpu.memory_space<hbm>> -> memref<1x1x2x128xi32, #tpu.memory_space<hbm>>
    %dma_wait3A_63 = tpu.memref_squeeze %dma_wait3A_62 : memref<1x1x2x128xi32, #tpu.memory_space<hbm>> -> memref<2x128xi32, #tpu.memory_space<hbm>>
    tpu.wait_dma2 semaphore(%arg20 : memref<!tpu.dma_semaphore, #tpu.memory_space<semaphore_mem>>) src(%dma_wait3A_63 : memref<2x128xi32, #tpu.memory_space<hbm>>) dst(%arg8 : memref<2x128xi32, #tpu.memory_space<vmem>>)
    %dma_start3A_64 = arith.constant 0 : i32
    %dma_start3A_65 = arith.constant 0 : i32
    %dma_start3A_66 = tpu.memref_slice %arg8[%dma_start3A_64, %dma_start3A_65] : memref<2x128xi32, #tpu.memory_space<vmem>> -> memref<1x128xi32, #tpu.memory_space<vmem>>
    %dma_start3A_67 = tpu.memref_squeeze %dma_start3A_66 : memref<1x128xi32, #tpu.memory_space<vmem>> -> memref<128xi32, #tpu.memory_space<vmem>>
    %dma_start3A_68 = arith.constant 0 : i32
    %dma_start3A_69 = arith.constant 0 : i32
    %dma_start3A_70 = tpu.memref_slice %arg2[%dma_start3A_68, %dma_start3A_69] : memref<10000x128xf32, #tpu.memory_space<hbm>> -> memref<10000x128xf32, #tpu.memory_space<hbm>>
    tpu.enqueue_indirect_dma source(%dma_start3A_70 : memref<10000x128xf32, #tpu.memory_space<hbm>>) target(%arg14 : memref<128x128xf32, #tpu.memory_space<vmem>>) offsets(%dma_start3A_67 : memref<128xi32, #tpu.memory_space<vmem>>) semaphore(%arg18 : memref<!tpu.dma_semaphore, #tpu.memory_space<semaphore_mem>>)
    %dma_wait3A_71 = arith.constant 0 : i32
    %dma_wait3A_72 = arith.constant 0 : i32
    %dma_wait3A_73 = tpu.memref_slice %arg7[%dma_wait3A_71, %dma_wait3A_72] : memref<2x128xi32, #tpu.memory_space<vmem>> -> memref<1x128xi32, #tpu.memory_space<vmem>>
    %dma_wait3A_74 = tpu.memref_squeeze %dma_wait3A_73 : memref<1x128xi32, #tpu.memory_space<vmem>> -> memref<128xi32, #tpu.memory_space<vmem>>
    %dma_wait3A_75 = arith.constant 0 : i32
    %dma_wait3A_76 = arith.constant 0 : i32
    %dma_wait3A_77 = tpu.memref_slice %arg2[%dma_wait3A_75, %dma_wait3A_76] : memref<10000x128xf32, #tpu.memory_space<hbm>> -> memref<10000x128xf32, #tpu.memory_space<hbm>>
    tpu.wait_indirect_dma semaphore(%arg16 : memref<!tpu.dma_semaphore, #tpu.memory_space<semaphore_mem>>) src(%dma_wait3A_77 : memref<10000x128xf32, #tpu.memory_space<hbm>>) dst(%arg12 : memref<128x128xf32, #tpu.memory_space<vmem>>)
    %dma_wait3A_78 = arith.constant 0 : i32
    %dma_wait3A_79 = arith.constant 0 : i32
    %dma_wait3A_80 = arith.constant 0 : i32
    %dma_wait3A_81 = tpu.memref_slice %arg4[%add3A, %dma_wait3A_78, %dma_wait3A_79, %dma_wait3A_80] : memref<32x42x2x128xi32, #tpu.memory_space<hbm>> -> memref<1x1x2x128xi32, #tpu.memory_space<hbm>>
    %dma_wait3A_82 = tpu.memref_squeeze %dma_wait3A_81 : memref<1x1x2x128xi32, #tpu.memory_space<hbm>> -> memref<2x128xi32, #tpu.memory_space<hbm>>
    %dma_wait3A_83 = arith.constant 0 : i32
    %dma_wait3A_84 = arith.constant 0 : i32
    %dma_wait3A_85 = tpu.memref_slice %arg4[%add3A, %dma_wait3A_78, %dma_wait3A_83, %dma_wait3A_84] : memref<32x42x2x128xi32, #tpu.memory_space<hbm>> -> memref<1x1x2x128xi32, #tpu.memory_space<hbm>>
    %dma_wait3A_86 = tpu.memref_squeeze %dma_wait3A_85 : memref<1x1x2x128xi32, #tpu.memory_space<hbm>> -> memref<2x128xi32, #tpu.memory_space<hbm>>
    tpu.wait_dma2 semaphore(%arg22 : memref<!tpu.dma_semaphore, #tpu.memory_space<semaphore_mem>>) src(%dma_wait3A_86 : memref<2x128xi32, #tpu.memory_space<hbm>>) dst(%arg10 : memref<2x128xi32, #tpu.memory_space<vmem>>)
    %run_scoped3A_87 = arith.constant 0 : i32
    "tpu.region"() ({
      %run_scoped3A_794 = tpu.sem_alloc : memref<!tpu.dma_semaphore, #tpu.memory_space<semaphore_mem>>
      %dma_start3A_795 = arith.constant 0 : i32
      %dma_start3A_796 = tpu.memref_slice %arg10[%run_scoped3A_87, %dma_start3A_795] : memref<2x128xi32, #tpu.memory_space<vmem>> -> memref<1x128xi32, #tpu.memory_space<vmem>>
      %dma_start3A_797 = tpu.memref_squeeze %dma_start3A_796 : memref<1x128xi32, #tpu.memory_space<vmem>> -> memref<128xi32, #tpu.memory_space<vmem>>
      %dma_start3A_798 = arith.constant 0 : i32
      %dma_start3A_799 = arith.constant 0 : i32
      %dma_start3A_800 = tpu.memref_slice %arg15[%dma_start3A_798, %dma_start3A_799] : memref<10040x128xf32, #tpu.memory_space<vmem_shared>> -> memref<10040x128xf32, #tpu.memory_space<vmem_shared>>
      tpu.enqueue_indirect_dma source(%arg12 : memref<128x128xf32, #tpu.memory_space<vmem>>) target(%dma_start3A_800 : memref<10040x128xf32, #tpu.memory_space<vmem_shared>>) offsets(%dma_start3A_797 : memref<128xi32, #tpu.memory_space<vmem>>) semaphore(%run_scoped3A_794 : memref<!tpu.dma_semaphore, #tpu.memory_space<semaphore_mem>>) {add = true}
      %dma_wait3A_801 = arith.constant 0 : i32
      %dma_wait3A_802 = tpu.memref_slice %arg10[%run_scoped3A_87, %dma_wait3A_801] : memref<2x128xi32, #tpu.memory_space<vmem>> -> memref<1x128xi32, #tpu.memory_space<vmem>>
      %dma_wait3A_803 = tpu.memref_squeeze %dma_wait3A_802 : memref<1x128xi32, #tpu.memory_space<vmem>> -> memref<128xi32, #tpu.memory_space<vmem>>
      %dma_wait3A_804 = arith.constant 0 : i32
      %dma_wait3A_805 = arith.constant 0 : i32
      %dma_wait3A_806 = tpu.memref_slice %arg15[%dma_wait3A_804, %dma_wait3A_805] : memref<10040x128xf32, #tpu.memory_space<vmem_shared>> -> memref<10040x128xf32, #tpu.memory_space<vmem_shared>>
      tpu.wait_indirect_dma semaphore(%run_scoped3A_794 : memref<!tpu.dma_semaphore, #tpu.memory_space<semaphore_mem>>) src(%arg12 : memref<128x128xf32, #tpu.memory_space<vmem>>) dst(%dma_wait3A_806 : memref<10040x128xf32, #tpu.memory_space<vmem_shared>>)
      tpu.yield
    }) : () -> ()
    %dma_start3A_88 = arith.constant 1 : i32
    %dma_start3A_89 = arith.constant 0 : i32
    %dma_start3A_90 = tpu.memref_slice %arg8[%dma_start3A_88, %dma_start3A_89] : memref<2x128xi32, #tpu.memory_space<vmem>> -> memref<1x128xi32, #tpu.memory_space<vmem>>
    %dma_start3A_91 = tpu.memref_squeeze %dma_start3A_90 : memref<1x128xi32, #tpu.memory_space<vmem>> -> memref<128xi32, #tpu.memory_space<vmem>>
    %dma_start3A_92 = arith.constant 0 : i32
    %dma_start3A_93 = arith.constant 0 : i32
    %dma_start3A_94 = tpu.memref_slice %arg2[%dma_start3A_92, %dma_start3A_93] : memref<10000x128xf32, #tpu.memory_space<hbm>> -> memref<10000x128xf32, #tpu.memory_space<hbm>>
    tpu.enqueue_indirect_dma source(%dma_start3A_94 : memref<10000x128xf32, #tpu.memory_space<hbm>>) target(%arg12 : memref<128x128xf32, #tpu.memory_space<vmem>>) offsets(%dma_start3A_91 : memref<128xi32, #tpu.memory_space<vmem>>) semaphore(%arg16 : memref<!tpu.dma_semaphore, #tpu.memory_space<semaphore_mem>>)
    %dma_wait3A_95 = arith.constant 0 : i32
    %dma_wait3A_96 = arith.constant 0 : i32
    %dma_wait3A_97 = tpu.memref_slice %arg7[%dma_wait3A_95, %dma_wait3A_96] : memref<2x128xi32, #tpu.memory_space<vmem>> -> memref<1x128xi32, #tpu.memory_space<vmem>>
    %dma_wait3A_98 = tpu.memref_squeeze %dma_wait3A_97 : memref<1x128xi32, #tpu.memory_space<vmem>> -> memref<128xi32, #tpu.memory_space<vmem>>
    %dma_wait3A_99 = arith.constant 0 : i32
    %dma_wait3A_100 = arith.constant 0 : i32
    %dma_wait3A_101 = tpu.memref_slice %arg2[%dma_wait3A_99, %dma_wait3A_100] : memref<10000x128xf32, #tpu.memory_space<hbm>> -> memref<10000x128xf32, #tpu.memory_space<hbm>>
    tpu.wait_indirect_dma semaphore(%arg17 : memref<!tpu.dma_semaphore, #tpu.memory_space<semaphore_mem>>) src(%dma_wait3A_101 : memref<10000x128xf32, #tpu.memory_space<hbm>>) dst(%arg13 : memref<128x128xf32, #tpu.memory_space<vmem>>)
    %run_scoped3A_102 = arith.constant 1 : i32
    "tpu.region"() ({
      %run_scoped3A_794 = tpu.sem_alloc : memref<!tpu.dma_semaphore, #tpu.memory_space<semaphore_mem>>
      %dma_start3A_795 = arith.constant 0 : i32
      %dma_start3A_796 = tpu.memref_slice %arg10[%run_scoped3A_102, %dma_start3A_795] : memref<2x128xi32, #tpu.memory_space<vmem>> -> memref<1x128xi32, #tpu.memory_space<vmem>>
      %dma_start3A_797 = tpu.memref_squeeze %dma_start3A_796 : memref<1x128xi32, #tpu.memory_space<vmem>> -> memref<128xi32, #tpu.memory_space<vmem>>
      %dma_start3A_798 = arith.constant 0 : i32
      %dma_start3A_799 = arith.constant 0 : i32
      %dma_start3A_800 = tpu.memref_slice %arg15[%dma_start3A_798, %dma_start3A_799] : memref<10040x128xf32, #tpu.memory_space<vmem_shared>> -> memref<10040x128xf32, #tpu.memory_space<vmem_shared>>
      tpu.enqueue_indirect_dma source(%arg13 : memref<128x128xf32, #tpu.memory_space<vmem>>) target(%dma_start3A_800 : memref<10040x128xf32, #tpu.memory_space<vmem_shared>>) offsets(%dma_start3A_797 : memref<128xi32, #tpu.memory_space<vmem>>) semaphore(%run_scoped3A_794 : memref<!tpu.dma_semaphore, #tpu.memory_space<semaphore_mem>>) {add = true}
      %dma_wait3A_801 = arith.constant 0 : i32
      %dma_wait3A_802 = tpu.memref_slice %arg10[%run_scoped3A_102, %dma_wait3A_801] : memref<2x128xi32, #tpu.memory_space<vmem>> -> memref<1x128xi32, #tpu.memory_space<vmem>>
      %dma_wait3A_803 = tpu.memref_squeeze %dma_wait3A_802 : memref<1x128xi32, #tpu.memory_space<vmem>> -> memref<128xi32, #tpu.memory_space<vmem>>
      %dma_wait3A_804 = arith.constant 0 : i32
      %dma_wait3A_805 = arith.constant 0 : i32
      %dma_wait3A_806 = tpu.memref_slice %arg15[%dma_wait3A_804, %dma_wait3A_805] : memref<10040x128xf32, #tpu.memory_space<vmem_shared>> -> memref<10040x128xf32, #tpu.memory_space<vmem_shared>>
      tpu.wait_indirect_dma semaphore(%run_scoped3A_794 : memref<!tpu.dma_semaphore, #tpu.memory_space<semaphore_mem>>) src(%arg13 : memref<128x128xf32, #tpu.memory_space<vmem>>) dst(%dma_wait3A_806 : memref<10040x128xf32, #tpu.memory_space<vmem_shared>>)
      tpu.yield
    }) : () -> ()
    %dma_start3A_103 = arith.constant 3 : i32
    %dma_start3A_104 = arith.constant 0 : i32
    %dma_start3A_105 = arith.constant 0 : i32
    %dma_start3A_106 = tpu.memref_slice %arg3[%add3A, %dma_start3A_103, %dma_start3A_104, %dma_start3A_105] : memref<32x42x2x128xi32, #tpu.memory_space<hbm>> -> memref<1x1x2x128xi32, #tpu.memory_space<hbm>>
    %dma_start3A_107 = tpu.memref_squeeze %dma_start3A_106 : memref<1x1x2x128xi32, #tpu.memory_space<hbm>> -> memref<2x128xi32, #tpu.memory_space<hbm>>
    %dma_start3A_108 = arith.constant 0 : i32
    %dma_start3A_109 = arith.constant 0 : i32
    %dma_start3A_110 = tpu.memref_slice %arg3[%add3A, %dma_start3A_103, %dma_start3A_108, %dma_start3A_109] : memref<32x42x2x128xi32, #tpu.memory_space<hbm>> -> memref<1x1x2x128xi32, #tpu.memory_space<hbm>>
    %dma_start3A_111 = tpu.memref_squeeze %dma_start3A_110 : memref<1x1x2x128xi32, #tpu.memory_space<hbm>> -> memref<2x128xi32, #tpu.memory_space<hbm>>
    tpu.enqueue_dma source(%dma_start3A_111 : memref<2x128xi32, #tpu.memory_space<hbm>>) target(%arg7 : memref<2x128xi32, #tpu.memory_space<vmem>>) target_semaphore(%arg19 : memref<!tpu.dma_semaphore, #tpu.memory_space<semaphore_mem>>)
    %dma_start3A_112 = arith.constant 2 : i32
    %dma_start3A_113 = arith.constant 0 : i32
    %dma_start3A_114 = arith.constant 0 : i32
    %dma_start3A_115 = tpu.memref_slice %arg4[%add3A, %dma_start3A_112, %dma_start3A_113, %dma_start3A_114] : memref<32x42x2x128xi32, #tpu.memory_space<hbm>> -> memref<1x1x2x128xi32, #tpu.memory_space<hbm>>
    %dma_start3A_116 = tpu.memref_squeeze %dma_start3A_115 : memref<1x1x2x128xi32, #tpu.memory_space<hbm>> -> memref<2x128xi32, #tpu.memory_space<hbm>>
    %dma_start3A_117 = arith.constant 0 : i32
    %dma_start3A_118 = arith.constant 0 : i32
    %dma_start3A_119 = tpu.memref_slice %arg4[%add3A, %dma_start3A_112, %dma_start3A_117, %dma_start3A_118] : memref<32x42x2x128xi32, #tpu.memory_space<hbm>> -> memref<1x1x2x128xi32, #tpu.memory_space<hbm>>
    %dma_start3A_120 = tpu.memref_squeeze %dma_start3A_119 : memref<1x1x2x128xi32, #tpu.memory_space<hbm>> -> memref<2x128xi32, #tpu.memory_space<hbm>>
    tpu.enqueue_dma source(%dma_start3A_120 : memref<2x128xi32, #tpu.memory_space<hbm>>) target(%arg10 : memref<2x128xi32, #tpu.memory_space<vmem>>) target_semaphore(%arg22 : memref<!tpu.dma_semaphore, #tpu.memory_space<semaphore_mem>>)
    %dma_wait3A_121 = arith.constant 0 : i32
    %dma_wait3A_122 = arith.constant 0 : i32
    %dma_wait3A_123 = arith.constant 0 : i32
    %dma_wait3A_124 = tpu.memref_slice %arg3[%add3A, %dma_wait3A_121, %dma_wait3A_122, %dma_wait3A_123] : memref<32x42x2x128xi32, #tpu.memory_space<hbm>> -> memref<1x1x2x128xi32, #tpu.memory_space<hbm>>
    %dma_wait3A_125 = tpu.memref_squeeze %dma_wait3A_124 : memref<1x1x2x128xi32, #tpu.memory_space<hbm>> -> memref<2x128xi32, #tpu.memory_space<hbm>>
    %dma_wait3A_126 = arith.constant 0 : i32
    %dma_wait3A_127 = arith.constant 0 : i32
    %dma_wait3A_128 = tpu.memref_slice %arg3[%add3A, %dma_wait3A_121, %dma_wait3A_126, %dma_wait3A_127] : memref<32x42x2x128xi32, #tpu.memory_space<hbm>> -> memref<1x1x2x128xi32, #tpu.memory_space<hbm>>
    %dma_wait3A_129 = tpu.memref_squeeze %dma_wait3A_128 : memref<1x1x2x128xi32, #tpu.memory_space<hbm>> -> memref<2x128xi32, #tpu.memory_space<hbm>>
    tpu.wait_dma2 semaphore(%arg21 : memref<!tpu.dma_semaphore, #tpu.memory_space<semaphore_mem>>) src(%dma_wait3A_129 : memref<2x128xi32, #tpu.memory_space<hbm>>) dst(%arg9 : memref<2x128xi32, #tpu.memory_space<vmem>>)
    %dma_start3A_130 = arith.constant 0 : i32
    %dma_start3A_131 = arith.constant 0 : i32
    %dma_start3A_132 = tpu.memref_slice %arg9[%dma_start3A_130, %dma_start3A_131] : memref<2x128xi32, #tpu.memory_space<vmem>> -> memref<1x128xi32, #tpu.memory_space<vmem>>
    %dma_start3A_133 = tpu.memref_squeeze %dma_start3A_132 : memref<1x128xi32, #tpu.memory_space<vmem>> -> memref<128xi32, #tpu.memory_space<vmem>>
    %dma_start3A_134 = arith.constant 0 : i32
    %dma_start3A_135 = arith.constant 0 : i32
    %dma_start3A_136 = tpu.memref_slice %arg2[%dma_start3A_134, %dma_start3A_135] : memref<10000x128xf32, #tpu.memory_space<hbm>> -> memref<10000x128xf32, #tpu.memory_space<hbm>>
    tpu.enqueue_indirect_dma source(%dma_start3A_136 : memref<10000x128xf32, #tpu.memory_space<hbm>>) target(%arg13 : memref<128x128xf32, #tpu.memory_space<vmem>>) offsets(%dma_start3A_133 : memref<128xi32, #tpu.memory_space<vmem>>) semaphore(%arg17 : memref<!tpu.dma_semaphore, #tpu.memory_space<semaphore_mem>>)
    %dma_wait3A_137 = arith.constant 0 : i32
    %dma_wait3A_138 = arith.constant 0 : i32
    %dma_wait3A_139 = tpu.memref_slice %arg7[%dma_wait3A_137, %dma_wait3A_138] : memref<2x128xi32, #tpu.memory_space<vmem>> -> memref<1x128xi32, #tpu.memory_space<vmem>>
    %dma_wait3A_140 = tpu.memref_squeeze %dma_wait3A_139 : memref<1x128xi32, #tpu.memory_space<vmem>> -> memref<128xi32, #tpu.memory_space<vmem>>
    %dma_wait3A_141 = arith.constant 0 : i32
    %dma_wait3A_142 = arith.constant 0 : i32
    %dma_wait3A_143 = tpu.memref_slice %arg2[%dma_wait3A_141, %dma_wait3A_142] : memref<10000x128xf32, #tpu.memory_space<hbm>> -> memref<10000x128xf32, #tpu.memory_space<hbm>>
    tpu.wait_indirect_dma semaphore(%arg18 : memref<!tpu.dma_semaphore, #tpu.memory_space<semaphore_mem>>) src(%dma_wait3A_143 : memref<10000x128xf32, #tpu.memory_space<hbm>>) dst(%arg14 : memref<128x128xf32, #tpu.memory_space<vmem>>)
    %dma_wait3A_144 = arith.constant 0 : i32
    %dma_wait3A_145 = arith.constant 0 : i32
    %dma_wait3A_146 = arith.constant 0 : i32
    %dma_wait3A_147 = tpu.memref_slice %arg4[%add3A, %dma_wait3A_144, %dma_wait3A_145, %dma_wait3A_146] : memref<32x42x2x128xi32, #tpu.memory_space<hbm>> -> memref<1x1x2x128xi32, #tpu.memory_space<hbm>>
    %dma_wait3A_148 = tpu.memref_squeeze %dma_wait3A_147 : memref<1x1x2x128xi32, #tpu.memory_space<hbm>> -> memref<2x128xi32, #tpu.memory_space<hbm>>
    %dma_wait3A_149 = arith.constant 0 : i32
    %dma_wait3A_150 = arith.constant 0 : i32
    %dma_wait3A_151 = tpu.memref_slice %arg4[%add3A, %dma_wait3A_144, %dma_wait3A_149, %dma_wait3A_150] : memref<32x42x2x128xi32, #tpu.memory_space<hbm>> -> memref<1x1x2x128xi32, #tpu.memory_space<hbm>>
    %dma_wait3A_152 = tpu.memref_squeeze %dma_wait3A_151 : memref<1x1x2x128xi32, #tpu.memory_space<hbm>> -> memref<2x128xi32, #tpu.memory_space<hbm>>
    tpu.wait_dma2 semaphore(%arg23 : memref<!tpu.dma_semaphore, #tpu.memory_space<semaphore_mem>>) src(%dma_wait3A_152 : memref<2x128xi32, #tpu.memory_space<hbm>>) dst(%arg11 : memref<2x128xi32, #tpu.memory_space<vmem>>)
    %run_scoped3A_153 = arith.constant 0 : i32
    "tpu.region"() ({
      %run_scoped3A_794 = tpu.sem_alloc : memref<!tpu.dma_semaphore, #tpu.memory_space<semaphore_mem>>
      %dma_start3A_795 = arith.constant 0 : i32
      %dma_start3A_796 = tpu.memref_slice %arg11[%run_scoped3A_153, %dma_start3A_795] : memref<2x128xi32, #tpu.memory_space<vmem>> -> memref<1x128xi32, #tpu.memory_space<vmem>>
      %dma_start3A_797 = tpu.memref_squeeze %dma_start3A_796 : memref<1x128xi32, #tpu.memory_space<vmem>> -> memref<128xi32, #tpu.memory_space<vmem>>
      %dma_start3A_798 = arith.constant 0 : i32
      %dma_start3A_799 = arith.constant 0 : i32
      %dma_start3A_800 = tpu.memref_slice %arg15[%dma_start3A_798, %dma_start3A_799] : memref<10040x128xf32, #tpu.memory_space<vmem_shared>> -> memref<10040x128xf32, #tpu.memory_space<vmem_shared>>
      tpu.enqueue_indirect_dma source(%arg14 : memref<128x128xf32, #tpu.memory_space<vmem>>) target(%dma_start3A_800 : memref<10040x128xf32, #tpu.memory_space<vmem_shared>>) offsets(%dma_start3A_797 : memref<128xi32, #tpu.memory_space<vmem>>) semaphore(%run_scoped3A_794 : memref<!tpu.dma_semaphore, #tpu.memory_space<semaphore_mem>>) {add = true}
      %dma_wait3A_801 = arith.constant 0 : i32
      %dma_wait3A_802 = tpu.memref_slice %arg11[%run_scoped3A_153, %dma_wait3A_801] : memref<2x128xi32, #tpu.memory_space<vmem>> -> memref<1x128xi32, #tpu.memory_space<vmem>>
      %dma_wait3A_803 = tpu.memref_squeeze %dma_wait3A_802 : memref<1x128xi32, #tpu.memory_space<vmem>> -> memref<128xi32, #tpu.memory_space<vmem>>
      %dma_wait3A_804 = arith.constant 0 : i32
      %dma_wait3A_805 = arith.constant 0 : i32
      %dma_wait3A_806 = tpu.memref_slice %arg15[%dma_wait3A_804, %dma_wait3A_805] : memref<10040x128xf32, #tpu.memory_space<vmem_shared>> -> memref<10040x128xf32, #tpu.memory_space<vmem_shared>>
      tpu.wait_indirect_dma semaphore(%run_scoped3A_794 : memref<!tpu.dma_semaphore, #tpu.memory_space<semaphore_mem>>) src(%arg14 : memref<128x128xf32, #tpu.memory_space<vmem>>) dst(%dma_wait3A_806 : memref<10040x128xf32, #tpu.memory_space<vmem_shared>>)
      tpu.yield
    }) : () -> ()
    %dma_start3A_154 = arith.constant 1 : i32
    %dma_start3A_155 = arith.constant 0 : i32
    %dma_start3A_156 = tpu.memref_slice %arg9[%dma_start3A_154, %dma_start3A_155] : memref<2x128xi32, #tpu.memory_space<vmem>> -> memref<1x128xi32, #tpu.memory_space<vmem>>
    %dma_start3A_157 = tpu.memref_squeeze %dma_start3A_156 : memref<1x128xi32, #tpu.memory_space<vmem>> -> memref<128xi32, #tpu.memory_space<vmem>>
    %dma_start3A_158 = arith.constant 0 : i32
    %dma_start3A_159 = arith.constant 0 : i32
    %dma_start3A_160 = tpu.memref_slice %arg2[%dma_start3A_158, %dma_start3A_159] : memref<10000x128xf32, #tpu.memory_space<hbm>> -> memref<10000x128xf32, #tpu.memory_space<hbm>>
    tpu.enqueue_indirect_dma source(%dma_start3A_160 : memref<10000x128xf32, #tpu.memory_space<hbm>>) target(%arg14 : memref<128x128xf32, #tpu.memory_space<vmem>>) offsets(%dma_start3A_157 : memref<128xi32, #tpu.memory_space<vmem>>) semaphore(%arg18 : memref<!tpu.dma_semaphore, #tpu.memory_space<semaphore_mem>>)
    %dma_wait3A_161 = arith.constant 0 : i32
    %dma_wait3A_162 = arith.constant 0 : i32
    %dma_wait3A_163 = tpu.memref_slice %arg7[%dma_wait3A_161, %dma_wait3A_162] : memref<2x128xi32, #tpu.memory_space<vmem>> -> memref<1x128xi32, #tpu.memory_space<vmem>>
    %dma_wait3A_164 = tpu.memref_squeeze %dma_wait3A_163 : memref<1x128xi32, #tpu.memory_space<vmem>> -> memref<128xi32, #tpu.memory_space<vmem>>
    %dma_wait3A_165 = arith.constant 0 : i32
    %dma_wait3A_166 = arith.constant 0 : i32
    %dma_wait3A_167 = tpu.memref_slice %arg2[%dma_wait3A_165, %dma_wait3A_166] : memref<10000x128xf32, #tpu.memory_space<hbm>> -> memref<10000x128xf32, #tpu.memory_space<hbm>>
    tpu.wait_indirect_dma semaphore(%arg16 : memref<!tpu.dma_semaphore, #tpu.memory_space<semaphore_mem>>) src(%dma_wait3A_167 : memref<10000x128xf32, #tpu.memory_space<hbm>>) dst(%arg12 : memref<128x128xf32, #tpu.memory_space<vmem>>)
    %run_scoped3A_168 = arith.constant 1 : i32
    "tpu.region"() ({
      %run_scoped3A_794 = tpu.sem_alloc : memref<!tpu.dma_semaphore, #tpu.memory_space<semaphore_mem>>
      %dma_start3A_795 = arith.constant 0 : i32
      %dma_start3A_796 = tpu.memref_slice %arg11[%run_scoped3A_168, %dma_start3A_795] : memref<2x128xi32, #tpu.memory_space<vmem>> -> memref<1x128xi32, #tpu.memory_space<vmem>>
      %dma_start3A_797 = tpu.memref_squeeze %dma_start3A_796 : memref<1x128xi32, #tpu.memory_space<vmem>> -> memref<128xi32, #tpu.memory_space<vmem>>
      %dma_start3A_798 = arith.constant 0 : i32
      %dma_start3A_799 = arith.constant 0 : i32
      %dma_start3A_800 = tpu.memref_slice %arg15[%dma_start3A_798, %dma_start3A_799] : memref<10040x128xf32, #tpu.memory_space<vmem_shared>> -> memref<10040x128xf32, #tpu.memory_space<vmem_shared>>
      tpu.enqueue_indirect_dma source(%arg12 : memref<128x128xf32, #tpu.memory_space<vmem>>) target(%dma_start3A_800 : memref<10040x128xf32, #tpu.memory_space<vmem_shared>>) offsets(%dma_start3A_797 : memref<128xi32, #tpu.memory_space<vmem>>) semaphore(%run_scoped3A_794 : memref<!tpu.dma_semaphore, #tpu.memory_space<semaphore_mem>>) {add = true}
      %dma_wait3A_801 = arith.constant 0 : i32
      %dma_wait3A_802 = tpu.memref_slice %arg11[%run_scoped3A_168, %dma_wait3A_801] : memref<2x128xi32, #tpu.memory_space<vmem>> -> memref<1x128xi32, #tpu.memory_space<vmem>>
      %dma_wait3A_803 = tpu.memref_squeeze %dma_wait3A_802 : memref<1x128xi32, #tpu.memory_space<vmem>> -> memref<128xi32, #tpu.memory_space<vmem>>
      %dma_wait3A_804 = arith.constant 0 : i32
      %dma_wait3A_805 = arith.constant 0 : i32
      %dma_wait3A_806 = tpu.memref_slice %arg15[%dma_wait3A_804, %dma_wait3A_805] : memref<10040x128xf32, #tpu.memory_space<vmem_shared>> -> memref<10040x128xf32, #tpu.memory_space<vmem_shared>>
      tpu.wait_indirect_dma semaphore(%run_scoped3A_794 : memref<!tpu.dma_semaphore, #tpu.memory_space<semaphore_mem>>) src(%arg12 : memref<128x128xf32, #tpu.memory_space<vmem>>) dst(%dma_wait3A_806 : memref<10040x128xf32, #tpu.memory_space<vmem_shared>>)
      tpu.yield
    }) : () -> ()
    %dma_start3A_169 = arith.constant 4 : i32
    %dma_start3A_170 = arith.constant 0 : i32
    %dma_start3A_171 = arith.constant 0 : i32
    %dma_start3A_172 = tpu.memref_slice %arg3[%add3A, %dma_start3A_169, %dma_start3A_170, %dma_start3A_171] : memref<32x42x2x128xi32, #tpu.memory_space<hbm>> -> memref<1x1x2x128xi32, #tpu.memory_space<hbm>>
    %dma_start3A_173 = tpu.memref_squeeze %dma_start3A_172 : memref<1x1x2x128xi32, #tpu.memory_space<hbm>> -> memref<2x128xi32, #tpu.memory_space<hbm>>
    %dma_start3A_174 = arith.constant 0 : i32
    %dma_start3A_175 = arith.constant 0 : i32
    %dma_start3A_176 = tpu.memref_slice %arg3[%add3A, %dma_start3A_169, %dma_start3A_174, %dma_start3A_175] : memref<32x42x2x128xi32, #tpu.memory_space<hbm>> -> memref<1x1x2x128xi32, #tpu.memory_space<hbm>>
    %dma_start3A_177 = tpu.memref_squeeze %dma_start3A_176 : memref<1x1x2x128xi32, #tpu.memory_space<hbm>> -> memref<2x128xi32, #tpu.memory_space<hbm>>
    tpu.enqueue_dma source(%dma_start3A_177 : memref<2x128xi32, #tpu.memory_space<hbm>>) target(%arg8 : memref<2x128xi32, #tpu.memory_space<vmem>>) target_semaphore(%arg20 : memref<!tpu.dma_semaphore, #tpu.memory_space<semaphore_mem>>)
    %dma_start3A_178 = arith.constant 3 : i32
    %dma_start3A_179 = arith.constant 0 : i32
    %dma_start3A_180 = arith.constant 0 : i32
    %dma_start3A_181 = tpu.memref_slice %arg4[%add3A, %dma_start3A_178, %dma_start3A_179, %dma_start3A_180] : memref<32x42x2x128xi32, #tpu.memory_space<hbm>> -> memref<1x1x2x128xi32, #tpu.memory_space<hbm>>
    %dma_start3A_182 = tpu.memref_squeeze %dma_start3A_181 : memref<1x1x2x128xi32, #tpu.memory_space<hbm>> -> memref<2x128xi32, #tpu.memory_space<hbm>>
    %dma_start3A_183 = arith.constant 0 : i32
    %dma_start3A_184 = arith.constant 0 : i32
    %dma_start3A_185 = tpu.memref_slice %arg4[%add3A, %dma_start3A_178, %dma_start3A_183, %dma_start3A_184] : memref<32x42x2x128xi32, #tpu.memory_space<hbm>> -> memref<1x1x2x128xi32, #tpu.memory_space<hbm>>
    %dma_start3A_186 = tpu.memref_squeeze %dma_start3A_185 : memref<1x1x2x128xi32, #tpu.memory_space<hbm>> -> memref<2x128xi32, #tpu.memory_space<hbm>>
    tpu.enqueue_dma source(%dma_start3A_186 : memref<2x128xi32, #tpu.memory_space<hbm>>) target(%arg11 : memref<2x128xi32, #tpu.memory_space<vmem>>) target_semaphore(%arg23 : memref<!tpu.dma_semaphore, #tpu.memory_space<semaphore_mem>>)
    %dma_wait3A_187 = arith.constant 0 : i32
    %dma_wait3A_188 = arith.constant 0 : i32
    %dma_wait3A_189 = arith.constant 0 : i32
    %dma_wait3A_190 = tpu.memref_slice %arg3[%add3A, %dma_wait3A_187, %dma_wait3A_188, %dma_wait3A_189] : memref<32x42x2x128xi32, #tpu.memory_space<hbm>> -> memref<1x1x2x128xi32, #tpu.memory_space<hbm>>
    %dma_wait3A_191 = tpu.memref_squeeze %dma_wait3A_190 : memref<1x1x2x128xi32, #tpu.memory_space<hbm>> -> memref<2x128xi32, #tpu.memory_space<hbm>>
    %dma_wait3A_192 = arith.constant 0 : i32
    %dma_wait3A_193 = arith.constant 0 : i32
    %dma_wait3A_194 = tpu.memref_slice %arg3[%add3A, %dma_wait3A_187, %dma_wait3A_192, %dma_wait3A_193] : memref<32x42x2x128xi32, #tpu.memory_space<hbm>> -> memref<1x1x2x128xi32, #tpu.memory_space<hbm>>
    %dma_wait3A_195 = tpu.memref_squeeze %dma_wait3A_194 : memref<1x1x2x128xi32, #tpu.memory_space<hbm>> -> memref<2x128xi32, #tpu.memory_space<hbm>>
    tpu.wait_dma2 semaphore(%arg19 : memref<!tpu.dma_semaphore, #tpu.memory_space<semaphore_mem>>) src(%dma_wait3A_195 : memref<2x128xi32, #tpu.memory_space<hbm>>) dst(%arg7 : memref<2x128xi32, #tpu.memory_space<vmem>>)
    %dma_start3A_196 = arith.constant 0 : i32
    %dma_start3A_197 = arith.constant 0 : i32
    %dma_start3A_198 = tpu.memref_slice %arg7[%dma_start3A_196, %dma_start3A_197] : memref<2x128xi32, #tpu.memory_space<vmem>> -> memref<1x128xi32, #tpu.memory_space<vmem>>
    %dma_start3A_199 = tpu.memref_squeeze %dma_start3A_198 : memref<1x128xi32, #tpu.memory_space<vmem>> -> memref<128xi32, #tpu.memory_space<vmem>>
    %dma_start3A_200 = arith.constant 0 : i32
    %dma_start3A_201 = arith.constant 0 : i32
    %dma_start3A_202 = tpu.memref_slice %arg2[%dma_start3A_200, %dma_start3A_201] : memref<10000x128xf32, #tpu.memory_space<hbm>> -> memref<10000x128xf32, #tpu.memory_space<hbm>>
    tpu.enqueue_indirect_dma source(%dma_start3A_202 : memref<10000x128xf32, #tpu.memory_space<hbm>>) target(%arg12 : memref<128x128xf32, #tpu.memory_space<vmem>>) offsets(%dma_start3A_199 : memref<128xi32, #tpu.memory_space<vmem>>) semaphore(%arg16 : memref<!tpu.dma_semaphore, #tpu.memory_space<semaphore_mem>>)
    %dma_wait3A_203 = arith.constant 0 : i32
    %dma_wait3A_204 = arith.constant 0 : i32
    %dma_wait3A_205 = tpu.memref_slice %arg7[%dma_wait3A_203, %dma_wait3A_204] : memref<2x128xi32, #tpu.memory_space<vmem>> -> memref<1x128xi32, #tpu.memory_space<vmem>>
    %dma_wait3A_206 = tpu.memref_squeeze %dma_wait3A_205 : memref<1x128xi32, #tpu.memory_space<vmem>> -> memref<128xi32, #tpu.memory_space<vmem>>
    %dma_wait3A_207 = arith.constant 0 : i32
    %dma_wait3A_208 = arith.constant 0 : i32
    %dma_wait3A_209 = tpu.memref_slice %arg2[%dma_wait3A_207, %dma_wait3A_208] : memref<10000x128xf32, #tpu.memory_space<hbm>> -> memref<10000x128xf32, #tpu.memory_space<hbm>>
    tpu.wait_indirect_dma semaphore(%arg17 : memref<!tpu.dma_semaphore, #tpu.memory_space<semaphore_mem>>) src(%dma_wait3A_209 : memref<10000x128xf32, #tpu.memory_space<hbm>>) dst(%arg13 : memref<128x128xf32, #tpu.memory_space<vmem>>)
    %dma_wait3A_210 = arith.constant 0 : i32
    %dma_wait3A_211 = arith.constant 0 : i32
    %dma_wait3A_212 = arith.constant 0 : i32
    %dma_wait3A_213 = tpu.memref_slice %arg4[%add3A, %dma_wait3A_210, %dma_wait3A_211, %dma_wait3A_212] : memref<32x42x2x128xi32, #tpu.memory_space<hbm>> -> memref<1x1x2x128xi32, #tpu.memory_space<hbm>>
    %dma_wait3A_214 = tpu.memref_squeeze %dma_wait3A_213 : memref<1x1x2x128xi32, #tpu.memory_space<hbm>> -> memref<2x128xi32, #tpu.memory_space<hbm>>
    %dma_wait3A_215 = arith.constant 0 : i32
    %dma_wait3A_216 = arith.constant 0 : i32
    %dma_wait3A_217 = tpu.memref_slice %arg4[%add3A, %dma_wait3A_210, %dma_wait3A_215, %dma_wait3A_216] : memref<32x42x2x128xi32, #tpu.memory_space<hbm>> -> memref<1x1x2x128xi32, #tpu.memory_space<hbm>>
    %dma_wait3A_218 = tpu.memref_squeeze %dma_wait3A_217 : memref<1x1x2x128xi32, #tpu.memory_space<hbm>> -> memref<2x128xi32, #tpu.memory_space<hbm>>
    tpu.wait_dma2 semaphore(%arg22 : memref<!tpu.dma_semaphore, #tpu.memory_space<semaphore_mem>>) src(%dma_wait3A_218 : memref<2x128xi32, #tpu.memory_space<hbm>>) dst(%arg10 : memref<2x128xi32, #tpu.memory_space<vmem>>)
    %run_scoped3A_219 = arith.constant 0 : i32
    "tpu.region"() ({
      %run_scoped3A_794 = tpu.sem_alloc : memref<!tpu.dma_semaphore, #tpu.memory_space<semaphore_mem>>
      %dma_start3A_795 = arith.constant 0 : i32
      %dma_start3A_796 = tpu.memref_slice %arg10[%run_scoped3A_219, %dma_start3A_795] : memref<2x128xi32, #tpu.memory_space<vmem>> -> memref<1x128xi32, #tpu.memory_space<vmem>>
      %dma_start3A_797 = tpu.memref_squeeze %dma_start3A_796 : memref<1x128xi32, #tpu.memory_space<vmem>> -> memref<128xi32, #tpu.memory_space<vmem>>
      %dma_start3A_798 = arith.constant 0 : i32
      %dma_start3A_799 = arith.constant 0 : i32
      %dma_start3A_800 = tpu.memref_slice %arg15[%dma_start3A_798, %dma_start3A_799] : memref<10040x128xf32, #tpu.memory_space<vmem_shared>> -> memref<10040x128xf32, #tpu.memory_space<vmem_shared>>
      tpu.enqueue_indirect_dma source(%arg13 : memref<128x128xf32, #tpu.memory_space<vmem>>) target(%dma_start3A_800 : memref<10040x128xf32, #tpu.memory_space<vmem_shared>>) offsets(%dma_start3A_797 : memref<128xi32, #tpu.memory_space<vmem>>) semaphore(%run_scoped3A_794 : memref<!tpu.dma_semaphore, #tpu.memory_space<semaphore_mem>>) {add = true}
      %dma_wait3A_801 = arith.constant 0 : i32
      %dma_wait3A_802 = tpu.memref_slice %arg10[%run_scoped3A_219, %dma_wait3A_801] : memref<2x128xi32, #tpu.memory_space<vmem>> -> memref<1x128xi32, #tpu.memory_space<vmem>>
      %dma_wait3A_803 = tpu.memref_squeeze %dma_wait3A_802 : memref<1x128xi32, #tpu.memory_space<vmem>> -> memref<128xi32, #tpu.memory_space<vmem>>
      %dma_wait3A_804 = arith.constant 0 : i32
      %dma_wait3A_805 = arith.constant 0 : i32
      %dma_wait3A_806 = tpu.memref_slice %arg15[%dma_wait3A_804, %dma_wait3A_805] : memref<10040x128xf32, #tpu.memory_space<vmem_shared>> -> memref<10040x128xf32, #tpu.memory_space<vmem_shared>>
      tpu.wait_indirect_dma semaphore(%run_scoped3A_794 : memref<!tpu.dma_semaphore, #tpu.memory_space<semaphore_mem>>) src(%arg13 : memref<128x128xf32, #tpu.memory_space<vmem>>) dst(%dma_wait3A_806 : memref<10040x128xf32, #tpu.memory_space<vmem_shared>>)
      tpu.yield
    }) : () -> ()
    %dma_start3A_220 = arith.constant 1 : i32
    %dma_start3A_221 = arith.constant 0 : i32
    %dma_start3A_222 = tpu.memref_slice %arg7[%dma_start3A_220, %dma_start3A_221] : memref<2x128xi32, #tpu.memory_space<vmem>> -> memref<1x128xi32, #tpu.memory_space<vmem>>
    %dma_start3A_223 = tpu.memref_squeeze %dma_start3A_222 : memref<1x128xi32, #tpu.memory_space<vmem>> -> memref<128xi32, #tpu.memory_space<vmem>>
    %dma_start3A_224 = arith.constant 0 : i32
    %dma_start3A_225 = arith.constant 0 : i32
    %dma_start3A_226 = tpu.memref_slice %arg2[%dma_start3A_224, %dma_start3A_225] : memref<10000x128xf32, #tpu.memory_space<hbm>> -> memref<10000x128xf32, #tpu.memory_space<hbm>>
    tpu.enqueue_indirect_dma source(%dma_start3A_226 : memref<10000x128xf32, #tpu.memory_space<hbm>>) target(%arg13 : memref<128x128xf32, #tpu.memory_space<vmem>>) offsets(%dma_start3A_223 : memref<128xi32, #tpu.memory_space<vmem>>) semaphore(%arg17 : memref<!tpu.dma_semaphore, #tpu.memory_space<semaphore_mem>>)
    %dma_wait3A_227 = arith.constant 0 : i32
    %dma_wait3A_228 = arith.constant 0 : i32
    %dma_wait3A_229 = tpu.memref_slice %arg7[%dma_wait3A_227, %dma_wait3A_228] : memref<2x128xi32, #tpu.memory_space<vmem>> -> memref<1x128xi32, #tpu.memory_space<vmem>>
    %dma_wait3A_230 = tpu.memref_squeeze %dma_wait3A_229 : memref<1x128xi32, #tpu.memory_space<vmem>> -> memref<128xi32, #tpu.memory_space<vmem>>
    %dma_wait3A_231 = arith.constant 0 : i32
    %dma_wait3A_232 = arith.constant 0 : i32
    %dma_wait3A_233 = tpu.memref_slice %arg2[%dma_wait3A_231, %dma_wait3A_232] : memref<10000x128xf32, #tpu.memory_space<hbm>> -> memref<10000x128xf32, #tpu.memory_space<hbm>>
    tpu.wait_indirect_dma semaphore(%arg18 : memref<!tpu.dma_semaphore, #tpu.memory_space<semaphore_mem>>) src(%dma_wait3A_233 : memref<10000x128xf32, #tpu.memory_space<hbm>>) dst(%arg14 : memref<128x128xf32, #tpu.memory_space<vmem>>)
    %run_scoped3A_234 = arith.constant 1 : i32
    "tpu.region"() ({
      %run_scoped3A_794 = tpu.sem_alloc : memref<!tpu.dma_semaphore, #tpu.memory_space<semaphore_mem>>
      %dma_start3A_795 = arith.constant 0 : i32
      %dma_start3A_796 = tpu.memref_slice %arg10[%run_scoped3A_234, %dma_start3A_795] : memref<2x128xi32, #tpu.memory_space<vmem>> -> memref<1x128xi32, #tpu.memory_space<vmem>>
      %dma_start3A_797 = tpu.memref_squeeze %dma_start3A_796 : memref<1x128xi32, #tpu.memory_space<vmem>> -> memref<128xi32, #tpu.memory_space<vmem>>
      %dma_start3A_798 = arith.constant 0 : i32
      %dma_start3A_799 = arith.constant 0 : i32
      %dma_start3A_800 = tpu.memref_slice %arg15[%dma_start3A_798, %dma_start3A_799] : memref<10040x128xf32, #tpu.memory_space<vmem_shared>> -> memref<10040x128xf32, #tpu.memory_space<vmem_shared>>
      tpu.enqueue_indirect_dma source(%arg14 : memref<128x128xf32, #tpu.memory_space<vmem>>) target(%dma_start3A_800 : memref<10040x128xf32, #tpu.memory_space<vmem_shared>>) offsets(%dma_start3A_797 : memref<128xi32, #tpu.memory_space<vmem>>) semaphore(%run_scoped3A_794 : memref<!tpu.dma_semaphore, #tpu.memory_space<semaphore_mem>>) {add = true}
      %dma_wait3A_801 = arith.constant 0 : i32
      %dma_wait3A_802 = tpu.memref_slice %arg10[%run_scoped3A_234, %dma_wait3A_801] : memref<2x128xi32, #tpu.memory_space<vmem>> -> memref<1x128xi32, #tpu.memory_space<vmem>>
      %dma_wait3A_803 = tpu.memref_squeeze %dma_wait3A_802 : memref<1x128xi32, #tpu.memory_space<vmem>> -> memref<128xi32, #tpu.memory_space<vmem>>
      %dma_wait3A_804 = arith.constant 0 : i32
      %dma_wait3A_805 = arith.constant 0 : i32
      %dma_wait3A_806 = tpu.memref_slice %arg15[%dma_wait3A_804, %dma_wait3A_805] : memref<10040x128xf32, #tpu.memory_space<vmem_shared>> -> memref<10040x128xf32, #tpu.memory_space<vmem_shared>>
      tpu.wait_indirect_dma semaphore(%run_scoped3A_794 : memref<!tpu.dma_semaphore, #tpu.memory_space<semaphore_mem>>) src(%arg14 : memref<128x128xf32, #tpu.memory_space<vmem>>) dst(%dma_wait3A_806 : memref<10040x128xf32, #tpu.memory_space<vmem_shared>>)
      tpu.yield
    }) : () -> ()
    %dma_start3A_235 = arith.constant 5 : i32
    %dma_start3A_236 = arith.constant 0 : i32
    %dma_start3A_237 = arith.constant 0 : i32
    %dma_start3A_238 = tpu.memref_slice %arg3[%add3A, %dma_start3A_235, %dma_start3A_236, %dma_start3A_237] : memref<32x42x2x128xi32, #tpu.memory_space<hbm>> -> memref<1x1x2x128xi32, #tpu.memory_space<hbm>>
    %dma_start3A_239 = tpu.memref_squeeze %dma_start3A_238 : memref<1x1x2x128xi32, #tpu.memory_space<hbm>> -> memref<2x128xi32, #tpu.memory_space<hbm>>
    %dma_start3A_240 = arith.constant 0 : i32
    %dma_start3A_241 = arith.constant 0 : i32
    %dma_start3A_242 = tpu.memref_slice %arg3[%add3A, %dma_start3A_235, %dma_start3A_240, %dma_start3A_241] : memref<32x42x2x128xi32, #tpu.memory_space<hbm>> -> memref<1x1x2x128xi32, #tpu.memory_space<hbm>>
    %dma_start3A_243 = tpu.memref_squeeze %dma_start3A_242 : memref<1x1x2x128xi32, #tpu.memory_space<hbm>> -> memref<2x128xi32, #tpu.memory_space<hbm>>
    tpu.enqueue_dma source(%dma_start3A_243 : memref<2x128xi32, #tpu.memory_space<hbm>>) target(%arg9 : memref<2x128xi32, #tpu.memory_space<vmem>>) target_semaphore(%arg21 : memref<!tpu.dma_semaphore, #tpu.memory_space<semaphore_mem>>)
    %dma_start3A_244 = arith.constant 4 : i32
    %dma_start3A_245 = arith.constant 0 : i32
    %dma_start3A_246 = arith.constant 0 : i32
    %dma_start3A_247 = tpu.memref_slice %arg4[%add3A, %dma_start3A_244, %dma_start3A_245, %dma_start3A_246] : memref<32x42x2x128xi32, #tpu.memory_space<hbm>> -> memref<1x1x2x128xi32, #tpu.memory_space<hbm>>
    %dma_start3A_248 = tpu.memref_squeeze %dma_start3A_247 : memref<1x1x2x128xi32, #tpu.memory_space<hbm>> -> memref<2x128xi32, #tpu.memory_space<hbm>>
    %dma_start3A_249 = arith.constant 0 : i32
    %dma_start3A_250 = arith.constant 0 : i32
    %dma_start3A_251 = tpu.memref_slice %arg4[%add3A, %dma_start3A_244, %dma_start3A_249, %dma_start3A_250] : memref<32x42x2x128xi32, #tpu.memory_space<hbm>> -> memref<1x1x2x128xi32, #tpu.memory_space<hbm>>
    %dma_start3A_252 = tpu.memref_squeeze %dma_start3A_251 : memref<1x1x2x128xi32, #tpu.memory_space<hbm>> -> memref<2x128xi32, #tpu.memory_space<hbm>>
    tpu.enqueue_dma source(%dma_start3A_252 : memref<2x128xi32, #tpu.memory_space<hbm>>) target(%arg10 : memref<2x128xi32, #tpu.memory_space<vmem>>) target_semaphore(%arg22 : memref<!tpu.dma_semaphore, #tpu.memory_space<semaphore_mem>>)
    %dma_wait3A_253 = arith.constant 0 : i32
    %dma_wait3A_254 = arith.constant 0 : i32
    %dma_wait3A_255 = arith.constant 0 : i32
    %dma_wait3A_256 = tpu.memref_slice %arg3[%add3A, %dma_wait3A_253, %dma_wait3A_254, %dma_wait3A_255] : memref<32x42x2x128xi32, #tpu.memory_space<hbm>> -> memref<1x1x2x128xi32, #tpu.memory_space<hbm>>
    %dma_wait3A_257 = tpu.memref_squeeze %dma_wait3A_256 : memref<1x1x2x128xi32, #tpu.memory_space<hbm>> -> memref<2x128xi32, #tpu.memory_space<hbm>>
    %dma_wait3A_258 = arith.constant 0 : i32
    %dma_wait3A_259 = arith.constant 0 : i32
    %dma_wait3A_260 = tpu.memref_slice %arg3[%add3A, %dma_wait3A_253, %dma_wait3A_258, %dma_wait3A_259] : memref<32x42x2x128xi32, #tpu.memory_space<hbm>> -> memref<1x1x2x128xi32, #tpu.memory_space<hbm>>
    %dma_wait3A_261 = tpu.memref_squeeze %dma_wait3A_260 : memref<1x1x2x128xi32, #tpu.memory_space<hbm>> -> memref<2x128xi32, #tpu.memory_space<hbm>>
    tpu.wait_dma2 semaphore(%arg20 : memref<!tpu.dma_semaphore, #tpu.memory_space<semaphore_mem>>) src(%dma_wait3A_261 : memref<2x128xi32, #tpu.memory_space<hbm>>) dst(%arg8 : memref<2x128xi32, #tpu.memory_space<vmem>>)
    %dma_start3A_262 = arith.constant 0 : i32
    %dma_start3A_263 = arith.constant 0 : i32
    %dma_start3A_264 = tpu.memref_slice %arg8[%dma_start3A_262, %dma_start3A_263] : memref<2x128xi32, #tpu.memory_space<vmem>> -> memref<1x128xi32, #tpu.memory_space<vmem>>
    %dma_start3A_265 = tpu.memref_squeeze %dma_start3A_264 : memref<1x128xi32, #tpu.memory_space<vmem>> -> memref<128xi32, #tpu.memory_space<vmem>>
    %dma_start3A_266 = arith.constant 0 : i32
    %dma_start3A_267 = arith.constant 0 : i32
    %dma_start3A_268 = tpu.memref_slice %arg2[%dma_start3A_266, %dma_start3A_267] : memref<10000x128xf32, #tpu.memory_space<hbm>> -> memref<10000x128xf32, #tpu.memory_space<hbm>>
    tpu.enqueue_indirect_dma source(%dma_start3A_268 : memref<10000x128xf32, #tpu.memory_space<hbm>>) target(%arg14 : memref<128x128xf32, #tpu.memory_space<vmem>>) offsets(%dma_start3A_265 : memref<128xi32, #tpu.memory_space<vmem>>) semaphore(%arg18 : memref<!tpu.dma_semaphore, #tpu.memory_space<semaphore_mem>>)
    %dma_wait3A_269 = arith.constant 0 : i32
    %dma_wait3A_270 = arith.constant 0 : i32
    %dma_wait3A_271 = tpu.memref_slice %arg7[%dma_wait3A_269, %dma_wait3A_270] : memref<2x128xi32, #tpu.memory_space<vmem>> -> memref<1x128xi32, #tpu.memory_space<vmem>>
    %dma_wait3A_272 = tpu.memref_squeeze %dma_wait3A_271 : memref<1x128xi32, #tpu.memory_space<vmem>> -> memref<128xi32, #tpu.memory_space<vmem>>
    %dma_wait3A_273 = arith.constant 0 : i32
    %dma_wait3A_274 = arith.constant 0 : i32
    %dma_wait3A_275 = tpu.memref_slice %arg2[%dma_wait3A_273, %dma_wait3A_274] : memref<10000x128xf32, #tpu.memory_space<hbm>> -> memref<10000x128xf32, #tpu.memory_space<hbm>>
    tpu.wait_indirect_dma semaphore(%arg16 : memref<!tpu.dma_semaphore, #tpu.memory_space<semaphore_mem>>) src(%dma_wait3A_275 : memref<10000x128xf32, #tpu.memory_space<hbm>>) dst(%arg12 : memref<128x128xf32, #tpu.memory_space<vmem>>)
    %dma_wait3A_276 = arith.constant 0 : i32
    %dma_wait3A_277 = arith.constant 0 : i32
    %dma_wait3A_278 = arith.constant 0 : i32
    %dma_wait3A_279 = tpu.memref_slice %arg4[%add3A, %dma_wait3A_276, %dma_wait3A_277, %dma_wait3A_278] : memref<32x42x2x128xi32, #tpu.memory_space<hbm>> -> memref<1x1x2x128xi32, #tpu.memory_space<hbm>>
    %dma_wait3A_280 = tpu.memref_squeeze %dma_wait3A_279 : memref<1x1x2x128xi32, #tpu.memory_space<hbm>> -> memref<2x128xi32, #tpu.memory_space<hbm>>
    %dma_wait3A_281 = arith.constant 0 : i32
    %dma_wait3A_282 = arith.constant 0 : i32
    %dma_wait3A_283 = tpu.memref_slice %arg4[%add3A, %dma_wait3A_276, %dma_wait3A_281, %dma_wait3A_282] : memref<32x42x2x128xi32, #tpu.memory_space<hbm>> -> memref<1x1x2x128xi32, #tpu.memory_space<hbm>>
    %dma_wait3A_284 = tpu.memref_squeeze %dma_wait3A_283 : memref<1x1x2x128xi32, #tpu.memory_space<hbm>> -> memref<2x128xi32, #tpu.memory_space<hbm>>
    tpu.wait_dma2 semaphore(%arg23 : memref<!tpu.dma_semaphore, #tpu.memory_space<semaphore_mem>>) src(%dma_wait3A_284 : memref<2x128xi32, #tpu.memory_space<hbm>>) dst(%arg11 : memref<2x128xi32, #tpu.memory_space<vmem>>)
    %run_scoped3A_285 = arith.constant 0 : i32
    "tpu.region"() ({
      %run_scoped3A_794 = tpu.sem_alloc : memref<!tpu.dma_semaphore, #tpu.memory_space<semaphore_mem>>
      %dma_start3A_795 = arith.constant 0 : i32
      %dma_start3A_796 = tpu.memref_slice %arg11[%run_scoped3A_285, %dma_start3A_795] : memref<2x128xi32, #tpu.memory_space<vmem>> -> memref<1x128xi32, #tpu.memory_space<vmem>>
      %dma_start3A_797 = tpu.memref_squeeze %dma_start3A_796 : memref<1x128xi32, #tpu.memory_space<vmem>> -> memref<128xi32, #tpu.memory_space<vmem>>
      %dma_start3A_798 = arith.constant 0 : i32
      %dma_start3A_799 = arith.constant 0 : i32
      %dma_start3A_800 = tpu.memref_slice %arg15[%dma_start3A_798, %dma_start3A_799] : memref<10040x128xf32, #tpu.memory_space<vmem_shared>> -> memref<10040x128xf32, #tpu.memory_space<vmem_shared>>
      tpu.enqueue_indirect_dma source(%arg12 : memref<128x128xf32, #tpu.memory_space<vmem>>) target(%dma_start3A_800 : memref<10040x128xf32, #tpu.memory_space<vmem_shared>>) offsets(%dma_start3A_797 : memref<128xi32, #tpu.memory_space<vmem>>) semaphore(%run_scoped3A_794 : memref<!tpu.dma_semaphore, #tpu.memory_space<semaphore_mem>>) {add = true}
      %dma_wait3A_801 = arith.constant 0 : i32
      %dma_wait3A_802 = tpu.memref_slice %arg11[%run_scoped3A_285, %dma_wait3A_801] : memref<2x128xi32, #tpu.memory_space<vmem>> -> memref<1x128xi32, #tpu.memory_space<vmem>>
      %dma_wait3A_803 = tpu.memref_squeeze %dma_wait3A_802 : memref<1x128xi32, #tpu.memory_space<vmem>> -> memref<128xi32, #tpu.memory_space<vmem>>
      %dma_wait3A_804 = arith.constant 0 : i32
      %dma_wait3A_805 = arith.constant 0 : i32
      %dma_wait3A_806 = tpu.memref_slice %arg15[%dma_wait3A_804, %dma_wait3A_805] : memref<10040x128xf32, #tpu.memory_space<vmem_shared>> -> memref<10040x128xf32, #tpu.memory_space<vmem_shared>>
      tpu.wait_indirect_dma semaphore(%run_scoped3A_794 : memref<!tpu.dma_semaphore, #tpu.memory_space<semaphore_mem>>) src(%arg12 : memref<128x128xf32, #tpu.memory_space<vmem>>) dst(%dma_wait3A_806 : memref<10040x128xf32, #tpu.memory_space<vmem_shared>>)
      tpu.yield
    }) : () -> ()
    %dma_start3A_286 = arith.constant 1 : i32
    %dma_start3A_287 = arith.constant 0 : i32
    %dma_start3A_288 = tpu.memref_slice %arg8[%dma_start3A_286, %dma_start3A_287] : memref<2x128xi32, #tpu.memory_space<vmem>> -> memref<1x128xi32, #tpu.memory_space<vmem>>
    %dma_start3A_289 = tpu.memref_squeeze %dma_start3A_288 : memref<1x128xi32, #tpu.memory_space<vmem>> -> memref<128xi32, #tpu.memory_space<vmem>>
    %dma_start3A_290 = arith.constant 0 : i32
    %dma_start3A_291 = arith.constant 0 : i32
    %dma_start3A_292 = tpu.memref_slice %arg2[%dma_start3A_290, %dma_start3A_291] : memref<10000x128xf32, #tpu.memory_space<hbm>> -> memref<10000x128xf32, #tpu.memory_space<hbm>>
    tpu.enqueue_indirect_dma source(%dma_start3A_292 : memref<10000x128xf32, #tpu.memory_space<hbm>>) target(%arg12 : memref<128x128xf32, #tpu.memory_space<vmem>>) offsets(%dma_start3A_289 : memref<128xi32, #tpu.memory_space<vmem>>) semaphore(%arg16 : memref<!tpu.dma_semaphore, #tpu.memory_space<semaphore_mem>>)
    %dma_wait3A_293 = arith.constant 0 : i32
    %dma_wait3A_294 = arith.constant 0 : i32
    %dma_wait3A_295 = tpu.memref_slice %arg7[%dma_wait3A_293, %dma_wait3A_294] : memref<2x128xi32, #tpu.memory_space<vmem>> -> memref<1x128xi32, #tpu.memory_space<vmem>>
    %dma_wait3A_296 = tpu.memref_squeeze %dma_wait3A_295 : memref<1x128xi32, #tpu.memory_space<vmem>> -> memref<128xi32, #tpu.memory_space<vmem>>
    %dma_wait3A_297 = arith.constant 0 : i32
    %dma_wait3A_298 = arith.constant 0 : i32
    %dma_wait3A_299 = tpu.memref_slice %arg2[%dma_wait3A_297, %dma_wait3A_298] : memref<10000x128xf32, #tpu.memory_space<hbm>> -> memref<10000x128xf32, #tpu.memory_space<hbm>>
    tpu.wait_indirect_dma semaphore(%arg17 : memref<!tpu.dma_semaphore, #tpu.memory_space<semaphore_mem>>) src(%dma_wait3A_299 : memref<10000x128xf32, #tpu.memory_space<hbm>>) dst(%arg13 : memref<128x128xf32, #tpu.memory_space<vmem>>)
    %run_scoped3A_300 = arith.constant 1 : i32
    "tpu.region"() ({
      %run_scoped3A_794 = tpu.sem_alloc : memref<!tpu.dma_semaphore, #tpu.memory_space<semaphore_mem>>
      %dma_start3A_795 = arith.constant 0 : i32
      %dma_start3A_796 = tpu.memref_slice %arg11[%run_scoped3A_300, %dma_start3A_795] : memref<2x128xi32, #tpu.memory_space<vmem>> -> memref<1x128xi32, #tpu.memory_space<vmem>>
      %dma_start3A_797 = tpu.memref_squeeze %dma_start3A_796 : memref<1x128xi32, #tpu.memory_space<vmem>> -> memref<128xi32, #tpu.memory_space<vmem>>
      %dma_start3A_798 = arith.constant 0 : i32
      %dma_start3A_799 = arith.constant 0 : i32
      %dma_start3A_800 = tpu.memref_slice %arg15[%dma_start3A_798, %dma_start3A_799] : memref<10040x128xf32, #tpu.memory_space<vmem_shared>> -> memref<10040x128xf32, #tpu.memory_space<vmem_shared>>
      tpu.enqueue_indirect_dma source(%arg13 : memref<128x128xf32, #tpu.memory_space<vmem>>) target(%dma_start3A_800 : memref<10040x128xf32, #tpu.memory_space<vmem_shared>>) offsets(%dma_start3A_797 : memref<128xi32, #tpu.memory_space<vmem>>) semaphore(%run_scoped3A_794 : memref<!tpu.dma_semaphore, #tpu.memory_space<semaphore_mem>>) {add = true}
      %dma_wait3A_801 = arith.constant 0 : i32
      %dma_wait3A_802 = tpu.memref_slice %arg11[%run_scoped3A_300, %dma_wait3A_801] : memref<2x128xi32, #tpu.memory_space<vmem>> -> memref<1x128xi32, #tpu.memory_space<vmem>>
      %dma_wait3A_803 = tpu.memref_squeeze %dma_wait3A_802 : memref<1x128xi32, #tpu.memory_space<vmem>> -> memref<128xi32, #tpu.memory_space<vmem>>
      %dma_wait3A_804 = arith.constant 0 : i32
      %dma_wait3A_805 = arith.constant 0 : i32
      %dma_wait3A_806 = tpu.memref_slice %arg15[%dma_wait3A_804, %dma_wait3A_805] : memref<10040x128xf32, #tpu.memory_space<vmem_shared>> -> memref<10040x128xf32, #tpu.memory_space<vmem_shared>>
      tpu.wait_indirect_dma semaphore(%run_scoped3A_794 : memref<!tpu.dma_semaphore, #tpu.memory_space<semaphore_mem>>) src(%arg13 : memref<128x128xf32, #tpu.memory_space<vmem>>) dst(%dma_wait3A_806 : memref<10040x128xf32, #tpu.memory_space<vmem_shared>>)
      tpu.yield
    }) : () -> ()
    %dma_start3A_301 = arith.constant 6 : i32
    %dma_start3A_302 = arith.constant 0 : i32
    %dma_start3A_303 = arith.constant 0 : i32
    %dma_start3A_304 = tpu.memref_slice %arg3[%add3A, %dma_start3A_301, %dma_start3A_302, %dma_start3A_303] : memref<32x42x2x128xi32, #tpu.memory_space<hbm>> -> memref<1x1x2x128xi32, #tpu.memory_space<hbm>>
    %dma_start3A_305 = tpu.memref_squeeze %dma_start3A_304 : memref<1x1x2x128xi32, #tpu.memory_space<hbm>> -> memref<2x128xi32, #tpu.memory_space<hbm>>
    %dma_start3A_306 = arith.constant 0 : i32
    %dma_start3A_307 = arith.constant 0 : i32
    %dma_start3A_308 = tpu.memref_slice %arg3[%add3A, %dma_start3A_301, %dma_start3A_306, %dma_start3A_307] : memref<32x42x2x128xi32, #tpu.memory_space<hbm>> -> memref<1x1x2x128xi32, #tpu.memory_space<hbm>>
    %dma_start3A_309 = tpu.memref_squeeze %dma_start3A_308 : memref<1x1x2x128xi32, #tpu.memory_space<hbm>> -> memref<2x128xi32, #tpu.memory_space<hbm>>
    tpu.enqueue_dma source(%dma_start3A_309 : memref<2x128xi32, #tpu.memory_space<hbm>>) target(%arg7 : memref<2x128xi32, #tpu.memory_space<vmem>>) target_semaphore(%arg19 : memref<!tpu.dma_semaphore, #tpu.memory_space<semaphore_mem>>)
    %dma_start3A_310 = arith.constant 5 : i32
    %dma_start3A_311 = arith.constant 0 : i32
    %dma_start3A_312 = arith.constant 0 : i32
    %dma_start3A_313 = tpu.memref_slice %arg4[%add3A, %dma_start3A_310, %dma_start3A_311, %dma_start3A_312] : memref<32x42x2x128xi32, #tpu.memory_space<hbm>> -> memref<1x1x2x128xi32, #tpu.memory_space<hbm>>
    %dma_start3A_314 = tpu.memref_squeeze %dma_start3A_313 : memref<1x1x2x128xi32, #tpu.memory_space<hbm>> -> memref<2x128xi32, #tpu.memory_space<hbm>>
    %dma_start3A_315 = arith.constant 0 : i32
    %dma_start3A_316 = arith.constant 0 : i32
    %dma_start3A_317 = tpu.memref_slice %arg4[%add3A, %dma_start3A_310, %dma_start3A_315, %dma_start3A_316] : memref<32x42x2x128xi32, #tpu.memory_space<hbm>> -> memref<1x1x2x128xi32, #tpu.memory_space<hbm>>
    %dma_start3A_318 = tpu.memref_squeeze %dma_start3A_317 : memref<1x1x2x128xi32, #tpu.memory_space<hbm>> -> memref<2x128xi32, #tpu.memory_space<hbm>>
    tpu.enqueue_dma source(%dma_start3A_318 : memref<2x128xi32, #tpu.memory_space<hbm>>) target(%arg11 : memref<2x128xi32, #tpu.memory_space<vmem>>) target_semaphore(%arg23 : memref<!tpu.dma_semaphore, #tpu.memory_space<semaphore_mem>>)
    %dma_wait3A_319 = arith.constant 0 : i32
    %dma_wait3A_320 = arith.constant 0 : i32
    %dma_wait3A_321 = arith.constant 0 : i32
    %dma_wait3A_322 = tpu.memref_slice %arg3[%add3A, %dma_wait3A_319, %dma_wait3A_320, %dma_wait3A_321] : memref<32x42x2x128xi32, #tpu.memory_space<hbm>> -> memref<1x1x2x128xi32, #tpu.memory_space<hbm>>
    %dma_wait3A_323 = tpu.memref_squeeze %dma_wait3A_322 : memref<1x1x2x128xi32, #tpu.memory_space<hbm>> -> memref<2x128xi32, #tpu.memory_space<hbm>>
    %dma_wait3A_324 = arith.constant 0 : i32
    %dma_wait3A_325 = arith.constant 0 : i32
    %dma_wait3A_326 = tpu.memref_slice %arg3[%add3A, %dma_wait3A_319, %dma_wait3A_324, %dma_wait3A_325] : memref<32x42x2x128xi32, #tpu.memory_space<hbm>> -> memref<1x1x2x128xi32, #tpu.memory_space<hbm>>
    %dma_wait3A_327 = tpu.memref_squeeze %dma_wait3A_326 : memref<1x1x2x128xi32, #tpu.memory_space<hbm>> -> memref<2x128xi32, #tpu.memory_space<hbm>>
    tpu.wait_dma2 semaphore(%arg21 : memref<!tpu.dma_semaphore, #tpu.memory_space<semaphore_mem>>) src(%dma_wait3A_327 : memref<2x128xi32, #tpu.memory_space<hbm>>) dst(%arg9 : memref<2x128xi32, #tpu.memory_space<vmem>>)
    %dma_start3A_328 = arith.constant 0 : i32
    %dma_start3A_329 = arith.constant 0 : i32
    %dma_start3A_330 = tpu.memref_slice %arg9[%dma_start3A_328, %dma_start3A_329] : memref<2x128xi32, #tpu.memory_space<vmem>> -> memref<1x128xi32, #tpu.memory_space<vmem>>
    %dma_start3A_331 = tpu.memref_squeeze %dma_start3A_330 : memref<1x128xi32, #tpu.memory_space<vmem>> -> memref<128xi32, #tpu.memory_space<vmem>>
    %dma_start3A_332 = arith.constant 0 : i32
    %dma_start3A_333 = arith.constant 0 : i32
    %dma_start3A_334 = tpu.memref_slice %arg2[%dma_start3A_332, %dma_start3A_333] : memref<10000x128xf32, #tpu.memory_space<hbm>> -> memref<10000x128xf32, #tpu.memory_space<hbm>>
    tpu.enqueue_indirect_dma source(%dma_start3A_334 : memref<10000x128xf32, #tpu.memory_space<hbm>>) target(%arg13 : memref<128x128xf32, #tpu.memory_space<vmem>>) offsets(%dma_start3A_331 : memref<128xi32, #tpu.memory_space<vmem>>) semaphore(%arg17 : memref<!tpu.dma_semaphore, #tpu.memory_space<semaphore_mem>>)
    %dma_wait3A_335 = arith.constant 0 : i32
    %dma_wait3A_336 = arith.constant 0 : i32
    %dma_wait3A_337 = tpu.memref_slice %arg7[%dma_wait3A_335, %dma_wait3A_336] : memref<2x128xi32, #tpu.memory_space<vmem>> -> memref<1x128xi32, #tpu.memory_space<vmem>>
    %dma_wait3A_338 = tpu.memref_squeeze %dma_wait3A_337 : memref<1x128xi32, #tpu.memory_space<vmem>> -> memref<128xi32, #tpu.memory_space<vmem>>
    %dma_wait3A_339 = arith.constant 0 : i32
    %dma_wait3A_340 = arith.constant 0 : i32
    %dma_wait3A_341 = tpu.memref_slice %arg2[%dma_wait3A_339, %dma_wait3A_340] : memref<10000x128xf32, #tpu.memory_space<hbm>> -> memref<10000x128xf32, #tpu.memory_space<hbm>>
    tpu.wait_indirect_dma semaphore(%arg18 : memref<!tpu.dma_semaphore, #tpu.memory_space<semaphore_mem>>) src(%dma_wait3A_341 : memref<10000x128xf32, #tpu.memory_space<hbm>>) dst(%arg14 : memref<128x128xf32, #tpu.memory_space<vmem>>)
    %dma_wait3A_342 = arith.constant 0 : i32
    %dma_wait3A_343 = arith.constant 0 : i32
    %dma_wait3A_344 = arith.constant 0 : i32
    %dma_wait3A_345 = tpu.memref_slice %arg4[%add3A, %dma_wait3A_342, %dma_wait3A_343, %dma_wait3A_344] : memref<32x42x2x128xi32, #tpu.memory_space<hbm>> -> memref<1x1x2x128xi32, #tpu.memory_space<hbm>>
    %dma_wait3A_346 = tpu.memref_squeeze %dma_wait3A_345 : memref<1x1x2x128xi32, #tpu.memory_space<hbm>> -> memref<2x128xi32, #tpu.memory_space<hbm>>
    %dma_wait3A_347 = arith.constant 0 : i32
    %dma_wait3A_348 = arith.constant 0 : i32
    %dma_wait3A_349 = tpu.memref_slice %arg4[%add3A, %dma_wait3A_342, %dma_wait3A_347, %dma_wait3A_348] : memref<32x42x2x128xi32, #tpu.memory_space<hbm>> -> memref<1x1x2x128xi32, #tpu.memory_space<hbm>>
    %dma_wait3A_350 = tpu.memref_squeeze %dma_wait3A_349 : memref<1x1x2x128xi32, #tpu.memory_space<hbm>> -> memref<2x128xi32, #tpu.memory_space<hbm>>
    tpu.wait_dma2 semaphore(%arg22 : memref<!tpu.dma_semaphore, #tpu.memory_space<semaphore_mem>>) src(%dma_wait3A_350 : memref<2x128xi32, #tpu.memory_space<hbm>>) dst(%arg10 : memref<2x128xi32, #tpu.memory_space<vmem>>)
    %run_scoped3A_351 = arith.constant 0 : i32
    "tpu.region"() ({
      %run_scoped3A_794 = tpu.sem_alloc : memref<!tpu.dma_semaphore, #tpu.memory_space<semaphore_mem>>
      %dma_start3A_795 = arith.constant 0 : i32
      %dma_start3A_796 = tpu.memref_slice %arg10[%run_scoped3A_351, %dma_start3A_795] : memref<2x128xi32, #tpu.memory_space<vmem>> -> memref<1x128xi32, #tpu.memory_space<vmem>>
      %dma_start3A_797 = tpu.memref_squeeze %dma_start3A_796 : memref<1x128xi32, #tpu.memory_space<vmem>> -> memref<128xi32, #tpu.memory_space<vmem>>
      %dma_start3A_798 = arith.constant 0 : i32
      %dma_start3A_799 = arith.constant 0 : i32
      %dma_start3A_800 = tpu.memref_slice %arg15[%dma_start3A_798, %dma_start3A_799] : memref<10040x128xf32, #tpu.memory_space<vmem_shared>> -> memref<10040x128xf32, #tpu.memory_space<vmem_shared>>
      tpu.enqueue_indirect_dma source(%arg14 : memref<128x128xf32, #tpu.memory_space<vmem>>) target(%dma_start3A_800 : memref<10040x128xf32, #tpu.memory_space<vmem_shared>>) offsets(%dma_start3A_797 : memref<128xi32, #tpu.memory_space<vmem>>) semaphore(%run_scoped3A_794 : memref<!tpu.dma_semaphore, #tpu.memory_space<semaphore_mem>>) {add = true}
      %dma_wait3A_801 = arith.constant 0 : i32
      %dma_wait3A_802 = tpu.memref_slice %arg10[%run_scoped3A_351, %dma_wait3A_801] : memref<2x128xi32, #tpu.memory_space<vmem>> -> memref<1x128xi32, #tpu.memory_space<vmem>>
      %dma_wait3A_803 = tpu.memref_squeeze %dma_wait3A_802 : memref<1x128xi32, #tpu.memory_space<vmem>> -> memref<128xi32, #tpu.memory_space<vmem>>
      %dma_wait3A_804 = arith.constant 0 : i32
      %dma_wait3A_805 = arith.constant 0 : i32
      %dma_wait3A_806 = tpu.memref_slice %arg15[%dma_wait3A_804, %dma_wait3A_805] : memref<10040x128xf32, #tpu.memory_space<vmem_shared>> -> memref<10040x128xf32, #tpu.memory_space<vmem_shared>>
      tpu.wait_indirect_dma semaphore(%run_scoped3A_794 : memref<!tpu.dma_semaphore, #tpu.memory_space<semaphore_mem>>) src(%arg14 : memref<128x128xf32, #tpu.memory_space<vmem>>) dst(%dma_wait3A_806 : memref<10040x128xf32, #tpu.memory_space<vmem_shared>>)
      tpu.yield
    }) : () -> ()
    %dma_start3A_352 = arith.constant 1 : i32
    %dma_start3A_353 = arith.constant 0 : i32
    %dma_start3A_354 = tpu.memref_slice %arg9[%dma_start3A_352, %dma_start3A_353] : memref<2x128xi32, #tpu.memory_space<vmem>> -> memref<1x128xi32, #tpu.memory_space<vmem>>
    %dma_start3A_355 = tpu.memref_squeeze %dma_start3A_354 : memref<1x128xi32, #tpu.memory_space<vmem>> -> memref<128xi32, #tpu.memory_space<vmem>>
    %dma_start3A_356 = arith.constant 0 : i32
    %dma_start3A_357 = arith.constant 0 : i32
    %dma_start3A_358 = tpu.memref_slice %arg2[%dma_start3A_356, %dma_start3A_357] : memref<10000x128xf32, #tpu.memory_space<hbm>> -> memref<10000x128xf32, #tpu.memory_space<hbm>>
    tpu.enqueue_indirect_dma source(%dma_start3A_358 : memref<10000x128xf32, #tpu.memory_space<hbm>>) target(%arg14 : memref<128x128xf32, #tpu.memory_space<vmem>>) offsets(%dma_start3A_355 : memref<128xi32, #tpu.memory_space<vmem>>) semaphore(%arg18 : memref<!tpu.dma_semaphore, #tpu.memory_space<semaphore_mem>>)
    %dma_wait3A_359 = arith.constant 0 : i32
    %dma_wait3A_360 = arith.constant 0 : i32
    %dma_wait3A_361 = tpu.memref_slice %arg7[%dma_wait3A_359, %dma_wait3A_360] : memref<2x128xi32, #tpu.memory_space<vmem>> -> memref<1x128xi32, #tpu.memory_space<vmem>>
    %dma_wait3A_362 = tpu.memref_squeeze %dma_wait3A_361 : memref<1x128xi32, #tpu.memory_space<vmem>> -> memref<128xi32, #tpu.memory_space<vmem>>
    %dma_wait3A_363 = arith.constant 0 : i32
    %dma_wait3A_364 = arith.constant 0 : i32
    %dma_wait3A_365 = tpu.memref_slice %arg2[%dma_wait3A_363, %dma_wait3A_364] : memref<10000x128xf32, #tpu.memory_space<hbm>> -> memref<10000x128xf32, #tpu.memory_space<hbm>>
    tpu.wait_indirect_dma semaphore(%arg16 : memref<!tpu.dma_semaphore, #tpu.memory_space<semaphore_mem>>) src(%dma_wait3A_365 : memref<10000x128xf32, #tpu.memory_space<hbm>>) dst(%arg12 : memref<128x128xf32, #tpu.memory_space<vmem>>)
    %run_scoped3A_366 = arith.constant 1 : i32
    "tpu.region"() ({
      %run_scoped3A_794 = tpu.sem_alloc : memref<!tpu.dma_semaphore, #tpu.memory_space<semaphore_mem>>
      %dma_start3A_795 = arith.constant 0 : i32
      %dma_start3A_796 = tpu.memref_slice %arg10[%run_scoped3A_366, %dma_start3A_795] : memref<2x128xi32, #tpu.memory_space<vmem>> -> memref<1x128xi32, #tpu.memory_space<vmem>>
      %dma_start3A_797 = tpu.memref_squeeze %dma_start3A_796 : memref<1x128xi32, #tpu.memory_space<vmem>> -> memref<128xi32, #tpu.memory_space<vmem>>
      %dma_start3A_798 = arith.constant 0 : i32
      %dma_start3A_799 = arith.constant 0 : i32
      %dma_start3A_800 = tpu.memref_slice %arg15[%dma_start3A_798, %dma_start3A_799] : memref<10040x128xf32, #tpu.memory_space<vmem_shared>> -> memref<10040x128xf32, #tpu.memory_space<vmem_shared>>
      tpu.enqueue_indirect_dma source(%arg12 : memref<128x128xf32, #tpu.memory_space<vmem>>) target(%dma_start3A_800 : memref<10040x128xf32, #tpu.memory_space<vmem_shared>>) offsets(%dma_start3A_797 : memref<128xi32, #tpu.memory_space<vmem>>) semaphore(%run_scoped3A_794 : memref<!tpu.dma_semaphore, #tpu.memory_space<semaphore_mem>>) {add = true}
      %dma_wait3A_801 = arith.constant 0 : i32
      %dma_wait3A_802 = tpu.memref_slice %arg10[%run_scoped3A_366, %dma_wait3A_801] : memref<2x128xi32, #tpu.memory_space<vmem>> -> memref<1x128xi32, #tpu.memory_space<vmem>>
      %dma_wait3A_803 = tpu.memref_squeeze %dma_wait3A_802 : memref<1x128xi32, #tpu.memory_space<vmem>> -> memref<128xi32, #tpu.memory_space<vmem>>
      %dma_wait3A_804 = arith.constant 0 : i32
      %dma_wait3A_805 = arith.constant 0 : i32
      %dma_wait3A_806 = tpu.memref_slice %arg15[%dma_wait3A_804, %dma_wait3A_805] : memref<10040x128xf32, #tpu.memory_space<vmem_shared>> -> memref<10040x128xf32, #tpu.memory_space<vmem_shared>>
      tpu.wait_indirect_dma semaphore(%run_scoped3A_794 : memref<!tpu.dma_semaphore, #tpu.memory_space<semaphore_mem>>) src(%arg12 : memref<128x128xf32, #tpu.memory_space<vmem>>) dst(%dma_wait3A_806 : memref<10040x128xf32, #tpu.memory_space<vmem_shared>>)
      tpu.yield
    }) : () -> ()
    %dma_start3A_367 = arith.constant 7 : i32
    %dma_start3A_368 = arith.constant 0 : i32
    %dma_start3A_369 = arith.constant 0 : i32
    %dma_start3A_370 = tpu.memref_slice %arg3[%add3A, %dma_start3A_367, %dma_start3A_368, %dma_start3A_369] : memref<32x42x2x128xi32, #tpu.memory_space<hbm>> -> memref<1x1x2x128xi32, #tpu.memory_space<hbm>>
    %dma_start3A_371 = tpu.memref_squeeze %dma_start3A_370 : memref<1x1x2x128xi32, #tpu.memory_space<hbm>> -> memref<2x128xi32, #tpu.memory_space<hbm>>
    %dma_start3A_372 = arith.constant 0 : i32
    %dma_start3A_373 = arith.constant 0 : i32
    %dma_start3A_374 = tpu.memref_slice %arg3[%add3A, %dma_start3A_367, %dma_start3A_372, %dma_start3A_373] : memref<32x42x2x128xi32, #tpu.memory_space<hbm>> -> memref<1x1x2x128xi32, #tpu.memory_space<hbm>>
    %dma_start3A_375 = tpu.memref_squeeze %dma_start3A_374 : memref<1x1x2x128xi32, #tpu.memory_space<hbm>> -> memref<2x128xi32, #tpu.memory_space<hbm>>
    tpu.enqueue_dma source(%dma_start3A_375 : memref<2x128xi32, #tpu.memory_space<hbm>>) target(%arg8 : memref<2x128xi32, #tpu.memory_space<vmem>>) target_semaphore(%arg20 : memref<!tpu.dma_semaphore, #tpu.memory_space<semaphore_mem>>)
    %dma_start3A_376 = arith.constant 6 : i32
    %dma_start3A_377 = arith.constant 0 : i32
    %dma_start3A_378 = arith.constant 0 : i32
    %dma_start3A_379 = tpu.memref_slice %arg4[%add3A, %dma_start3A_376, %dma_start3A_377, %dma_start3A_378] : memref<32x42x2x128xi32, #tpu.memory_space<hbm>> -> memref<1x1x2x128xi32, #tpu.memory_space<hbm>>
    %dma_start3A_380 = tpu.memref_squeeze %dma_start3A_379 : memref<1x1x2x128xi32, #tpu.memory_space<hbm>> -> memref<2x128xi32, #tpu.memory_space<hbm>>
    %dma_start3A_381 = arith.constant 0 : i32
    %dma_start3A_382 = arith.constant 0 : i32
    %dma_start3A_383 = tpu.memref_slice %arg4[%add3A, %dma_start3A_376, %dma_start3A_381, %dma_start3A_382] : memref<32x42x2x128xi32, #tpu.memory_space<hbm>> -> memref<1x1x2x128xi32, #tpu.memory_space<hbm>>
    %dma_start3A_384 = tpu.memref_squeeze %dma_start3A_383 : memref<1x1x2x128xi32, #tpu.memory_space<hbm>> -> memref<2x128xi32, #tpu.memory_space<hbm>>
    tpu.enqueue_dma source(%dma_start3A_384 : memref<2x128xi32, #tpu.memory_space<hbm>>) target(%arg10 : memref<2x128xi32, #tpu.memory_space<vmem>>) target_semaphore(%arg22 : memref<!tpu.dma_semaphore, #tpu.memory_space<semaphore_mem>>)
    %dma_wait3A_385 = arith.constant 0 : i32
    %dma_wait3A_386 = arith.constant 0 : i32
    %dma_wait3A_387 = arith.constant 0 : i32
    %dma_wait3A_388 = tpu.memref_slice %arg3[%add3A, %dma_wait3A_385, %dma_wait3A_386, %dma_wait3A_387] : memref<32x42x2x128xi32, #tpu.memory_space<hbm>> -> memref<1x1x2x128xi32, #tpu.memory_space<hbm>>
    %dma_wait3A_389 = tpu.memref_squeeze %dma_wait3A_388 : memref<1x1x2x128xi32, #tpu.memory_space<hbm>> -> memref<2x128xi32, #tpu.memory_space<hbm>>
    %dma_wait3A_390 = arith.constant 0 : i32
    %dma_wait3A_391 = arith.constant 0 : i32
    %dma_wait3A_392 = tpu.memref_slice %arg3[%add3A, %dma_wait3A_385, %dma_wait3A_390, %dma_wait3A_391] : memref<32x42x2x128xi32, #tpu.memory_space<hbm>> -> memref<1x1x2x128xi32, #tpu.memory_space<hbm>>
    %dma_wait3A_393 = tpu.memref_squeeze %dma_wait3A_392 : memref<1x1x2x128xi32, #tpu.memory_space<hbm>> -> memref<2x128xi32, #tpu.memory_space<hbm>>
    tpu.wait_dma2 semaphore(%arg19 : memref<!tpu.dma_semaphore, #tpu.memory_space<semaphore_mem>>) src(%dma_wait3A_393 : memref<2x128xi32, #tpu.memory_space<hbm>>) dst(%arg7 : memref<2x128xi32, #tpu.memory_space<vmem>>)
    %dma_start3A_394 = arith.constant 0 : i32
    %dma_start3A_395 = arith.constant 0 : i32
    %dma_start3A_396 = tpu.memref_slice %arg7[%dma_start3A_394, %dma_start3A_395] : memref<2x128xi32, #tpu.memory_space<vmem>> -> memref<1x128xi32, #tpu.memory_space<vmem>>
    %dma_start3A_397 = tpu.memref_squeeze %dma_start3A_396 : memref<1x128xi32, #tpu.memory_space<vmem>> -> memref<128xi32, #tpu.memory_space<vmem>>
    %dma_start3A_398 = arith.constant 0 : i32
    %dma_start3A_399 = arith.constant 0 : i32
    %dma_start3A_400 = tpu.memref_slice %arg2[%dma_start3A_398, %dma_start3A_399] : memref<10000x128xf32, #tpu.memory_space<hbm>> -> memref<10000x128xf32, #tpu.memory_space<hbm>>
    tpu.enqueue_indirect_dma source(%dma_start3A_400 : memref<10000x128xf32, #tpu.memory_space<hbm>>) target(%arg12 : memref<128x128xf32, #tpu.memory_space<vmem>>) offsets(%dma_start3A_397 : memref<128xi32, #tpu.memory_space<vmem>>) semaphore(%arg16 : memref<!tpu.dma_semaphore, #tpu.memory_space<semaphore_mem>>)
    %dma_wait3A_401 = arith.constant 0 : i32
    %dma_wait3A_402 = arith.constant 0 : i32
    %dma_wait3A_403 = tpu.memref_slice %arg7[%dma_wait3A_401, %dma_wait3A_402] : memref<2x128xi32, #tpu.memory_space<vmem>> -> memref<1x128xi32, #tpu.memory_space<vmem>>
    %dma_wait3A_404 = tpu.memref_squeeze %dma_wait3A_403 : memref<1x128xi32, #tpu.memory_space<vmem>> -> memref<128xi32, #tpu.memory_space<vmem>>
    %dma_wait3A_405 = arith.constant 0 : i32
    %dma_wait3A_406 = arith.constant 0 : i32
    %dma_wait3A_407 = tpu.memref_slice %arg2[%dma_wait3A_405, %dma_wait3A_406] : memref<10000x128xf32, #tpu.memory_space<hbm>> -> memref<10000x128xf32, #tpu.memory_space<hbm>>
    tpu.wait_indirect_dma semaphore(%arg17 : memref<!tpu.dma_semaphore, #tpu.memory_space<semaphore_mem>>) src(%dma_wait3A_407 : memref<10000x128xf32, #tpu.memory_space<hbm>>) dst(%arg13 : memref<128x128xf32, #tpu.memory_space<vmem>>)
    %dma_wait3A_408 = arith.constant 0 : i32
    %dma_wait3A_409 = arith.constant 0 : i32
    %dma_wait3A_410 = arith.constant 0 : i32
    %dma_wait3A_411 = tpu.memref_slice %arg4[%add3A, %dma_wait3A_408, %dma_wait3A_409, %dma_wait3A_410] : memref<32x42x2x128xi32, #tpu.memory_space<hbm>> -> memref<1x1x2x128xi32, #tpu.memory_space<hbm>>
    %dma_wait3A_412 = tpu.memref_squeeze %dma_wait3A_411 : memref<1x1x2x128xi32, #tpu.memory_space<hbm>> -> memref<2x128xi32, #tpu.memory_space<hbm>>
    %dma_wait3A_413 = arith.constant 0 : i32
    %dma_wait3A_414 = arith.constant 0 : i32
    %dma_wait3A_415 = tpu.memref_slice %arg4[%add3A, %dma_wait3A_408, %dma_wait3A_413, %dma_wait3A_414] : memref<32x42x2x128xi32, #tpu.memory_space<hbm>> -> memref<1x1x2x128xi32, #tpu.memory_space<hbm>>
    %dma_wait3A_416 = tpu.memref_squeeze %dma_wait3A_415 : memref<1x1x2x128xi32, #tpu.memory_space<hbm>> -> memref<2x128xi32, #tpu.memory_space<hbm>>
    tpu.wait_dma2 semaphore(%arg23 : memref<!tpu.dma_semaphore, #tpu.memory_space<semaphore_mem>>) src(%dma_wait3A_416 : memref<2x128xi32, #tpu.memory_space<hbm>>) dst(%arg11 : memref<2x128xi32, #tpu.memory_space<vmem>>)
    %run_scoped3A_417 = arith.constant 0 : i32
    "tpu.region"() ({
      %run_scoped3A_794 = tpu.sem_alloc : memref<!tpu.dma_semaphore, #tpu.memory_space<semaphore_mem>>
      %dma_start3A_795 = arith.constant 0 : i32
      %dma_start3A_796 = tpu.memref_slice %arg11[%run_scoped3A_417, %dma_start3A_795] : memref<2x128xi32, #tpu.memory_space<vmem>> -> memref<1x128xi32, #tpu.memory_space<vmem>>
      %dma_start3A_797 = tpu.memref_squeeze %dma_start3A_796 : memref<1x128xi32, #tpu.memory_space<vmem>> -> memref<128xi32, #tpu.memory_space<vmem>>
      %dma_start3A_798 = arith.constant 0 : i32
      %dma_start3A_799 = arith.constant 0 : i32
      %dma_start3A_800 = tpu.memref_slice %arg15[%dma_start3A_798, %dma_start3A_799] : memref<10040x128xf32, #tpu.memory_space<vmem_shared>> -> memref<10040x128xf32, #tpu.memory_space<vmem_shared>>
      tpu.enqueue_indirect_dma source(%arg13 : memref<128x128xf32, #tpu.memory_space<vmem>>) target(%dma_start3A_800 : memref<10040x128xf32, #tpu.memory_space<vmem_shared>>) offsets(%dma_start3A_797 : memref<128xi32, #tpu.memory_space<vmem>>) semaphore(%run_scoped3A_794 : memref<!tpu.dma_semaphore, #tpu.memory_space<semaphore_mem>>) {add = true}
      %dma_wait3A_801 = arith.constant 0 : i32
      %dma_wait3A_802 = tpu.memref_slice %arg11[%run_scoped3A_417, %dma_wait3A_801] : memref<2x128xi32, #tpu.memory_space<vmem>> -> memref<1x128xi32, #tpu.memory_space<vmem>>
      %dma_wait3A_803 = tpu.memref_squeeze %dma_wait3A_802 : memref<1x128xi32, #tpu.memory_space<vmem>> -> memref<128xi32, #tpu.memory_space<vmem>>
      %dma_wait3A_804 = arith.constant 0 : i32
      %dma_wait3A_805 = arith.constant 0 : i32
      %dma_wait3A_806 = tpu.memref_slice %arg15[%dma_wait3A_804, %dma_wait3A_805] : memref<10040x128xf32, #tpu.memory_space<vmem_shared>> -> memref<10040x128xf32, #tpu.memory_space<vmem_shared>>
      tpu.wait_indirect_dma semaphore(%run_scoped3A_794 : memref<!tpu.dma_semaphore, #tpu.memory_space<semaphore_mem>>) src(%arg13 : memref<128x128xf32, #tpu.memory_space<vmem>>) dst(%dma_wait3A_806 : memref<10040x128xf32, #tpu.memory_space<vmem_shared>>)
      tpu.yield
    }) : () -> ()
    %dma_start3A_418 = arith.constant 1 : i32
    %dma_start3A_419 = arith.constant 0 : i32
    %dma_start3A_420 = tpu.memref_slice %arg7[%dma_start3A_418, %dma_start3A_419] : memref<2x128xi32, #tpu.memory_space<vmem>> -> memref<1x128xi32, #tpu.memory_space<vmem>>
    %dma_start3A_421 = tpu.memref_squeeze %dma_start3A_420 : memref<1x128xi32, #tpu.memory_space<vmem>> -> memref<128xi32, #tpu.memory_space<vmem>>
    %dma_start3A_422 = arith.constant 0 : i32
    %dma_start3A_423 = arith.constant 0 : i32
    %dma_start3A_424 = tpu.memref_slice %arg2[%dma_start3A_422, %dma_start3A_423] : memref<10000x128xf32, #tpu.memory_space<hbm>> -> memref<10000x128xf32, #tpu.memory_space<hbm>>
    tpu.enqueue_indirect_dma source(%dma_start3A_424 : memref<10000x128xf32, #tpu.memory_space<hbm>>) target(%arg13 : memref<128x128xf32, #tpu.memory_space<vmem>>) offsets(%dma_start3A_421 : memref<128xi32, #tpu.memory_space<vmem>>) semaphore(%arg17 : memref<!tpu.dma_semaphore, #tpu.memory_space<semaphore_mem>>)
    %dma_wait3A_425 = arith.constant 0 : i32
    %dma_wait3A_426 = arith.constant 0 : i32
    %dma_wait3A_427 = tpu.memref_slice %arg7[%dma_wait3A_425, %dma_wait3A_426] : memref<2x128xi32, #tpu.memory_space<vmem>> -> memref<1x128xi32, #tpu.memory_space<vmem>>
    %dma_wait3A_428 = tpu.memref_squeeze %dma_wait3A_427 : memref<1x128xi32, #tpu.memory_space<vmem>> -> memref<128xi32, #tpu.memory_space<vmem>>
    %dma_wait3A_429 = arith.constant 0 : i32
    %dma_wait3A_430 = arith.constant 0 : i32
    %dma_wait3A_431 = tpu.memref_slice %arg2[%dma_wait3A_429, %dma_wait3A_430] : memref<10000x128xf32, #tpu.memory_space<hbm>> -> memref<10000x128xf32, #tpu.memory_space<hbm>>
    tpu.wait_indirect_dma semaphore(%arg18 : memref<!tpu.dma_semaphore, #tpu.memory_space<semaphore_mem>>) src(%dma_wait3A_431 : memref<10000x128xf32, #tpu.memory_space<hbm>>) dst(%arg14 : memref<128x128xf32, #tpu.memory_space<vmem>>)
    %run_scoped3A_432 = arith.constant 1 : i32
    "tpu.region"() ({
      %run_scoped3A_794 = tpu.sem_alloc : memref<!tpu.dma_semaphore, #tpu.memory_space<semaphore_mem>>
      %dma_start3A_795 = arith.constant 0 : i32
      %dma_start3A_796 = tpu.memref_slice %arg11[%run_scoped3A_432, %dma_start3A_795] : memref<2x128xi32, #tpu.memory_space<vmem>> -> memref<1x128xi32, #tpu.memory_space<vmem>>
      %dma_start3A_797 = tpu.memref_squeeze %dma_start3A_796 : memref<1x128xi32, #tpu.memory_space<vmem>> -> memref<128xi32, #tpu.memory_space<vmem>>
      %dma_start3A_798 = arith.constant 0 : i32
      %dma_start3A_799 = arith.constant 0 : i32
      %dma_start3A_800 = tpu.memref_slice %arg15[%dma_start3A_798, %dma_start3A_799] : memref<10040x128xf32, #tpu.memory_space<vmem_shared>> -> memref<10040x128xf32, #tpu.memory_space<vmem_shared>>
      tpu.enqueue_indirect_dma source(%arg14 : memref<128x128xf32, #tpu.memory_space<vmem>>) target(%dma_start3A_800 : memref<10040x128xf32, #tpu.memory_space<vmem_shared>>) offsets(%dma_start3A_797 : memref<128xi32, #tpu.memory_space<vmem>>) semaphore(%run_scoped3A_794 : memref<!tpu.dma_semaphore, #tpu.memory_space<semaphore_mem>>) {add = true}
      %dma_wait3A_801 = arith.constant 0 : i32
      %dma_wait3A_802 = tpu.memref_slice %arg11[%run_scoped3A_432, %dma_wait3A_801] : memref<2x128xi32, #tpu.memory_space<vmem>> -> memref<1x128xi32, #tpu.memory_space<vmem>>
      %dma_wait3A_803 = tpu.memref_squeeze %dma_wait3A_802 : memref<1x128xi32, #tpu.memory_space<vmem>> -> memref<128xi32, #tpu.memory_space<vmem>>
      %dma_wait3A_804 = arith.constant 0 : i32
      %dma_wait3A_805 = arith.constant 0 : i32
      %dma_wait3A_806 = tpu.memref_slice %arg15[%dma_wait3A_804, %dma_wait3A_805] : memref<10040x128xf32, #tpu.memory_space<vmem_shared>> -> memref<10040x128xf32, #tpu.memory_space<vmem_shared>>
      tpu.wait_indirect_dma semaphore(%run_scoped3A_794 : memref<!tpu.dma_semaphore, #tpu.memory_space<semaphore_mem>>) src(%arg14 : memref<128x128xf32, #tpu.memory_space<vmem>>) dst(%dma_wait3A_806 : memref<10040x128xf32, #tpu.memory_space<vmem_shared>>)
      tpu.yield
    }) : () -> ()
    %scan3A = arith.constant 0 : i32
    %scan3A_433 = arith.constant 5 : i32
    %scan3A_434 = arith.addi %scan3A, %scan3A_433 : i32
    %scan3A_435 = arith.constant 1 : i32
    scf.for %scan3A_794 = %scan3A to %scan3A_434 step %scan3A_435  : i32 {
      %mul3A_795 = arith.constant 1 : i32
      %mul3A_796 = arith.muli %scan3A_794, %mul3A_795 : i32
      %add3A_797 = arith.constant 1 : i32
      %add3A_798 = arith.addi %add3A_797, %mul3A_796 : i32
      %mul3A_799 = arith.constant 6 : i32
      %mul3A_800 = arith.muli %mul3A_799, %add3A_798 : i32
      %add3A_801 = arith.constant 2 : i32
      %add3A_802 = arith.addi %mul3A_800, %add3A_801 : i32
      %add3A_803 = arith.constant 0 : i32
      %add3A_804 = arith.addi %add3A_802, %add3A_803 : i32
      %dma_start3A_805 = arith.constant 0 : i32
      %dma_start3A_806 = arith.constant 0 : i32
      %dma_start3A_807 = tpu.memref_slice %arg3[%add3A, %add3A_804, %dma_start3A_805, %dma_start3A_806] : memref<32x42x2x128xi32, #tpu.memory_space<hbm>> -> memref<1x1x2x128xi32, #tpu.memory_space<hbm>>
      %dma_start3A_808 = tpu.memref_squeeze %dma_start3A_807 : memref<1x1x2x128xi32, #tpu.memory_space<hbm>> -> memref<2x128xi32, #tpu.memory_space<hbm>>
      %dma_start3A_809 = arith.constant 0 : i32
      %dma_start3A_810 = arith.constant 0 : i32
      %dma_start3A_811 = tpu.memref_slice %arg3[%add3A, %add3A_804, %dma_start3A_809, %dma_start3A_810] : memref<32x42x2x128xi32, #tpu.memory_space<hbm>> -> memref<1x1x2x128xi32, #tpu.memory_space<hbm>>
      %dma_start3A_812 = tpu.memref_squeeze %dma_start3A_811 : memref<1x1x2x128xi32, #tpu.memory_space<hbm>> -> memref<2x128xi32, #tpu.memory_space<hbm>>
      tpu.enqueue_dma source(%dma_start3A_812 : memref<2x128xi32, #tpu.memory_space<hbm>>) target(%arg9 : memref<2x128xi32, #tpu.memory_space<vmem>>) target_semaphore(%arg21 : memref<!tpu.dma_semaphore, #tpu.memory_space<semaphore_mem>>)
      %add3A_813 = arith.constant 1 : i32
      %add3A_814 = arith.addi %mul3A_800, %add3A_813 : i32
      %add3A_815 = arith.constant 0 : i32
      %add3A_816 = arith.addi %add3A_814, %add3A_815 : i32
      %dma_start3A_817 = arith.constant 0 : i32
      %dma_start3A_818 = arith.constant 0 : i32
      %dma_start3A_819 = tpu.memref_slice %arg4[%add3A, %add3A_816, %dma_start3A_817, %dma_start3A_818] : memref<32x42x2x128xi32, #tpu.memory_space<hbm>> -> memref<1x1x2x128xi32, #tpu.memory_space<hbm>>
      %dma_start3A_820 = tpu.memref_squeeze %dma_start3A_819 : memref<1x1x2x128xi32, #tpu.memory_space<hbm>> -> memref<2x128xi32, #tpu.memory_space<hbm>>
      %dma_start3A_821 = arith.constant 0 : i32
      %dma_start3A_822 = arith.constant 0 : i32
      %dma_start3A_823 = tpu.memref_slice %arg4[%add3A, %add3A_816, %dma_start3A_821, %dma_start3A_822] : memref<32x42x2x128xi32, #tpu.memory_space<hbm>> -> memref<1x1x2x128xi32, #tpu.memory_space<hbm>>
      %dma_start3A_824 = tpu.memref_squeeze %dma_start3A_823 : memref<1x1x2x128xi32, #tpu.memory_space<hbm>> -> memref<2x128xi32, #tpu.memory_space<hbm>>
      tpu.enqueue_dma source(%dma_start3A_824 : memref<2x128xi32, #tpu.memory_space<hbm>>) target(%arg11 : memref<2x128xi32, #tpu.memory_space<vmem>>) target_semaphore(%arg23 : memref<!tpu.dma_semaphore, #tpu.memory_space<semaphore_mem>>)
      %dma_wait3A_825 = arith.constant 0 : i32
      %dma_wait3A_826 = arith.constant 0 : i32
      %dma_wait3A_827 = tpu.memref_slice %arg3[%add3A, %mul3A_800, %dma_wait3A_825, %dma_wait3A_826] : memref<32x42x2x128xi32, #tpu.memory_space<hbm>> -> memref<1x1x2x128xi32, #tpu.memory_space<hbm>>
      %dma_wait3A_828 = tpu.memref_squeeze %dma_wait3A_827 : memref<1x1x2x128xi32, #tpu.memory_space<hbm>> -> memref<2x128xi32, #tpu.memory_space<hbm>>
      %dma_wait3A_829 = arith.constant 0 : i32
      %dma_wait3A_830 = arith.constant 0 : i32
      %dma_wait3A_831 = tpu.memref_slice %arg3[%add3A, %mul3A_800, %dma_wait3A_829, %dma_wait3A_830] : memref<32x42x2x128xi32, #tpu.memory_space<hbm>> -> memref<1x1x2x128xi32, #tpu.memory_space<hbm>>
      %dma_wait3A_832 = tpu.memref_squeeze %dma_wait3A_831 : memref<1x1x2x128xi32, #tpu.memory_space<hbm>> -> memref<2x128xi32, #tpu.memory_space<hbm>>
      tpu.wait_dma2 semaphore(%arg20 : memref<!tpu.dma_semaphore, #tpu.memory_space<semaphore_mem>>) src(%dma_wait3A_832 : memref<2x128xi32, #tpu.memory_space<hbm>>) dst(%arg8 : memref<2x128xi32, #tpu.memory_space<vmem>>)
      %dma_start3A_833 = arith.constant 0 : i32
      %dma_start3A_834 = arith.constant 0 : i32
      %dma_start3A_835 = tpu.memref_slice %arg8[%dma_start3A_833, %dma_start3A_834] : memref<2x128xi32, #tpu.memory_space<vmem>> -> memref<1x128xi32, #tpu.memory_space<vmem>>
      %dma_start3A_836 = tpu.memref_squeeze %dma_start3A_835 : memref<1x128xi32, #tpu.memory_space<vmem>> -> memref<128xi32, #tpu.memory_space<vmem>>
      %dma_start3A_837 = arith.constant 0 : i32
      %dma_start3A_838 = arith.constant 0 : i32
      %dma_start3A_839 = tpu.memref_slice %arg2[%dma_start3A_837, %dma_start3A_838] : memref<10000x128xf32, #tpu.memory_space<hbm>> -> memref<10000x128xf32, #tpu.memory_space<hbm>>
      tpu.enqueue_indirect_dma source(%dma_start3A_839 : memref<10000x128xf32, #tpu.memory_space<hbm>>) target(%arg14 : memref<128x128xf32, #tpu.memory_space<vmem>>) offsets(%dma_start3A_836 : memref<128xi32, #tpu.memory_space<vmem>>) semaphore(%arg18 : memref<!tpu.dma_semaphore, #tpu.memory_space<semaphore_mem>>)
      %dma_wait3A_840 = arith.constant 0 : i32
      %dma_wait3A_841 = arith.constant 0 : i32
      %dma_wait3A_842 = tpu.memref_slice %arg7[%dma_wait3A_840, %dma_wait3A_841] : memref<2x128xi32, #tpu.memory_space<vmem>> -> memref<1x128xi32, #tpu.memory_space<vmem>>
      %dma_wait3A_843 = tpu.memref_squeeze %dma_wait3A_842 : memref<1x128xi32, #tpu.memory_space<vmem>> -> memref<128xi32, #tpu.memory_space<vmem>>
      %dma_wait3A_844 = arith.constant 0 : i32
      %dma_wait3A_845 = arith.constant 0 : i32
      %dma_wait3A_846 = tpu.memref_slice %arg2[%dma_wait3A_844, %dma_wait3A_845] : memref<10000x128xf32, #tpu.memory_space<hbm>> -> memref<10000x128xf32, #tpu.memory_space<hbm>>
      tpu.wait_indirect_dma semaphore(%arg16 : memref<!tpu.dma_semaphore, #tpu.memory_space<semaphore_mem>>) src(%dma_wait3A_846 : memref<10000x128xf32, #tpu.memory_space<hbm>>) dst(%arg12 : memref<128x128xf32, #tpu.memory_space<vmem>>)
      %dma_wait3A_847 = arith.constant 0 : i32
      %dma_wait3A_848 = arith.constant 0 : i32
      %dma_wait3A_849 = tpu.memref_slice %arg4[%add3A, %mul3A_800, %dma_wait3A_847, %dma_wait3A_848] : memref<32x42x2x128xi32, #tpu.memory_space<hbm>> -> memref<1x1x2x128xi32, #tpu.memory_space<hbm>>
      %dma_wait3A_850 = tpu.memref_squeeze %dma_wait3A_849 : memref<1x1x2x128xi32, #tpu.memory_space<hbm>> -> memref<2x128xi32, #tpu.memory_space<hbm>>
      %dma_wait3A_851 = arith.constant 0 : i32
      %dma_wait3A_852 = arith.constant 0 : i32
      %dma_wait3A_853 = tpu.memref_slice %arg4[%add3A, %mul3A_800, %dma_wait3A_851, %dma_wait3A_852] : memref<32x42x2x128xi32, #tpu.memory_space<hbm>> -> memref<1x1x2x128xi32, #tpu.memory_space<hbm>>
      %dma_wait3A_854 = tpu.memref_squeeze %dma_wait3A_853 : memref<1x1x2x128xi32, #tpu.memory_space<hbm>> -> memref<2x128xi32, #tpu.memory_space<hbm>>
      tpu.wait_dma2 semaphore(%arg22 : memref<!tpu.dma_semaphore, #tpu.memory_space<semaphore_mem>>) src(%dma_wait3A_854 : memref<2x128xi32, #tpu.memory_space<hbm>>) dst(%arg10 : memref<2x128xi32, #tpu.memory_space<vmem>>)
      %run_scoped3A_855 = arith.constant 0 : i32
      "tpu.region"() ({
        %run_scoped3A_1221 = tpu.sem_alloc : memref<!tpu.dma_semaphore, #tpu.memory_space<semaphore_mem>>
        %dma_start3A_1222 = arith.constant 0 : i32
        %dma_start3A_1223 = tpu.memref_slice %arg10[%run_scoped3A_855, %dma_start3A_1222] : memref<2x128xi32, #tpu.memory_space<vmem>> -> memref<1x128xi32, #tpu.memory_space<vmem>>
        %dma_start3A_1224 = tpu.memref_squeeze %dma_start3A_1223 : memref<1x128xi32, #tpu.memory_space<vmem>> -> memref<128xi32, #tpu.memory_space<vmem>>
        %dma_start3A_1225 = arith.constant 0 : i32
        %dma_start3A_1226 = arith.constant 0 : i32
        %dma_start3A_1227 = tpu.memref_slice %arg15[%dma_start3A_1225, %dma_start3A_1226] : memref<10040x128xf32, #tpu.memory_space<vmem_shared>> -> memref<10040x128xf32, #tpu.memory_space<vmem_shared>>
        tpu.enqueue_indirect_dma source(%arg12 : memref<128x128xf32, #tpu.memory_space<vmem>>) target(%dma_start3A_1227 : memref<10040x128xf32, #tpu.memory_space<vmem_shared>>) offsets(%dma_start3A_1224 : memref<128xi32, #tpu.memory_space<vmem>>) semaphore(%run_scoped3A_1221 : memref<!tpu.dma_semaphore, #tpu.memory_space<semaphore_mem>>) {add = true}
        %dma_wait3A_1228 = arith.constant 0 : i32
        %dma_wait3A_1229 = tpu.memref_slice %arg10[%run_scoped3A_855, %dma_wait3A_1228] : memref<2x128xi32, #tpu.memory_space<vmem>> -> memref<1x128xi32, #tpu.memory_space<vmem>>
        %dma_wait3A_1230 = tpu.memref_squeeze %dma_wait3A_1229 : memref<1x128xi32, #tpu.memory_space<vmem>> -> memref<128xi32, #tpu.memory_space<vmem>>
        %dma_wait3A_1231 = arith.constant 0 : i32
        %dma_wait3A_1232 = arith.constant 0 : i32
        %dma_wait3A_1233 = tpu.memref_slice %arg15[%dma_wait3A_1231, %dma_wait3A_1232] : memref<10040x128xf32, #tpu.memory_space<vmem_shared>> -> memref<10040x128xf32, #tpu.memory_space<vmem_shared>>
        tpu.wait_indirect_dma semaphore(%run_scoped3A_1221 : memref<!tpu.dma_semaphore, #tpu.memory_space<semaphore_mem>>) src(%arg12 : memref<128x128xf32, #tpu.memory_space<vmem>>) dst(%dma_wait3A_1233 : memref<10040x128xf32, #tpu.memory_space<vmem_shared>>)
        tpu.yield
      }) : () -> ()
      %dma_start3A_856 = arith.constant 1 : i32
      %dma_start3A_857 = arith.constant 0 : i32
      %dma_start3A_858 = tpu.memref_slice %arg8[%dma_start3A_856, %dma_start3A_857] : memref<2x128xi32, #tpu.memory_space<vmem>> -> memref<1x128xi32, #tpu.memory_space<vmem>>
      %dma_start3A_859 = tpu.memref_squeeze %dma_start3A_858 : memref<1x128xi32, #tpu.memory_space<vmem>> -> memref<128xi32, #tpu.memory_space<vmem>>
      %dma_start3A_860 = arith.constant 0 : i32
      %dma_start3A_861 = arith.constant 0 : i32
      %dma_start3A_862 = tpu.memref_slice %arg2[%dma_start3A_860, %dma_start3A_861] : memref<10000x128xf32, #tpu.memory_space<hbm>> -> memref<10000x128xf32, #tpu.memory_space<hbm>>
      tpu.enqueue_indirect_dma source(%dma_start3A_862 : memref<10000x128xf32, #tpu.memory_space<hbm>>) target(%arg12 : memref<128x128xf32, #tpu.memory_space<vmem>>) offsets(%dma_start3A_859 : memref<128xi32, #tpu.memory_space<vmem>>) semaphore(%arg16 : memref<!tpu.dma_semaphore, #tpu.memory_space<semaphore_mem>>)
      %dma_wait3A_863 = arith.constant 0 : i32
      %dma_wait3A_864 = arith.constant 0 : i32
      %dma_wait3A_865 = tpu.memref_slice %arg7[%dma_wait3A_863, %dma_wait3A_864] : memref<2x128xi32, #tpu.memory_space<vmem>> -> memref<1x128xi32, #tpu.memory_space<vmem>>
      %dma_wait3A_866 = tpu.memref_squeeze %dma_wait3A_865 : memref<1x128xi32, #tpu.memory_space<vmem>> -> memref<128xi32, #tpu.memory_space<vmem>>
      %dma_wait3A_867 = arith.constant 0 : i32
      %dma_wait3A_868 = arith.constant 0 : i32
      %dma_wait3A_869 = tpu.memref_slice %arg2[%dma_wait3A_867, %dma_wait3A_868] : memref<10000x128xf32, #tpu.memory_space<hbm>> -> memref<10000x128xf32, #tpu.memory_space<hbm>>
      tpu.wait_indirect_dma semaphore(%arg17 : memref<!tpu.dma_semaphore, #tpu.memory_space<semaphore_mem>>) src(%dma_wait3A_869 : memref<10000x128xf32, #tpu.memory_space<hbm>>) dst(%arg13 : memref<128x128xf32, #tpu.memory_space<vmem>>)
      %run_scoped3A_870 = arith.constant 1 : i32
      "tpu.region"() ({
        %run_scoped3A_1221 = tpu.sem_alloc : memref<!tpu.dma_semaphore, #tpu.memory_space<semaphore_mem>>
        %dma_start3A_1222 = arith.constant 0 : i32
        %dma_start3A_1223 = tpu.memref_slice %arg10[%run_scoped3A_870, %dma_start3A_1222] : memref<2x128xi32, #tpu.memory_space<vmem>> -> memref<1x128xi32, #tpu.memory_space<vmem>>
        %dma_start3A_1224 = tpu.memref_squeeze %dma_start3A_1223 : memref<1x128xi32, #tpu.memory_space<vmem>> -> memref<128xi32, #tpu.memory_space<vmem>>
        %dma_start3A_1225 = arith.constant 0 : i32
        %dma_start3A_1226 = arith.constant 0 : i32
        %dma_start3A_1227 = tpu.memref_slice %arg15[%dma_start3A_1225, %dma_start3A_1226] : memref<10040x128xf32, #tpu.memory_space<vmem_shared>> -> memref<10040x128xf32, #tpu.memory_space<vmem_shared>>
        tpu.enqueue_indirect_dma source(%arg13 : memref<128x128xf32, #tpu.memory_space<vmem>>) target(%dma_start3A_1227 : memref<10040x128xf32, #tpu.memory_space<vmem_shared>>) offsets(%dma_start3A_1224 : memref<128xi32, #tpu.memory_space<vmem>>) semaphore(%run_scoped3A_1221 : memref<!tpu.dma_semaphore, #tpu.memory_space<semaphore_mem>>) {add = true}
        %dma_wait3A_1228 = arith.constant 0 : i32
        %dma_wait3A_1229 = tpu.memref_slice %arg10[%run_scoped3A_870, %dma_wait3A_1228] : memref<2x128xi32, #tpu.memory_space<vmem>> -> memref<1x128xi32, #tpu.memory_space<vmem>>
        %dma_wait3A_1230 = tpu.memref_squeeze %dma_wait3A_1229 : memref<1x128xi32, #tpu.memory_space<vmem>> -> memref<128xi32, #tpu.memory_space<vmem>>
        %dma_wait3A_1231 = arith.constant 0 : i32
        %dma_wait3A_1232 = arith.constant 0 : i32
        %dma_wait3A_1233 = tpu.memref_slice %arg15[%dma_wait3A_1231, %dma_wait3A_1232] : memref<10040x128xf32, #tpu.memory_space<vmem_shared>> -> memref<10040x128xf32, #tpu.memory_space<vmem_shared>>
        tpu.wait_indirect_dma semaphore(%run_scoped3A_1221 : memref<!tpu.dma_semaphore, #tpu.memory_space<semaphore_mem>>) src(%arg13 : memref<128x128xf32, #tpu.memory_space<vmem>>) dst(%dma_wait3A_1233 : memref<10040x128xf32, #tpu.memory_space<vmem_shared>>)
        tpu.yield
      }) : () -> ()
      %add3A_871 = arith.constant 2 : i32
      %add3A_872 = arith.addi %mul3A_800, %add3A_871 : i32
      %add3A_873 = arith.constant 1 : i32
      %add3A_874 = arith.addi %add3A_872, %add3A_873 : i32
      %dma_start3A_875 = arith.constant 0 : i32
      %dma_start3A_876 = arith.constant 0 : i32
      %dma_start3A_877 = tpu.memref_slice %arg3[%add3A, %add3A_874, %dma_start3A_875, %dma_start3A_876] : memref<32x42x2x128xi32, #tpu.memory_space<hbm>> -> memref<1x1x2x128xi32, #tpu.memory_space<hbm>>
      %dma_start3A_878 = tpu.memref_squeeze %dma_start3A_877 : memref<1x1x2x128xi32, #tpu.memory_space<hbm>> -> memref<2x128xi32, #tpu.memory_space<hbm>>
      %dma_start3A_879 = arith.constant 0 : i32
      %dma_start3A_880 = arith.constant 0 : i32
      %dma_start3A_881 = tpu.memref_slice %arg3[%add3A, %add3A_874, %dma_start3A_879, %dma_start3A_880] : memref<32x42x2x128xi32, #tpu.memory_space<hbm>> -> memref<1x1x2x128xi32, #tpu.memory_space<hbm>>
      %dma_start3A_882 = tpu.memref_squeeze %dma_start3A_881 : memref<1x1x2x128xi32, #tpu.memory_space<hbm>> -> memref<2x128xi32, #tpu.memory_space<hbm>>
      tpu.enqueue_dma source(%dma_start3A_882 : memref<2x128xi32, #tpu.memory_space<hbm>>) target(%arg7 : memref<2x128xi32, #tpu.memory_space<vmem>>) target_semaphore(%arg19 : memref<!tpu.dma_semaphore, #tpu.memory_space<semaphore_mem>>)
      %add3A_883 = arith.constant 1 : i32
      %add3A_884 = arith.addi %mul3A_800, %add3A_883 : i32
      %add3A_885 = arith.constant 1 : i32
      %add3A_886 = arith.addi %add3A_884, %add3A_885 : i32
      %dma_start3A_887 = arith.constant 0 : i32
      %dma_start3A_888 = arith.constant 0 : i32
      %dma_start3A_889 = tpu.memref_slice %arg4[%add3A, %add3A_886, %dma_start3A_887, %dma_start3A_888] : memref<32x42x2x128xi32, #tpu.memory_space<hbm>> -> memref<1x1x2x128xi32, #tpu.memory_space<hbm>>
      %dma_start3A_890 = tpu.memref_squeeze %dma_start3A_889 : memref<1x1x2x128xi32, #tpu.memory_space<hbm>> -> memref<2x128xi32, #tpu.memory_space<hbm>>
      %dma_start3A_891 = arith.constant 0 : i32
      %dma_start3A_892 = arith.constant 0 : i32
      %dma_start3A_893 = tpu.memref_slice %arg4[%add3A, %add3A_886, %dma_start3A_891, %dma_start3A_892] : memref<32x42x2x128xi32, #tpu.memory_space<hbm>> -> memref<1x1x2x128xi32, #tpu.memory_space<hbm>>
      %dma_start3A_894 = tpu.memref_squeeze %dma_start3A_893 : memref<1x1x2x128xi32, #tpu.memory_space<hbm>> -> memref<2x128xi32, #tpu.memory_space<hbm>>
      tpu.enqueue_dma source(%dma_start3A_894 : memref<2x128xi32, #tpu.memory_space<hbm>>) target(%arg10 : memref<2x128xi32, #tpu.memory_space<vmem>>) target_semaphore(%arg22 : memref<!tpu.dma_semaphore, #tpu.memory_space<semaphore_mem>>)
      %dma_wait3A_895 = arith.constant 0 : i32
      %dma_wait3A_896 = arith.constant 0 : i32
      %dma_wait3A_897 = tpu.memref_slice %arg3[%add3A, %mul3A_800, %dma_wait3A_895, %dma_wait3A_896] : memref<32x42x2x128xi32, #tpu.memory_space<hbm>> -> memref<1x1x2x128xi32, #tpu.memory_space<hbm>>
      %dma_wait3A_898 = tpu.memref_squeeze %dma_wait3A_897 : memref<1x1x2x128xi32, #tpu.memory_space<hbm>> -> memref<2x128xi32, #tpu.memory_space<hbm>>
      %dma_wait3A_899 = arith.constant 0 : i32
      %dma_wait3A_900 = arith.constant 0 : i32
      %dma_wait3A_901 = tpu.memref_slice %arg3[%add3A, %mul3A_800, %dma_wait3A_899, %dma_wait3A_900] : memref<32x42x2x128xi32, #tpu.memory_space<hbm>> -> memref<1x1x2x128xi32, #tpu.memory_space<hbm>>
      %dma_wait3A_902 = tpu.memref_squeeze %dma_wait3A_901 : memref<1x1x2x128xi32, #tpu.memory_space<hbm>> -> memref<2x128xi32, #tpu.memory_space<hbm>>
      tpu.wait_dma2 semaphore(%arg21 : memref<!tpu.dma_semaphore, #tpu.memory_space<semaphore_mem>>) src(%dma_wait3A_902 : memref<2x128xi32, #tpu.memory_space<hbm>>) dst(%arg9 : memref<2x128xi32, #tpu.memory_space<vmem>>)
      %dma_start3A_903 = arith.constant 0 : i32
      %dma_start3A_904 = arith.constant 0 : i32
      %dma_start3A_905 = tpu.memref_slice %arg9[%dma_start3A_903, %dma_start3A_904] : memref<2x128xi32, #tpu.memory_space<vmem>> -> memref<1x128xi32, #tpu.memory_space<vmem>>
      %dma_start3A_906 = tpu.memref_squeeze %dma_start3A_905 : memref<1x128xi32, #tpu.memory_space<vmem>> -> memref<128xi32, #tpu.memory_space<vmem>>
      %dma_start3A_907 = arith.constant 0 : i32
      %dma_start3A_908 = arith.constant 0 : i32
      %dma_start3A_909 = tpu.memref_slice %arg2[%dma_start3A_907, %dma_start3A_908] : memref<10000x128xf32, #tpu.memory_space<hbm>> -> memref<10000x128xf32, #tpu.memory_space<hbm>>
      tpu.enqueue_indirect_dma source(%dma_start3A_909 : memref<10000x128xf32, #tpu.memory_space<hbm>>) target(%arg13 : memref<128x128xf32, #tpu.memory_space<vmem>>) offsets(%dma_start3A_906 : memref<128xi32, #tpu.memory_space<vmem>>) semaphore(%arg17 : memref<!tpu.dma_semaphore, #tpu.memory_space<semaphore_mem>>)
      %dma_wait3A_910 = arith.constant 0 : i32
      %dma_wait3A_911 = arith.constant 0 : i32
      %dma_wait3A_912 = tpu.memref_slice %arg7[%dma_wait3A_910, %dma_wait3A_911] : memref<2x128xi32, #tpu.memory_space<vmem>> -> memref<1x128xi32, #tpu.memory_space<vmem>>
      %dma_wait3A_913 = tpu.memref_squeeze %dma_wait3A_912 : memref<1x128xi32, #tpu.memory_space<vmem>> -> memref<128xi32, #tpu.memory_space<vmem>>
      %dma_wait3A_914 = arith.constant 0 : i32
      %dma_wait3A_915 = arith.constant 0 : i32
      %dma_wait3A_916 = tpu.memref_slice %arg2[%dma_wait3A_914, %dma_wait3A_915] : memref<10000x128xf32, #tpu.memory_space<hbm>> -> memref<10000x128xf32, #tpu.memory_space<hbm>>
      tpu.wait_indirect_dma semaphore(%arg18 : memref<!tpu.dma_semaphore, #tpu.memory_space<semaphore_mem>>) src(%dma_wait3A_916 : memref<10000x128xf32, #tpu.memory_space<hbm>>) dst(%arg14 : memref<128x128xf32, #tpu.memory_space<vmem>>)
      %dma_wait3A_917 = arith.constant 0 : i32
      %dma_wait3A_918 = arith.constant 0 : i32
      %dma_wait3A_919 = tpu.memref_slice %arg4[%add3A, %mul3A_800, %dma_wait3A_917, %dma_wait3A_918] : memref<32x42x2x128xi32, #tpu.memory_space<hbm>> -> memref<1x1x2x128xi32, #tpu.memory_space<hbm>>
      %dma_wait3A_920 = tpu.memref_squeeze %dma_wait3A_919 : memref<1x1x2x128xi32, #tpu.memory_space<hbm>> -> memref<2x128xi32, #tpu.memory_space<hbm>>
      %dma_wait3A_921 = arith.constant 0 : i32
      %dma_wait3A_922 = arith.constant 0 : i32
      %dma_wait3A_923 = tpu.memref_slice %arg4[%add3A, %mul3A_800, %dma_wait3A_921, %dma_wait3A_922] : memref<32x42x2x128xi32, #tpu.memory_space<hbm>> -> memref<1x1x2x128xi32, #tpu.memory_space<hbm>>
      %dma_wait3A_924 = tpu.memref_squeeze %dma_wait3A_923 : memref<1x1x2x128xi32, #tpu.memory_space<hbm>> -> memref<2x128xi32, #tpu.memory_space<hbm>>
      tpu.wait_dma2 semaphore(%arg23 : memref<!tpu.dma_semaphore, #tpu.memory_space<semaphore_mem>>) src(%dma_wait3A_924 : memref<2x128xi32, #tpu.memory_space<hbm>>) dst(%arg11 : memref<2x128xi32, #tpu.memory_space<vmem>>)
      %run_scoped3A_925 = arith.constant 0 : i32
      "tpu.region"() ({
        %run_scoped3A_1221 = tpu.sem_alloc : memref<!tpu.dma_semaphore, #tpu.memory_space<semaphore_mem>>
        %dma_start3A_1222 = arith.constant 0 : i32
        %dma_start3A_1223 = tpu.memref_slice %arg11[%run_scoped3A_925, %dma_start3A_1222] : memref<2x128xi32, #tpu.memory_space<vmem>> -> memref<1x128xi32, #tpu.memory_space<vmem>>
        %dma_start3A_1224 = tpu.memref_squeeze %dma_start3A_1223 : memref<1x128xi32, #tpu.memory_space<vmem>> -> memref<128xi32, #tpu.memory_space<vmem>>
        %dma_start3A_1225 = arith.constant 0 : i32
        %dma_start3A_1226 = arith.constant 0 : i32
        %dma_start3A_1227 = tpu.memref_slice %arg15[%dma_start3A_1225, %dma_start3A_1226] : memref<10040x128xf32, #tpu.memory_space<vmem_shared>> -> memref<10040x128xf32, #tpu.memory_space<vmem_shared>>
        tpu.enqueue_indirect_dma source(%arg14 : memref<128x128xf32, #tpu.memory_space<vmem>>) target(%dma_start3A_1227 : memref<10040x128xf32, #tpu.memory_space<vmem_shared>>) offsets(%dma_start3A_1224 : memref<128xi32, #tpu.memory_space<vmem>>) semaphore(%run_scoped3A_1221 : memref<!tpu.dma_semaphore, #tpu.memory_space<semaphore_mem>>) {add = true}
        %dma_wait3A_1228 = arith.constant 0 : i32
        %dma_wait3A_1229 = tpu.memref_slice %arg11[%run_scoped3A_925, %dma_wait3A_1228] : memref<2x128xi32, #tpu.memory_space<vmem>> -> memref<1x128xi32, #tpu.memory_space<vmem>>
        %dma_wait3A_1230 = tpu.memref_squeeze %dma_wait3A_1229 : memref<1x128xi32, #tpu.memory_space<vmem>> -> memref<128xi32, #tpu.memory_space<vmem>>
        %dma_wait3A_1231 = arith.constant 0 : i32
        %dma_wait3A_1232 = arith.constant 0 : i32
        %dma_wait3A_1233 = tpu.memref_slice %arg15[%dma_wait3A_1231, %dma_wait3A_1232] : memref<10040x128xf32, #tpu.memory_space<vmem_shared>> -> memref<10040x128xf32, #tpu.memory_space<vmem_shared>>
        tpu.wait_indirect_dma semaphore(%run_scoped3A_1221 : memref<!tpu.dma_semaphore, #tpu.memory_space<semaphore_mem>>) src(%arg14 : memref<128x128xf32, #tpu.memory_space<vmem>>) dst(%dma_wait3A_1233 : memref<10040x128xf32, #tpu.memory_space<vmem_shared>>)
        tpu.yield
      }) : () -> ()
      %dma_start3A_926 = arith.constant 1 : i32
      %dma_start3A_927 = arith.constant 0 : i32
      %dma_start3A_928 = tpu.memref_slice %arg9[%dma_start3A_926, %dma_start3A_927] : memref<2x128xi32, #tpu.memory_space<vmem>> -> memref<1x128xi32, #tpu.memory_space<vmem>>
      %dma_start3A_929 = tpu.memref_squeeze %dma_start3A_928 : memref<1x128xi32, #tpu.memory_space<vmem>> -> memref<128xi32, #tpu.memory_space<vmem>>
      %dma_start3A_930 = arith.constant 0 : i32
      %dma_start3A_931 = arith.constant 0 : i32
      %dma_start3A_932 = tpu.memref_slice %arg2[%dma_start3A_930, %dma_start3A_931] : memref<10000x128xf32, #tpu.memory_space<hbm>> -> memref<10000x128xf32, #tpu.memory_space<hbm>>
      tpu.enqueue_indirect_dma source(%dma_start3A_932 : memref<10000x128xf32, #tpu.memory_space<hbm>>) target(%arg14 : memref<128x128xf32, #tpu.memory_space<vmem>>) offsets(%dma_start3A_929 : memref<128xi32, #tpu.memory_space<vmem>>) semaphore(%arg18 : memref<!tpu.dma_semaphore, #tpu.memory_space<semaphore_mem>>)
      %dma_wait3A_933 = arith.constant 0 : i32
      %dma_wait3A_934 = arith.constant 0 : i32
      %dma_wait3A_935 = tpu.memref_slice %arg7[%dma_wait3A_933, %dma_wait3A_934] : memref<2x128xi32, #tpu.memory_space<vmem>> -> memref<1x128xi32, #tpu.memory_space<vmem>>
      %dma_wait3A_936 = tpu.memref_squeeze %dma_wait3A_935 : memref<1x128xi32, #tpu.memory_space<vmem>> -> memref<128xi32, #tpu.memory_space<vmem>>
      %dma_wait3A_937 = arith.constant 0 : i32
      %dma_wait3A_938 = arith.constant 0 : i32
      %dma_wait3A_939 = tpu.memref_slice %arg2[%dma_wait3A_937, %dma_wait3A_938] : memref<10000x128xf32, #tpu.memory_space<hbm>> -> memref<10000x128xf32, #tpu.memory_space<hbm>>
      tpu.wait_indirect_dma semaphore(%arg16 : memref<!tpu.dma_semaphore, #tpu.memory_space<semaphore_mem>>) src(%dma_wait3A_939 : memref<10000x128xf32, #tpu.memory_space<hbm>>) dst(%arg12 : memref<128x128xf32, #tpu.memory_space<vmem>>)
      %run_scoped3A_940 = arith.constant 1 : i32
      "tpu.region"() ({
        %run_scoped3A_1221 = tpu.sem_alloc : memref<!tpu.dma_semaphore, #tpu.memory_space<semaphore_mem>>
        %dma_start3A_1222 = arith.constant 0 : i32
        %dma_start3A_1223 = tpu.memref_slice %arg11[%run_scoped3A_940, %dma_start3A_1222] : memref<2x128xi32, #tpu.memory_space<vmem>> -> memref<1x128xi32, #tpu.memory_space<vmem>>
        %dma_start3A_1224 = tpu.memref_squeeze %dma_start3A_1223 : memref<1x128xi32, #tpu.memory_space<vmem>> -> memref<128xi32, #tpu.memory_space<vmem>>
        %dma_start3A_1225 = arith.constant 0 : i32
        %dma_start3A_1226 = arith.constant 0 : i32
        %dma_start3A_1227 = tpu.memref_slice %arg15[%dma_start3A_1225, %dma_start3A_1226] : memref<10040x128xf32, #tpu.memory_space<vmem_shared>> -> memref<10040x128xf32, #tpu.memory_space<vmem_shared>>
        tpu.enqueue_indirect_dma source(%arg12 : memref<128x128xf32, #tpu.memory_space<vmem>>) target(%dma_start3A_1227 : memref<10040x128xf32, #tpu.memory_space<vmem_shared>>) offsets(%dma_start3A_1224 : memref<128xi32, #tpu.memory_space<vmem>>) semaphore(%run_scoped3A_1221 : memref<!tpu.dma_semaphore, #tpu.memory_space<semaphore_mem>>) {add = true}
        %dma_wait3A_1228 = arith.constant 0 : i32
        %dma_wait3A_1229 = tpu.memref_slice %arg11[%run_scoped3A_940, %dma_wait3A_1228] : memref<2x128xi32, #tpu.memory_space<vmem>> -> memref<1x128xi32, #tpu.memory_space<vmem>>
        %dma_wait3A_1230 = tpu.memref_squeeze %dma_wait3A_1229 : memref<1x128xi32, #tpu.memory_space<vmem>> -> memref<128xi32, #tpu.memory_space<vmem>>
        %dma_wait3A_1231 = arith.constant 0 : i32
        %dma_wait3A_1232 = arith.constant 0 : i32
        %dma_wait3A_1233 = tpu.memref_slice %arg15[%dma_wait3A_1231, %dma_wait3A_1232] : memref<10040x128xf32, #tpu.memory_space<vmem_shared>> -> memref<10040x128xf32, #tpu.memory_space<vmem_shared>>
        tpu.wait_indirect_dma semaphore(%run_scoped3A_1221 : memref<!tpu.dma_semaphore, #tpu.memory_space<semaphore_mem>>) src(%arg12 : memref<128x128xf32, #tpu.memory_space<vmem>>) dst(%dma_wait3A_1233 : memref<10040x128xf32, #tpu.memory_space<vmem_shared>>)
        tpu.yield
      }) : () -> ()
      %add3A_941 = arith.constant 2 : i32
      %add3A_942 = arith.addi %mul3A_800, %add3A_941 : i32
      %add3A_943 = arith.constant 2 : i32
      %add3A_944 = arith.addi %add3A_942, %add3A_943 : i32
      %dma_start3A_945 = arith.constant 0 : i32
      %dma_start3A_946 = arith.constant 0 : i32
      %dma_start3A_947 = tpu.memref_slice %arg3[%add3A, %add3A_944, %dma_start3A_945, %dma_start3A_946] : memref<32x42x2x128xi32, #tpu.memory_space<hbm>> -> memref<1x1x2x128xi32, #tpu.memory_space<hbm>>
      %dma_start3A_948 = tpu.memref_squeeze %dma_start3A_947 : memref<1x1x2x128xi32, #tpu.memory_space<hbm>> -> memref<2x128xi32, #tpu.memory_space<hbm>>
      %dma_start3A_949 = arith.constant 0 : i32
      %dma_start3A_950 = arith.constant 0 : i32
      %dma_start3A_951 = tpu.memref_slice %arg3[%add3A, %add3A_944, %dma_start3A_949, %dma_start3A_950] : memref<32x42x2x128xi32, #tpu.memory_space<hbm>> -> memref<1x1x2x128xi32, #tpu.memory_space<hbm>>
      %dma_start3A_952 = tpu.memref_squeeze %dma_start3A_951 : memref<1x1x2x128xi32, #tpu.memory_space<hbm>> -> memref<2x128xi32, #tpu.memory_space<hbm>>
      tpu.enqueue_dma source(%dma_start3A_952 : memref<2x128xi32, #tpu.memory_space<hbm>>) target(%arg8 : memref<2x128xi32, #tpu.memory_space<vmem>>) target_semaphore(%arg20 : memref<!tpu.dma_semaphore, #tpu.memory_space<semaphore_mem>>)
      %add3A_953 = arith.constant 1 : i32
      %add3A_954 = arith.addi %mul3A_800, %add3A_953 : i32
      %add3A_955 = arith.constant 2 : i32
      %add3A_956 = arith.addi %add3A_954, %add3A_955 : i32
      %dma_start3A_957 = arith.constant 0 : i32
      %dma_start3A_958 = arith.constant 0 : i32
      %dma_start3A_959 = tpu.memref_slice %arg4[%add3A, %add3A_956, %dma_start3A_957, %dma_start3A_958] : memref<32x42x2x128xi32, #tpu.memory_space<hbm>> -> memref<1x1x2x128xi32, #tpu.memory_space<hbm>>
      %dma_start3A_960 = tpu.memref_squeeze %dma_start3A_959 : memref<1x1x2x128xi32, #tpu.memory_space<hbm>> -> memref<2x128xi32, #tpu.memory_space<hbm>>
      %dma_start3A_961 = arith.constant 0 : i32
      %dma_start3A_962 = arith.constant 0 : i32
      %dma_start3A_963 = tpu.memref_slice %arg4[%add3A, %add3A_956, %dma_start3A_961, %dma_start3A_962] : memref<32x42x2x128xi32, #tpu.memory_space<hbm>> -> memref<1x1x2x128xi32, #tpu.memory_space<hbm>>
      %dma_start3A_964 = tpu.memref_squeeze %dma_start3A_963 : memref<1x1x2x128xi32, #tpu.memory_space<hbm>> -> memref<2x128xi32, #tpu.memory_space<hbm>>
      tpu.enqueue_dma source(%dma_start3A_964 : memref<2x128xi32, #tpu.memory_space<hbm>>) target(%arg11 : memref<2x128xi32, #tpu.memory_space<vmem>>) target_semaphore(%arg23 : memref<!tpu.dma_semaphore, #tpu.memory_space<semaphore_mem>>)
      %dma_wait3A_965 = arith.constant 0 : i32
      %dma_wait3A_966 = arith.constant 0 : i32
      %dma_wait3A_967 = tpu.memref_slice %arg3[%add3A, %mul3A_800, %dma_wait3A_965, %dma_wait3A_966] : memref<32x42x2x128xi32, #tpu.memory_space<hbm>> -> memref<1x1x2x128xi32, #tpu.memory_space<hbm>>
      %dma_wait3A_968 = tpu.memref_squeeze %dma_wait3A_967 : memref<1x1x2x128xi32, #tpu.memory_space<hbm>> -> memref<2x128xi32, #tpu.memory_space<hbm>>
      %dma_wait3A_969 = arith.constant 0 : i32
      %dma_wait3A_970 = arith.constant 0 : i32
      %dma_wait3A_971 = tpu.memref_slice %arg3[%add3A, %mul3A_800, %dma_wait3A_969, %dma_wait3A_970] : memref<32x42x2x128xi32, #tpu.memory_space<hbm>> -> memref<1x1x2x128xi32, #tpu.memory_space<hbm>>
      %dma_wait3A_972 = tpu.memref_squeeze %dma_wait3A_971 : memref<1x1x2x128xi32, #tpu.memory_space<hbm>> -> memref<2x128xi32, #tpu.memory_space<hbm>>
      tpu.wait_dma2 semaphore(%arg19 : memref<!tpu.dma_semaphore, #tpu.memory_space<semaphore_mem>>) src(%dma_wait3A_972 : memref<2x128xi32, #tpu.memory_space<hbm>>) dst(%arg7 : memref<2x128xi32, #tpu.memory_space<vmem>>)
      %dma_start3A_973 = arith.constant 0 : i32
      %dma_start3A_974 = arith.constant 0 : i32
      %dma_start3A_975 = tpu.memref_slice %arg7[%dma_start3A_973, %dma_start3A_974] : memref<2x128xi32, #tpu.memory_space<vmem>> -> memref<1x128xi32, #tpu.memory_space<vmem>>
      %dma_start3A_976 = tpu.memref_squeeze %dma_start3A_975 : memref<1x128xi32, #tpu.memory_space<vmem>> -> memref<128xi32, #tpu.memory_space<vmem>>
      %dma_start3A_977 = arith.constant 0 : i32
      %dma_start3A_978 = arith.constant 0 : i32
      %dma_start3A_979 = tpu.memref_slice %arg2[%dma_start3A_977, %dma_start3A_978] : memref<10000x128xf32, #tpu.memory_space<hbm>> -> memref<10000x128xf32, #tpu.memory_space<hbm>>
      tpu.enqueue_indirect_dma source(%dma_start3A_979 : memref<10000x128xf32, #tpu.memory_space<hbm>>) target(%arg12 : memref<128x128xf32, #tpu.memory_space<vmem>>) offsets(%dma_start3A_976 : memref<128xi32, #tpu.memory_space<vmem>>) semaphore(%arg16 : memref<!tpu.dma_semaphore, #tpu.memory_space<semaphore_mem>>)
      %dma_wait3A_980 = arith.constant 0 : i32
      %dma_wait3A_981 = arith.constant 0 : i32
      %dma_wait3A_982 = tpu.memref_slice %arg7[%dma_wait3A_980, %dma_wait3A_981] : memref<2x128xi32, #tpu.memory_space<vmem>> -> memref<1x128xi32, #tpu.memory_space<vmem>>
      %dma_wait3A_983 = tpu.memref_squeeze %dma_wait3A_982 : memref<1x128xi32, #tpu.memory_space<vmem>> -> memref<128xi32, #tpu.memory_space<vmem>>
      %dma_wait3A_984 = arith.constant 0 : i32
      %dma_wait3A_985 = arith.constant 0 : i32
      %dma_wait3A_986 = tpu.memref_slice %arg2[%dma_wait3A_984, %dma_wait3A_985] : memref<10000x128xf32, #tpu.memory_space<hbm>> -> memref<10000x128xf32, #tpu.memory_space<hbm>>
      tpu.wait_indirect_dma semaphore(%arg17 : memref<!tpu.dma_semaphore, #tpu.memory_space<semaphore_mem>>) src(%dma_wait3A_986 : memref<10000x128xf32, #tpu.memory_space<hbm>>) dst(%arg13 : memref<128x128xf32, #tpu.memory_space<vmem>>)
      %dma_wait3A_987 = arith.constant 0 : i32
      %dma_wait3A_988 = arith.constant 0 : i32
      %dma_wait3A_989 = tpu.memref_slice %arg4[%add3A, %mul3A_800, %dma_wait3A_987, %dma_wait3A_988] : memref<32x42x2x128xi32, #tpu.memory_space<hbm>> -> memref<1x1x2x128xi32, #tpu.memory_space<hbm>>
      %dma_wait3A_990 = tpu.memref_squeeze %dma_wait3A_989 : memref<1x1x2x128xi32, #tpu.memory_space<hbm>> -> memref<2x128xi32, #tpu.memory_space<hbm>>
      %dma_wait3A_991 = arith.constant 0 : i32
      %dma_wait3A_992 = arith.constant 0 : i32
      %dma_wait3A_993 = tpu.memref_slice %arg4[%add3A, %mul3A_800, %dma_wait3A_991, %dma_wait3A_992] : memref<32x42x2x128xi32, #tpu.memory_space<hbm>> -> memref<1x1x2x128xi32, #tpu.memory_space<hbm>>
      %dma_wait3A_994 = tpu.memref_squeeze %dma_wait3A_993 : memref<1x1x2x128xi32, #tpu.memory_space<hbm>> -> memref<2x128xi32, #tpu.memory_space<hbm>>
      tpu.wait_dma2 semaphore(%arg22 : memref<!tpu.dma_semaphore, #tpu.memory_space<semaphore_mem>>) src(%dma_wait3A_994 : memref<2x128xi32, #tpu.memory_space<hbm>>) dst(%arg10 : memref<2x128xi32, #tpu.memory_space<vmem>>)
      %run_scoped3A_995 = arith.constant 0 : i32
      "tpu.region"() ({
        %run_scoped3A_1221 = tpu.sem_alloc : memref<!tpu.dma_semaphore, #tpu.memory_space<semaphore_mem>>
        %dma_start3A_1222 = arith.constant 0 : i32
        %dma_start3A_1223 = tpu.memref_slice %arg10[%run_scoped3A_995, %dma_start3A_1222] : memref<2x128xi32, #tpu.memory_space<vmem>> -> memref<1x128xi32, #tpu.memory_space<vmem>>
        %dma_start3A_1224 = tpu.memref_squeeze %dma_start3A_1223 : memref<1x128xi32, #tpu.memory_space<vmem>> -> memref<128xi32, #tpu.memory_space<vmem>>
        %dma_start3A_1225 = arith.constant 0 : i32
        %dma_start3A_1226 = arith.constant 0 : i32
        %dma_start3A_1227 = tpu.memref_slice %arg15[%dma_start3A_1225, %dma_start3A_1226] : memref<10040x128xf32, #tpu.memory_space<vmem_shared>> -> memref<10040x128xf32, #tpu.memory_space<vmem_shared>>
        tpu.enqueue_indirect_dma source(%arg13 : memref<128x128xf32, #tpu.memory_space<vmem>>) target(%dma_start3A_1227 : memref<10040x128xf32, #tpu.memory_space<vmem_shared>>) offsets(%dma_start3A_1224 : memref<128xi32, #tpu.memory_space<vmem>>) semaphore(%run_scoped3A_1221 : memref<!tpu.dma_semaphore, #tpu.memory_space<semaphore_mem>>) {add = true}
        %dma_wait3A_1228 = arith.constant 0 : i32
        %dma_wait3A_1229 = tpu.memref_slice %arg10[%run_scoped3A_995, %dma_wait3A_1228] : memref<2x128xi32, #tpu.memory_space<vmem>> -> memref<1x128xi32, #tpu.memory_space<vmem>>
        %dma_wait3A_1230 = tpu.memref_squeeze %dma_wait3A_1229 : memref<1x128xi32, #tpu.memory_space<vmem>> -> memref<128xi32, #tpu.memory_space<vmem>>
        %dma_wait3A_1231 = arith.constant 0 : i32
        %dma_wait3A_1232 = arith.constant 0 : i32
        %dma_wait3A_1233 = tpu.memref_slice %arg15[%dma_wait3A_1231, %dma_wait3A_1232] : memref<10040x128xf32, #tpu.memory_space<vmem_shared>> -> memref<10040x128xf32, #tpu.memory_space<vmem_shared>>
        tpu.wait_indirect_dma semaphore(%run_scoped3A_1221 : memref<!tpu.dma_semaphore, #tpu.memory_space<semaphore_mem>>) src(%arg13 : memref<128x128xf32, #tpu.memory_space<vmem>>) dst(%dma_wait3A_1233 : memref<10040x128xf32, #tpu.memory_space<vmem_shared>>)
        tpu.yield
      }) : () -> ()
      %dma_start3A_996 = arith.constant 1 : i32
      %dma_start3A_997 = arith.constant 0 : i32
      %dma_start3A_998 = tpu.memref_slice %arg7[%dma_start3A_996, %dma_start3A_997] : memref<2x128xi32, #tpu.memory_space<vmem>> -> memref<1x128xi32, #tpu.memory_space<vmem>>
      %dma_start3A_999 = tpu.memref_squeeze %dma_start3A_998 : memref<1x128xi32, #tpu.memory_space<vmem>> -> memref<128xi32, #tpu.memory_space<vmem>>
      %dma_start3A_1000 = arith.constant 0 : i32
      %dma_start3A_1001 = arith.constant 0 : i32
      %dma_start3A_1002 = tpu.memref_slice %arg2[%dma_start3A_1000, %dma_start3A_1001] : memref<10000x128xf32, #tpu.memory_space<hbm>> -> memref<10000x128xf32, #tpu.memory_space<hbm>>
      tpu.enqueue_indirect_dma source(%dma_start3A_1002 : memref<10000x128xf32, #tpu.memory_space<hbm>>) target(%arg13 : memref<128x128xf32, #tpu.memory_space<vmem>>) offsets(%dma_start3A_999 : memref<128xi32, #tpu.memory_space<vmem>>) semaphore(%arg17 : memref<!tpu.dma_semaphore, #tpu.memory_space<semaphore_mem>>)
      %dma_wait3A_1003 = arith.constant 0 : i32
      %dma_wait3A_1004 = arith.constant 0 : i32
      %dma_wait3A_1005 = tpu.memref_slice %arg7[%dma_wait3A_1003, %dma_wait3A_1004] : memref<2x128xi32, #tpu.memory_space<vmem>> -> memref<1x128xi32, #tpu.memory_space<vmem>>
      %dma_wait3A_1006 = tpu.memref_squeeze %dma_wait3A_1005 : memref<1x128xi32, #tpu.memory_space<vmem>> -> memref<128xi32, #tpu.memory_space<vmem>>
      %dma_wait3A_1007 = arith.constant 0 : i32
      %dma_wait3A_1008 = arith.constant 0 : i32
      %dma_wait3A_1009 = tpu.memref_slice %arg2[%dma_wait3A_1007, %dma_wait3A_1008] : memref<10000x128xf32, #tpu.memory_space<hbm>> -> memref<10000x128xf32, #tpu.memory_space<hbm>>
      tpu.wait_indirect_dma semaphore(%arg18 : memref<!tpu.dma_semaphore, #tpu.memory_space<semaphore_mem>>) src(%dma_wait3A_1009 : memref<10000x128xf32, #tpu.memory_space<hbm>>) dst(%arg14 : memref<128x128xf32, #tpu.memory_space<vmem>>)
      %run_scoped3A_1010 = arith.constant 1 : i32
      "tpu.region"() ({
        %run_scoped3A_1221 = tpu.sem_alloc : memref<!tpu.dma_semaphore, #tpu.memory_space<semaphore_mem>>
        %dma_start3A_1222 = arith.constant 0 : i32
        %dma_start3A_1223 = tpu.memref_slice %arg10[%run_scoped3A_1010, %dma_start3A_1222] : memref<2x128xi32, #tpu.memory_space<vmem>> -> memref<1x128xi32, #tpu.memory_space<vmem>>
        %dma_start3A_1224 = tpu.memref_squeeze %dma_start3A_1223 : memref<1x128xi32, #tpu.memory_space<vmem>> -> memref<128xi32, #tpu.memory_space<vmem>>
        %dma_start3A_1225 = arith.constant 0 : i32
        %dma_start3A_1226 = arith.constant 0 : i32
        %dma_start3A_1227 = tpu.memref_slice %arg15[%dma_start3A_1225, %dma_start3A_1226] : memref<10040x128xf32, #tpu.memory_space<vmem_shared>> -> memref<10040x128xf32, #tpu.memory_space<vmem_shared>>
        tpu.enqueue_indirect_dma source(%arg14 : memref<128x128xf32, #tpu.memory_space<vmem>>) target(%dma_start3A_1227 : memref<10040x128xf32, #tpu.memory_space<vmem_shared>>) offsets(%dma_start3A_1224 : memref<128xi32, #tpu.memory_space<vmem>>) semaphore(%run_scoped3A_1221 : memref<!tpu.dma_semaphore, #tpu.memory_space<semaphore_mem>>) {add = true}
        %dma_wait3A_1228 = arith.constant 0 : i32
        %dma_wait3A_1229 = tpu.memref_slice %arg10[%run_scoped3A_1010, %dma_wait3A_1228] : memref<2x128xi32, #tpu.memory_space<vmem>> -> memref<1x128xi32, #tpu.memory_space<vmem>>
        %dma_wait3A_1230 = tpu.memref_squeeze %dma_wait3A_1229 : memref<1x128xi32, #tpu.memory_space<vmem>> -> memref<128xi32, #tpu.memory_space<vmem>>
        %dma_wait3A_1231 = arith.constant 0 : i32
        %dma_wait3A_1232 = arith.constant 0 : i32
        %dma_wait3A_1233 = tpu.memref_slice %arg15[%dma_wait3A_1231, %dma_wait3A_1232] : memref<10040x128xf32, #tpu.memory_space<vmem_shared>> -> memref<10040x128xf32, #tpu.memory_space<vmem_shared>>
        tpu.wait_indirect_dma semaphore(%run_scoped3A_1221 : memref<!tpu.dma_semaphore, #tpu.memory_space<semaphore_mem>>) src(%arg14 : memref<128x128xf32, #tpu.memory_space<vmem>>) dst(%dma_wait3A_1233 : memref<10040x128xf32, #tpu.memory_space<vmem_shared>>)
        tpu.yield
      }) : () -> ()
      %add3A_1011 = arith.constant 2 : i32
      %add3A_1012 = arith.addi %mul3A_800, %add3A_1011 : i32
      %add3A_1013 = arith.constant 3 : i32
      %add3A_1014 = arith.addi %add3A_1012, %add3A_1013 : i32
      %dma_start3A_1015 = arith.constant 0 : i32
      %dma_start3A_1016 = arith.constant 0 : i32
      %dma_start3A_1017 = tpu.memref_slice %arg3[%add3A, %add3A_1014, %dma_start3A_1015, %dma_start3A_1016] : memref<32x42x2x128xi32, #tpu.memory_space<hbm>> -> memref<1x1x2x128xi32, #tpu.memory_space<hbm>>
      %dma_start3A_1018 = tpu.memref_squeeze %dma_start3A_1017 : memref<1x1x2x128xi32, #tpu.memory_space<hbm>> -> memref<2x128xi32, #tpu.memory_space<hbm>>
      %dma_start3A_1019 = arith.constant 0 : i32
      %dma_start3A_1020 = arith.constant 0 : i32
      %dma_start3A_1021 = tpu.memref_slice %arg3[%add3A, %add3A_1014, %dma_start3A_1019, %dma_start3A_1020] : memref<32x42x2x128xi32, #tpu.memory_space<hbm>> -> memref<1x1x2x128xi32, #tpu.memory_space<hbm>>
      %dma_start3A_1022 = tpu.memref_squeeze %dma_start3A_1021 : memref<1x1x2x128xi32, #tpu.memory_space<hbm>> -> memref<2x128xi32, #tpu.memory_space<hbm>>
      tpu.enqueue_dma source(%dma_start3A_1022 : memref<2x128xi32, #tpu.memory_space<hbm>>) target(%arg9 : memref<2x128xi32, #tpu.memory_space<vmem>>) target_semaphore(%arg21 : memref<!tpu.dma_semaphore, #tpu.memory_space<semaphore_mem>>)
      %add3A_1023 = arith.constant 1 : i32
      %add3A_1024 = arith.addi %mul3A_800, %add3A_1023 : i32
      %add3A_1025 = arith.constant 3 : i32
      %add3A_1026 = arith.addi %add3A_1024, %add3A_1025 : i32
      %dma_start3A_1027 = arith.constant 0 : i32
      %dma_start3A_1028 = arith.constant 0 : i32
      %dma_start3A_1029 = tpu.memref_slice %arg4[%add3A, %add3A_1026, %dma_start3A_1027, %dma_start3A_1028] : memref<32x42x2x128xi32, #tpu.memory_space<hbm>> -> memref<1x1x2x128xi32, #tpu.memory_space<hbm>>
      %dma_start3A_1030 = tpu.memref_squeeze %dma_start3A_1029 : memref<1x1x2x128xi32, #tpu.memory_space<hbm>> -> memref<2x128xi32, #tpu.memory_space<hbm>>
      %dma_start3A_1031 = arith.constant 0 : i32
      %dma_start3A_1032 = arith.constant 0 : i32
      %dma_start3A_1033 = tpu.memref_slice %arg4[%add3A, %add3A_1026, %dma_start3A_1031, %dma_start3A_1032] : memref<32x42x2x128xi32, #tpu.memory_space<hbm>> -> memref<1x1x2x128xi32, #tpu.memory_space<hbm>>
      %dma_start3A_1034 = tpu.memref_squeeze %dma_start3A_1033 : memref<1x1x2x128xi32, #tpu.memory_space<hbm>> -> memref<2x128xi32, #tpu.memory_space<hbm>>
      tpu.enqueue_dma source(%dma_start3A_1034 : memref<2x128xi32, #tpu.memory_space<hbm>>) target(%arg10 : memref<2x128xi32, #tpu.memory_space<vmem>>) target_semaphore(%arg22 : memref<!tpu.dma_semaphore, #tpu.memory_space<semaphore_mem>>)
      %dma_wait3A_1035 = arith.constant 0 : i32
      %dma_wait3A_1036 = arith.constant 0 : i32
      %dma_wait3A_1037 = tpu.memref_slice %arg3[%add3A, %mul3A_800, %dma_wait3A_1035, %dma_wait3A_1036] : memref<32x42x2x128xi32, #tpu.memory_space<hbm>> -> memref<1x1x2x128xi32, #tpu.memory_space<hbm>>
      %dma_wait3A_1038 = tpu.memref_squeeze %dma_wait3A_1037 : memref<1x1x2x128xi32, #tpu.memory_space<hbm>> -> memref<2x128xi32, #tpu.memory_space<hbm>>
      %dma_wait3A_1039 = arith.constant 0 : i32
      %dma_wait3A_1040 = arith.constant 0 : i32
      %dma_wait3A_1041 = tpu.memref_slice %arg3[%add3A, %mul3A_800, %dma_wait3A_1039, %dma_wait3A_1040] : memref<32x42x2x128xi32, #tpu.memory_space<hbm>> -> memref<1x1x2x128xi32, #tpu.memory_space<hbm>>
      %dma_wait3A_1042 = tpu.memref_squeeze %dma_wait3A_1041 : memref<1x1x2x128xi32, #tpu.memory_space<hbm>> -> memref<2x128xi32, #tpu.memory_space<hbm>>
      tpu.wait_dma2 semaphore(%arg20 : memref<!tpu.dma_semaphore, #tpu.memory_space<semaphore_mem>>) src(%dma_wait3A_1042 : memref<2x128xi32, #tpu.memory_space<hbm>>) dst(%arg8 : memref<2x128xi32, #tpu.memory_space<vmem>>)
      %dma_start3A_1043 = arith.constant 0 : i32
      %dma_start3A_1044 = arith.constant 0 : i32
      %dma_start3A_1045 = tpu.memref_slice %arg8[%dma_start3A_1043, %dma_start3A_1044] : memref<2x128xi32, #tpu.memory_space<vmem>> -> memref<1x128xi32, #tpu.memory_space<vmem>>
      %dma_start3A_1046 = tpu.memref_squeeze %dma_start3A_1045 : memref<1x128xi32, #tpu.memory_space<vmem>> -> memref<128xi32, #tpu.memory_space<vmem>>
      %dma_start3A_1047 = arith.constant 0 : i32
      %dma_start3A_1048 = arith.constant 0 : i32
      %dma_start3A_1049 = tpu.memref_slice %arg2[%dma_start3A_1047, %dma_start3A_1048] : memref<10000x128xf32, #tpu.memory_space<hbm>> -> memref<10000x128xf32, #tpu.memory_space<hbm>>
      tpu.enqueue_indirect_dma source(%dma_start3A_1049 : memref<10000x128xf32, #tpu.memory_space<hbm>>) target(%arg14 : memref<128x128xf32, #tpu.memory_space<vmem>>) offsets(%dma_start3A_1046 : memref<128xi32, #tpu.memory_space<vmem>>) semaphore(%arg18 : memref<!tpu.dma_semaphore, #tpu.memory_space<semaphore_mem>>)
      %dma_wait3A_1050 = arith.constant 0 : i32
      %dma_wait3A_1051 = arith.constant 0 : i32
      %dma_wait3A_1052 = tpu.memref_slice %arg7[%dma_wait3A_1050, %dma_wait3A_1051] : memref<2x128xi32, #tpu.memory_space<vmem>> -> memref<1x128xi32, #tpu.memory_space<vmem>>
      %dma_wait3A_1053 = tpu.memref_squeeze %dma_wait3A_1052 : memref<1x128xi32, #tpu.memory_space<vmem>> -> memref<128xi32, #tpu.memory_space<vmem>>
      %dma_wait3A_1054 = arith.constant 0 : i32
      %dma_wait3A_1055 = arith.constant 0 : i32
      %dma_wait3A_1056 = tpu.memref_slice %arg2[%dma_wait3A_1054, %dma_wait3A_1055] : memref<10000x128xf32, #tpu.memory_space<hbm>> -> memref<10000x128xf32, #tpu.memory_space<hbm>>
      tpu.wait_indirect_dma semaphore(%arg16 : memref<!tpu.dma_semaphore, #tpu.memory_space<semaphore_mem>>) src(%dma_wait3A_1056 : memref<10000x128xf32, #tpu.memory_space<hbm>>) dst(%arg12 : memref<128x128xf32, #tpu.memory_space<vmem>>)
      %dma_wait3A_1057 = arith.constant 0 : i32
      %dma_wait3A_1058 = arith.constant 0 : i32
      %dma_wait3A_1059 = tpu.memref_slice %arg4[%add3A, %mul3A_800, %dma_wait3A_1057, %dma_wait3A_1058] : memref<32x42x2x128xi32, #tpu.memory_space<hbm>> -> memref<1x1x2x128xi32, #tpu.memory_space<hbm>>
      %dma_wait3A_1060 = tpu.memref_squeeze %dma_wait3A_1059 : memref<1x1x2x128xi32, #tpu.memory_space<hbm>> -> memref<2x128xi32, #tpu.memory_space<hbm>>
      %dma_wait3A_1061 = arith.constant 0 : i32
      %dma_wait3A_1062 = arith.constant 0 : i32
      %dma_wait3A_1063 = tpu.memref_slice %arg4[%add3A, %mul3A_800, %dma_wait3A_1061, %dma_wait3A_1062] : memref<32x42x2x128xi32, #tpu.memory_space<hbm>> -> memref<1x1x2x128xi32, #tpu.memory_space<hbm>>
      %dma_wait3A_1064 = tpu.memref_squeeze %dma_wait3A_1063 : memref<1x1x2x128xi32, #tpu.memory_space<hbm>> -> memref<2x128xi32, #tpu.memory_space<hbm>>
      tpu.wait_dma2 semaphore(%arg23 : memref<!tpu.dma_semaphore, #tpu.memory_space<semaphore_mem>>) src(%dma_wait3A_1064 : memref<2x128xi32, #tpu.memory_space<hbm>>) dst(%arg11 : memref<2x128xi32, #tpu.memory_space<vmem>>)
      %run_scoped3A_1065 = arith.constant 0 : i32
      "tpu.region"() ({
        %run_scoped3A_1221 = tpu.sem_alloc : memref<!tpu.dma_semaphore, #tpu.memory_space<semaphore_mem>>
        %dma_start3A_1222 = arith.constant 0 : i32
        %dma_start3A_1223 = tpu.memref_slice %arg11[%run_scoped3A_1065, %dma_start3A_1222] : memref<2x128xi32, #tpu.memory_space<vmem>> -> memref<1x128xi32, #tpu.memory_space<vmem>>
        %dma_start3A_1224 = tpu.memref_squeeze %dma_start3A_1223 : memref<1x128xi32, #tpu.memory_space<vmem>> -> memref<128xi32, #tpu.memory_space<vmem>>
        %dma_start3A_1225 = arith.constant 0 : i32
        %dma_start3A_1226 = arith.constant 0 : i32
        %dma_start3A_1227 = tpu.memref_slice %arg15[%dma_start3A_1225, %dma_start3A_1226] : memref<10040x128xf32, #tpu.memory_space<vmem_shared>> -> memref<10040x128xf32, #tpu.memory_space<vmem_shared>>
        tpu.enqueue_indirect_dma source(%arg12 : memref<128x128xf32, #tpu.memory_space<vmem>>) target(%dma_start3A_1227 : memref<10040x128xf32, #tpu.memory_space<vmem_shared>>) offsets(%dma_start3A_1224 : memref<128xi32, #tpu.memory_space<vmem>>) semaphore(%run_scoped3A_1221 : memref<!tpu.dma_semaphore, #tpu.memory_space<semaphore_mem>>) {add = true}
        %dma_wait3A_1228 = arith.constant 0 : i32
        %dma_wait3A_1229 = tpu.memref_slice %arg11[%run_scoped3A_1065, %dma_wait3A_1228] : memref<2x128xi32, #tpu.memory_space<vmem>> -> memref<1x128xi32, #tpu.memory_space<vmem>>
        %dma_wait3A_1230 = tpu.memref_squeeze %dma_wait3A_1229 : memref<1x128xi32, #tpu.memory_space<vmem>> -> memref<128xi32, #tpu.memory_space<vmem>>
        %dma_wait3A_1231 = arith.constant 0 : i32
        %dma_wait3A_1232 = arith.constant 0 : i32
        %dma_wait3A_1233 = tpu.memref_slice %arg15[%dma_wait3A_1231, %dma_wait3A_1232] : memref<10040x128xf32, #tpu.memory_space<vmem_shared>> -> memref<10040x128xf32, #tpu.memory_space<vmem_shared>>
        tpu.wait_indirect_dma semaphore(%run_scoped3A_1221 : memref<!tpu.dma_semaphore, #tpu.memory_space<semaphore_mem>>) src(%arg12 : memref<128x128xf32, #tpu.memory_space<vmem>>) dst(%dma_wait3A_1233 : memref<10040x128xf32, #tpu.memory_space<vmem_shared>>)
        tpu.yield
      }) : () -> ()
      %dma_start3A_1066 = arith.constant 1 : i32
      %dma_start3A_1067 = arith.constant 0 : i32
      %dma_start3A_1068 = tpu.memref_slice %arg8[%dma_start3A_1066, %dma_start3A_1067] : memref<2x128xi32, #tpu.memory_space<vmem>> -> memref<1x128xi32, #tpu.memory_space<vmem>>
      %dma_start3A_1069 = tpu.memref_squeeze %dma_start3A_1068 : memref<1x128xi32, #tpu.memory_space<vmem>> -> memref<128xi32, #tpu.memory_space<vmem>>
      %dma_start3A_1070 = arith.constant 0 : i32
      %dma_start3A_1071 = arith.constant 0 : i32
      %dma_start3A_1072 = tpu.memref_slice %arg2[%dma_start3A_1070, %dma_start3A_1071] : memref<10000x128xf32, #tpu.memory_space<hbm>> -> memref<10000x128xf32, #tpu.memory_space<hbm>>
      tpu.enqueue_indirect_dma source(%dma_start3A_1072 : memref<10000x128xf32, #tpu.memory_space<hbm>>) target(%arg12 : memref<128x128xf32, #tpu.memory_space<vmem>>) offsets(%dma_start3A_1069 : memref<128xi32, #tpu.memory_space<vmem>>) semaphore(%arg16 : memref<!tpu.dma_semaphore, #tpu.memory_space<semaphore_mem>>)
      %dma_wait3A_1073 = arith.constant 0 : i32
      %dma_wait3A_1074 = arith.constant 0 : i32
      %dma_wait3A_1075 = tpu.memref_slice %arg7[%dma_wait3A_1073, %dma_wait3A_1074] : memref<2x128xi32, #tpu.memory_space<vmem>> -> memref<1x128xi32, #tpu.memory_space<vmem>>
      %dma_wait3A_1076 = tpu.memref_squeeze %dma_wait3A_1075 : memref<1x128xi32, #tpu.memory_space<vmem>> -> memref<128xi32, #tpu.memory_space<vmem>>
      %dma_wait3A_1077 = arith.constant 0 : i32
      %dma_wait3A_1078 = arith.constant 0 : i32
      %dma_wait3A_1079 = tpu.memref_slice %arg2[%dma_wait3A_1077, %dma_wait3A_1078] : memref<10000x128xf32, #tpu.memory_space<hbm>> -> memref<10000x128xf32, #tpu.memory_space<hbm>>
      tpu.wait_indirect_dma semaphore(%arg17 : memref<!tpu.dma_semaphore, #tpu.memory_space<semaphore_mem>>) src(%dma_wait3A_1079 : memref<10000x128xf32, #tpu.memory_space<hbm>>) dst(%arg13 : memref<128x128xf32, #tpu.memory_space<vmem>>)
      %run_scoped3A_1080 = arith.constant 1 : i32
      "tpu.region"() ({
        %run_scoped3A_1221 = tpu.sem_alloc : memref<!tpu.dma_semaphore, #tpu.memory_space<semaphore_mem>>
        %dma_start3A_1222 = arith.constant 0 : i32
        %dma_start3A_1223 = tpu.memref_slice %arg11[%run_scoped3A_1080, %dma_start3A_1222] : memref<2x128xi32, #tpu.memory_space<vmem>> -> memref<1x128xi32, #tpu.memory_space<vmem>>
        %dma_start3A_1224 = tpu.memref_squeeze %dma_start3A_1223 : memref<1x128xi32, #tpu.memory_space<vmem>> -> memref<128xi32, #tpu.memory_space<vmem>>
        %dma_start3A_1225 = arith.constant 0 : i32
        %dma_start3A_1226 = arith.constant 0 : i32
        %dma_start3A_1227 = tpu.memref_slice %arg15[%dma_start3A_1225, %dma_start3A_1226] : memref<10040x128xf32, #tpu.memory_space<vmem_shared>> -> memref<10040x128xf32, #tpu.memory_space<vmem_shared>>
        tpu.enqueue_indirect_dma source(%arg13 : memref<128x128xf32, #tpu.memory_space<vmem>>) target(%dma_start3A_1227 : memref<10040x128xf32, #tpu.memory_space<vmem_shared>>) offsets(%dma_start3A_1224 : memref<128xi32, #tpu.memory_space<vmem>>) semaphore(%run_scoped3A_1221 : memref<!tpu.dma_semaphore, #tpu.memory_space<semaphore_mem>>) {add = true}
        %dma_wait3A_1228 = arith.constant 0 : i32
        %dma_wait3A_1229 = tpu.memref_slice %arg11[%run_scoped3A_1080, %dma_wait3A_1228] : memref<2x128xi32, #tpu.memory_space<vmem>> -> memref<1x128xi32, #tpu.memory_space<vmem>>
        %dma_wait3A_1230 = tpu.memref_squeeze %dma_wait3A_1229 : memref<1x128xi32, #tpu.memory_space<vmem>> -> memref<128xi32, #tpu.memory_space<vmem>>
        %dma_wait3A_1231 = arith.constant 0 : i32
        %dma_wait3A_1232 = arith.constant 0 : i32
        %dma_wait3A_1233 = tpu.memref_slice %arg15[%dma_wait3A_1231, %dma_wait3A_1232] : memref<10040x128xf32, #tpu.memory_space<vmem_shared>> -> memref<10040x128xf32, #tpu.memory_space<vmem_shared>>
        tpu.wait_indirect_dma semaphore(%run_scoped3A_1221 : memref<!tpu.dma_semaphore, #tpu.memory_space<semaphore_mem>>) src(%arg13 : memref<128x128xf32, #tpu.memory_space<vmem>>) dst(%dma_wait3A_1233 : memref<10040x128xf32, #tpu.memory_space<vmem_shared>>)
        tpu.yield
      }) : () -> ()
      %add3A_1081 = arith.constant 2 : i32
      %add3A_1082 = arith.addi %mul3A_800, %add3A_1081 : i32
      %add3A_1083 = arith.constant 4 : i32
      %add3A_1084 = arith.addi %add3A_1082, %add3A_1083 : i32
      %dma_start3A_1085 = arith.constant 0 : i32
      %dma_start3A_1086 = arith.constant 0 : i32
      %dma_start3A_1087 = tpu.memref_slice %arg3[%add3A, %add3A_1084, %dma_start3A_1085, %dma_start3A_1086] : memref<32x42x2x128xi32, #tpu.memory_space<hbm>> -> memref<1x1x2x128xi32, #tpu.memory_space<hbm>>
      %dma_start3A_1088 = tpu.memref_squeeze %dma_start3A_1087 : memref<1x1x2x128xi32, #tpu.memory_space<hbm>> -> memref<2x128xi32, #tpu.memory_space<hbm>>
      %dma_start3A_1089 = arith.constant 0 : i32
      %dma_start3A_1090 = arith.constant 0 : i32
      %dma_start3A_1091 = tpu.memref_slice %arg3[%add3A, %add3A_1084, %dma_start3A_1089, %dma_start3A_1090] : memref<32x42x2x128xi32, #tpu.memory_space<hbm>> -> memref<1x1x2x128xi32, #tpu.memory_space<hbm>>
      %dma_start3A_1092 = tpu.memref_squeeze %dma_start3A_1091 : memref<1x1x2x128xi32, #tpu.memory_space<hbm>> -> memref<2x128xi32, #tpu.memory_space<hbm>>
      tpu.enqueue_dma source(%dma_start3A_1092 : memref<2x128xi32, #tpu.memory_space<hbm>>) target(%arg7 : memref<2x128xi32, #tpu.memory_space<vmem>>) target_semaphore(%arg19 : memref<!tpu.dma_semaphore, #tpu.memory_space<semaphore_mem>>)
      %add3A_1093 = arith.constant 1 : i32
      %add3A_1094 = arith.addi %mul3A_800, %add3A_1093 : i32
      %add3A_1095 = arith.constant 4 : i32
      %add3A_1096 = arith.addi %add3A_1094, %add3A_1095 : i32
      %dma_start3A_1097 = arith.constant 0 : i32
      %dma_start3A_1098 = arith.constant 0 : i32
      %dma_start3A_1099 = tpu.memref_slice %arg4[%add3A, %add3A_1096, %dma_start3A_1097, %dma_start3A_1098] : memref<32x42x2x128xi32, #tpu.memory_space<hbm>> -> memref<1x1x2x128xi32, #tpu.memory_space<hbm>>
      %dma_start3A_1100 = tpu.memref_squeeze %dma_start3A_1099 : memref<1x1x2x128xi32, #tpu.memory_space<hbm>> -> memref<2x128xi32, #tpu.memory_space<hbm>>
      %dma_start3A_1101 = arith.constant 0 : i32
      %dma_start3A_1102 = arith.constant 0 : i32
      %dma_start3A_1103 = tpu.memref_slice %arg4[%add3A, %add3A_1096, %dma_start3A_1101, %dma_start3A_1102] : memref<32x42x2x128xi32, #tpu.memory_space<hbm>> -> memref<1x1x2x128xi32, #tpu.memory_space<hbm>>
      %dma_start3A_1104 = tpu.memref_squeeze %dma_start3A_1103 : memref<1x1x2x128xi32, #tpu.memory_space<hbm>> -> memref<2x128xi32, #tpu.memory_space<hbm>>
      tpu.enqueue_dma source(%dma_start3A_1104 : memref<2x128xi32, #tpu.memory_space<hbm>>) target(%arg11 : memref<2x128xi32, #tpu.memory_space<vmem>>) target_semaphore(%arg23 : memref<!tpu.dma_semaphore, #tpu.memory_space<semaphore_mem>>)
      %dma_wait3A_1105 = arith.constant 0 : i32
      %dma_wait3A_1106 = arith.constant 0 : i32
      %dma_wait3A_1107 = tpu.memref_slice %arg3[%add3A, %mul3A_800, %dma_wait3A_1105, %dma_wait3A_1106] : memref<32x42x2x128xi32, #tpu.memory_space<hbm>> -> memref<1x1x2x128xi32, #tpu.memory_space<hbm>>
      %dma_wait3A_1108 = tpu.memref_squeeze %dma_wait3A_1107 : memref<1x1x2x128xi32, #tpu.memory_space<hbm>> -> memref<2x128xi32, #tpu.memory_space<hbm>>
      %dma_wait3A_1109 = arith.constant 0 : i32
      %dma_wait3A_1110 = arith.constant 0 : i32
      %dma_wait3A_1111 = tpu.memref_slice %arg3[%add3A, %mul3A_800, %dma_wait3A_1109, %dma_wait3A_1110] : memref<32x42x2x128xi32, #tpu.memory_space<hbm>> -> memref<1x1x2x128xi32, #tpu.memory_space<hbm>>
      %dma_wait3A_1112 = tpu.memref_squeeze %dma_wait3A_1111 : memref<1x1x2x128xi32, #tpu.memory_space<hbm>> -> memref<2x128xi32, #tpu.memory_space<hbm>>
      tpu.wait_dma2 semaphore(%arg21 : memref<!tpu.dma_semaphore, #tpu.memory_space<semaphore_mem>>) src(%dma_wait3A_1112 : memref<2x128xi32, #tpu.memory_space<hbm>>) dst(%arg9 : memref<2x128xi32, #tpu.memory_space<vmem>>)
      %dma_start3A_1113 = arith.constant 0 : i32
      %dma_start3A_1114 = arith.constant 0 : i32
      %dma_start3A_1115 = tpu.memref_slice %arg9[%dma_start3A_1113, %dma_start3A_1114] : memref<2x128xi32, #tpu.memory_space<vmem>> -> memref<1x128xi32, #tpu.memory_space<vmem>>
      %dma_start3A_1116 = tpu.memref_squeeze %dma_start3A_1115 : memref<1x128xi32, #tpu.memory_space<vmem>> -> memref<128xi32, #tpu.memory_space<vmem>>
      %dma_start3A_1117 = arith.constant 0 : i32
      %dma_start3A_1118 = arith.constant 0 : i32
      %dma_start3A_1119 = tpu.memref_slice %arg2[%dma_start3A_1117, %dma_start3A_1118] : memref<10000x128xf32, #tpu.memory_space<hbm>> -> memref<10000x128xf32, #tpu.memory_space<hbm>>
      tpu.enqueue_indirect_dma source(%dma_start3A_1119 : memref<10000x128xf32, #tpu.memory_space<hbm>>) target(%arg13 : memref<128x128xf32, #tpu.memory_space<vmem>>) offsets(%dma_start3A_1116 : memref<128xi32, #tpu.memory_space<vmem>>) semaphore(%arg17 : memref<!tpu.dma_semaphore, #tpu.memory_space<semaphore_mem>>)
      %dma_wait3A_1120 = arith.constant 0 : i32
      %dma_wait3A_1121 = arith.constant 0 : i32
      %dma_wait3A_1122 = tpu.memref_slice %arg7[%dma_wait3A_1120, %dma_wait3A_1121] : memref<2x128xi32, #tpu.memory_space<vmem>> -> memref<1x128xi32, #tpu.memory_space<vmem>>
      %dma_wait3A_1123 = tpu.memref_squeeze %dma_wait3A_1122 : memref<1x128xi32, #tpu.memory_space<vmem>> -> memref<128xi32, #tpu.memory_space<vmem>>
      %dma_wait3A_1124 = arith.constant 0 : i32
      %dma_wait3A_1125 = arith.constant 0 : i32
      %dma_wait3A_1126 = tpu.memref_slice %arg2[%dma_wait3A_1124, %dma_wait3A_1125] : memref<10000x128xf32, #tpu.memory_space<hbm>> -> memref<10000x128xf32, #tpu.memory_space<hbm>>
      tpu.wait_indirect_dma semaphore(%arg18 : memref<!tpu.dma_semaphore, #tpu.memory_space<semaphore_mem>>) src(%dma_wait3A_1126 : memref<10000x128xf32, #tpu.memory_space<hbm>>) dst(%arg14 : memref<128x128xf32, #tpu.memory_space<vmem>>)
      %dma_wait3A_1127 = arith.constant 0 : i32
      %dma_wait3A_1128 = arith.constant 0 : i32
      %dma_wait3A_1129 = tpu.memref_slice %arg4[%add3A, %mul3A_800, %dma_wait3A_1127, %dma_wait3A_1128] : memref<32x42x2x128xi32, #tpu.memory_space<hbm>> -> memref<1x1x2x128xi32, #tpu.memory_space<hbm>>
      %dma_wait3A_1130 = tpu.memref_squeeze %dma_wait3A_1129 : memref<1x1x2x128xi32, #tpu.memory_space<hbm>> -> memref<2x128xi32, #tpu.memory_space<hbm>>
      %dma_wait3A_1131 = arith.constant 0 : i32
      %dma_wait3A_1132 = arith.constant 0 : i32
      %dma_wait3A_1133 = tpu.memref_slice %arg4[%add3A, %mul3A_800, %dma_wait3A_1131, %dma_wait3A_1132] : memref<32x42x2x128xi32, #tpu.memory_space<hbm>> -> memref<1x1x2x128xi32, #tpu.memory_space<hbm>>
      %dma_wait3A_1134 = tpu.memref_squeeze %dma_wait3A_1133 : memref<1x1x2x128xi32, #tpu.memory_space<hbm>> -> memref<2x128xi32, #tpu.memory_space<hbm>>
      tpu.wait_dma2 semaphore(%arg22 : memref<!tpu.dma_semaphore, #tpu.memory_space<semaphore_mem>>) src(%dma_wait3A_1134 : memref<2x128xi32, #tpu.memory_space<hbm>>) dst(%arg10 : memref<2x128xi32, #tpu.memory_space<vmem>>)
      %run_scoped3A_1135 = arith.constant 0 : i32
      "tpu.region"() ({
        %run_scoped3A_1221 = tpu.sem_alloc : memref<!tpu.dma_semaphore, #tpu.memory_space<semaphore_mem>>
        %dma_start3A_1222 = arith.constant 0 : i32
        %dma_start3A_1223 = tpu.memref_slice %arg10[%run_scoped3A_1135, %dma_start3A_1222] : memref<2x128xi32, #tpu.memory_space<vmem>> -> memref<1x128xi32, #tpu.memory_space<vmem>>
        %dma_start3A_1224 = tpu.memref_squeeze %dma_start3A_1223 : memref<1x128xi32, #tpu.memory_space<vmem>> -> memref<128xi32, #tpu.memory_space<vmem>>
        %dma_start3A_1225 = arith.constant 0 : i32
        %dma_start3A_1226 = arith.constant 0 : i32
        %dma_start3A_1227 = tpu.memref_slice %arg15[%dma_start3A_1225, %dma_start3A_1226] : memref<10040x128xf32, #tpu.memory_space<vmem_shared>> -> memref<10040x128xf32, #tpu.memory_space<vmem_shared>>
        tpu.enqueue_indirect_dma source(%arg14 : memref<128x128xf32, #tpu.memory_space<vmem>>) target(%dma_start3A_1227 : memref<10040x128xf32, #tpu.memory_space<vmem_shared>>) offsets(%dma_start3A_1224 : memref<128xi32, #tpu.memory_space<vmem>>) semaphore(%run_scoped3A_1221 : memref<!tpu.dma_semaphore, #tpu.memory_space<semaphore_mem>>) {add = true}
        %dma_wait3A_1228 = arith.constant 0 : i32
        %dma_wait3A_1229 = tpu.memref_slice %arg10[%run_scoped3A_1135, %dma_wait3A_1228] : memref<2x128xi32, #tpu.memory_space<vmem>> -> memref<1x128xi32, #tpu.memory_space<vmem>>
        %dma_wait3A_1230 = tpu.memref_squeeze %dma_wait3A_1229 : memref<1x128xi32, #tpu.memory_space<vmem>> -> memref<128xi32, #tpu.memory_space<vmem>>
        %dma_wait3A_1231 = arith.constant 0 : i32
        %dma_wait3A_1232 = arith.constant 0 : i32
        %dma_wait3A_1233 = tpu.memref_slice %arg15[%dma_wait3A_1231, %dma_wait3A_1232] : memref<10040x128xf32, #tpu.memory_space<vmem_shared>> -> memref<10040x128xf32, #tpu.memory_space<vmem_shared>>
        tpu.wait_indirect_dma semaphore(%run_scoped3A_1221 : memref<!tpu.dma_semaphore, #tpu.memory_space<semaphore_mem>>) src(%arg14 : memref<128x128xf32, #tpu.memory_space<vmem>>) dst(%dma_wait3A_1233 : memref<10040x128xf32, #tpu.memory_space<vmem_shared>>)
        tpu.yield
      }) : () -> ()
      %dma_start3A_1136 = arith.constant 1 : i32
      %dma_start3A_1137 = arith.constant 0 : i32
      %dma_start3A_1138 = tpu.memref_slice %arg9[%dma_start3A_1136, %dma_start3A_1137] : memref<2x128xi32, #tpu.memory_space<vmem>> -> memref<1x128xi32, #tpu.memory_space<vmem>>
      %dma_start3A_1139 = tpu.memref_squeeze %dma_start3A_1138 : memref<1x128xi32, #tpu.memory_space<vmem>> -> memref<128xi32, #tpu.memory_space<vmem>>
      %dma_start3A_1140 = arith.constant 0 : i32
      %dma_start3A_1141 = arith.constant 0 : i32
      %dma_start3A_1142 = tpu.memref_slice %arg2[%dma_start3A_1140, %dma_start3A_1141] : memref<10000x128xf32, #tpu.memory_space<hbm>> -> memref<10000x128xf32, #tpu.memory_space<hbm>>
      tpu.enqueue_indirect_dma source(%dma_start3A_1142 : memref<10000x128xf32, #tpu.memory_space<hbm>>) target(%arg14 : memref<128x128xf32, #tpu.memory_space<vmem>>) offsets(%dma_start3A_1139 : memref<128xi32, #tpu.memory_space<vmem>>) semaphore(%arg18 : memref<!tpu.dma_semaphore, #tpu.memory_space<semaphore_mem>>)
      %dma_wait3A_1143 = arith.constant 0 : i32
      %dma_wait3A_1144 = arith.constant 0 : i32
      %dma_wait3A_1145 = tpu.memref_slice %arg7[%dma_wait3A_1143, %dma_wait3A_1144] : memref<2x128xi32, #tpu.memory_space<vmem>> -> memref<1x128xi32, #tpu.memory_space<vmem>>
      %dma_wait3A_1146 = tpu.memref_squeeze %dma_wait3A_1145 : memref<1x128xi32, #tpu.memory_space<vmem>> -> memref<128xi32, #tpu.memory_space<vmem>>
      %dma_wait3A_1147 = arith.constant 0 : i32
      %dma_wait3A_1148 = arith.constant 0 : i32
      %dma_wait3A_1149 = tpu.memref_slice %arg2[%dma_wait3A_1147, %dma_wait3A_1148] : memref<10000x128xf32, #tpu.memory_space<hbm>> -> memref<10000x128xf32, #tpu.memory_space<hbm>>
      tpu.wait_indirect_dma semaphore(%arg16 : memref<!tpu.dma_semaphore, #tpu.memory_space<semaphore_mem>>) src(%dma_wait3A_1149 : memref<10000x128xf32, #tpu.memory_space<hbm>>) dst(%arg12 : memref<128x128xf32, #tpu.memory_space<vmem>>)
      %run_scoped3A_1150 = arith.constant 1 : i32
      "tpu.region"() ({
        %run_scoped3A_1221 = tpu.sem_alloc : memref<!tpu.dma_semaphore, #tpu.memory_space<semaphore_mem>>
        %dma_start3A_1222 = arith.constant 0 : i32
        %dma_start3A_1223 = tpu.memref_slice %arg10[%run_scoped3A_1150, %dma_start3A_1222] : memref<2x128xi32, #tpu.memory_space<vmem>> -> memref<1x128xi32, #tpu.memory_space<vmem>>
        %dma_start3A_1224 = tpu.memref_squeeze %dma_start3A_1223 : memref<1x128xi32, #tpu.memory_space<vmem>> -> memref<128xi32, #tpu.memory_space<vmem>>
        %dma_start3A_1225 = arith.constant 0 : i32
        %dma_start3A_1226 = arith.constant 0 : i32
        %dma_start3A_1227 = tpu.memref_slice %arg15[%dma_start3A_1225, %dma_start3A_1226] : memref<10040x128xf32, #tpu.memory_space<vmem_shared>> -> memref<10040x128xf32, #tpu.memory_space<vmem_shared>>
        tpu.enqueue_indirect_dma source(%arg12 : memref<128x128xf32, #tpu.memory_space<vmem>>) target(%dma_start3A_1227 : memref<10040x128xf32, #tpu.memory_space<vmem_shared>>) offsets(%dma_start3A_1224 : memref<128xi32, #tpu.memory_space<vmem>>) semaphore(%run_scoped3A_1221 : memref<!tpu.dma_semaphore, #tpu.memory_space<semaphore_mem>>) {add = true}
        %dma_wait3A_1228 = arith.constant 0 : i32
        %dma_wait3A_1229 = tpu.memref_slice %arg10[%run_scoped3A_1150, %dma_wait3A_1228] : memref<2x128xi32, #tpu.memory_space<vmem>> -> memref<1x128xi32, #tpu.memory_space<vmem>>
        %dma_wait3A_1230 = tpu.memref_squeeze %dma_wait3A_1229 : memref<1x128xi32, #tpu.memory_space<vmem>> -> memref<128xi32, #tpu.memory_space<vmem>>
        %dma_wait3A_1231 = arith.constant 0 : i32
        %dma_wait3A_1232 = arith.constant 0 : i32
        %dma_wait3A_1233 = tpu.memref_slice %arg15[%dma_wait3A_1231, %dma_wait3A_1232] : memref<10040x128xf32, #tpu.memory_space<vmem_shared>> -> memref<10040x128xf32, #tpu.memory_space<vmem_shared>>
        tpu.wait_indirect_dma semaphore(%run_scoped3A_1221 : memref<!tpu.dma_semaphore, #tpu.memory_space<semaphore_mem>>) src(%arg12 : memref<128x128xf32, #tpu.memory_space<vmem>>) dst(%dma_wait3A_1233 : memref<10040x128xf32, #tpu.memory_space<vmem_shared>>)
        tpu.yield
      }) : () -> ()
      %add3A_1151 = arith.constant 2 : i32
      %add3A_1152 = arith.addi %mul3A_800, %add3A_1151 : i32
      %add3A_1153 = arith.constant 5 : i32
      %add3A_1154 = arith.addi %add3A_1152, %add3A_1153 : i32
      %dma_start3A_1155 = arith.constant 0 : i32
      %dma_start3A_1156 = arith.constant 0 : i32
      %dma_start3A_1157 = tpu.memref_slice %arg3[%add3A, %add3A_1154, %dma_start3A_1155, %dma_start3A_1156] : memref<32x42x2x128xi32, #tpu.memory_space<hbm>> -> memref<1x1x2x128xi32, #tpu.memory_space<hbm>>
      %dma_start3A_1158 = tpu.memref_squeeze %dma_start3A_1157 : memref<1x1x2x128xi32, #tpu.memory_space<hbm>> -> memref<2x128xi32, #tpu.memory_space<hbm>>
      %dma_start3A_1159 = arith.constant 0 : i32
      %dma_start3A_1160 = arith.constant 0 : i32
      %dma_start3A_1161 = tpu.memref_slice %arg3[%add3A, %add3A_1154, %dma_start3A_1159, %dma_start3A_1160] : memref<32x42x2x128xi32, #tpu.memory_space<hbm>> -> memref<1x1x2x128xi32, #tpu.memory_space<hbm>>
      %dma_start3A_1162 = tpu.memref_squeeze %dma_start3A_1161 : memref<1x1x2x128xi32, #tpu.memory_space<hbm>> -> memref<2x128xi32, #tpu.memory_space<hbm>>
      tpu.enqueue_dma source(%dma_start3A_1162 : memref<2x128xi32, #tpu.memory_space<hbm>>) target(%arg8 : memref<2x128xi32, #tpu.memory_space<vmem>>) target_semaphore(%arg20 : memref<!tpu.dma_semaphore, #tpu.memory_space<semaphore_mem>>)
      %add3A_1163 = arith.constant 1 : i32
      %add3A_1164 = arith.addi %mul3A_800, %add3A_1163 : i32
      %add3A_1165 = arith.constant 5 : i32
      %add3A_1166 = arith.addi %add3A_1164, %add3A_1165 : i32
      %dma_start3A_1167 = arith.constant 0 : i32
      %dma_start3A_1168 = arith.constant 0 : i32
      %dma_start3A_1169 = tpu.memref_slice %arg4[%add3A, %add3A_1166, %dma_start3A_1167, %dma_start3A_1168] : memref<32x42x2x128xi32, #tpu.memory_space<hbm>> -> memref<1x1x2x128xi32, #tpu.memory_space<hbm>>
      %dma_start3A_1170 = tpu.memref_squeeze %dma_start3A_1169 : memref<1x1x2x128xi32, #tpu.memory_space<hbm>> -> memref<2x128xi32, #tpu.memory_space<hbm>>
      %dma_start3A_1171 = arith.constant 0 : i32
      %dma_start3A_1172 = arith.constant 0 : i32
      %dma_start3A_1173 = tpu.memref_slice %arg4[%add3A, %add3A_1166, %dma_start3A_1171, %dma_start3A_1172] : memref<32x42x2x128xi32, #tpu.memory_space<hbm>> -> memref<1x1x2x128xi32, #tpu.memory_space<hbm>>
      %dma_start3A_1174 = tpu.memref_squeeze %dma_start3A_1173 : memref<1x1x2x128xi32, #tpu.memory_space<hbm>> -> memref<2x128xi32, #tpu.memory_space<hbm>>
      tpu.enqueue_dma source(%dma_start3A_1174 : memref<2x128xi32, #tpu.memory_space<hbm>>) target(%arg10 : memref<2x128xi32, #tpu.memory_space<vmem>>) target_semaphore(%arg22 : memref<!tpu.dma_semaphore, #tpu.memory_space<semaphore_mem>>)
      %dma_wait3A_1175 = arith.constant 0 : i32
      %dma_wait3A_1176 = arith.constant 0 : i32
      %dma_wait3A_1177 = tpu.memref_slice %arg3[%add3A, %mul3A_800, %dma_wait3A_1175, %dma_wait3A_1176] : memref<32x42x2x128xi32, #tpu.memory_space<hbm>> -> memref<1x1x2x128xi32, #tpu.memory_space<hbm>>
      %dma_wait3A_1178 = tpu.memref_squeeze %dma_wait3A_1177 : memref<1x1x2x128xi32, #tpu.memory_space<hbm>> -> memref<2x128xi32, #tpu.memory_space<hbm>>
      %dma_wait3A_1179 = arith.constant 0 : i32
      %dma_wait3A_1180 = arith.constant 0 : i32
      %dma_wait3A_1181 = tpu.memref_slice %arg3[%add3A, %mul3A_800, %dma_wait3A_1179, %dma_wait3A_1180] : memref<32x42x2x128xi32, #tpu.memory_space<hbm>> -> memref<1x1x2x128xi32, #tpu.memory_space<hbm>>
      %dma_wait3A_1182 = tpu.memref_squeeze %dma_wait3A_1181 : memref<1x1x2x128xi32, #tpu.memory_space<hbm>> -> memref<2x128xi32, #tpu.memory_space<hbm>>
      tpu.wait_dma2 semaphore(%arg19 : memref<!tpu.dma_semaphore, #tpu.memory_space<semaphore_mem>>) src(%dma_wait3A_1182 : memref<2x128xi32, #tpu.memory_space<hbm>>) dst(%arg7 : memref<2x128xi32, #tpu.memory_space<vmem>>)
      %dma_start3A_1183 = arith.constant 0 : i32
      %dma_start3A_1184 = arith.constant 0 : i32
      %dma_start3A_1185 = tpu.memref_slice %arg7[%dma_start3A_1183, %dma_start3A_1184] : memref<2x128xi32, #tpu.memory_space<vmem>> -> memref<1x128xi32, #tpu.memory_space<vmem>>
      %dma_start3A_1186 = tpu.memref_squeeze %dma_start3A_1185 : memref<1x128xi32, #tpu.memory_space<vmem>> -> memref<128xi32, #tpu.memory_space<vmem>>
      %dma_start3A_1187 = arith.constant 0 : i32
      %dma_start3A_1188 = arith.constant 0 : i32
      %dma_start3A_1189 = tpu.memref_slice %arg2[%dma_start3A_1187, %dma_start3A_1188] : memref<10000x128xf32, #tpu.memory_space<hbm>> -> memref<10000x128xf32, #tpu.memory_space<hbm>>
      tpu.enqueue_indirect_dma source(%dma_start3A_1189 : memref<10000x128xf32, #tpu.memory_space<hbm>>) target(%arg12 : memref<128x128xf32, #tpu.memory_space<vmem>>) offsets(%dma_start3A_1186 : memref<128xi32, #tpu.memory_space<vmem>>) semaphore(%arg16 : memref<!tpu.dma_semaphore, #tpu.memory_space<semaphore_mem>>)
      %dma_wait3A_1190 = arith.constant 0 : i32
      %dma_wait3A_1191 = arith.constant 0 : i32
      %dma_wait3A_1192 = tpu.memref_slice %arg7[%dma_wait3A_1190, %dma_wait3A_1191] : memref<2x128xi32, #tpu.memory_space<vmem>> -> memref<1x128xi32, #tpu.memory_space<vmem>>
      %dma_wait3A_1193 = tpu.memref_squeeze %dma_wait3A_1192 : memref<1x128xi32, #tpu.memory_space<vmem>> -> memref<128xi32, #tpu.memory_space<vmem>>
      %dma_wait3A_1194 = arith.constant 0 : i32
      %dma_wait3A_1195 = arith.constant 0 : i32
      %dma_wait3A_1196 = tpu.memref_slice %arg2[%dma_wait3A_1194, %dma_wait3A_1195] : memref<10000x128xf32, #tpu.memory_space<hbm>> -> memref<10000x128xf32, #tpu.memory_space<hbm>>
      tpu.wait_indirect_dma semaphore(%arg17 : memref<!tpu.dma_semaphore, #tpu.memory_space<semaphore_mem>>) src(%dma_wait3A_1196 : memref<10000x128xf32, #tpu.memory_space<hbm>>) dst(%arg13 : memref<128x128xf32, #tpu.memory_space<vmem>>)
      %dma_wait3A_1197 = arith.constant 0 : i32
      %dma_wait3A_1198 = arith.constant 0 : i32
      %dma_wait3A_1199 = tpu.memref_slice %arg4[%add3A, %mul3A_800, %dma_wait3A_1197, %dma_wait3A_1198] : memref<32x42x2x128xi32, #tpu.memory_space<hbm>> -> memref<1x1x2x128xi32, #tpu.memory_space<hbm>>
      %dma_wait3A_1200 = tpu.memref_squeeze %dma_wait3A_1199 : memref<1x1x2x128xi32, #tpu.memory_space<hbm>> -> memref<2x128xi32, #tpu.memory_space<hbm>>
      %dma_wait3A_1201 = arith.constant 0 : i32
      %dma_wait3A_1202 = arith.constant 0 : i32
      %dma_wait3A_1203 = tpu.memref_slice %arg4[%add3A, %mul3A_800, %dma_wait3A_1201, %dma_wait3A_1202] : memref<32x42x2x128xi32, #tpu.memory_space<hbm>> -> memref<1x1x2x128xi32, #tpu.memory_space<hbm>>
      %dma_wait3A_1204 = tpu.memref_squeeze %dma_wait3A_1203 : memref<1x1x2x128xi32, #tpu.memory_space<hbm>> -> memref<2x128xi32, #tpu.memory_space<hbm>>
      tpu.wait_dma2 semaphore(%arg23 : memref<!tpu.dma_semaphore, #tpu.memory_space<semaphore_mem>>) src(%dma_wait3A_1204 : memref<2x128xi32, #tpu.memory_space<hbm>>) dst(%arg11 : memref<2x128xi32, #tpu.memory_space<vmem>>)
      %run_scoped3A_1205 = arith.constant 0 : i32
      "tpu.region"() ({
        %run_scoped3A_1221 = tpu.sem_alloc : memref<!tpu.dma_semaphore, #tpu.memory_space<semaphore_mem>>
        %dma_start3A_1222 = arith.constant 0 : i32
        %dma_start3A_1223 = tpu.memref_slice %arg11[%run_scoped3A_1205, %dma_start3A_1222] : memref<2x128xi32, #tpu.memory_space<vmem>> -> memref<1x128xi32, #tpu.memory_space<vmem>>
        %dma_start3A_1224 = tpu.memref_squeeze %dma_start3A_1223 : memref<1x128xi32, #tpu.memory_space<vmem>> -> memref<128xi32, #tpu.memory_space<vmem>>
        %dma_start3A_1225 = arith.constant 0 : i32
        %dma_start3A_1226 = arith.constant 0 : i32
        %dma_start3A_1227 = tpu.memref_slice %arg15[%dma_start3A_1225, %dma_start3A_1226] : memref<10040x128xf32, #tpu.memory_space<vmem_shared>> -> memref<10040x128xf32, #tpu.memory_space<vmem_shared>>
        tpu.enqueue_indirect_dma source(%arg13 : memref<128x128xf32, #tpu.memory_space<vmem>>) target(%dma_start3A_1227 : memref<10040x128xf32, #tpu.memory_space<vmem_shared>>) offsets(%dma_start3A_1224 : memref<128xi32, #tpu.memory_space<vmem>>) semaphore(%run_scoped3A_1221 : memref<!tpu.dma_semaphore, #tpu.memory_space<semaphore_mem>>) {add = true}
        %dma_wait3A_1228 = arith.constant 0 : i32
        %dma_wait3A_1229 = tpu.memref_slice %arg11[%run_scoped3A_1205, %dma_wait3A_1228] : memref<2x128xi32, #tpu.memory_space<vmem>> -> memref<1x128xi32, #tpu.memory_space<vmem>>
        %dma_wait3A_1230 = tpu.memref_squeeze %dma_wait3A_1229 : memref<1x128xi32, #tpu.memory_space<vmem>> -> memref<128xi32, #tpu.memory_space<vmem>>
        %dma_wait3A_1231 = arith.constant 0 : i32
        %dma_wait3A_1232 = arith.constant 0 : i32
        %dma_wait3A_1233 = tpu.memref_slice %arg15[%dma_wait3A_1231, %dma_wait3A_1232] : memref<10040x128xf32, #tpu.memory_space<vmem_shared>> -> memref<10040x128xf32, #tpu.memory_space<vmem_shared>>
        tpu.wait_indirect_dma semaphore(%run_scoped3A_1221 : memref<!tpu.dma_semaphore, #tpu.memory_space<semaphore_mem>>) src(%arg13 : memref<128x128xf32, #tpu.memory_space<vmem>>) dst(%dma_wait3A_1233 : memref<10040x128xf32, #tpu.memory_space<vmem_shared>>)
        tpu.yield
      }) : () -> ()
      %dma_start3A_1206 = arith.constant 1 : i32
      %dma_start3A_1207 = arith.constant 0 : i32
      %dma_start3A_1208 = tpu.memref_slice %arg7[%dma_start3A_1206, %dma_start3A_1207] : memref<2x128xi32, #tpu.memory_space<vmem>> -> memref<1x128xi32, #tpu.memory_space<vmem>>
      %dma_start3A_1209 = tpu.memref_squeeze %dma_start3A_1208 : memref<1x128xi32, #tpu.memory_space<vmem>> -> memref<128xi32, #tpu.memory_space<vmem>>
      %dma_start3A_1210 = arith.constant 0 : i32
      %dma_start3A_1211 = arith.constant 0 : i32
      %dma_start3A_1212 = tpu.memref_slice %arg2[%dma_start3A_1210, %dma_start3A_1211] : memref<10000x128xf32, #tpu.memory_space<hbm>> -> memref<10000x128xf32, #tpu.memory_space<hbm>>
      tpu.enqueue_indirect_dma source(%dma_start3A_1212 : memref<10000x128xf32, #tpu.memory_space<hbm>>) target(%arg13 : memref<128x128xf32, #tpu.memory_space<vmem>>) offsets(%dma_start3A_1209 : memref<128xi32, #tpu.memory_space<vmem>>) semaphore(%arg17 : memref<!tpu.dma_semaphore, #tpu.memory_space<semaphore_mem>>)
      %dma_wait3A_1213 = arith.constant 0 : i32
      %dma_wait3A_1214 = arith.constant 0 : i32
      %dma_wait3A_1215 = tpu.memref_slice %arg7[%dma_wait3A_1213, %dma_wait3A_1214] : memref<2x128xi32, #tpu.memory_space<vmem>> -> memref<1x128xi32, #tpu.memory_space<vmem>>
      %dma_wait3A_1216 = tpu.memref_squeeze %dma_wait3A_1215 : memref<1x128xi32, #tpu.memory_space<vmem>> -> memref<128xi32, #tpu.memory_space<vmem>>
      %dma_wait3A_1217 = arith.constant 0 : i32
      %dma_wait3A_1218 = arith.constant 0 : i32
      %dma_wait3A_1219 = tpu.memref_slice %arg2[%dma_wait3A_1217, %dma_wait3A_1218] : memref<10000x128xf32, #tpu.memory_space<hbm>> -> memref<10000x128xf32, #tpu.memory_space<hbm>>
      tpu.wait_indirect_dma semaphore(%arg18 : memref<!tpu.dma_semaphore, #tpu.memory_space<semaphore_mem>>) src(%dma_wait3A_1219 : memref<10000x128xf32, #tpu.memory_space<hbm>>) dst(%arg14 : memref<128x128xf32, #tpu.memory_space<vmem>>)
      %run_scoped3A_1220 = arith.constant 1 : i32
      "tpu.region"() ({
        %run_scoped3A_1221 = tpu.sem_alloc : memref<!tpu.dma_semaphore, #tpu.memory_space<semaphore_mem>>
        %dma_start3A_1222 = arith.constant 0 : i32
        %dma_start3A_1223 = tpu.memref_slice %arg11[%run_scoped3A_1220, %dma_start3A_1222] : memref<2x128xi32, #tpu.memory_space<vmem>> -> memref<1x128xi32, #tpu.memory_space<vmem>>
        %dma_start3A_1224 = tpu.memref_squeeze %dma_start3A_1223 : memref<1x128xi32, #tpu.memory_space<vmem>> -> memref<128xi32, #tpu.memory_space<vmem>>
        %dma_start3A_1225 = arith.constant 0 : i32
        %dma_start3A_1226 = arith.constant 0 : i32
        %dma_start3A_1227 = tpu.memref_slice %arg15[%dma_start3A_1225, %dma_start3A_1226] : memref<10040x128xf32, #tpu.memory_space<vmem_shared>> -> memref<10040x128xf32, #tpu.memory_space<vmem_shared>>
        tpu.enqueue_indirect_dma source(%arg14 : memref<128x128xf32, #tpu.memory_space<vmem>>) target(%dma_start3A_1227 : memref<10040x128xf32, #tpu.memory_space<vmem_shared>>) offsets(%dma_start3A_1224 : memref<128xi32, #tpu.memory_space<vmem>>) semaphore(%run_scoped3A_1221 : memref<!tpu.dma_semaphore, #tpu.memory_space<semaphore_mem>>) {add = true}
        %dma_wait3A_1228 = arith.constant 0 : i32
        %dma_wait3A_1229 = tpu.memref_slice %arg11[%run_scoped3A_1220, %dma_wait3A_1228] : memref<2x128xi32, #tpu.memory_space<vmem>> -> memref<1x128xi32, #tpu.memory_space<vmem>>
        %dma_wait3A_1230 = tpu.memref_squeeze %dma_wait3A_1229 : memref<1x128xi32, #tpu.memory_space<vmem>> -> memref<128xi32, #tpu.memory_space<vmem>>
        %dma_wait3A_1231 = arith.constant 0 : i32
        %dma_wait3A_1232 = arith.constant 0 : i32
        %dma_wait3A_1233 = tpu.memref_slice %arg15[%dma_wait3A_1231, %dma_wait3A_1232] : memref<10040x128xf32, #tpu.memory_space<vmem_shared>> -> memref<10040x128xf32, #tpu.memory_space<vmem_shared>>
        tpu.wait_indirect_dma semaphore(%run_scoped3A_1221 : memref<!tpu.dma_semaphore, #tpu.memory_space<semaphore_mem>>) src(%arg14 : memref<128x128xf32, #tpu.memory_space<vmem>>) dst(%dma_wait3A_1233 : memref<10040x128xf32, #tpu.memory_space<vmem_shared>>)
        tpu.yield
      }) : () -> ()
    }
    %scan3A_436 = arith.constant 5 : i32
    %dma_start3A_437 = arith.constant 38 : i32
    %dma_start3A_438 = arith.constant 0 : i32
    %dma_start3A_439 = arith.constant 0 : i32
    %dma_start3A_440 = tpu.memref_slice %arg3[%add3A, %dma_start3A_437, %dma_start3A_438, %dma_start3A_439] : memref<32x42x2x128xi32, #tpu.memory_space<hbm>> -> memref<1x1x2x128xi32, #tpu.memory_space<hbm>>
    %dma_start3A_441 = tpu.memref_squeeze %dma_start3A_440 : memref<1x1x2x128xi32, #tpu.memory_space<hbm>> -> memref<2x128xi32, #tpu.memory_space<hbm>>
    %dma_start3A_442 = arith.constant 0 : i32
    %dma_start3A_443 = arith.constant 0 : i32
    %dma_start3A_444 = tpu.memref_slice %arg3[%add3A, %dma_start3A_437, %dma_start3A_442, %dma_start3A_443] : memref<32x42x2x128xi32, #tpu.memory_space<hbm>> -> memref<1x1x2x128xi32, #tpu.memory_space<hbm>>
    %dma_start3A_445 = tpu.memref_squeeze %dma_start3A_444 : memref<1x1x2x128xi32, #tpu.memory_space<hbm>> -> memref<2x128xi32, #tpu.memory_space<hbm>>
    tpu.enqueue_dma source(%dma_start3A_445 : memref<2x128xi32, #tpu.memory_space<hbm>>) target(%arg9 : memref<2x128xi32, #tpu.memory_space<vmem>>) target_semaphore(%arg21 : memref<!tpu.dma_semaphore, #tpu.memory_space<semaphore_mem>>)
    %dma_start3A_446 = arith.constant 37 : i32
    %dma_start3A_447 = arith.constant 0 : i32
    %dma_start3A_448 = arith.constant 0 : i32
    %dma_start3A_449 = tpu.memref_slice %arg4[%add3A, %dma_start3A_446, %dma_start3A_447, %dma_start3A_448] : memref<32x42x2x128xi32, #tpu.memory_space<hbm>> -> memref<1x1x2x128xi32, #tpu.memory_space<hbm>>
    %dma_start3A_450 = tpu.memref_squeeze %dma_start3A_449 : memref<1x1x2x128xi32, #tpu.memory_space<hbm>> -> memref<2x128xi32, #tpu.memory_space<hbm>>
    %dma_start3A_451 = arith.constant 0 : i32
    %dma_start3A_452 = arith.constant 0 : i32
    %dma_start3A_453 = tpu.memref_slice %arg4[%add3A, %dma_start3A_446, %dma_start3A_451, %dma_start3A_452] : memref<32x42x2x128xi32, #tpu.memory_space<hbm>> -> memref<1x1x2x128xi32, #tpu.memory_space<hbm>>
    %dma_start3A_454 = tpu.memref_squeeze %dma_start3A_453 : memref<1x1x2x128xi32, #tpu.memory_space<hbm>> -> memref<2x128xi32, #tpu.memory_space<hbm>>
    tpu.enqueue_dma source(%dma_start3A_454 : memref<2x128xi32, #tpu.memory_space<hbm>>) target(%arg11 : memref<2x128xi32, #tpu.memory_space<vmem>>) target_semaphore(%arg23 : memref<!tpu.dma_semaphore, #tpu.memory_space<semaphore_mem>>)
    %dma_wait3A_455 = arith.constant 36 : i32
    %dma_wait3A_456 = arith.constant 0 : i32
    %dma_wait3A_457 = arith.constant 0 : i32
    %dma_wait3A_458 = tpu.memref_slice %arg3[%add3A, %dma_wait3A_455, %dma_wait3A_456, %dma_wait3A_457] : memref<32x42x2x128xi32, #tpu.memory_space<hbm>> -> memref<1x1x2x128xi32, #tpu.memory_space<hbm>>
    %dma_wait3A_459 = tpu.memref_squeeze %dma_wait3A_458 : memref<1x1x2x128xi32, #tpu.memory_space<hbm>> -> memref<2x128xi32, #tpu.memory_space<hbm>>
    %dma_wait3A_460 = arith.constant 0 : i32
    %dma_wait3A_461 = arith.constant 0 : i32
    %dma_wait3A_462 = tpu.memref_slice %arg3[%add3A, %dma_wait3A_455, %dma_wait3A_460, %dma_wait3A_461] : memref<32x42x2x128xi32, #tpu.memory_space<hbm>> -> memref<1x1x2x128xi32, #tpu.memory_space<hbm>>
    %dma_wait3A_463 = tpu.memref_squeeze %dma_wait3A_462 : memref<1x1x2x128xi32, #tpu.memory_space<hbm>> -> memref<2x128xi32, #tpu.memory_space<hbm>>
    tpu.wait_dma2 semaphore(%arg20 : memref<!tpu.dma_semaphore, #tpu.memory_space<semaphore_mem>>) src(%dma_wait3A_463 : memref<2x128xi32, #tpu.memory_space<hbm>>) dst(%arg8 : memref<2x128xi32, #tpu.memory_space<vmem>>)
    %dma_start3A_464 = arith.constant 0 : i32
    %dma_start3A_465 = arith.constant 0 : i32
    %dma_start3A_466 = tpu.memref_slice %arg8[%dma_start3A_464, %dma_start3A_465] : memref<2x128xi32, #tpu.memory_space<vmem>> -> memref<1x128xi32, #tpu.memory_space<vmem>>
    %dma_start3A_467 = tpu.memref_squeeze %dma_start3A_466 : memref<1x128xi32, #tpu.memory_space<vmem>> -> memref<128xi32, #tpu.memory_space<vmem>>
    %dma_start3A_468 = arith.constant 0 : i32
    %dma_start3A_469 = arith.constant 0 : i32
    %dma_start3A_470 = tpu.memref_slice %arg2[%dma_start3A_468, %dma_start3A_469] : memref<10000x128xf32, #tpu.memory_space<hbm>> -> memref<10000x128xf32, #tpu.memory_space<hbm>>
    tpu.enqueue_indirect_dma source(%dma_start3A_470 : memref<10000x128xf32, #tpu.memory_space<hbm>>) target(%arg14 : memref<128x128xf32, #tpu.memory_space<vmem>>) offsets(%dma_start3A_467 : memref<128xi32, #tpu.memory_space<vmem>>) semaphore(%arg18 : memref<!tpu.dma_semaphore, #tpu.memory_space<semaphore_mem>>)
    %dma_wait3A_471 = arith.constant 0 : i32
    %dma_wait3A_472 = arith.constant 0 : i32
    %dma_wait3A_473 = tpu.memref_slice %arg7[%dma_wait3A_471, %dma_wait3A_472] : memref<2x128xi32, #tpu.memory_space<vmem>> -> memref<1x128xi32, #tpu.memory_space<vmem>>
    %dma_wait3A_474 = tpu.memref_squeeze %dma_wait3A_473 : memref<1x128xi32, #tpu.memory_space<vmem>> -> memref<128xi32, #tpu.memory_space<vmem>>
    %dma_wait3A_475 = arith.constant 0 : i32
    %dma_wait3A_476 = arith.constant 0 : i32
    %dma_wait3A_477 = tpu.memref_slice %arg2[%dma_wait3A_475, %dma_wait3A_476] : memref<10000x128xf32, #tpu.memory_space<hbm>> -> memref<10000x128xf32, #tpu.memory_space<hbm>>
    tpu.wait_indirect_dma semaphore(%arg16 : memref<!tpu.dma_semaphore, #tpu.memory_space<semaphore_mem>>) src(%dma_wait3A_477 : memref<10000x128xf32, #tpu.memory_space<hbm>>) dst(%arg12 : memref<128x128xf32, #tpu.memory_space<vmem>>)
    %dma_wait3A_478 = arith.constant 36 : i32
    %dma_wait3A_479 = arith.constant 0 : i32
    %dma_wait3A_480 = arith.constant 0 : i32
    %dma_wait3A_481 = tpu.memref_slice %arg4[%add3A, %dma_wait3A_478, %dma_wait3A_479, %dma_wait3A_480] : memref<32x42x2x128xi32, #tpu.memory_space<hbm>> -> memref<1x1x2x128xi32, #tpu.memory_space<hbm>>
    %dma_wait3A_482 = tpu.memref_squeeze %dma_wait3A_481 : memref<1x1x2x128xi32, #tpu.memory_space<hbm>> -> memref<2x128xi32, #tpu.memory_space<hbm>>
    %dma_wait3A_483 = arith.constant 0 : i32
    %dma_wait3A_484 = arith.constant 0 : i32
    %dma_wait3A_485 = tpu.memref_slice %arg4[%add3A, %dma_wait3A_478, %dma_wait3A_483, %dma_wait3A_484] : memref<32x42x2x128xi32, #tpu.memory_space<hbm>> -> memref<1x1x2x128xi32, #tpu.memory_space<hbm>>
    %dma_wait3A_486 = tpu.memref_squeeze %dma_wait3A_485 : memref<1x1x2x128xi32, #tpu.memory_space<hbm>> -> memref<2x128xi32, #tpu.memory_space<hbm>>
    tpu.wait_dma2 semaphore(%arg22 : memref<!tpu.dma_semaphore, #tpu.memory_space<semaphore_mem>>) src(%dma_wait3A_486 : memref<2x128xi32, #tpu.memory_space<hbm>>) dst(%arg10 : memref<2x128xi32, #tpu.memory_space<vmem>>)
    %run_scoped3A_487 = arith.constant 0 : i32
    "tpu.region"() ({
      %run_scoped3A_794 = tpu.sem_alloc : memref<!tpu.dma_semaphore, #tpu.memory_space<semaphore_mem>>
      %dma_start3A_795 = arith.constant 0 : i32
      %dma_start3A_796 = tpu.memref_slice %arg10[%run_scoped3A_487, %dma_start3A_795] : memref<2x128xi32, #tpu.memory_space<vmem>> -> memref<1x128xi32, #tpu.memory_space<vmem>>
      %dma_start3A_797 = tpu.memref_squeeze %dma_start3A_796 : memref<1x128xi32, #tpu.memory_space<vmem>> -> memref<128xi32, #tpu.memory_space<vmem>>
      %dma_start3A_798 = arith.constant 0 : i32
      %dma_start3A_799 = arith.constant 0 : i32
      %dma_start3A_800 = tpu.memref_slice %arg15[%dma_start3A_798, %dma_start3A_799] : memref<10040x128xf32, #tpu.memory_space<vmem_shared>> -> memref<10040x128xf32, #tpu.memory_space<vmem_shared>>
      tpu.enqueue_indirect_dma source(%arg12 : memref<128x128xf32, #tpu.memory_space<vmem>>) target(%dma_start3A_800 : memref<10040x128xf32, #tpu.memory_space<vmem_shared>>) offsets(%dma_start3A_797 : memref<128xi32, #tpu.memory_space<vmem>>) semaphore(%run_scoped3A_794 : memref<!tpu.dma_semaphore, #tpu.memory_space<semaphore_mem>>) {add = true}
      %dma_wait3A_801 = arith.constant 0 : i32
      %dma_wait3A_802 = tpu.memref_slice %arg10[%run_scoped3A_487, %dma_wait3A_801] : memref<2x128xi32, #tpu.memory_space<vmem>> -> memref<1x128xi32, #tpu.memory_space<vmem>>
      %dma_wait3A_803 = tpu.memref_squeeze %dma_wait3A_802 : memref<1x128xi32, #tpu.memory_space<vmem>> -> memref<128xi32, #tpu.memory_space<vmem>>
      %dma_wait3A_804 = arith.constant 0 : i32
      %dma_wait3A_805 = arith.constant 0 : i32
      %dma_wait3A_806 = tpu.memref_slice %arg15[%dma_wait3A_804, %dma_wait3A_805] : memref<10040x128xf32, #tpu.memory_space<vmem_shared>> -> memref<10040x128xf32, #tpu.memory_space<vmem_shared>>
      tpu.wait_indirect_dma semaphore(%run_scoped3A_794 : memref<!tpu.dma_semaphore, #tpu.memory_space<semaphore_mem>>) src(%arg12 : memref<128x128xf32, #tpu.memory_space<vmem>>) dst(%dma_wait3A_806 : memref<10040x128xf32, #tpu.memory_space<vmem_shared>>)
      tpu.yield
    }) : () -> ()
    %dma_start3A_488 = arith.constant 1 : i32
    %dma_start3A_489 = arith.constant 0 : i32
    %dma_start3A_490 = tpu.memref_slice %arg8[%dma_start3A_488, %dma_start3A_489] : memref<2x128xi32, #tpu.memory_space<vmem>> -> memref<1x128xi32, #tpu.memory_space<vmem>>
    %dma_start3A_491 = tpu.memref_squeeze %dma_start3A_490 : memref<1x128xi32, #tpu.memory_space<vmem>> -> memref<128xi32, #tpu.memory_space<vmem>>
    %dma_start3A_492 = arith.constant 0 : i32
    %dma_start3A_493 = arith.constant 0 : i32
    %dma_start3A_494 = tpu.memref_slice %arg2[%dma_start3A_492, %dma_start3A_493] : memref<10000x128xf32, #tpu.memory_space<hbm>> -> memref<10000x128xf32, #tpu.memory_space<hbm>>
    tpu.enqueue_indirect_dma source(%dma_start3A_494 : memref<10000x128xf32, #tpu.memory_space<hbm>>) target(%arg12 : memref<128x128xf32, #tpu.memory_space<vmem>>) offsets(%dma_start3A_491 : memref<128xi32, #tpu.memory_space<vmem>>) semaphore(%arg16 : memref<!tpu.dma_semaphore, #tpu.memory_space<semaphore_mem>>)
    %dma_wait3A_495 = arith.constant 0 : i32
    %dma_wait3A_496 = arith.constant 0 : i32
    %dma_wait3A_497 = tpu.memref_slice %arg7[%dma_wait3A_495, %dma_wait3A_496] : memref<2x128xi32, #tpu.memory_space<vmem>> -> memref<1x128xi32, #tpu.memory_space<vmem>>
    %dma_wait3A_498 = tpu.memref_squeeze %dma_wait3A_497 : memref<1x128xi32, #tpu.memory_space<vmem>> -> memref<128xi32, #tpu.memory_space<vmem>>
    %dma_wait3A_499 = arith.constant 0 : i32
    %dma_wait3A_500 = arith.constant 0 : i32
    %dma_wait3A_501 = tpu.memref_slice %arg2[%dma_wait3A_499, %dma_wait3A_500] : memref<10000x128xf32, #tpu.memory_space<hbm>> -> memref<10000x128xf32, #tpu.memory_space<hbm>>
    tpu.wait_indirect_dma semaphore(%arg17 : memref<!tpu.dma_semaphore, #tpu.memory_space<semaphore_mem>>) src(%dma_wait3A_501 : memref<10000x128xf32, #tpu.memory_space<hbm>>) dst(%arg13 : memref<128x128xf32, #tpu.memory_space<vmem>>)
    %run_scoped3A_502 = arith.constant 1 : i32
    "tpu.region"() ({
      %run_scoped3A_794 = tpu.sem_alloc : memref<!tpu.dma_semaphore, #tpu.memory_space<semaphore_mem>>
      %dma_start3A_795 = arith.constant 0 : i32
      %dma_start3A_796 = tpu.memref_slice %arg10[%run_scoped3A_502, %dma_start3A_795] : memref<2x128xi32, #tpu.memory_space<vmem>> -> memref<1x128xi32, #tpu.memory_space<vmem>>
      %dma_start3A_797 = tpu.memref_squeeze %dma_start3A_796 : memref<1x128xi32, #tpu.memory_space<vmem>> -> memref<128xi32, #tpu.memory_space<vmem>>
      %dma_start3A_798 = arith.constant 0 : i32
      %dma_start3A_799 = arith.constant 0 : i32
      %dma_start3A_800 = tpu.memref_slice %arg15[%dma_start3A_798, %dma_start3A_799] : memref<10040x128xf32, #tpu.memory_space<vmem_shared>> -> memref<10040x128xf32, #tpu.memory_space<vmem_shared>>
      tpu.enqueue_indirect_dma source(%arg13 : memref<128x128xf32, #tpu.memory_space<vmem>>) target(%dma_start3A_800 : memref<10040x128xf32, #tpu.memory_space<vmem_shared>>) offsets(%dma_start3A_797 : memref<128xi32, #tpu.memory_space<vmem>>) semaphore(%run_scoped3A_794 : memref<!tpu.dma_semaphore, #tpu.memory_space<semaphore_mem>>) {add = true}
      %dma_wait3A_801 = arith.constant 0 : i32
      %dma_wait3A_802 = tpu.memref_slice %arg10[%run_scoped3A_502, %dma_wait3A_801] : memref<2x128xi32, #tpu.memory_space<vmem>> -> memref<1x128xi32, #tpu.memory_space<vmem>>
      %dma_wait3A_803 = tpu.memref_squeeze %dma_wait3A_802 : memref<1x128xi32, #tpu.memory_space<vmem>> -> memref<128xi32, #tpu.memory_space<vmem>>
      %dma_wait3A_804 = arith.constant 0 : i32
      %dma_wait3A_805 = arith.constant 0 : i32
      %dma_wait3A_806 = tpu.memref_slice %arg15[%dma_wait3A_804, %dma_wait3A_805] : memref<10040x128xf32, #tpu.memory_space<vmem_shared>> -> memref<10040x128xf32, #tpu.memory_space<vmem_shared>>
      tpu.wait_indirect_dma semaphore(%run_scoped3A_794 : memref<!tpu.dma_semaphore, #tpu.memory_space<semaphore_mem>>) src(%arg13 : memref<128x128xf32, #tpu.memory_space<vmem>>) dst(%dma_wait3A_806 : memref<10040x128xf32, #tpu.memory_space<vmem_shared>>)
      tpu.yield
    }) : () -> ()
    %dma_start3A_503 = arith.constant 39 : i32
    %dma_start3A_504 = arith.constant 0 : i32
    %dma_start3A_505 = arith.constant 0 : i32
    %dma_start3A_506 = tpu.memref_slice %arg3[%add3A, %dma_start3A_503, %dma_start3A_504, %dma_start3A_505] : memref<32x42x2x128xi32, #tpu.memory_space<hbm>> -> memref<1x1x2x128xi32, #tpu.memory_space<hbm>>
    %dma_start3A_507 = tpu.memref_squeeze %dma_start3A_506 : memref<1x1x2x128xi32, #tpu.memory_space<hbm>> -> memref<2x128xi32, #tpu.memory_space<hbm>>
    %dma_start3A_508 = arith.constant 0 : i32
    %dma_start3A_509 = arith.constant 0 : i32
    %dma_start3A_510 = tpu.memref_slice %arg3[%add3A, %dma_start3A_503, %dma_start3A_508, %dma_start3A_509] : memref<32x42x2x128xi32, #tpu.memory_space<hbm>> -> memref<1x1x2x128xi32, #tpu.memory_space<hbm>>
    %dma_start3A_511 = tpu.memref_squeeze %dma_start3A_510 : memref<1x1x2x128xi32, #tpu.memory_space<hbm>> -> memref<2x128xi32, #tpu.memory_space<hbm>>
    tpu.enqueue_dma source(%dma_start3A_511 : memref<2x128xi32, #tpu.memory_space<hbm>>) target(%arg7 : memref<2x128xi32, #tpu.memory_space<vmem>>) target_semaphore(%arg19 : memref<!tpu.dma_semaphore, #tpu.memory_space<semaphore_mem>>)
    %dma_start3A_512 = arith.constant 38 : i32
    %dma_start3A_513 = arith.constant 0 : i32
    %dma_start3A_514 = arith.constant 0 : i32
    %dma_start3A_515 = tpu.memref_slice %arg4[%add3A, %dma_start3A_512, %dma_start3A_513, %dma_start3A_514] : memref<32x42x2x128xi32, #tpu.memory_space<hbm>> -> memref<1x1x2x128xi32, #tpu.memory_space<hbm>>
    %dma_start3A_516 = tpu.memref_squeeze %dma_start3A_515 : memref<1x1x2x128xi32, #tpu.memory_space<hbm>> -> memref<2x128xi32, #tpu.memory_space<hbm>>
    %dma_start3A_517 = arith.constant 0 : i32
    %dma_start3A_518 = arith.constant 0 : i32
    %dma_start3A_519 = tpu.memref_slice %arg4[%add3A, %dma_start3A_512, %dma_start3A_517, %dma_start3A_518] : memref<32x42x2x128xi32, #tpu.memory_space<hbm>> -> memref<1x1x2x128xi32, #tpu.memory_space<hbm>>
    %dma_start3A_520 = tpu.memref_squeeze %dma_start3A_519 : memref<1x1x2x128xi32, #tpu.memory_space<hbm>> -> memref<2x128xi32, #tpu.memory_space<hbm>>
    tpu.enqueue_dma source(%dma_start3A_520 : memref<2x128xi32, #tpu.memory_space<hbm>>) target(%arg10 : memref<2x128xi32, #tpu.memory_space<vmem>>) target_semaphore(%arg22 : memref<!tpu.dma_semaphore, #tpu.memory_space<semaphore_mem>>)
    %dma_wait3A_521 = arith.constant 36 : i32
    %dma_wait3A_522 = arith.constant 0 : i32
    %dma_wait3A_523 = arith.constant 0 : i32
    %dma_wait3A_524 = tpu.memref_slice %arg3[%add3A, %dma_wait3A_521, %dma_wait3A_522, %dma_wait3A_523] : memref<32x42x2x128xi32, #tpu.memory_space<hbm>> -> memref<1x1x2x128xi32, #tpu.memory_space<hbm>>
    %dma_wait3A_525 = tpu.memref_squeeze %dma_wait3A_524 : memref<1x1x2x128xi32, #tpu.memory_space<hbm>> -> memref<2x128xi32, #tpu.memory_space<hbm>>
    %dma_wait3A_526 = arith.constant 0 : i32
    %dma_wait3A_527 = arith.constant 0 : i32
    %dma_wait3A_528 = tpu.memref_slice %arg3[%add3A, %dma_wait3A_521, %dma_wait3A_526, %dma_wait3A_527] : memref<32x42x2x128xi32, #tpu.memory_space<hbm>> -> memref<1x1x2x128xi32, #tpu.memory_space<hbm>>
    %dma_wait3A_529 = tpu.memref_squeeze %dma_wait3A_528 : memref<1x1x2x128xi32, #tpu.memory_space<hbm>> -> memref<2x128xi32, #tpu.memory_space<hbm>>
    tpu.wait_dma2 semaphore(%arg21 : memref<!tpu.dma_semaphore, #tpu.memory_space<semaphore_mem>>) src(%dma_wait3A_529 : memref<2x128xi32, #tpu.memory_space<hbm>>) dst(%arg9 : memref<2x128xi32, #tpu.memory_space<vmem>>)
    %dma_start3A_530 = arith.constant 0 : i32
    %dma_start3A_531 = arith.constant 0 : i32
    %dma_start3A_532 = tpu.memref_slice %arg9[%dma_start3A_530, %dma_start3A_531] : memref<2x128xi32, #tpu.memory_space<vmem>> -> memref<1x128xi32, #tpu.memory_space<vmem>>
    %dma_start3A_533 = tpu.memref_squeeze %dma_start3A_532 : memref<1x128xi32, #tpu.memory_space<vmem>> -> memref<128xi32, #tpu.memory_space<vmem>>
    %dma_start3A_534 = arith.constant 0 : i32
    %dma_start3A_535 = arith.constant 0 : i32
    %dma_start3A_536 = tpu.memref_slice %arg2[%dma_start3A_534, %dma_start3A_535] : memref<10000x128xf32, #tpu.memory_space<hbm>> -> memref<10000x128xf32, #tpu.memory_space<hbm>>
    tpu.enqueue_indirect_dma source(%dma_start3A_536 : memref<10000x128xf32, #tpu.memory_space<hbm>>) target(%arg13 : memref<128x128xf32, #tpu.memory_space<vmem>>) offsets(%dma_start3A_533 : memref<128xi32, #tpu.memory_space<vmem>>) semaphore(%arg17 : memref<!tpu.dma_semaphore, #tpu.memory_space<semaphore_mem>>)
    %dma_wait3A_537 = arith.constant 0 : i32
    %dma_wait3A_538 = arith.constant 0 : i32
    %dma_wait3A_539 = tpu.memref_slice %arg7[%dma_wait3A_537, %dma_wait3A_538] : memref<2x128xi32, #tpu.memory_space<vmem>> -> memref<1x128xi32, #tpu.memory_space<vmem>>
    %dma_wait3A_540 = tpu.memref_squeeze %dma_wait3A_539 : memref<1x128xi32, #tpu.memory_space<vmem>> -> memref<128xi32, #tpu.memory_space<vmem>>
    %dma_wait3A_541 = arith.constant 0 : i32
    %dma_wait3A_542 = arith.constant 0 : i32
    %dma_wait3A_543 = tpu.memref_slice %arg2[%dma_wait3A_541, %dma_wait3A_542] : memref<10000x128xf32, #tpu.memory_space<hbm>> -> memref<10000x128xf32, #tpu.memory_space<hbm>>
    tpu.wait_indirect_dma semaphore(%arg18 : memref<!tpu.dma_semaphore, #tpu.memory_space<semaphore_mem>>) src(%dma_wait3A_543 : memref<10000x128xf32, #tpu.memory_space<hbm>>) dst(%arg14 : memref<128x128xf32, #tpu.memory_space<vmem>>)
    %dma_wait3A_544 = arith.constant 36 : i32
    %dma_wait3A_545 = arith.constant 0 : i32
    %dma_wait3A_546 = arith.constant 0 : i32
    %dma_wait3A_547 = tpu.memref_slice %arg4[%add3A, %dma_wait3A_544, %dma_wait3A_545, %dma_wait3A_546] : memref<32x42x2x128xi32, #tpu.memory_space<hbm>> -> memref<1x1x2x128xi32, #tpu.memory_space<hbm>>
    %dma_wait3A_548 = tpu.memref_squeeze %dma_wait3A_547 : memref<1x1x2x128xi32, #tpu.memory_space<hbm>> -> memref<2x128xi32, #tpu.memory_space<hbm>>
    %dma_wait3A_549 = arith.constant 0 : i32
    %dma_wait3A_550 = arith.constant 0 : i32
    %dma_wait3A_551 = tpu.memref_slice %arg4[%add3A, %dma_wait3A_544, %dma_wait3A_549, %dma_wait3A_550] : memref<32x42x2x128xi32, #tpu.memory_space<hbm>> -> memref<1x1x2x128xi32, #tpu.memory_space<hbm>>
    %dma_wait3A_552 = tpu.memref_squeeze %dma_wait3A_551 : memref<1x1x2x128xi32, #tpu.memory_space<hbm>> -> memref<2x128xi32, #tpu.memory_space<hbm>>
    tpu.wait_dma2 semaphore(%arg23 : memref<!tpu.dma_semaphore, #tpu.memory_space<semaphore_mem>>) src(%dma_wait3A_552 : memref<2x128xi32, #tpu.memory_space<hbm>>) dst(%arg11 : memref<2x128xi32, #tpu.memory_space<vmem>>)
    %run_scoped3A_553 = arith.constant 0 : i32
    "tpu.region"() ({
      %run_scoped3A_794 = tpu.sem_alloc : memref<!tpu.dma_semaphore, #tpu.memory_space<semaphore_mem>>
      %dma_start3A_795 = arith.constant 0 : i32
      %dma_start3A_796 = tpu.memref_slice %arg11[%run_scoped3A_553, %dma_start3A_795] : memref<2x128xi32, #tpu.memory_space<vmem>> -> memref<1x128xi32, #tpu.memory_space<vmem>>
      %dma_start3A_797 = tpu.memref_squeeze %dma_start3A_796 : memref<1x128xi32, #tpu.memory_space<vmem>> -> memref<128xi32, #tpu.memory_space<vmem>>
      %dma_start3A_798 = arith.constant 0 : i32
      %dma_start3A_799 = arith.constant 0 : i32
      %dma_start3A_800 = tpu.memref_slice %arg15[%dma_start3A_798, %dma_start3A_799] : memref<10040x128xf32, #tpu.memory_space<vmem_shared>> -> memref<10040x128xf32, #tpu.memory_space<vmem_shared>>
      tpu.enqueue_indirect_dma source(%arg14 : memref<128x128xf32, #tpu.memory_space<vmem>>) target(%dma_start3A_800 : memref<10040x128xf32, #tpu.memory_space<vmem_shared>>) offsets(%dma_start3A_797 : memref<128xi32, #tpu.memory_space<vmem>>) semaphore(%run_scoped3A_794 : memref<!tpu.dma_semaphore, #tpu.memory_space<semaphore_mem>>) {add = true}
      %dma_wait3A_801 = arith.constant 0 : i32
      %dma_wait3A_802 = tpu.memref_slice %arg11[%run_scoped3A_553, %dma_wait3A_801] : memref<2x128xi32, #tpu.memory_space<vmem>> -> memref<1x128xi32, #tpu.memory_space<vmem>>
      %dma_wait3A_803 = tpu.memref_squeeze %dma_wait3A_802 : memref<1x128xi32, #tpu.memory_space<vmem>> -> memref<128xi32, #tpu.memory_space<vmem>>
      %dma_wait3A_804 = arith.constant 0 : i32
      %dma_wait3A_805 = arith.constant 0 : i32
      %dma_wait3A_806 = tpu.memref_slice %arg15[%dma_wait3A_804, %dma_wait3A_805] : memref<10040x128xf32, #tpu.memory_space<vmem_shared>> -> memref<10040x128xf32, #tpu.memory_space<vmem_shared>>
      tpu.wait_indirect_dma semaphore(%run_scoped3A_794 : memref<!tpu.dma_semaphore, #tpu.memory_space<semaphore_mem>>) src(%arg14 : memref<128x128xf32, #tpu.memory_space<vmem>>) dst(%dma_wait3A_806 : memref<10040x128xf32, #tpu.memory_space<vmem_shared>>)
      tpu.yield
    }) : () -> ()
    %dma_start3A_554 = arith.constant 1 : i32
    %dma_start3A_555 = arith.constant 0 : i32
    %dma_start3A_556 = tpu.memref_slice %arg9[%dma_start3A_554, %dma_start3A_555] : memref<2x128xi32, #tpu.memory_space<vmem>> -> memref<1x128xi32, #tpu.memory_space<vmem>>
    %dma_start3A_557 = tpu.memref_squeeze %dma_start3A_556 : memref<1x128xi32, #tpu.memory_space<vmem>> -> memref<128xi32, #tpu.memory_space<vmem>>
    %dma_start3A_558 = arith.constant 0 : i32
    %dma_start3A_559 = arith.constant 0 : i32
    %dma_start3A_560 = tpu.memref_slice %arg2[%dma_start3A_558, %dma_start3A_559] : memref<10000x128xf32, #tpu.memory_space<hbm>> -> memref<10000x128xf32, #tpu.memory_space<hbm>>
    tpu.enqueue_indirect_dma source(%dma_start3A_560 : memref<10000x128xf32, #tpu.memory_space<hbm>>) target(%arg14 : memref<128x128xf32, #tpu.memory_space<vmem>>) offsets(%dma_start3A_557 : memref<128xi32, #tpu.memory_space<vmem>>) semaphore(%arg18 : memref<!tpu.dma_semaphore, #tpu.memory_space<semaphore_mem>>)
    %dma_wait3A_561 = arith.constant 0 : i32
    %dma_wait3A_562 = arith.constant 0 : i32
    %dma_wait3A_563 = tpu.memref_slice %arg7[%dma_wait3A_561, %dma_wait3A_562] : memref<2x128xi32, #tpu.memory_space<vmem>> -> memref<1x128xi32, #tpu.memory_space<vmem>>
    %dma_wait3A_564 = tpu.memref_squeeze %dma_wait3A_563 : memref<1x128xi32, #tpu.memory_space<vmem>> -> memref<128xi32, #tpu.memory_space<vmem>>
    %dma_wait3A_565 = arith.constant 0 : i32
    %dma_wait3A_566 = arith.constant 0 : i32
    %dma_wait3A_567 = tpu.memref_slice %arg2[%dma_wait3A_565, %dma_wait3A_566] : memref<10000x128xf32, #tpu.memory_space<hbm>> -> memref<10000x128xf32, #tpu.memory_space<hbm>>
    tpu.wait_indirect_dma semaphore(%arg16 : memref<!tpu.dma_semaphore, #tpu.memory_space<semaphore_mem>>) src(%dma_wait3A_567 : memref<10000x128xf32, #tpu.memory_space<hbm>>) dst(%arg12 : memref<128x128xf32, #tpu.memory_space<vmem>>)
    %run_scoped3A_568 = arith.constant 1 : i32
    "tpu.region"() ({
      %run_scoped3A_794 = tpu.sem_alloc : memref<!tpu.dma_semaphore, #tpu.memory_space<semaphore_mem>>
      %dma_start3A_795 = arith.constant 0 : i32
      %dma_start3A_796 = tpu.memref_slice %arg11[%run_scoped3A_568, %dma_start3A_795] : memref<2x128xi32, #tpu.memory_space<vmem>> -> memref<1x128xi32, #tpu.memory_space<vmem>>
      %dma_start3A_797 = tpu.memref_squeeze %dma_start3A_796 : memref<1x128xi32, #tpu.memory_space<vmem>> -> memref<128xi32, #tpu.memory_space<vmem>>
      %dma_start3A_798 = arith.constant 0 : i32
      %dma_start3A_799 = arith.constant 0 : i32
      %dma_start3A_800 = tpu.memref_slice %arg15[%dma_start3A_798, %dma_start3A_799] : memref<10040x128xf32, #tpu.memory_space<vmem_shared>> -> memref<10040x128xf32, #tpu.memory_space<vmem_shared>>
      tpu.enqueue_indirect_dma source(%arg12 : memref<128x128xf32, #tpu.memory_space<vmem>>) target(%dma_start3A_800 : memref<10040x128xf32, #tpu.memory_space<vmem_shared>>) offsets(%dma_start3A_797 : memref<128xi32, #tpu.memory_space<vmem>>) semaphore(%run_scoped3A_794 : memref<!tpu.dma_semaphore, #tpu.memory_space<semaphore_mem>>) {add = true}
      %dma_wait3A_801 = arith.constant 0 : i32
      %dma_wait3A_802 = tpu.memref_slice %arg11[%run_scoped3A_568, %dma_wait3A_801] : memref<2x128xi32, #tpu.memory_space<vmem>> -> memref<1x128xi32, #tpu.memory_space<vmem>>
      %dma_wait3A_803 = tpu.memref_squeeze %dma_wait3A_802 : memref<1x128xi32, #tpu.memory_space<vmem>> -> memref<128xi32, #tpu.memory_space<vmem>>
      %dma_wait3A_804 = arith.constant 0 : i32
      %dma_wait3A_805 = arith.constant 0 : i32
      %dma_wait3A_806 = tpu.memref_slice %arg15[%dma_wait3A_804, %dma_wait3A_805] : memref<10040x128xf32, #tpu.memory_space<vmem_shared>> -> memref<10040x128xf32, #tpu.memory_space<vmem_shared>>
      tpu.wait_indirect_dma semaphore(%run_scoped3A_794 : memref<!tpu.dma_semaphore, #tpu.memory_space<semaphore_mem>>) src(%arg12 : memref<128x128xf32, #tpu.memory_space<vmem>>) dst(%dma_wait3A_806 : memref<10040x128xf32, #tpu.memory_space<vmem_shared>>)
      tpu.yield
    }) : () -> ()
    %dma_start3A_569 = arith.constant 40 : i32
    %dma_start3A_570 = arith.constant 0 : i32
    %dma_start3A_571 = arith.constant 0 : i32
    %dma_start3A_572 = tpu.memref_slice %arg3[%add3A, %dma_start3A_569, %dma_start3A_570, %dma_start3A_571] : memref<32x42x2x128xi32, #tpu.memory_space<hbm>> -> memref<1x1x2x128xi32, #tpu.memory_space<hbm>>
    %dma_start3A_573 = tpu.memref_squeeze %dma_start3A_572 : memref<1x1x2x128xi32, #tpu.memory_space<hbm>> -> memref<2x128xi32, #tpu.memory_space<hbm>>
    %dma_start3A_574 = arith.constant 0 : i32
    %dma_start3A_575 = arith.constant 0 : i32
    %dma_start3A_576 = tpu.memref_slice %arg3[%add3A, %dma_start3A_569, %dma_start3A_574, %dma_start3A_575] : memref<32x42x2x128xi32, #tpu.memory_space<hbm>> -> memref<1x1x2x128xi32, #tpu.memory_space<hbm>>
    %dma_start3A_577 = tpu.memref_squeeze %dma_start3A_576 : memref<1x1x2x128xi32, #tpu.memory_space<hbm>> -> memref<2x128xi32, #tpu.memory_space<hbm>>
    tpu.enqueue_dma source(%dma_start3A_577 : memref<2x128xi32, #tpu.memory_space<hbm>>) target(%arg8 : memref<2x128xi32, #tpu.memory_space<vmem>>) target_semaphore(%arg20 : memref<!tpu.dma_semaphore, #tpu.memory_space<semaphore_mem>>)
    %dma_start3A_578 = arith.constant 39 : i32
    %dma_start3A_579 = arith.constant 0 : i32
    %dma_start3A_580 = arith.constant 0 : i32
    %dma_start3A_581 = tpu.memref_slice %arg4[%add3A, %dma_start3A_578, %dma_start3A_579, %dma_start3A_580] : memref<32x42x2x128xi32, #tpu.memory_space<hbm>> -> memref<1x1x2x128xi32, #tpu.memory_space<hbm>>
    %dma_start3A_582 = tpu.memref_squeeze %dma_start3A_581 : memref<1x1x2x128xi32, #tpu.memory_space<hbm>> -> memref<2x128xi32, #tpu.memory_space<hbm>>
    %dma_start3A_583 = arith.constant 0 : i32
    %dma_start3A_584 = arith.constant 0 : i32
    %dma_start3A_585 = tpu.memref_slice %arg4[%add3A, %dma_start3A_578, %dma_start3A_583, %dma_start3A_584] : memref<32x42x2x128xi32, #tpu.memory_space<hbm>> -> memref<1x1x2x128xi32, #tpu.memory_space<hbm>>
    %dma_start3A_586 = tpu.memref_squeeze %dma_start3A_585 : memref<1x1x2x128xi32, #tpu.memory_space<hbm>> -> memref<2x128xi32, #tpu.memory_space<hbm>>
    tpu.enqueue_dma source(%dma_start3A_586 : memref<2x128xi32, #tpu.memory_space<hbm>>) target(%arg11 : memref<2x128xi32, #tpu.memory_space<vmem>>) target_semaphore(%arg23 : memref<!tpu.dma_semaphore, #tpu.memory_space<semaphore_mem>>)
    %dma_wait3A_587 = arith.constant 36 : i32
    %dma_wait3A_588 = arith.constant 0 : i32
    %dma_wait3A_589 = arith.constant 0 : i32
    %dma_wait3A_590 = tpu.memref_slice %arg3[%add3A, %dma_wait3A_587, %dma_wait3A_588, %dma_wait3A_589] : memref<32x42x2x128xi32, #tpu.memory_space<hbm>> -> memref<1x1x2x128xi32, #tpu.memory_space<hbm>>
    %dma_wait3A_591 = tpu.memref_squeeze %dma_wait3A_590 : memref<1x1x2x128xi32, #tpu.memory_space<hbm>> -> memref<2x128xi32, #tpu.memory_space<hbm>>
    %dma_wait3A_592 = arith.constant 0 : i32
    %dma_wait3A_593 = arith.constant 0 : i32
    %dma_wait3A_594 = tpu.memref_slice %arg3[%add3A, %dma_wait3A_587, %dma_wait3A_592, %dma_wait3A_593] : memref<32x42x2x128xi32, #tpu.memory_space<hbm>> -> memref<1x1x2x128xi32, #tpu.memory_space<hbm>>
    %dma_wait3A_595 = tpu.memref_squeeze %dma_wait3A_594 : memref<1x1x2x128xi32, #tpu.memory_space<hbm>> -> memref<2x128xi32, #tpu.memory_space<hbm>>
    tpu.wait_dma2 semaphore(%arg19 : memref<!tpu.dma_semaphore, #tpu.memory_space<semaphore_mem>>) src(%dma_wait3A_595 : memref<2x128xi32, #tpu.memory_space<hbm>>) dst(%arg7 : memref<2x128xi32, #tpu.memory_space<vmem>>)
    %dma_start3A_596 = arith.constant 0 : i32
    %dma_start3A_597 = arith.constant 0 : i32
    %dma_start3A_598 = tpu.memref_slice %arg7[%dma_start3A_596, %dma_start3A_597] : memref<2x128xi32, #tpu.memory_space<vmem>> -> memref<1x128xi32, #tpu.memory_space<vmem>>
    %dma_start3A_599 = tpu.memref_squeeze %dma_start3A_598 : memref<1x128xi32, #tpu.memory_space<vmem>> -> memref<128xi32, #tpu.memory_space<vmem>>
    %dma_start3A_600 = arith.constant 0 : i32
    %dma_start3A_601 = arith.constant 0 : i32
    %dma_start3A_602 = tpu.memref_slice %arg2[%dma_start3A_600, %dma_start3A_601] : memref<10000x128xf32, #tpu.memory_space<hbm>> -> memref<10000x128xf32, #tpu.memory_space<hbm>>
    tpu.enqueue_indirect_dma source(%dma_start3A_602 : memref<10000x128xf32, #tpu.memory_space<hbm>>) target(%arg12 : memref<128x128xf32, #tpu.memory_space<vmem>>) offsets(%dma_start3A_599 : memref<128xi32, #tpu.memory_space<vmem>>) semaphore(%arg16 : memref<!tpu.dma_semaphore, #tpu.memory_space<semaphore_mem>>)
    %dma_wait3A_603 = arith.constant 0 : i32
    %dma_wait3A_604 = arith.constant 0 : i32
    %dma_wait3A_605 = tpu.memref_slice %arg7[%dma_wait3A_603, %dma_wait3A_604] : memref<2x128xi32, #tpu.memory_space<vmem>> -> memref<1x128xi32, #tpu.memory_space<vmem>>
    %dma_wait3A_606 = tpu.memref_squeeze %dma_wait3A_605 : memref<1x128xi32, #tpu.memory_space<vmem>> -> memref<128xi32, #tpu.memory_space<vmem>>
    %dma_wait3A_607 = arith.constant 0 : i32
    %dma_wait3A_608 = arith.constant 0 : i32
    %dma_wait3A_609 = tpu.memref_slice %arg2[%dma_wait3A_607, %dma_wait3A_608] : memref<10000x128xf32, #tpu.memory_space<hbm>> -> memref<10000x128xf32, #tpu.memory_space<hbm>>
    tpu.wait_indirect_dma semaphore(%arg17 : memref<!tpu.dma_semaphore, #tpu.memory_space<semaphore_mem>>) src(%dma_wait3A_609 : memref<10000x128xf32, #tpu.memory_space<hbm>>) dst(%arg13 : memref<128x128xf32, #tpu.memory_space<vmem>>)
    %dma_wait3A_610 = arith.constant 36 : i32
    %dma_wait3A_611 = arith.constant 0 : i32
    %dma_wait3A_612 = arith.constant 0 : i32
    %dma_wait3A_613 = tpu.memref_slice %arg4[%add3A, %dma_wait3A_610, %dma_wait3A_611, %dma_wait3A_612] : memref<32x42x2x128xi32, #tpu.memory_space<hbm>> -> memref<1x1x2x128xi32, #tpu.memory_space<hbm>>
    %dma_wait3A_614 = tpu.memref_squeeze %dma_wait3A_613 : memref<1x1x2x128xi32, #tpu.memory_space<hbm>> -> memref<2x128xi32, #tpu.memory_space<hbm>>
    %dma_wait3A_615 = arith.constant 0 : i32
    %dma_wait3A_616 = arith.constant 0 : i32
    %dma_wait3A_617 = tpu.memref_slice %arg4[%add3A, %dma_wait3A_610, %dma_wait3A_615, %dma_wait3A_616] : memref<32x42x2x128xi32, #tpu.memory_space<hbm>> -> memref<1x1x2x128xi32, #tpu.memory_space<hbm>>
    %dma_wait3A_618 = tpu.memref_squeeze %dma_wait3A_617 : memref<1x1x2x128xi32, #tpu.memory_space<hbm>> -> memref<2x128xi32, #tpu.memory_space<hbm>>
    tpu.wait_dma2 semaphore(%arg22 : memref<!tpu.dma_semaphore, #tpu.memory_space<semaphore_mem>>) src(%dma_wait3A_618 : memref<2x128xi32, #tpu.memory_space<hbm>>) dst(%arg10 : memref<2x128xi32, #tpu.memory_space<vmem>>)
    %run_scoped3A_619 = arith.constant 0 : i32
    "tpu.region"() ({
      %run_scoped3A_794 = tpu.sem_alloc : memref<!tpu.dma_semaphore, #tpu.memory_space<semaphore_mem>>
      %dma_start3A_795 = arith.constant 0 : i32
      %dma_start3A_796 = tpu.memref_slice %arg10[%run_scoped3A_619, %dma_start3A_795] : memref<2x128xi32, #tpu.memory_space<vmem>> -> memref<1x128xi32, #tpu.memory_space<vmem>>
      %dma_start3A_797 = tpu.memref_squeeze %dma_start3A_796 : memref<1x128xi32, #tpu.memory_space<vmem>> -> memref<128xi32, #tpu.memory_space<vmem>>
      %dma_start3A_798 = arith.constant 0 : i32
      %dma_start3A_799 = arith.constant 0 : i32
      %dma_start3A_800 = tpu.memref_slice %arg15[%dma_start3A_798, %dma_start3A_799] : memref<10040x128xf32, #tpu.memory_space<vmem_shared>> -> memref<10040x128xf32, #tpu.memory_space<vmem_shared>>
      tpu.enqueue_indirect_dma source(%arg13 : memref<128x128xf32, #tpu.memory_space<vmem>>) target(%dma_start3A_800 : memref<10040x128xf32, #tpu.memory_space<vmem_shared>>) offsets(%dma_start3A_797 : memref<128xi32, #tpu.memory_space<vmem>>) semaphore(%run_scoped3A_794 : memref<!tpu.dma_semaphore, #tpu.memory_space<semaphore_mem>>) {add = true}
      %dma_wait3A_801 = arith.constant 0 : i32
      %dma_wait3A_802 = tpu.memref_slice %arg10[%run_scoped3A_619, %dma_wait3A_801] : memref<2x128xi32, #tpu.memory_space<vmem>> -> memref<1x128xi32, #tpu.memory_space<vmem>>
      %dma_wait3A_803 = tpu.memref_squeeze %dma_wait3A_802 : memref<1x128xi32, #tpu.memory_space<vmem>> -> memref<128xi32, #tpu.memory_space<vmem>>
      %dma_wait3A_804 = arith.constant 0 : i32
      %dma_wait3A_805 = arith.constant 0 : i32
      %dma_wait3A_806 = tpu.memref_slice %arg15[%dma_wait3A_804, %dma_wait3A_805] : memref<10040x128xf32, #tpu.memory_space<vmem_shared>> -> memref<10040x128xf32, #tpu.memory_space<vmem_shared>>
      tpu.wait_indirect_dma semaphore(%run_scoped3A_794 : memref<!tpu.dma_semaphore, #tpu.memory_space<semaphore_mem>>) src(%arg13 : memref<128x128xf32, #tpu.memory_space<vmem>>) dst(%dma_wait3A_806 : memref<10040x128xf32, #tpu.memory_space<vmem_shared>>)
      tpu.yield
    }) : () -> ()
    %dma_start3A_620 = arith.constant 1 : i32
    %dma_start3A_621 = arith.constant 0 : i32
    %dma_start3A_622 = tpu.memref_slice %arg7[%dma_start3A_620, %dma_start3A_621] : memref<2x128xi32, #tpu.memory_space<vmem>> -> memref<1x128xi32, #tpu.memory_space<vmem>>
    %dma_start3A_623 = tpu.memref_squeeze %dma_start3A_622 : memref<1x128xi32, #tpu.memory_space<vmem>> -> memref<128xi32, #tpu.memory_space<vmem>>
    %dma_start3A_624 = arith.constant 0 : i32
    %dma_start3A_625 = arith.constant 0 : i32
    %dma_start3A_626 = tpu.memref_slice %arg2[%dma_start3A_624, %dma_start3A_625] : memref<10000x128xf32, #tpu.memory_space<hbm>> -> memref<10000x128xf32, #tpu.memory_space<hbm>>
    tpu.enqueue_indirect_dma source(%dma_start3A_626 : memref<10000x128xf32, #tpu.memory_space<hbm>>) target(%arg13 : memref<128x128xf32, #tpu.memory_space<vmem>>) offsets(%dma_start3A_623 : memref<128xi32, #tpu.memory_space<vmem>>) semaphore(%arg17 : memref<!tpu.dma_semaphore, #tpu.memory_space<semaphore_mem>>)
    %dma_wait3A_627 = arith.constant 0 : i32
    %dma_wait3A_628 = arith.constant 0 : i32
    %dma_wait3A_629 = tpu.memref_slice %arg7[%dma_wait3A_627, %dma_wait3A_628] : memref<2x128xi32, #tpu.memory_space<vmem>> -> memref<1x128xi32, #tpu.memory_space<vmem>>
    %dma_wait3A_630 = tpu.memref_squeeze %dma_wait3A_629 : memref<1x128xi32, #tpu.memory_space<vmem>> -> memref<128xi32, #tpu.memory_space<vmem>>
    %dma_wait3A_631 = arith.constant 0 : i32
    %dma_wait3A_632 = arith.constant 0 : i32
    %dma_wait3A_633 = tpu.memref_slice %arg2[%dma_wait3A_631, %dma_wait3A_632] : memref<10000x128xf32, #tpu.memory_space<hbm>> -> memref<10000x128xf32, #tpu.memory_space<hbm>>
    tpu.wait_indirect_dma semaphore(%arg18 : memref<!tpu.dma_semaphore, #tpu.memory_space<semaphore_mem>>) src(%dma_wait3A_633 : memref<10000x128xf32, #tpu.memory_space<hbm>>) dst(%arg14 : memref<128x128xf32, #tpu.memory_space<vmem>>)
    %run_scoped3A_634 = arith.constant 1 : i32
    "tpu.region"() ({
      %run_scoped3A_794 = tpu.sem_alloc : memref<!tpu.dma_semaphore, #tpu.memory_space<semaphore_mem>>
      %dma_start3A_795 = arith.constant 0 : i32
      %dma_start3A_796 = tpu.memref_slice %arg10[%run_scoped3A_634, %dma_start3A_795] : memref<2x128xi32, #tpu.memory_space<vmem>> -> memref<1x128xi32, #tpu.memory_space<vmem>>
      %dma_start3A_797 = tpu.memref_squeeze %dma_start3A_796 : memref<1x128xi32, #tpu.memory_space<vmem>> -> memref<128xi32, #tpu.memory_space<vmem>>
      %dma_start3A_798 = arith.constant 0 : i32
      %dma_start3A_799 = arith.constant 0 : i32
      %dma_start3A_800 = tpu.memref_slice %arg15[%dma_start3A_798, %dma_start3A_799] : memref<10040x128xf32, #tpu.memory_space<vmem_shared>> -> memref<10040x128xf32, #tpu.memory_space<vmem_shared>>
      tpu.enqueue_indirect_dma source(%arg14 : memref<128x128xf32, #tpu.memory_space<vmem>>) target(%dma_start3A_800 : memref<10040x128xf32, #tpu.memory_space<vmem_shared>>) offsets(%dma_start3A_797 : memref<128xi32, #tpu.memory_space<vmem>>) semaphore(%run_scoped3A_794 : memref<!tpu.dma_semaphore, #tpu.memory_space<semaphore_mem>>) {add = true}
      %dma_wait3A_801 = arith.constant 0 : i32
      %dma_wait3A_802 = tpu.memref_slice %arg10[%run_scoped3A_634, %dma_wait3A_801] : memref<2x128xi32, #tpu.memory_space<vmem>> -> memref<1x128xi32, #tpu.memory_space<vmem>>
      %dma_wait3A_803 = tpu.memref_squeeze %dma_wait3A_802 : memref<1x128xi32, #tpu.memory_space<vmem>> -> memref<128xi32, #tpu.memory_space<vmem>>
      %dma_wait3A_804 = arith.constant 0 : i32
      %dma_wait3A_805 = arith.constant 0 : i32
      %dma_wait3A_806 = tpu.memref_slice %arg15[%dma_wait3A_804, %dma_wait3A_805] : memref<10040x128xf32, #tpu.memory_space<vmem_shared>> -> memref<10040x128xf32, #tpu.memory_space<vmem_shared>>
      tpu.wait_indirect_dma semaphore(%run_scoped3A_794 : memref<!tpu.dma_semaphore, #tpu.memory_space<semaphore_mem>>) src(%arg14 : memref<128x128xf32, #tpu.memory_space<vmem>>) dst(%dma_wait3A_806 : memref<10040x128xf32, #tpu.memory_space<vmem_shared>>)
      tpu.yield
    }) : () -> ()
    %dma_start3A_635 = arith.constant 41 : i32
    %dma_start3A_636 = arith.constant 0 : i32
    %dma_start3A_637 = arith.constant 0 : i32
    %dma_start3A_638 = tpu.memref_slice %arg3[%add3A, %dma_start3A_635, %dma_start3A_636, %dma_start3A_637] : memref<32x42x2x128xi32, #tpu.memory_space<hbm>> -> memref<1x1x2x128xi32, #tpu.memory_space<hbm>>
    %dma_start3A_639 = tpu.memref_squeeze %dma_start3A_638 : memref<1x1x2x128xi32, #tpu.memory_space<hbm>> -> memref<2x128xi32, #tpu.memory_space<hbm>>
    %dma_start3A_640 = arith.constant 0 : i32
    %dma_start3A_641 = arith.constant 0 : i32
    %dma_start3A_642 = tpu.memref_slice %arg3[%add3A, %dma_start3A_635, %dma_start3A_640, %dma_start3A_641] : memref<32x42x2x128xi32, #tpu.memory_space<hbm>> -> memref<1x1x2x128xi32, #tpu.memory_space<hbm>>
    %dma_start3A_643 = tpu.memref_squeeze %dma_start3A_642 : memref<1x1x2x128xi32, #tpu.memory_space<hbm>> -> memref<2x128xi32, #tpu.memory_space<hbm>>
    tpu.enqueue_dma source(%dma_start3A_643 : memref<2x128xi32, #tpu.memory_space<hbm>>) target(%arg9 : memref<2x128xi32, #tpu.memory_space<vmem>>) target_semaphore(%arg21 : memref<!tpu.dma_semaphore, #tpu.memory_space<semaphore_mem>>)
    %dma_start3A_644 = arith.constant 40 : i32
    %dma_start3A_645 = arith.constant 0 : i32
    %dma_start3A_646 = arith.constant 0 : i32
    %dma_start3A_647 = tpu.memref_slice %arg4[%add3A, %dma_start3A_644, %dma_start3A_645, %dma_start3A_646] : memref<32x42x2x128xi32, #tpu.memory_space<hbm>> -> memref<1x1x2x128xi32, #tpu.memory_space<hbm>>
    %dma_start3A_648 = tpu.memref_squeeze %dma_start3A_647 : memref<1x1x2x128xi32, #tpu.memory_space<hbm>> -> memref<2x128xi32, #tpu.memory_space<hbm>>
    %dma_start3A_649 = arith.constant 0 : i32
    %dma_start3A_650 = arith.constant 0 : i32
    %dma_start3A_651 = tpu.memref_slice %arg4[%add3A, %dma_start3A_644, %dma_start3A_649, %dma_start3A_650] : memref<32x42x2x128xi32, #tpu.memory_space<hbm>> -> memref<1x1x2x128xi32, #tpu.memory_space<hbm>>
    %dma_start3A_652 = tpu.memref_squeeze %dma_start3A_651 : memref<1x1x2x128xi32, #tpu.memory_space<hbm>> -> memref<2x128xi32, #tpu.memory_space<hbm>>
    tpu.enqueue_dma source(%dma_start3A_652 : memref<2x128xi32, #tpu.memory_space<hbm>>) target(%arg10 : memref<2x128xi32, #tpu.memory_space<vmem>>) target_semaphore(%arg22 : memref<!tpu.dma_semaphore, #tpu.memory_space<semaphore_mem>>)
    %dma_wait3A_653 = arith.constant 36 : i32
    %dma_wait3A_654 = arith.constant 0 : i32
    %dma_wait3A_655 = arith.constant 0 : i32
    %dma_wait3A_656 = tpu.memref_slice %arg3[%add3A, %dma_wait3A_653, %dma_wait3A_654, %dma_wait3A_655] : memref<32x42x2x128xi32, #tpu.memory_space<hbm>> -> memref<1x1x2x128xi32, #tpu.memory_space<hbm>>
    %dma_wait3A_657 = tpu.memref_squeeze %dma_wait3A_656 : memref<1x1x2x128xi32, #tpu.memory_space<hbm>> -> memref<2x128xi32, #tpu.memory_space<hbm>>
    %dma_wait3A_658 = arith.constant 0 : i32
    %dma_wait3A_659 = arith.constant 0 : i32
    %dma_wait3A_660 = tpu.memref_slice %arg3[%add3A, %dma_wait3A_653, %dma_wait3A_658, %dma_wait3A_659] : memref<32x42x2x128xi32, #tpu.memory_space<hbm>> -> memref<1x1x2x128xi32, #tpu.memory_space<hbm>>
    %dma_wait3A_661 = tpu.memref_squeeze %dma_wait3A_660 : memref<1x1x2x128xi32, #tpu.memory_space<hbm>> -> memref<2x128xi32, #tpu.memory_space<hbm>>
    tpu.wait_dma2 semaphore(%arg20 : memref<!tpu.dma_semaphore, #tpu.memory_space<semaphore_mem>>) src(%dma_wait3A_661 : memref<2x128xi32, #tpu.memory_space<hbm>>) dst(%arg8 : memref<2x128xi32, #tpu.memory_space<vmem>>)
    %dma_start3A_662 = arith.constant 0 : i32
    %dma_start3A_663 = arith.constant 0 : i32
    %dma_start3A_664 = tpu.memref_slice %arg8[%dma_start3A_662, %dma_start3A_663] : memref<2x128xi32, #tpu.memory_space<vmem>> -> memref<1x128xi32, #tpu.memory_space<vmem>>
    %dma_start3A_665 = tpu.memref_squeeze %dma_start3A_664 : memref<1x128xi32, #tpu.memory_space<vmem>> -> memref<128xi32, #tpu.memory_space<vmem>>
    %dma_start3A_666 = arith.constant 0 : i32
    %dma_start3A_667 = arith.constant 0 : i32
    %dma_start3A_668 = tpu.memref_slice %arg2[%dma_start3A_666, %dma_start3A_667] : memref<10000x128xf32, #tpu.memory_space<hbm>> -> memref<10000x128xf32, #tpu.memory_space<hbm>>
    tpu.enqueue_indirect_dma source(%dma_start3A_668 : memref<10000x128xf32, #tpu.memory_space<hbm>>) target(%arg14 : memref<128x128xf32, #tpu.memory_space<vmem>>) offsets(%dma_start3A_665 : memref<128xi32, #tpu.memory_space<vmem>>) semaphore(%arg18 : memref<!tpu.dma_semaphore, #tpu.memory_space<semaphore_mem>>)
    %dma_wait3A_669 = arith.constant 0 : i32
    %dma_wait3A_670 = arith.constant 0 : i32
    %dma_wait3A_671 = tpu.memref_slice %arg7[%dma_wait3A_669, %dma_wait3A_670] : memref<2x128xi32, #tpu.memory_space<vmem>> -> memref<1x128xi32, #tpu.memory_space<vmem>>
    %dma_wait3A_672 = tpu.memref_squeeze %dma_wait3A_671 : memref<1x128xi32, #tpu.memory_space<vmem>> -> memref<128xi32, #tpu.memory_space<vmem>>
    %dma_wait3A_673 = arith.constant 0 : i32
    %dma_wait3A_674 = arith.constant 0 : i32
    %dma_wait3A_675 = tpu.memref_slice %arg2[%dma_wait3A_673, %dma_wait3A_674] : memref<10000x128xf32, #tpu.memory_space<hbm>> -> memref<10000x128xf32, #tpu.memory_space<hbm>>
    tpu.wait_indirect_dma semaphore(%arg16 : memref<!tpu.dma_semaphore, #tpu.memory_space<semaphore_mem>>) src(%dma_wait3A_675 : memref<10000x128xf32, #tpu.memory_space<hbm>>) dst(%arg12 : memref<128x128xf32, #tpu.memory_space<vmem>>)
    %dma_wait3A_676 = arith.constant 36 : i32
    %dma_wait3A_677 = arith.constant 0 : i32
    %dma_wait3A_678 = arith.constant 0 : i32
    %dma_wait3A_679 = tpu.memref_slice %arg4[%add3A, %dma_wait3A_676, %dma_wait3A_677, %dma_wait3A_678] : memref<32x42x2x128xi32, #tpu.memory_space<hbm>> -> memref<1x1x2x128xi32, #tpu.memory_space<hbm>>
    %dma_wait3A_680 = tpu.memref_squeeze %dma_wait3A_679 : memref<1x1x2x128xi32, #tpu.memory_space<hbm>> -> memref<2x128xi32, #tpu.memory_space<hbm>>
    %dma_wait3A_681 = arith.constant 0 : i32
    %dma_wait3A_682 = arith.constant 0 : i32
    %dma_wait3A_683 = tpu.memref_slice %arg4[%add3A, %dma_wait3A_676, %dma_wait3A_681, %dma_wait3A_682] : memref<32x42x2x128xi32, #tpu.memory_space<hbm>> -> memref<1x1x2x128xi32, #tpu.memory_space<hbm>>
    %dma_wait3A_684 = tpu.memref_squeeze %dma_wait3A_683 : memref<1x1x2x128xi32, #tpu.memory_space<hbm>> -> memref<2x128xi32, #tpu.memory_space<hbm>>
    tpu.wait_dma2 semaphore(%arg23 : memref<!tpu.dma_semaphore, #tpu.memory_space<semaphore_mem>>) src(%dma_wait3A_684 : memref<2x128xi32, #tpu.memory_space<hbm>>) dst(%arg11 : memref<2x128xi32, #tpu.memory_space<vmem>>)
    %run_scoped3A_685 = arith.constant 0 : i32
    "tpu.region"() ({
      %run_scoped3A_794 = tpu.sem_alloc : memref<!tpu.dma_semaphore, #tpu.memory_space<semaphore_mem>>
      %dma_start3A_795 = arith.constant 0 : i32
      %dma_start3A_796 = tpu.memref_slice %arg11[%run_scoped3A_685, %dma_start3A_795] : memref<2x128xi32, #tpu.memory_space<vmem>> -> memref<1x128xi32, #tpu.memory_space<vmem>>
      %dma_start3A_797 = tpu.memref_squeeze %dma_start3A_796 : memref<1x128xi32, #tpu.memory_space<vmem>> -> memref<128xi32, #tpu.memory_space<vmem>>
      %dma_start3A_798 = arith.constant 0 : i32
      %dma_start3A_799 = arith.constant 0 : i32
      %dma_start3A_800 = tpu.memref_slice %arg15[%dma_start3A_798, %dma_start3A_799] : memref<10040x128xf32, #tpu.memory_space<vmem_shared>> -> memref<10040x128xf32, #tpu.memory_space<vmem_shared>>
      tpu.enqueue_indirect_dma source(%arg12 : memref<128x128xf32, #tpu.memory_space<vmem>>) target(%dma_start3A_800 : memref<10040x128xf32, #tpu.memory_space<vmem_shared>>) offsets(%dma_start3A_797 : memref<128xi32, #tpu.memory_space<vmem>>) semaphore(%run_scoped3A_794 : memref<!tpu.dma_semaphore, #tpu.memory_space<semaphore_mem>>) {add = true}
      %dma_wait3A_801 = arith.constant 0 : i32
      %dma_wait3A_802 = tpu.memref_slice %arg11[%run_scoped3A_685, %dma_wait3A_801] : memref<2x128xi32, #tpu.memory_space<vmem>> -> memref<1x128xi32, #tpu.memory_space<vmem>>
      %dma_wait3A_803 = tpu.memref_squeeze %dma_wait3A_802 : memref<1x128xi32, #tpu.memory_space<vmem>> -> memref<128xi32, #tpu.memory_space<vmem>>
      %dma_wait3A_804 = arith.constant 0 : i32
      %dma_wait3A_805 = arith.constant 0 : i32
      %dma_wait3A_806 = tpu.memref_slice %arg15[%dma_wait3A_804, %dma_wait3A_805] : memref<10040x128xf32, #tpu.memory_space<vmem_shared>> -> memref<10040x128xf32, #tpu.memory_space<vmem_shared>>
      tpu.wait_indirect_dma semaphore(%run_scoped3A_794 : memref<!tpu.dma_semaphore, #tpu.memory_space<semaphore_mem>>) src(%arg12 : memref<128x128xf32, #tpu.memory_space<vmem>>) dst(%dma_wait3A_806 : memref<10040x128xf32, #tpu.memory_space<vmem_shared>>)
      tpu.yield
    }) : () -> ()
    %dma_start3A_686 = arith.constant 1 : i32
    %dma_start3A_687 = arith.constant 0 : i32
    %dma_start3A_688 = tpu.memref_slice %arg8[%dma_start3A_686, %dma_start3A_687] : memref<2x128xi32, #tpu.memory_space<vmem>> -> memref<1x128xi32, #tpu.memory_space<vmem>>
    %dma_start3A_689 = tpu.memref_squeeze %dma_start3A_688 : memref<1x128xi32, #tpu.memory_space<vmem>> -> memref<128xi32, #tpu.memory_space<vmem>>
    %dma_start3A_690 = arith.constant 0 : i32
    %dma_start3A_691 = arith.constant 0 : i32
    %dma_start3A_692 = tpu.memref_slice %arg2[%dma_start3A_690, %dma_start3A_691] : memref<10000x128xf32, #tpu.memory_space<hbm>> -> memref<10000x128xf32, #tpu.memory_space<hbm>>
    tpu.enqueue_indirect_dma source(%dma_start3A_692 : memref<10000x128xf32, #tpu.memory_space<hbm>>) target(%arg12 : memref<128x128xf32, #tpu.memory_space<vmem>>) offsets(%dma_start3A_689 : memref<128xi32, #tpu.memory_space<vmem>>) semaphore(%arg16 : memref<!tpu.dma_semaphore, #tpu.memory_space<semaphore_mem>>)
    %dma_wait3A_693 = arith.constant 0 : i32
    %dma_wait3A_694 = arith.constant 0 : i32
    %dma_wait3A_695 = tpu.memref_slice %arg7[%dma_wait3A_693, %dma_wait3A_694] : memref<2x128xi32, #tpu.memory_space<vmem>> -> memref<1x128xi32, #tpu.memory_space<vmem>>
    %dma_wait3A_696 = tpu.memref_squeeze %dma_wait3A_695 : memref<1x128xi32, #tpu.memory_space<vmem>> -> memref<128xi32, #tpu.memory_space<vmem>>
    %dma_wait3A_697 = arith.constant 0 : i32
    %dma_wait3A_698 = arith.constant 0 : i32
    %dma_wait3A_699 = tpu.memref_slice %arg2[%dma_wait3A_697, %dma_wait3A_698] : memref<10000x128xf32, #tpu.memory_space<hbm>> -> memref<10000x128xf32, #tpu.memory_space<hbm>>
    tpu.wait_indirect_dma semaphore(%arg17 : memref<!tpu.dma_semaphore, #tpu.memory_space<semaphore_mem>>) src(%dma_wait3A_699 : memref<10000x128xf32, #tpu.memory_space<hbm>>) dst(%arg13 : memref<128x128xf32, #tpu.memory_space<vmem>>)
    %run_scoped3A_700 = arith.constant 1 : i32
    "tpu.region"() ({
      %run_scoped3A_794 = tpu.sem_alloc : memref<!tpu.dma_semaphore, #tpu.memory_space<semaphore_mem>>
      %dma_start3A_795 = arith.constant 0 : i32
      %dma_start3A_796 = tpu.memref_slice %arg11[%run_scoped3A_700, %dma_start3A_795] : memref<2x128xi32, #tpu.memory_space<vmem>> -> memref<1x128xi32, #tpu.memory_space<vmem>>
      %dma_start3A_797 = tpu.memref_squeeze %dma_start3A_796 : memref<1x128xi32, #tpu.memory_space<vmem>> -> memref<128xi32, #tpu.memory_space<vmem>>
      %dma_start3A_798 = arith.constant 0 : i32
      %dma_start3A_799 = arith.constant 0 : i32
      %dma_start3A_800 = tpu.memref_slice %arg15[%dma_start3A_798, %dma_start3A_799] : memref<10040x128xf32, #tpu.memory_space<vmem_shared>> -> memref<10040x128xf32, #tpu.memory_space<vmem_shared>>
      tpu.enqueue_indirect_dma source(%arg13 : memref<128x128xf32, #tpu.memory_space<vmem>>) target(%dma_start3A_800 : memref<10040x128xf32, #tpu.memory_space<vmem_shared>>) offsets(%dma_start3A_797 : memref<128xi32, #tpu.memory_space<vmem>>) semaphore(%run_scoped3A_794 : memref<!tpu.dma_semaphore, #tpu.memory_space<semaphore_mem>>) {add = true}
      %dma_wait3A_801 = arith.constant 0 : i32
      %dma_wait3A_802 = tpu.memref_slice %arg11[%run_scoped3A_700, %dma_wait3A_801] : memref<2x128xi32, #tpu.memory_space<vmem>> -> memref<1x128xi32, #tpu.memory_space<vmem>>
      %dma_wait3A_803 = tpu.memref_squeeze %dma_wait3A_802 : memref<1x128xi32, #tpu.memory_space<vmem>> -> memref<128xi32, #tpu.memory_space<vmem>>
      %dma_wait3A_804 = arith.constant 0 : i32
      %dma_wait3A_805 = arith.constant 0 : i32
      %dma_wait3A_806 = tpu.memref_slice %arg15[%dma_wait3A_804, %dma_wait3A_805] : memref<10040x128xf32, #tpu.memory_space<vmem_shared>> -> memref<10040x128xf32, #tpu.memory_space<vmem_shared>>
      tpu.wait_indirect_dma semaphore(%run_scoped3A_794 : memref<!tpu.dma_semaphore, #tpu.memory_space<semaphore_mem>>) src(%arg13 : memref<128x128xf32, #tpu.memory_space<vmem>>) dst(%dma_wait3A_806 : memref<10040x128xf32, #tpu.memory_space<vmem_shared>>)
      tpu.yield
    }) : () -> ()
    %dma_start3A_701 = arith.constant 41 : i32
    %dma_start3A_702 = arith.constant 0 : i32
    %dma_start3A_703 = arith.constant 0 : i32
    %dma_start3A_704 = tpu.memref_slice %arg4[%add3A, %dma_start3A_701, %dma_start3A_702, %dma_start3A_703] : memref<32x42x2x128xi32, #tpu.memory_space<hbm>> -> memref<1x1x2x128xi32, #tpu.memory_space<hbm>>
    %dma_start3A_705 = tpu.memref_squeeze %dma_start3A_704 : memref<1x1x2x128xi32, #tpu.memory_space<hbm>> -> memref<2x128xi32, #tpu.memory_space<hbm>>
    %dma_start3A_706 = arith.constant 0 : i32
    %dma_start3A_707 = arith.constant 0 : i32
    %dma_start3A_708 = tpu.memref_slice %arg4[%add3A, %dma_start3A_701, %dma_start3A_706, %dma_start3A_707] : memref<32x42x2x128xi32, #tpu.memory_space<hbm>> -> memref<1x1x2x128xi32, #tpu.memory_space<hbm>>
    %dma_start3A_709 = tpu.memref_squeeze %dma_start3A_708 : memref<1x1x2x128xi32, #tpu.memory_space<hbm>> -> memref<2x128xi32, #tpu.memory_space<hbm>>
    tpu.enqueue_dma source(%dma_start3A_709 : memref<2x128xi32, #tpu.memory_space<hbm>>) target(%arg11 : memref<2x128xi32, #tpu.memory_space<vmem>>) target_semaphore(%arg23 : memref<!tpu.dma_semaphore, #tpu.memory_space<semaphore_mem>>)
    %dma_wait3A_710 = arith.constant 36 : i32
    %dma_wait3A_711 = arith.constant 0 : i32
    %dma_wait3A_712 = arith.constant 0 : i32
    %dma_wait3A_713 = tpu.memref_slice %arg3[%add3A, %dma_wait3A_710, %dma_wait3A_711, %dma_wait3A_712] : memref<32x42x2x128xi32, #tpu.memory_space<hbm>> -> memref<1x1x2x128xi32, #tpu.memory_space<hbm>>
    %dma_wait3A_714 = tpu.memref_squeeze %dma_wait3A_713 : memref<1x1x2x128xi32, #tpu.memory_space<hbm>> -> memref<2x128xi32, #tpu.memory_space<hbm>>
    %dma_wait3A_715 = arith.constant 0 : i32
    %dma_wait3A_716 = arith.constant 0 : i32
    %dma_wait3A_717 = tpu.memref_slice %arg3[%add3A, %dma_wait3A_710, %dma_wait3A_715, %dma_wait3A_716] : memref<32x42x2x128xi32, #tpu.memory_space<hbm>> -> memref<1x1x2x128xi32, #tpu.memory_space<hbm>>
    %dma_wait3A_718 = tpu.memref_squeeze %dma_wait3A_717 : memref<1x1x2x128xi32, #tpu.memory_space<hbm>> -> memref<2x128xi32, #tpu.memory_space<hbm>>
    tpu.wait_dma2 semaphore(%arg21 : memref<!tpu.dma_semaphore, #tpu.memory_space<semaphore_mem>>) src(%dma_wait3A_718 : memref<2x128xi32, #tpu.memory_space<hbm>>) dst(%arg9 : memref<2x128xi32, #tpu.memory_space<vmem>>)
    %dma_start3A_719 = arith.constant 0 : i32
    %dma_start3A_720 = arith.constant 0 : i32
    %dma_start3A_721 = tpu.memref_slice %arg9[%dma_start3A_719, %dma_start3A_720] : memref<2x128xi32, #tpu.memory_space<vmem>> -> memref<1x128xi32, #tpu.memory_space<vmem>>
    %dma_start3A_722 = tpu.memref_squeeze %dma_start3A_721 : memref<1x128xi32, #tpu.memory_space<vmem>> -> memref<128xi32, #tpu.memory_space<vmem>>
    %dma_start3A_723 = arith.constant 0 : i32
    %dma_start3A_724 = arith.constant 0 : i32
    %dma_start3A_725 = tpu.memref_slice %arg2[%dma_start3A_723, %dma_start3A_724] : memref<10000x128xf32, #tpu.memory_space<hbm>> -> memref<10000x128xf32, #tpu.memory_space<hbm>>
    tpu.enqueue_indirect_dma source(%dma_start3A_725 : memref<10000x128xf32, #tpu.memory_space<hbm>>) target(%arg13 : memref<128x128xf32, #tpu.memory_space<vmem>>) offsets(%dma_start3A_722 : memref<128xi32, #tpu.memory_space<vmem>>) semaphore(%arg17 : memref<!tpu.dma_semaphore, #tpu.memory_space<semaphore_mem>>)
    %dma_wait3A_726 = arith.constant 0 : i32
    %dma_wait3A_727 = arith.constant 0 : i32
    %dma_wait3A_728 = tpu.memref_slice %arg7[%dma_wait3A_726, %dma_wait3A_727] : memref<2x128xi32, #tpu.memory_space<vmem>> -> memref<1x128xi32, #tpu.memory_space<vmem>>
    %dma_wait3A_729 = tpu.memref_squeeze %dma_wait3A_728 : memref<1x128xi32, #tpu.memory_space<vmem>> -> memref<128xi32, #tpu.memory_space<vmem>>
    %dma_wait3A_730 = arith.constant 0 : i32
    %dma_wait3A_731 = arith.constant 0 : i32
    %dma_wait3A_732 = tpu.memref_slice %arg2[%dma_wait3A_730, %dma_wait3A_731] : memref<10000x128xf32, #tpu.memory_space<hbm>> -> memref<10000x128xf32, #tpu.memory_space<hbm>>
    tpu.wait_indirect_dma semaphore(%arg18 : memref<!tpu.dma_semaphore, #tpu.memory_space<semaphore_mem>>) src(%dma_wait3A_732 : memref<10000x128xf32, #tpu.memory_space<hbm>>) dst(%arg14 : memref<128x128xf32, #tpu.memory_space<vmem>>)
    %dma_wait3A_733 = arith.constant 36 : i32
    %dma_wait3A_734 = arith.constant 0 : i32
    %dma_wait3A_735 = arith.constant 0 : i32
    %dma_wait3A_736 = tpu.memref_slice %arg4[%add3A, %dma_wait3A_733, %dma_wait3A_734, %dma_wait3A_735] : memref<32x42x2x128xi32, #tpu.memory_space<hbm>> -> memref<1x1x2x128xi32, #tpu.memory_space<hbm>>
    %dma_wait3A_737 = tpu.memref_squeeze %dma_wait3A_736 : memref<1x1x2x128xi32, #tpu.memory_space<hbm>> -> memref<2x128xi32, #tpu.memory_space<hbm>>
    %dma_wait3A_738 = arith.constant 0 : i32
    %dma_wait3A_739 = arith.constant 0 : i32
    %dma_wait3A_740 = tpu.memref_slice %arg4[%add3A, %dma_wait3A_733, %dma_wait3A_738, %dma_wait3A_739] : memref<32x42x2x128xi32, #tpu.memory_space<hbm>> -> memref<1x1x2x128xi32, #tpu.memory_space<hbm>>
    %dma_wait3A_741 = tpu.memref_squeeze %dma_wait3A_740 : memref<1x1x2x128xi32, #tpu.memory_space<hbm>> -> memref<2x128xi32, #tpu.memory_space<hbm>>
    tpu.wait_dma2 semaphore(%arg22 : memref<!tpu.dma_semaphore, #tpu.memory_space<semaphore_mem>>) src(%dma_wait3A_741 : memref<2x128xi32, #tpu.memory_space<hbm>>) dst(%arg10 : memref<2x128xi32, #tpu.memory_space<vmem>>)
    %run_scoped3A_742 = arith.constant 0 : i32
    "tpu.region"() ({
      %run_scoped3A_794 = tpu.sem_alloc : memref<!tpu.dma_semaphore, #tpu.memory_space<semaphore_mem>>
      %dma_start3A_795 = arith.constant 0 : i32
      %dma_start3A_796 = tpu.memref_slice %arg10[%run_scoped3A_742, %dma_start3A_795] : memref<2x128xi32, #tpu.memory_space<vmem>> -> memref<1x128xi32, #tpu.memory_space<vmem>>
      %dma_start3A_797 = tpu.memref_squeeze %dma_start3A_796 : memref<1x128xi32, #tpu.memory_space<vmem>> -> memref<128xi32, #tpu.memory_space<vmem>>
      %dma_start3A_798 = arith.constant 0 : i32
      %dma_start3A_799 = arith.constant 0 : i32
      %dma_start3A_800 = tpu.memref_slice %arg15[%dma_start3A_798, %dma_start3A_799] : memref<10040x128xf32, #tpu.memory_space<vmem_shared>> -> memref<10040x128xf32, #tpu.memory_space<vmem_shared>>
      tpu.enqueue_indirect_dma source(%arg14 : memref<128x128xf32, #tpu.memory_space<vmem>>) target(%dma_start3A_800 : memref<10040x128xf32, #tpu.memory_space<vmem_shared>>) offsets(%dma_start3A_797 : memref<128xi32, #tpu.memory_space<vmem>>) semaphore(%run_scoped3A_794 : memref<!tpu.dma_semaphore, #tpu.memory_space<semaphore_mem>>) {add = true}
      %dma_wait3A_801 = arith.constant 0 : i32
      %dma_wait3A_802 = tpu.memref_slice %arg10[%run_scoped3A_742, %dma_wait3A_801] : memref<2x128xi32, #tpu.memory_space<vmem>> -> memref<1x128xi32, #tpu.memory_space<vmem>>
      %dma_wait3A_803 = tpu.memref_squeeze %dma_wait3A_802 : memref<1x128xi32, #tpu.memory_space<vmem>> -> memref<128xi32, #tpu.memory_space<vmem>>
      %dma_wait3A_804 = arith.constant 0 : i32
      %dma_wait3A_805 = arith.constant 0 : i32
      %dma_wait3A_806 = tpu.memref_slice %arg15[%dma_wait3A_804, %dma_wait3A_805] : memref<10040x128xf32, #tpu.memory_space<vmem_shared>> -> memref<10040x128xf32, #tpu.memory_space<vmem_shared>>
      tpu.wait_indirect_dma semaphore(%run_scoped3A_794 : memref<!tpu.dma_semaphore, #tpu.memory_space<semaphore_mem>>) src(%arg14 : memref<128x128xf32, #tpu.memory_space<vmem>>) dst(%dma_wait3A_806 : memref<10040x128xf32, #tpu.memory_space<vmem_shared>>)
      tpu.yield
    }) : () -> ()
    %dma_start3A_743 = arith.constant 1 : i32
    %dma_start3A_744 = arith.constant 0 : i32
    %dma_start3A_745 = tpu.memref_slice %arg9[%dma_start3A_743, %dma_start3A_744] : memref<2x128xi32, #tpu.memory_space<vmem>> -> memref<1x128xi32, #tpu.memory_space<vmem>>
    %dma_start3A_746 = tpu.memref_squeeze %dma_start3A_745 : memref<1x128xi32, #tpu.memory_space<vmem>> -> memref<128xi32, #tpu.memory_space<vmem>>
    %dma_start3A_747 = arith.constant 0 : i32
    %dma_start3A_748 = arith.constant 0 : i32
    %dma_start3A_749 = tpu.memref_slice %arg2[%dma_start3A_747, %dma_start3A_748] : memref<10000x128xf32, #tpu.memory_space<hbm>> -> memref<10000x128xf32, #tpu.memory_space<hbm>>
    tpu.enqueue_indirect_dma source(%dma_start3A_749 : memref<10000x128xf32, #tpu.memory_space<hbm>>) target(%arg14 : memref<128x128xf32, #tpu.memory_space<vmem>>) offsets(%dma_start3A_746 : memref<128xi32, #tpu.memory_space<vmem>>) semaphore(%arg18 : memref<!tpu.dma_semaphore, #tpu.memory_space<semaphore_mem>>)
    %dma_wait3A_750 = arith.constant 0 : i32
    %dma_wait3A_751 = arith.constant 0 : i32
    %dma_wait3A_752 = tpu.memref_slice %arg7[%dma_wait3A_750, %dma_wait3A_751] : memref<2x128xi32, #tpu.memory_space<vmem>> -> memref<1x128xi32, #tpu.memory_space<vmem>>
    %dma_wait3A_753 = tpu.memref_squeeze %dma_wait3A_752 : memref<1x128xi32, #tpu.memory_space<vmem>> -> memref<128xi32, #tpu.memory_space<vmem>>
    %dma_wait3A_754 = arith.constant 0 : i32
    %dma_wait3A_755 = arith.constant 0 : i32
    %dma_wait3A_756 = tpu.memref_slice %arg2[%dma_wait3A_754, %dma_wait3A_755] : memref<10000x128xf32, #tpu.memory_space<hbm>> -> memref<10000x128xf32, #tpu.memory_space<hbm>>
    tpu.wait_indirect_dma semaphore(%arg16 : memref<!tpu.dma_semaphore, #tpu.memory_space<semaphore_mem>>) src(%dma_wait3A_756 : memref<10000x128xf32, #tpu.memory_space<hbm>>) dst(%arg12 : memref<128x128xf32, #tpu.memory_space<vmem>>)
    %run_scoped3A_757 = arith.constant 1 : i32
    "tpu.region"() ({
      %run_scoped3A_794 = tpu.sem_alloc : memref<!tpu.dma_semaphore, #tpu.memory_space<semaphore_mem>>
      %dma_start3A_795 = arith.constant 0 : i32
      %dma_start3A_796 = tpu.memref_slice %arg10[%run_scoped3A_757, %dma_start3A_795] : memref<2x128xi32, #tpu.memory_space<vmem>> -> memref<1x128xi32, #tpu.memory_space<vmem>>
      %dma_start3A_797 = tpu.memref_squeeze %dma_start3A_796 : memref<1x128xi32, #tpu.memory_space<vmem>> -> memref<128xi32, #tpu.memory_space<vmem>>
      %dma_start3A_798 = arith.constant 0 : i32
      %dma_start3A_799 = arith.constant 0 : i32
      %dma_start3A_800 = tpu.memref_slice %arg15[%dma_start3A_798, %dma_start3A_799] : memref<10040x128xf32, #tpu.memory_space<vmem_shared>> -> memref<10040x128xf32, #tpu.memory_space<vmem_shared>>
      tpu.enqueue_indirect_dma source(%arg12 : memref<128x128xf32, #tpu.memory_space<vmem>>) target(%dma_start3A_800 : memref<10040x128xf32, #tpu.memory_space<vmem_shared>>) offsets(%dma_start3A_797 : memref<128xi32, #tpu.memory_space<vmem>>) semaphore(%run_scoped3A_794 : memref<!tpu.dma_semaphore, #tpu.memory_space<semaphore_mem>>) {add = true}
      %dma_wait3A_801 = arith.constant 0 : i32
      %dma_wait3A_802 = tpu.memref_slice %arg10[%run_scoped3A_757, %dma_wait3A_801] : memref<2x128xi32, #tpu.memory_space<vmem>> -> memref<1x128xi32, #tpu.memory_space<vmem>>
      %dma_wait3A_803 = tpu.memref_squeeze %dma_wait3A_802 : memref<1x128xi32, #tpu.memory_space<vmem>> -> memref<128xi32, #tpu.memory_space<vmem>>
      %dma_wait3A_804 = arith.constant 0 : i32
      %dma_wait3A_805 = arith.constant 0 : i32
      %dma_wait3A_806 = tpu.memref_slice %arg15[%dma_wait3A_804, %dma_wait3A_805] : memref<10040x128xf32, #tpu.memory_space<vmem_shared>> -> memref<10040x128xf32, #tpu.memory_space<vmem_shared>>
      tpu.wait_indirect_dma semaphore(%run_scoped3A_794 : memref<!tpu.dma_semaphore, #tpu.memory_space<semaphore_mem>>) src(%arg12 : memref<128x128xf32, #tpu.memory_space<vmem>>) dst(%dma_wait3A_806 : memref<10040x128xf32, #tpu.memory_space<vmem_shared>>)
      tpu.yield
    }) : () -> ()
    %dma_wait3A_758 = arith.constant 0 : i32
    %dma_wait3A_759 = arith.constant 0 : i32
    %dma_wait3A_760 = tpu.memref_slice %arg7[%dma_wait3A_758, %dma_wait3A_759] : memref<2x128xi32, #tpu.memory_space<vmem>> -> memref<1x128xi32, #tpu.memory_space<vmem>>
    %dma_wait3A_761 = tpu.memref_squeeze %dma_wait3A_760 : memref<1x128xi32, #tpu.memory_space<vmem>> -> memref<128xi32, #tpu.memory_space<vmem>>
    %dma_wait3A_762 = arith.constant 0 : i32
    %dma_wait3A_763 = arith.constant 0 : i32
    %dma_wait3A_764 = tpu.memref_slice %arg2[%dma_wait3A_762, %dma_wait3A_763] : memref<10000x128xf32, #tpu.memory_space<hbm>> -> memref<10000x128xf32, #tpu.memory_space<hbm>>
    tpu.wait_indirect_dma semaphore(%arg17 : memref<!tpu.dma_semaphore, #tpu.memory_space<semaphore_mem>>) src(%dma_wait3A_764 : memref<10000x128xf32, #tpu.memory_space<hbm>>) dst(%arg13 : memref<128x128xf32, #tpu.memory_space<vmem>>)
    %dma_wait3A_765 = arith.constant 36 : i32
    %dma_wait3A_766 = arith.constant 0 : i32
    %dma_wait3A_767 = arith.constant 0 : i32
    %dma_wait3A_768 = tpu.memref_slice %arg4[%add3A, %dma_wait3A_765, %dma_wait3A_766, %dma_wait3A_767] : memref<32x42x2x128xi32, #tpu.memory_space<hbm>> -> memref<1x1x2x128xi32, #tpu.memory_space<hbm>>
    %dma_wait3A_769 = tpu.memref_squeeze %dma_wait3A_768 : memref<1x1x2x128xi32, #tpu.memory_space<hbm>> -> memref<2x128xi32, #tpu.memory_space<hbm>>
    %dma_wait3A_770 = arith.constant 0 : i32
    %dma_wait3A_771 = arith.constant 0 : i32
    %dma_wait3A_772 = tpu.memref_slice %arg4[%add3A, %dma_wait3A_765, %dma_wait3A_770, %dma_wait3A_771] : memref<32x42x2x128xi32, #tpu.memory_space<hbm>> -> memref<1x1x2x128xi32, #tpu.memory_space<hbm>>
    %dma_wait3A_773 = tpu.memref_squeeze %dma_wait3A_772 : memref<1x1x2x128xi32, #tpu.memory_space<hbm>> -> memref<2x128xi32, #tpu.memory_space<hbm>>
    tpu.wait_dma2 semaphore(%arg23 : memref<!tpu.dma_semaphore, #tpu.memory_space<semaphore_mem>>) src(%dma_wait3A_773 : memref<2x128xi32, #tpu.memory_space<hbm>>) dst(%arg11 : memref<2x128xi32, #tpu.memory_space<vmem>>)
    %run_scoped3A_774 = arith.constant 0 : i32
    "tpu.region"() ({
      %run_scoped3A_794 = tpu.sem_alloc : memref<!tpu.dma_semaphore, #tpu.memory_space<semaphore_mem>>
      %dma_start3A_795 = arith.constant 0 : i32
      %dma_start3A_796 = tpu.memref_slice %arg11[%run_scoped3A_774, %dma_start3A_795] : memref<2x128xi32, #tpu.memory_space<vmem>> -> memref<1x128xi32, #tpu.memory_space<vmem>>
      %dma_start3A_797 = tpu.memref_squeeze %dma_start3A_796 : memref<1x128xi32, #tpu.memory_space<vmem>> -> memref<128xi32, #tpu.memory_space<vmem>>
      %dma_start3A_798 = arith.constant 0 : i32
      %dma_start3A_799 = arith.constant 0 : i32
      %dma_start3A_800 = tpu.memref_slice %arg15[%dma_start3A_798, %dma_start3A_799] : memref<10040x128xf32, #tpu.memory_space<vmem_shared>> -> memref<10040x128xf32, #tpu.memory_space<vmem_shared>>
      tpu.enqueue_indirect_dma source(%arg13 : memref<128x128xf32, #tpu.memory_space<vmem>>) target(%dma_start3A_800 : memref<10040x128xf32, #tpu.memory_space<vmem_shared>>) offsets(%dma_start3A_797 : memref<128xi32, #tpu.memory_space<vmem>>) semaphore(%run_scoped3A_794 : memref<!tpu.dma_semaphore, #tpu.memory_space<semaphore_mem>>) {add = true}
      %dma_wait3A_801 = arith.constant 0 : i32
      %dma_wait3A_802 = tpu.memref_slice %arg11[%run_scoped3A_774, %dma_wait3A_801] : memref<2x128xi32, #tpu.memory_space<vmem>> -> memref<1x128xi32, #tpu.memory_space<vmem>>
      %dma_wait3A_803 = tpu.memref_squeeze %dma_wait3A_802 : memref<1x128xi32, #tpu.memory_space<vmem>> -> memref<128xi32, #tpu.memory_space<vmem>>
      %dma_wait3A_804 = arith.constant 0 : i32
      %dma_wait3A_805 = arith.constant 0 : i32
      %dma_wait3A_806 = tpu.memref_slice %arg15[%dma_wait3A_804, %dma_wait3A_805] : memref<10040x128xf32, #tpu.memory_space<vmem_shared>> -> memref<10040x128xf32, #tpu.memory_space<vmem_shared>>
      tpu.wait_indirect_dma semaphore(%run_scoped3A_794 : memref<!tpu.dma_semaphore, #tpu.memory_space<semaphore_mem>>) src(%arg13 : memref<128x128xf32, #tpu.memory_space<vmem>>) dst(%dma_wait3A_806 : memref<10040x128xf32, #tpu.memory_space<vmem_shared>>)
      tpu.yield
    }) : () -> ()
    %dma_wait3A_775 = arith.constant 0 : i32
    %dma_wait3A_776 = arith.constant 0 : i32
    %dma_wait3A_777 = tpu.memref_slice %arg7[%dma_wait3A_775, %dma_wait3A_776] : memref<2x128xi32, #tpu.memory_space<vmem>> -> memref<1x128xi32, #tpu.memory_space<vmem>>
    %dma_wait3A_778 = tpu.memref_squeeze %dma_wait3A_777 : memref<1x128xi32, #tpu.memory_space<vmem>> -> memref<128xi32, #tpu.memory_space<vmem>>
    %dma_wait3A_779 = arith.constant 0 : i32
    %dma_wait3A_780 = arith.constant 0 : i32
    %dma_wait3A_781 = tpu.memref_slice %arg2[%dma_wait3A_779, %dma_wait3A_780] : memref<10000x128xf32, #tpu.memory_space<hbm>> -> memref<10000x128xf32, #tpu.memory_space<hbm>>
    tpu.wait_indirect_dma semaphore(%arg18 : memref<!tpu.dma_semaphore, #tpu.memory_space<semaphore_mem>>) src(%dma_wait3A_781 : memref<10000x128xf32, #tpu.memory_space<hbm>>) dst(%arg14 : memref<128x128xf32, #tpu.memory_space<vmem>>)
    %run_scoped3A_782 = arith.constant 1 : i32
    "tpu.region"() ({
      %run_scoped3A_794 = tpu.sem_alloc : memref<!tpu.dma_semaphore, #tpu.memory_space<semaphore_mem>>
      %dma_start3A_795 = arith.constant 0 : i32
      %dma_start3A_796 = tpu.memref_slice %arg11[%run_scoped3A_782, %dma_start3A_795] : memref<2x128xi32, #tpu.memory_space<vmem>> -> memref<1x128xi32, #tpu.memory_space<vmem>>
      %dma_start3A_797 = tpu.memref_squeeze %dma_start3A_796 : memref<1x128xi32, #tpu.memory_space<vmem>> -> memref<128xi32, #tpu.memory_space<vmem>>
      %dma_start3A_798 = arith.constant 0 : i32
      %dma_start3A_799 = arith.constant 0 : i32
      %dma_start3A_800 = tpu.memref_slice %arg15[%dma_start3A_798, %dma_start3A_799] : memref<10040x128xf32, #tpu.memory_space<vmem_shared>> -> memref<10040x128xf32, #tpu.memory_space<vmem_shared>>
      tpu.enqueue_indirect_dma source(%arg14 : memref<128x128xf32, #tpu.memory_space<vmem>>) target(%dma_start3A_800 : memref<10040x128xf32, #tpu.memory_space<vmem_shared>>) offsets(%dma_start3A_797 : memref<128xi32, #tpu.memory_space<vmem>>) semaphore(%run_scoped3A_794 : memref<!tpu.dma_semaphore, #tpu.memory_space<semaphore_mem>>) {add = true}
      %dma_wait3A_801 = arith.constant 0 : i32
      %dma_wait3A_802 = tpu.memref_slice %arg11[%run_scoped3A_782, %dma_wait3A_801] : memref<2x128xi32, #tpu.memory_space<vmem>> -> memref<1x128xi32, #tpu.memory_space<vmem>>
      %dma_wait3A_803 = tpu.memref_squeeze %dma_wait3A_802 : memref<1x128xi32, #tpu.memory_space<vmem>> -> memref<128xi32, #tpu.memory_space<vmem>>
      %dma_wait3A_804 = arith.constant 0 : i32
      %dma_wait3A_805 = arith.constant 0 : i32
      %dma_wait3A_806 = tpu.memref_slice %arg15[%dma_wait3A_804, %dma_wait3A_805] : memref<10040x128xf32, #tpu.memory_space<vmem_shared>> -> memref<10040x128xf32, #tpu.memory_space<vmem_shared>>
      tpu.wait_indirect_dma semaphore(%run_scoped3A_794 : memref<!tpu.dma_semaphore, #tpu.memory_space<semaphore_mem>>) src(%arg14 : memref<128x128xf32, #tpu.memory_space<vmem>>) dst(%dma_wait3A_806 : memref<10040x128xf32, #tpu.memory_space<vmem_shared>>)
      tpu.yield
    }) : () -> ()
    %barrier3A_783 = arith.constant 0 : index
    tpu.barrier barrier_id(%barrier3A_783)
    %lt3A_784 = arith.constant 15 : i32
    %lt3A_785 = arith.cmpi slt, %arg1, %lt3A_784 : i32
    %convert_element_type3A_786 = arith.extui %lt3A_785 : i1 to i32
    %cond3A_787 = arith.constant 0 : i32
    %cond3A_788 = arith.cmpi ne, %convert_element_type3A_786, %cond3A_787 : i32
    scf.if %cond3A_788 {
      %mul3A_794 = arith.constant 632 : i32
      %mul3A_795 = arith.muli %arg1, %mul3A_794 : i32
      %mul3A_796 = arith.constant 632 : i32
      %mul3A_797 = arith.muli %arg1, %mul3A_796 : i32
      "tpu.region"() ({
        %run_scoped3A_798 = tpu.sem_alloc : memref<!tpu.dma_semaphore, #tpu.memory_space<semaphore_mem>>
        %dma_start3A_799 = arith.constant 0 : i32
        %dma_start3A_800 = arith.constant 0 : i32
        %dma_start3A_801 = tpu.memref_slice %arg6[%arg0, %dma_start3A_799, %dma_start3A_800] : memref<2x10040x128xf32, #tpu.memory_space<hbm>> -> memref<1x10040x128xf32, #tpu.memory_space<hbm>>
        %dma_start3A_802 = tpu.memref_squeeze %dma_start3A_801 : memref<1x10040x128xf32, #tpu.memory_space<hbm>> -> memref<10040x128xf32, #tpu.memory_space<hbm>>
        %dma_start3A_803 = arith.constant 0 : i32
        %dma_start3A_804 = tpu.memref_slice %dma_start3A_802[%mul3A_797, %dma_start3A_803] : memref<10040x128xf32, #tpu.memory_space<hbm>> -> memref<632x128xf32, #tpu.memory_space<hbm>>
        %dma_start3A_805 = arith.constant 0 : i32
        %dma_start3A_806 = tpu.memref_slice %arg15[%mul3A_795, %dma_start3A_805] : memref<10040x128xf32, #tpu.memory_space<vmem_shared>> -> memref<632x128xf32, #tpu.memory_space<vmem_shared>>
        tpu.enqueue_dma source(%dma_start3A_806 : memref<632x128xf32, #tpu.memory_space<vmem_shared>>) target(%dma_start3A_804 : memref<632x128xf32, #tpu.memory_space<hbm>>) target_semaphore(%run_scoped3A_798 : memref<!tpu.dma_semaphore, #tpu.memory_space<semaphore_mem>>)
        %dma_wait3A_807 = arith.constant 0 : i32
        %dma_wait3A_808 = arith.constant 0 : i32
        %dma_wait3A_809 = tpu.memref_slice %arg6[%arg0, %dma_wait3A_807, %dma_wait3A_808] : memref<2x10040x128xf32, #tpu.memory_space<hbm>> -> memref<1x10040x128xf32, #tpu.memory_space<hbm>>
        %dma_wait3A_810 = tpu.memref_squeeze %dma_wait3A_809 : memref<1x10040x128xf32, #tpu.memory_space<hbm>> -> memref<10040x128xf32, #tpu.memory_space<hbm>>
        %dma_wait3A_811 = arith.constant 0 : i32
        %dma_wait3A_812 = tpu.memref_slice %dma_wait3A_810[%mul3A_797, %dma_wait3A_811] : memref<10040x128xf32, #tpu.memory_space<hbm>> -> memref<632x128xf32, #tpu.memory_space<hbm>>
        %dma_wait3A_813 = arith.constant 0 : i32
        %dma_wait3A_814 = tpu.memref_slice %arg15[%mul3A_795, %dma_wait3A_813] : memref<10040x128xf32, #tpu.memory_space<vmem_shared>> -> memref<632x128xf32, #tpu.memory_space<vmem_shared>>
        tpu.wait_dma2 semaphore(%run_scoped3A_798 : memref<!tpu.dma_semaphore, #tpu.memory_space<semaphore_mem>>) src(%dma_wait3A_814 : memref<632x128xf32, #tpu.memory_space<vmem_shared>>) dst(%dma_wait3A_812 : memref<632x128xf32, #tpu.memory_space<hbm>>)
        tpu.yield
      }) : () -> ()
    } else {
    }
    %eq3A_789 = arith.constant 15 : i32
    %eq3A_790 = arith.cmpi eq, %arg1, %eq3A_789 : i32
    %convert_element_type3A_791 = arith.extui %eq3A_790 : i1 to i32
    %cond3A_792 = arith.constant 0 : i32
    %cond3A_793 = arith.cmpi ne, %convert_element_type3A_791, %cond3A_792 : i32
    scf.if %cond3A_793 {
      "tpu.region"() ({
        %run_scoped3A_794 = tpu.sem_alloc : memref<!tpu.dma_semaphore, #tpu.memory_space<semaphore_mem>>
        %dma_start3A_795 = arith.constant 0 : i32
        %dma_start3A_796 = arith.constant 0 : i32
        %dma_start3A_797 = tpu.memref_slice %arg6[%arg0, %dma_start3A_795, %dma_start3A_796] : memref<2x10040x128xf32, #tpu.memory_space<hbm>> -> memref<1x10040x128xf32, #tpu.memory_space<hbm>>
        %dma_start3A_798 = tpu.memref_squeeze %dma_start3A_797 : memref<1x10040x128xf32, #tpu.memory_space<hbm>> -> memref<10040x128xf32, #tpu.memory_space<hbm>>
        %dma_start3A_799 = arith.constant 9480 : i32
        %dma_start3A_800 = arith.constant 0 : i32
        %dma_start3A_801 = tpu.memref_slice %dma_start3A_798[%dma_start3A_799, %dma_start3A_800] : memref<10040x128xf32, #tpu.memory_space<hbm>> -> memref<560x128xf32, #tpu.memory_space<hbm>>
        %dma_start3A_802 = arith.constant 9480 : i32
        %dma_start3A_803 = arith.constant 0 : i32
        %dma_start3A_804 = tpu.memref_slice %arg15[%dma_start3A_802, %dma_start3A_803] : memref<10040x128xf32, #tpu.memory_space<vmem_shared>> -> memref<560x128xf32, #tpu.memory_space<vmem_shared>>
        tpu.enqueue_dma source(%dma_start3A_804 : memref<560x128xf32, #tpu.memory_space<vmem_shared>>) target(%dma_start3A_801 : memref<560x128xf32, #tpu.memory_space<hbm>>) target_semaphore(%run_scoped3A_794 : memref<!tpu.dma_semaphore, #tpu.memory_space<semaphore_mem>>)
        %dma_wait3A_805 = arith.constant 0 : i32
        %dma_wait3A_806 = arith.constant 0 : i32
        %dma_wait3A_807 = tpu.memref_slice %arg6[%arg0, %dma_wait3A_805, %dma_wait3A_806] : memref<2x10040x128xf32, #tpu.memory_space<hbm>> -> memref<1x10040x128xf32, #tpu.memory_space<hbm>>
        %dma_wait3A_808 = tpu.memref_squeeze %dma_wait3A_807 : memref<1x10040x128xf32, #tpu.memory_space<hbm>> -> memref<10040x128xf32, #tpu.memory_space<hbm>>
        %dma_wait3A_809 = arith.constant 9480 : i32
        %dma_wait3A_810 = arith.constant 0 : i32
        %dma_wait3A_811 = tpu.memref_slice %dma_wait3A_808[%dma_wait3A_809, %dma_wait3A_810] : memref<10040x128xf32, #tpu.memory_space<hbm>> -> memref<560x128xf32, #tpu.memory_space<hbm>>
        %dma_wait3A_812 = arith.constant 9480 : i32
        %dma_wait3A_813 = arith.constant 0 : i32
        %dma_wait3A_814 = tpu.memref_slice %arg15[%dma_wait3A_812, %dma_wait3A_813] : memref<10040x128xf32, #tpu.memory_space<vmem_shared>> -> memref<560x128xf32, #tpu.memory_space<vmem_shared>>
        tpu.wait_dma2 semaphore(%run_scoped3A_794 : memref<!tpu.dma_semaphore, #tpu.memory_space<semaphore_mem>>) src(%dma_wait3A_814 : memref<560x128xf32, #tpu.memory_space<vmem_shared>>) dst(%dma_wait3A_811 : memref<560x128xf32, #tpu.memory_space<hbm>>)
        tpu.yield
      }) : () -> ()
    } else {
    }
    return
  }
}

module attributes {stable_mosaic.version = 14 : i64} {
  func.func @_matmul_body(%arg0: i32, %arg1: memref<1000x128xf32, #tpu.memory_space<vmem>>, %arg2: memref<128x128xf32, #tpu.memory_space<vmem>>, %arg3: memref<1000x1xf32, #tpu.memory_space<vmem>>, %arg4: memref<1000x128xf32, #tpu.memory_space<vmem>>) attributes {dimension_semantics = [#tpu.dimension_semantics<arbitrary>], iteration_bounds = array<i64: 10>, scalar_prefetch = 0 : i64, scratch_operands = 0 : i64, tpu.core_type = #tpu.core_type<tc>, window_params = [{transform_indices = @transform_0, window_bounds = array<i64: 1000, 128>}, {pipeline_mode = #tpu.pipeline_mode<synchronous>, transform_indices = @transform_1, window_bounds = array<i64: 128, 128>}, {transform_indices = @transform_2, window_bounds = array<i64: 1000, 1>}, {transform_indices = @transform_3, window_bounds = array<i64: 1000, 128>}]} {
    %get3A = arith.constant 0 : index
    %get3A_0 = arith.constant 0 : index
    %get3A_1 = vector.load %arg1[%get3A, %get3A_0] : memref<1000x128xf32, #tpu.memory_space<vmem>>, vector<1000x128xf32>
    %get3A_2 = arith.constant 0 : index
    %get3A_3 = arith.constant 0 : index
    %get3A_4 = vector.load %arg2[%get3A_2, %get3A_3] : memref<128x128xf32, #tpu.memory_space<vmem>>, vector<128x128xf32>
    %dot_general3A = arith.constant dense<0.000000e+00> : vector<1000x128xf32>
    %dot_general3A_5 = tpu.matmul %get3A_1, %get3A_4, %dot_general3A {dimension_numbers = #tpu.dot_dimension_numbers<[1], [0], [0], [1], [0, 0, 1, 1], [], []>, transpose_lhs_hint = false} : vector<1000x128xf32>, vector<128x128xf32>, vector<1000x128xf32> -> vector<1000x128xf32>
    %get3A_6 = arith.constant 0 : index
    %get3A_7 = arith.constant 0 : index
    %get3A_8 = vector.load %arg3[%get3A_6, %get3A_7] : memref<1000x1xf32, #tpu.memory_space<vmem>>, vector<1000x1xf32>
    %mul3A = vector.broadcast %get3A_8 : vector<1000x1xf32> to vector<1000x128xf32>
    %mul3A_9 = arith.mulf %dot_general3A_5, %mul3A : vector<1000x128xf32>
    %swap3A = arith.constant 0 : index
    %swap3A_10 = arith.constant 0 : index
    %swap3A_11 = vector.load %arg4[%swap3A, %swap3A_10] : memref<1000x128xf32, #tpu.memory_space<vmem>>, vector<1000x128xf32>
    tpu.vector_store %arg4[%swap3A, %swap3A_10], %mul3A_9 {strides = array<i32>} : memref<1000x128xf32, #tpu.memory_space<vmem>>, vector<1000x128xf32>,
    return
  }
  func.func @transform_0(%arg0: i32) -> (i32, i32) {
    %c0_i32 = arith.constant 0 : i32
    %c0_i32_0 = arith.constant 0 : i32
    return %arg0, %c0_i32 : i32, i32
  }
  func.func @transform_1(%arg0: i32) -> (i32, i32) {
    %c0_i32 = arith.constant 0 : i32
    %c0_i32_0 = arith.constant 0 : i32
    %c0_i32_1 = arith.constant 0 : i32
    return %c0_i32, %c0_i32_0 : i32, i32
  }
  func.func @transform_2(%arg0: i32) -> (i32, i32) {
    %c0_i32 = arith.constant 0 : i32
    %c0_i32_0 = arith.constant 0 : i32
    return %arg0, %c0_i32 : i32, i32
  }
  func.func @transform_3(%arg0: i32) -> (i32, i32) {
    %c0_i32 = arith.constant 0 : i32
    %c0_i32_0 = arith.constant 0 : i32
    return %arg0, %c0_i32 : i32, i32
  }
}

module attributes {stable_mosaic.version = 14 : i64} {
  func.func @_post_body(%arg0: i32, %arg1: memref<2x1000x128xf32, #tpu.memory_space<vmem>>, %arg2: memref<1000x1xf32, #tpu.memory_space<vmem>>, %arg3: memref<1x128xf32, #tpu.memory_space<vmem>>, %arg4: memref<1000x128xf32, #tpu.memory_space<vmem>>) attributes {dimension_semantics = [#tpu.dimension_semantics<arbitrary>], iteration_bounds = array<i64: 10>, scalar_prefetch = 0 : i64, scratch_operands = 0 : i64, tpu.core_type = #tpu.core_type<tc>, window_params = [{transform_indices = @transform_0, window_bounds = array<i64: 2, 1000, 128>}, {transform_indices = @transform_1, window_bounds = array<i64: 1000, 1>}, {pipeline_mode = #tpu.pipeline_mode<synchronous>, transform_indices = @transform_2, window_bounds = array<i64: 1, 128>}, {transform_indices = @transform_3, window_bounds = array<i64: 1000, 128>}]} {
    %get3A = arith.constant 0 : index
    %get3A_0 = arith.constant 0 : index
    %get3A_1 = arith.constant 0 : index
    %get3A_2 = vector.load %arg1[%get3A, %get3A_0, %get3A_1] : memref<2x1000x128xf32, #tpu.memory_space<vmem>>, vector<1x1000x128xf32>
    %get3A_3 = vector.shape_cast %get3A_2 : vector<1x1000x128xf32> to vector<1000x128xf32>
    %get3A_4 = arith.constant 1 : index
    %get3A_5 = arith.constant 0 : index
    %get3A_6 = arith.constant 0 : index
    %get3A_7 = vector.load %arg1[%get3A_4, %get3A_5, %get3A_6] : memref<2x1000x128xf32, #tpu.memory_space<vmem>>, vector<1x1000x128xf32>
    %get3A_8 = vector.shape_cast %get3A_7 : vector<1x1000x128xf32> to vector<1000x128xf32>
    %add3A = arith.addf %get3A_3, %get3A_8 : vector<1000x128xf32>
    %get3A_9 = arith.constant 0 : index
    %get3A_10 = arith.constant 0 : index
    %get3A_11 = vector.load %arg2[%get3A_9, %get3A_10] : memref<1000x1xf32, #tpu.memory_space<vmem>>, vector<1000x1xf32>
    %mul3A = vector.broadcast %get3A_11 : vector<1000x1xf32> to vector<1000x128xf32>
    %mul3A_12 = arith.mulf %add3A, %mul3A : vector<1000x128xf32>
    %get3A_13 = arith.constant 0 : index
    %get3A_14 = arith.constant 0 : index
    %get3A_15 = vector.load %arg3[%get3A_13, %get3A_14] : memref<1x128xf32, #tpu.memory_space<vmem>>, vector<1x128xf32>
    %add3A_16 = vector.broadcast %get3A_15 : vector<1x128xf32> to vector<1000x128xf32>
    %add3A_17 = arith.addf %mul3A_12, %add3A_16 : vector<1000x128xf32>
    %mul3A_18 = arith.constant 2.000000e-01 : f32
    %mul3A_19 = vector.broadcast %mul3A_18 : f32 to vector<1000x128xf32>
    %mul3A_20 = arith.mulf %mul3A_19, %add3A_17 : vector<1000x128xf32>
    %max3A = arith.maximumf %add3A_17, %mul3A_20 : vector<1000x128xf32>
    %swap3A = arith.constant 0 : index
    %swap3A_21 = arith.constant 0 : index
    %swap3A_22 = vector.load %arg4[%swap3A, %swap3A_21] : memref<1000x128xf32, #tpu.memory_space<vmem>>, vector<1000x128xf32>
    tpu.vector_store %arg4[%swap3A, %swap3A_21], %max3A {strides = array<i32>} : memref<1000x128xf32, #tpu.memory_space<vmem>>, vector<1000x128xf32>,
    return
  }
  func.func @transform_0(%arg0: i32) -> (i32, i32, i32) {
    %c0_i32 = arith.constant 0 : i32
    %c0_i32_0 = arith.constant 0 : i32
    %c0_i32_1 = arith.constant 0 : i32
    return %c0_i32, %arg0, %c0_i32_0 : i32, i32, i32
  }
  func.func @transform_1(%arg0: i32) -> (i32, i32) {
    %c0_i32 = arith.constant 0 : i32
    %c0_i32_0 = arith.constant 0 : i32
    return %arg0, %c0_i32 : i32, i32
  }
  func.func @transform_2(%arg0: i32) -> (i32, i32) {
    %c0_i32 = arith.constant 0 : i32
    %c0_i32_0 = arith.constant 0 : i32
    %c0_i32_1 = arith.constant 0 : i32
    return %c0_i32, %c0_i32_0 : i32, i32
  }
  func.func @transform_3(%arg0: i32) -> (i32, i32) {
    %c0_i32 = arith.constant 0 : i32
    %c0_i32_0 = arith.constant 0 : i32
    return %arg0, %c0_i32 : i32, i32
  }
}

</mosaic_0001>

<sc_bundles>
// kernel: kernel.5.cloned.1.call-start
scs
__scs_entry_jumppad:
0x0: {  	(pc) =	sbr.rel $0x88, $3  }
0x1: {  	(tag) =	ssettag $0x0;
	lr =	simm.s32 $0x1  }
0x2: {  	[smem:$0x3F9C] =	sst lr;
	_ =	strace $0xD0000000  }
0x3: {  	_ = 	snop  }
0x4: {  	_ = 	snop  }
0x5: {  	_ = 	snop  }
0x6: {  	_ = 	snop  }
0x7: {  	_ = 	snop  }
__scs_overlays_trampoline_lowered:
0x8: {  	[smem:$0x3FAB] =	sst s0  }
0x9: {  	[smem:$0x3FAC] =	sst s1  }
0xa: {  	[smem:$0x3FAD] =	sst s2  }
0xb: {  	[smem:$0x3FAE] =	sst s3  }
0xc: {  	[smem:$0x3FAF] =	sst s4  }
0xd: {  	[smem:$0x3FB0] =	sst s5  }
0xe: {  	[smem:$0x3FB1] =	sst s6  }
0xf: {  	[smem:$0x3FB2] =	sst s7  }
0x10: {  	[smem:$0x3FB3] =	sst s8  }
0x11: {  	[smem:$0x3FB4] =	sst s9;
	s0 =	simm.s32 @!p0 $0x0  }
0x12: {  	s1 =	sld [smem:$0x3F9A];
	s0 =	simm.s32 @p0 $0x1  }
0x13: {  	[smem:$0x3FB5] =	sst s0;
	s0 =	simm.s32 @!p1 $0x0  }
0x14: {  	s2 =	sld [smem:$0x3F99];
	s0 =	simm.s32 @p1 $0x1  }
0x15: {  	[smem:$0x3FB6] =	sst s0;
	s0 =	simm.s32 @!p2 $0x0  }
0x16: {  	s3 =	sld [smem:$0x3FDB];
	s0 =	simm.s32 @p2 $0x1  }
0x17: {  	s4 =	simm.s32 $0x1BF5;
	[smem:$0x3FB8] =	sst s0  }
0x18: {  	s0 =	sld [smem:$0x3F9B];
	_ =	swait.ge [sflag:s4], $0x0  }
0x19: {  	s7 =	sld [smem:$0x3F9C]  }
0x1a: {  	s8 =	sadd.s32 $0xFFFFE003, lr  }
0x1b: {  	s9 =	sadd.s32 $0xFFFFFEF7, lr;
	s5 =	simm.s32 $0xFFFFFFFF;
	p2 =	slt.u32 s8, $0xFFFFF086  }
0x1c: {  	p1 =	slt.u32 s9, $0xF7A;
	s5 =	simm.s32 @!p2 $0x0  }
0x1d: {  	s5 =	simm.s32 @p1 $0x1;
	p0 =	seq.s32 s7, s2  }
0x1e: {  	s7 =	smul.u32 @!p0 $0xF7A, s2;
	p2 =	seq.s32 @!p0 s5, $0x0  }
0x1f: {  	s9 =	smul.u32 $0xF7A, s1;
	s8 =	simm.s32 @!p0 $0x1BF5;
	p2 =	por !p2, p0  }
0x20: {  	[sflag:s8] =	ssyncset.s32 @!p0 $0xFFFFF086;
	s6 =	sadd.s32 @!p0 s3, s7;
	s7 =	simm.s32 @!p0 $0x108  }
0x21: {  	s3 =	sadd.s32 s3, s9;
	s6 =	sadd.s32 @!p0 $0x88, s6;
	s7 =	simm.s32 @p2 $0x1082  }
0x22: {  	[simem:s7], [sflag:s8] =	dma.local @!p0 [hbm:s6], $0xF7A  }
0x23: {  	s9 =	sor.u32 $0xD0000000, s2;
	s6 =	simm.s32 $0x108;
	_ =	swait.ge @!p0 [sflag:s8], $0x0  }
0x24: {  	s3 =	sadd.s32 $0x88, s3;
	s6 =	simm.s32 @!p1 $0x1082;
	[sflag:s4] =	ssyncset.s32 $0xFFFFF086  }
0x25: {  	[simem:s6], [sflag:s4] =	dma.local [hbm:s3], $0xF7A  }
0x26: {  	[smem:$0x3F9C] =	sst s1;
	(tag) =	ssettag s2;
	_ =	strace s9  }
0x27: {  	s1 =	sld [smem:$0x3FAC]  }
0x28: {  	s2 =	sld [smem:$0x3FAD]  }
0x29: {  	s4 =	sld [smem:$0x3FAF]  }
0x2a: {  	p0 =	seq.s32 s5, $0x0;
	s5 =	sld [smem:$0x3FB0]  }
0x2b: {  	s6 =	sld [smem:$0x3FB1]  }
0x2c: {  	s7 =	sld [smem:$0x3FB2]  }
0x2d: {  	s3 =	simm.s32 $0x108;
	s8 =	sld [smem:$0x3FB3]  }
0x2e: {  	s3 =	simm.s32 @!p0 $0x1082;
	s9 =	sld [smem:$0x3FB4]  }
0x2f: {  	lr =	sadd.s32 s0, s3;
	s0 =	sld [smem:$0x3FAB]  }
0x30: {  	s3 =	sld [smem:$0x3FAE]  }
0x31: {  	[smem:$0x3FB7] =	sst s10  }
0x32: {  	s10 =	sld [smem:$0x3FB5];
	_ =	sdelay $0x3  }
0x33: {  	p0 =	seq.s32 s10, $0x1;
	s10 =	sld [smem:$0x3FB7];
	_ =	sdelay $0x3  }
0x34: {  	[smem:$0x3FB7] =	sst s10  }
0x35: {  	s10 =	sld [smem:$0x3FB6];
	_ =	sdelay $0x3  }
0x36: {  	p1 =	seq.s32 s10, $0x1;
	s10 =	sld [smem:$0x3FB7];
	_ =	sdelay $0x3  }
0x37: {  	[smem:$0x3FB7] =	sst s10  }
0x38: {  	s10 =	sld [smem:$0x3FB8]  }
0x39: {  	_ = 	snop;
	(pc) =	sbr.ind lr, $3  }
0x3a: {  	_ = 	snop  }
0x3b: {  	_ = 	snop  }
0x3c: {  	p2 =	seq.s32 s10, $0x1;
	s10 =	sld [smem:$0x3FB7]  }
0x3d: {  	_ =	shalt  }
0x3e: {  	_ =	shalt  }
0x3f: {  	_ =	shalt  }
0x40: {  	_ =	shalt  }
0x41: {  	_ =	shalt  }
0x42: {  	_ =	shalt  }
0x43: {  	_ =	shalt  }
0x44: {  	_ =	shalt  }
0x45: {  	_ =	shalt  }
0x46: {  	_ =	shalt  }
0x47: {  	_ =	shalt  }
0x48: {  	_ =	shalt  }
0x49: {  	_ =	shalt  }
0x4a: {  	_ =	shalt  }
0x4b: {  	_ =	shalt  }
0x4c: {  	_ =	shalt  }
0x4d: {  	_ =	shalt  }
0x4e: {  	_ =	shalt  }
0x4f: {  	_ =	shalt  }
0x50: {  	_ =	shalt  }
0x51: {  	_ =	shalt  }
0x52: {  	_ =	shalt  }
0x53: {  	_ =	shalt  }
0x54: {  	_ =	shalt  }
0x55: {  	_ =	shalt  }
0x56: {  	_ =	shalt  }
0x57: {  	_ =	shalt  }
0x58: {  	_ =	shalt  }
0x59: {  	_ =	shalt  }
0x5a: {  	_ =	shalt  }
0x5b: {  	_ =	shalt  }
0x5c: {  	_ =	shalt  }
0x5d: {  	_ =	shalt  }
0x5e: {  	_ =	shalt  }
0x5f: {  	_ =	shalt  }
0x60: {  	_ =	shalt  }
0x61: {  	_ =	shalt  }
0x62: {  	_ =	shalt  }
0x63: {  	_ =	shalt  }
0x64: {  	_ =	shalt  }
0x65: {  	_ =	shalt  }
0x66: {  	_ =	shalt  }
0x67: {  	_ =	shalt  }
0x68: {  	_ =	shalt  }
0x69: {  	_ =	shalt  }
0x6a: {  	_ =	shalt  }
0x6b: {  	_ =	shalt  }
0x6c: {  	_ =	shalt  }
0x6d: {  	_ =	shalt  }
0x6e: {  	_ =	shalt  }
0x6f: {  	_ =	shalt  }
0x70: {  	_ =	shalt  }
0x71: {  	_ =	shalt  }
0x72: {  	_ =	shalt  }
0x73: {  	_ =	shalt  }
0x74: {  	_ =	shalt  }
0x75: {  	_ =	shalt  }
0x76: {  	_ =	shalt  }
0x77: {  	_ =	shalt  }
0x78: {  	_ =	shalt  }
0x79: {  	_ =	shalt  }
0x7a: {  	_ =	shalt  }
0x7b: {  	_ =	shalt  }
0x7c: {  	_ =	shalt  }
0x7d: {  	_ =	shalt  }
0x7e: {  	_ =	shalt  }
0x7f: {  	_ =	shalt  }
0x80: {  	_ =	shalt  }
0x81: {  	_ =	shalt  }
0x82: {  	_ =	shalt  }
0x83: {  	_ =	shalt  }
0x84: {  	_ =	shalt  }
0x85: {  	_ =	shalt  }
0x86: {  	_ =	shalt  }
0x87: {  	_ =	shalt  }
.Lfunc_end0:
.L_simem_size_0:
called_computation_lowered:
.L_overlay_start_0:
0x88: {  	s2 =	sld [smem:$0x3FD9]  }
0x89: {  	s3 =	sld [smem:$0x3FFE];
	_ =	sdelay $0x1  }
0x8a: {  	s1 =	srdreg.scid  }
0x8b: {  	s0 =	sand.u32 $0x1, s1  }
0x8c: {  	s17 =	sshll.u32 s0, $0xA;
	s2 =	sadd.s32 s3, s2  }
0x8d: {  	s2 =	sadd.s32 s2, s17  }
0x8e: {  	[smem:$0x3FC3] =	sst s2  }
0x8f: {  	_ = 	snop  }
0x90: {  	s2 =	sld [smem:$0x3FD0];
	(tm) =	ssettm $0x1  }
0x91: {  	s18 =	sld [smem:$0x3FFB];
	_ =	sdelay $0x3  }
0x92: {  	_ =	strace s18  }
0x93: {  	s3 =	sld [smem:$0x3FFC];
	_ =	sdelay $0x3  }
0x94: {  	_ =	strace s3  }
0x95: {  	s3 =	sld [smem:$0x3FFD];
	_ =	sdelay $0x3  }
0x96: {  	_ =	strace s3  }
0x97: {  	_ =	strace $0x8FFFFFFF  }
0x98: {  	s19 =	sld [smem:$0x3FDB];
	_ =	sdelay $0x1  }
0x99: {  	s4 =	simm.s32 $_scs_section_size  }
0x9a: {  	s5 =	simm.s32 $_size__tile_overlayer_lowered;
	s6 =	simm.s32 $_tile_overlayer_lowered  }
0x9b: {  	s22 =	simm.s32 $0x1BFF;
	s21 =	sshll.u32 s6, $0x1;
	s3 =	sadd.s32 s4, s19  }
0x9c: {  	s7 =	simm.s32 $0x0;
	s20 =	sshll.u32 s5, $0x1;
	s5 =	sadd.s32 s21, s3  }
0x9d: {  	[timem:s7], [sflag:s22] =	dma.local [hbm:s5], s20  }
0x9e: {  	_ =	swait.ge [sflag:s22], s20  }
0x9f: {  	s4 =	ssub.s32 $0x0, s20;
	[sflag:s22] =	ssyncset.done $0x0  }
0xa0: {  	[sflag:s22] =	ssyncadd.s32 s4;
	_ =	sdelay $0x1  }
0xa1: {  	s23 =	simm.s32 $0x1B8B  }
0xa2: {  	_ =	swait.ge [sflag:s23], $0x1  }
0xa3: {  	[sflag:s23] =	ssyncset.done $0x0  }
0xa4: {  	s25 =	simm.s32 $0x1B8E;
	s24 =	sld [smem:$0x3FFE];
	[sflag:s23] =	ssyncadd.s32 $0xFFFFFFFF  }
0xa5: {  	s26 =	simm.s32 $execute0_lowered;
	[smem:$0x3FD2] =	sst s25  }
0xa6: {  	s5 =	sshll.u32 s26, $0x1;
	_ =	strace $0x80000046;
	[dreg:$0x1] =	wrdreg $0xFFFFFFFF  }
0xa7: {  	s28 =	simm.s32 $_size_execute0_lowered;
	s3 =	sadd.s32 s3, s5;
	[dreg:$0x0] =	wrdreg $0x0  }
0xa8: {  	s5 =	sshll.u32 s28, $0x1;
	[dreg:$0x2] =	wrdreg s3  }
0xa9: {  	[dreg:$0x3] =	wrdreg s5  }
0xaa: {  	[dreg:$0x4] =	wrdreg $0xC0  }
0xab: {  	_ =	task [dreg:s7], $0x5FFFF  }
0xac: {  	[dreg:$0x1] =	wrdreg $0xFFFFFFFF  }
0xad: {  	[dreg:$0x0] =	wrdreg $0x60  }
0xae: {  	[dreg:$0x2] =	wrdreg s2  }
0xaf: {  	[dreg:$0x3] =	wrdreg s24  }
0xb0: {  	[dreg:$0x4] =	wrdreg $0xC5000  }
0xb1: {  	[dreg:$0x5] =	wrdreg $0x9  }
0xb2: {  	_ =	task.clear_ibuf [dreg:s7], $0x6FFFF;
	_ =	strace $0x90000046  }
0xb3: {  	s29 =	simm.s32 $0x9;
	_ =	strace $0x80000048  }
0xb4: {  	_ =	swait.ge [sflag:s29], $0x1  }
0xb5: {  	[sflag:s29] =	ssyncadd.s32 $0xFFFFFFFF  }
0xb6: {  	_ =	strace $0x90000048  }
0xb7: {  	_ =	sfence  }
0xb8: {  	s30 =	sld [smem:$0x0];
	_ =	sdelay $0x2  }
0xb9: {  	s31 =	sshll.u32 s1, $0xD;
	s1 =	sshrl.u32 s1, $0x2  }
0xba: {  	s3 =	sand.u32 $0x4000, s31;
	s1 =	sadd.s32 s1, s30  }
0xbb: {  	s0 =	sor.u32 s3, s0;
	s1 =	sshll.u32 s1, $0x11  }
0xbc: {  	s0 =	sor.u32 s1, s0  }
0xbd: {  	s0 =	sadd.s32 $0x8F2B, s0  }
0xbe: {  	[sflag:s0] =	ssyncadd.remote.s32 $0x1  }
0xbf: {  	_ =	sfence.sel $0xFFFF  }
0xc0: {  	[dreg:$0x0] =	wrdreg $0xFFFFFFFF;
	(pc) =	sbr.abs _section_cstart, $3  }
0xc1: {  	[dreg:$0x1] =	wrdreg $0xFFFFFFFF  }
0xc2: {  	_ =	task.clear_ibuf [dreg:s7], $0x2FFFF;
	_ =	strace $0x9FFFFFFF  }
0xc3: {  	(tm) =	ssettm $0x7FFFFFFF  }
tec
execute0_lowered:
.L_overlay_start_1:
0x0: {  	(tag) =	ssettag $0x1  }
0x1: {  	s1 =	rddreg [dreg:$0x0]  }
0x2: {  	s0 =	rddreg [dreg:$0x1]  }
0x3: {  	s2 =	srdreg.scid;
	s15 =	stileid.u32  }
0x4: {  	s3 =	rddreg [dreg:$0x2];
	s4 =	simm.s32 $0x0;
	s29 =	simm.s32 $0x280  }
0x5: {  	s31 =	simm.s32 $0x480;
	s9 =	sand.u32 $0x1, s2;
	s20 =	smul.u32 $0x5400, s15  }
0x6: {  	s17 =	sshll.u32 s15, $0x1;
	[smem:$0x7FF] =	sst s4;
	s6 =	smul.u32 $0x27380, s9  }
0x7: {  	s2 =	sor.u32 s9, s17;
	s10 =	ssub.s32 $0x2, s9;
	s9 =	smul.u32 $0x2A00, s9  }
0x8: {  	s7 =	sadd.s32 $0x1000, s0;
	s5 =	sadd.s32 $0xB800, s0;
	s2 =	smul.u32 $0x2A00, s2  }
0x9: {  	p0 =	seq.s32 s15, $0xF;
	_ =	strace $0x80000047;
	s18 =	sshrl.u32 s10, $0x1  }
0xa: {  	s9 =	sadd.s32 s9, s20;
	s8 =	sshrl.u32 s2, $0x3;
	s2 =	ssub.s32 s10, s18  }
0xb: {  	s26 =	sadd.s32 $0xD00, s9;
	s11 =	sor.u32 $0x20, s8;
	s2 =	smax.u32 s2, $0x1  }
0xc: {  	s12 =	sadd.s32 $0x40, s8;
	s19 =	sadd.s32 s7, s11;
	[smem:$0x7F6] =	sst s2  }
0xd: {  	s28 =	sadd.s32 $0xC00, s9;
	s14 =	sadd.s32 s7, s12;
	[dreg:$0x10] =	wrdreg s19  }
0xe: {  	s13 =	sadd.s32 $0x60, s8;
	s11 =	sadd.s32 s5, s11;
	[dreg:$0x11] =	wrdreg s14  }
0xf: {  	s16 =	sadd.s32 $0xB00, s9;
	s21 =	sadd.s32 s7, s13;
	[dreg:$0x12] =	wrdreg s11  }
0x10: {  	s23 =	sadd.s32 $0x80, s8;
	s22 =	sadd.s32 s5, s12;
	[dreg:$0x13] =	wrdreg s21  }
0x11: {  	s20 =	sadd.s32 $0xA00, s9;
	s24 =	sadd.s32 s7, s23;
	[dreg:$0x14] =	wrdreg s22  }
0x12: {  	s10 =	sshrl.u32 s26, $0x3;
	s25 =	sadd.s32 s5, s13;
	[dreg:$0x15] =	wrdreg s24  }
0x13: {  	s12 =	sadd.s32 $0xA0, s8;
	s10 =	sadd.s32 s10, s7;
	[dreg:$0x16] =	wrdreg s25  }
0x14: {  	s13 =	sshrl.u32 s28, $0x3;
	s30 =	sadd.s32 s7, s12;
	[dreg:$0x4] =	wrdreg s10  }
0x15: {  	s18 =	sshrl.u32 s16, $0x3;
	s14 =	sadd.s32 s13, s5;
	[dreg:$0x17] =	wrdreg s30  }
0x16: {  	s16 =	sadd.s32 $0x4E0, s8;
	s17 =	sadd.s32 s13, s7;
	[dreg:$0x5] =	wrdreg s14  }
0x17: {  	s2 =	simm.s32 $0x4;
	s19 =	sadd.s32 s18, s5;
	[dreg:$0x6] =	wrdreg s17  }
0x18: {  	s21 =	sadd.s32 s18, s7;
	s11 =	sadd.s32 s5, s23;
	[dreg:$0x7] =	wrdreg s19  }
0x19: {  	s22 =	sshrl.u32 s20, $0x3;
	s24 =	sadd.s32 $0xC0, s8;
	[dreg:$0x18] =	wrdreg s11  }
0x1a: {  	s25 =	sadd.s32 $0x900, s9;
	s12 =	sadd.s32 s5, s12;
	[dreg:$0x8] =	wrdreg s21  }
0x1b: {  	s18 =	sadd.s32 s7, s8;
	s20 =	sadd.s32 $0x500, s8;
	[dreg:$0x1a] =	wrdreg s12  }
0x1c: {  	s23 =	sadd.s32 s22, s5;
	s26 =	sadd.s32 s7, s24;
	[smem:$0x7FA] =	sst s18  }
0x1d: {  	s13 =	sadd.s32 s22, s7;
	s10 =	sshrl.u32 s25, $0x3;
	[dreg:$0x9] =	wrdreg s23  }
0x1e: {  	s11 =	sadd.s32 s5, s24;
	s30 =	sadd.s32 $0x700, s9;
	[dreg:$0x19] =	wrdreg s26  }
0x1f: {  	s9 =	sadd.s32 $0x800, s9;
	s12 =	sadd.s32 $0x4C0, s8;
	[dreg:$0xa] =	wrdreg s13  }
0x20: {  	s17 =	sadd.s32 s7, s16;
	s19 =	sadd.s32 s5, s8;
	[dreg:$0x1b] =	wrdreg s11  }
0x21: {  	s8 =	sadd.s32 $0x520, s8;
	s21 =	sadd.s32 s7, s20;
	[dreg:$0x1e] =	wrdreg s17  }
0x22: {  	s22 =	sadd.s32 s5, s20;
	s24 =	sadd.s32 s6, s0;
	[smem:$0x7F0] =	sst s21  }
0x23: {  	s0 =	sadd.s32 $0x16000, s0;
	s6 =	smul.u32 $0x2780, s15;
	[smem:$0x7F2] =	sst s22  }
0x24: {  	s20 =	simm.s32 $0x2;
	s28 =	sadd.s32 s10, s5;
	[smem:$0x7F4] =	sst s0  }
0x25: {  	s10 =	sadd.s32 s10, s7;
	s11 =	sshrl.u32 s30, $0x3;
	[smem:$0x7FC] =	sst s19  }
0x26: {  	s9 =	sshrl.u32 s9, $0x3;
	s14 =	sadd.s32 s7, s12;
	[dreg:$0xb] =	wrdreg s28  }
0x27: {  	s23 =	smul.u32 $0x4F000, s15;
	s26 =	sadd.s32 $0x128400, s3;
	[dreg:$0xc] =	wrdreg s10  }
0x28: {  	s30 =	sadd.s32 $0x4A0, s19;
	s15 =	simm.s32 $0x5;
	[dreg:$0x1c] =	wrdreg s14  }
0x29: {  	s17 =	simm.s32 $0x1;
	s19 =	simm.s32 $0x180;
	[smem:$0x7F9] =	sst s26  }
0x2a: {  	s11 =	sadd.s32 s11, s5;
	s13 =	sadd.s32 s9, s5;
	[smem:$0x7FD] =	sst s30  }
0x2b: {  	s10 =	sadd.s32 s5, s16;
	s9 =	sadd.s32 s9, s7;
	[dreg:$0xd] =	wrdreg s11  }
0x2c: {  	s7 =	sadd.s32 s7, s8;
	s28 =	sadd.s32 $0xE0, s18;
	[dreg:$0xe] =	wrdreg s13  }
0x2d: {  	s14 =	simm.s32 $0x400;
	s16 =	simm.s32 $0x8500;
	[dreg:$0x1f] =	wrdreg s10  }
0x2e: {  	s18 =	simm.s32 $0x7;
	s26 =	simm.s32 $0x8;
	[smem:$0x7F1] =	sst s7  }
0x2f: {  	s11 =	sadd.s32 s5, s12;
	s5 =	sadd.s32 s5, s8;
	[dreg:$0xf] =	wrdreg s9  }
0x30: {  	s25 =	sshrl.u32 s23, $0x2;
	[smem:$0x7FB] =	sst s28;
	s7 =	simm.s32 $0x9  }
0x31: {  	s8 =	simm.s32 $0x100;
	s9 =	simm.s32 $0x200;
	s10 =	simm.s32 $0x300  }
0x32: {  	s12 =	simm.s32 $0x500;
	s13 =	simm.s32 $0x4500;
	[dreg:$0x1d] =	wrdreg s11  }
0x33: {  	s23 =	simm.s32 $0x380;
	[smem:$0x7F3] =	sst s5;
	s0 =	sadd.s32 s25, s3  }
0x34: {  	s11 =	simm.s32 $0x80;
	[smem:$0x7F5] =	sst s0;
	s0 =	sadd.s32 $0x18800, s24  }
0x35: {  	s25 =	simm.s32 $0x3;
	[smem:$0x7F7] =	sst s0;
	s0 =	sadd.s32 @!p0 s6, s0  }
0x36: {  	s24 =	simm.s32 $0x6;
	[smem:$0x7F8] =	sst s0;
	s0 =	simm.s32 $0x0  }
.LBB2_1:
0x37: {  	s5 =	sld [smem:$0x7F9];
	_ =	sdelay $0x1  }
0x38: {  	s22 =	sld [smem:$0x7F4]  }
0x39: {  	s6 =	sshrl.u32 @p0 s5, $0x3  }
0x3a: {  	s5 =	simm.s32 @p0 $0x1FC9;
	[smem:$0x7EE] =	sst s6  }
0x3b: {  	[spmem:s6], [sflag:s5] =	dma.local @p0 [hbm:s22], $0x2300  }
0x3c: {  	s5 =	simm.s32 @p0 $0x9  }
0x3d: {  	_ =	swait.ge @p0 [sflag:s5], $0x2300  }
0x3e: {  	[sflag:s5] =	ssyncset.done @p0 $0x0  }
0x3f: {  	s6 =	stileid.u32;
	[sflag:s5] =	ssyncadd.s32 @p0 $0xFFFFDD00;
	s5 =	sld [smem:$0x7F5]  }
0x40: {  	s6 =	sshll.u32 @!p0 s6, $0x6  }
0x41: {  	s6 =	sor.u32 @!p0 $0x1C09, s6  }
0x42: {  	[smem:$0x7EF] =	sst s6;
	s21 =	sshrl.u32 @!p0 s5, $0x3;
	s5 =	simm.s32 @!p0 $0x9  }
0x43: {  	[spmem:s21], [sflag:s6] =	dma.local @!p0 [hbm:s22], $0x2780  }
0x44: {  	_ =	swait.ge @!p0 [sflag:s5], $0x2780  }
0x45: {  	[sflag:s5] =	ssyncset.done @!p0 $0x0  }
0x46: {  	[sflag:s5] =	ssyncadd.s32 @!p0 $0xFFFFD880  }
0x47: {  	[bflag:$0x0] =	sbarrier.arrive $0xFFFF  }
0x48: {  	s28 =	sld [smem:$0x7FA];
	_ =	sdelay $0x2  }
0x49: {  	[tilespmem:s4], [sflag:$0x9] =	stream.linear.gather [hbm4b:s28+s4], $0x100, $0x38;
	[tilespmem:$0x1FEC0] =	vst v63  }
0x4a: {  	_ =	swait.ge [sflag:s7], $0x100  }
0x4b: {  	[sflag:s7] =	ssyncset.done $0x0;
	s6 =	rddreg [dreg:$0x10]  }
0x4c: {  	s22 =	rddreg [dreg:$0x11];
	[sflag:s7] =	ssyncadd.s32 $0xFFFFFF00  }
0x4d: {  	[tilespmem:s8], [sflag:$0x5] =	stream.linear.gather [hbm4b:s6+s4], $0x100, $0x38;
	[tilespmem:$0x1FEC0] =	vst v63  }
0x4e: {  	s28 =	sld [smem:$0x7FC]  }
0x4f: {  	[tilespmem:s9], [sflag:$0x6] =	stream.linear.gather [hbm4b:s22+s4], $0x100, $0x38;
	[tilespmem:$0x1FEC0] =	vst v63  }
0x50: {  	_ = 	snop  }
0x51: {  	[tilespmem:s10], [sflag:$0x7] =	stream.linear.gather [hbm4b:s28+s4], $0x100, $0x38;
	[tilespmem:$0x1FEC0] =	vst v63  }
0x52: {  	_ = 	snop  }
0x53: {  	[tilespmem:s12], [sflag:$0x1] =	stream.indirect.gather [hbm4b:s1+s11], $0x80, s4, s11, $0xb8;
	[tilespmem:$0x1FEC0] =	vst v63  }
0x54: {  	_ = 	snop  }
0x55: {  	[tilespmem:s13], [sflag:$0x2] =	stream.indirect.gather [hbm4b:s1+s11], $0x80, s11, s11, $0xb8;
	[tilespmem:$0x1FEC0] =	vst v63  }
0x56: {  	s6 =	rddreg [dreg:$0x12]  }
0x57: {  	[tilespmem:s14], [sflag:$0x8] =	stream.linear.gather [hbm4b:s6+s4], $0x100, $0x38;
	[tilespmem:$0x1FEC0] =	vst v63  }
0x58: {  	_ =	swait.ge [sflag:s15], $0x100  }
0x59: {  	[sflag:s15] =	ssyncset.done $0x0  }
0x5a: {  	[sflag:s15] =	ssyncadd.s32 $0xFFFFFF00  }
0x5b: {  	[tilespmem:s16], [sflag:$0x3] =	stream.indirect.gather [hbm4b:s1+s11], $0x80, s8, s11, $0xb8;
	[tilespmem:$0x1FEC0] =	vst v63  }
0x5c: {  	_ =	swait.ge [sflag:s17], $0x4000  }
0x5d: {  	[sflag:s17] =	ssyncset.done $0x0  }
0x5e: {  	[sflag:s17] =	ssyncadd.s32 $0xFFFFC000  }
0x5f: {  	_ =	swait.ge [sflag:s18], $0x100  }
0x60: {  	[sflag:s18] =	ssyncset.done $0x0  }
0x61: {  	[sflag:s18] =	ssyncadd.s32 $0xFFFFFF00  }
0x62: {  	[spmem:s3] =	stream.indirect.scatter.add.f32 [tilespmem:s12], [sflag:$0x9], $0x80, s10, s11, $0xb8;
	[tilespmem:$0x1FEC0] =	vst v63  }
0x63: {  	_ =	swait.ge [sflag:s7], $0x4000  }
0x64: {  	[sflag:s7] =	ssyncset.done $0x0  }
0x65: {  	[sflag:s7] =	ssyncadd.s32 $0xFFFFC000  }
0x66: {  	[tilespmem:s12], [sflag:$0x1] =	stream.indirect.gather [hbm4b:s1+s11], $0x80, s19, s11, $0xb8;
	[tilespmem:$0x1FEC0] =	vst v63  }
0x67: {  	_ =	swait.ge [sflag:s20], $0x4000  }
0x68: {  	[sflag:s20] =	ssyncset.done $0x0  }
0x69: {  	[sflag:s20] =	ssyncadd.s32 $0xFFFFC000  }
0x6a: {  	[spmem:s3] =	stream.indirect.scatter.add.f32 [tilespmem:s13], [sflag:$0x9], $0x80, s23, s11, $0xb8;
	[tilespmem:$0x1FEC0] =	vst v63  }
0x6b: {  	_ =	swait.ge [sflag:s7], $0x4000  }
0x6c: {  	[sflag:s7] =	ssyncset.done $0x0  }
0x6d: {  	s22 =	rddreg [dreg:$0x13];
	[sflag:s7] =	ssyncadd.s32 $0xFFFFC000  }
0x6e: {  	[tilespmem:s4], [sflag:$0x4] =	stream.linear.gather [hbm4b:s22+s4], $0x100, $0x38;
	[tilespmem:$0x1FEC0] =	vst v63  }
0x6f: {  	s28 =	rddreg [dreg:$0x14]  }
0x70: {  	[tilespmem:s10], [sflag:$0x7] =	stream.linear.gather [hbm4b:s28+s4], $0x100, $0x38;
	[tilespmem:$0x1FEC0] =	vst v63  }
0x71: {  	_ =	swait.ge [sflag:s24], $0x100  }
0x72: {  	[sflag:s24] =	ssyncset.done $0x0  }
0x73: {  	[sflag:s24] =	ssyncadd.s32 $0xFFFFFF00  }
0x74: {  	[tilespmem:s13], [sflag:$0x2] =	stream.indirect.gather [hbm4b:s1+s11], $0x80, s9, s11, $0xb8;
	[tilespmem:$0x1FEC0] =	vst v63  }
0x75: {  	_ =	swait.ge [sflag:s25], $0x4000  }
0x76: {  	[sflag:s25] =	ssyncset.done $0x0  }
0x77: {  	[sflag:s25] =	ssyncadd.s32 $0xFFFFC000  }
0x78: {  	_ =	swait.ge [sflag:s26], $0x100  }
0x79: {  	[sflag:s26] =	ssyncset.done $0x0  }
0x7a: {  	[sflag:s26] =	ssyncadd.s32 $0xFFFFFF00  }
0x7b: {  	[spmem:s3] =	stream.indirect.scatter.add.f32 [tilespmem:s16], [sflag:$0x9], $0x80, s14, s11, $0xb8;
	[tilespmem:$0x1FEC0] =	vst v63  }
0x7c: {  	_ =	swait.ge [sflag:s7], $0x4000  }
0x7d: {  	[sflag:s7] =	ssyncset.done $0x0  }
0x7e: {  	[sflag:s7] =	ssyncadd.s32 $0xFFFFC000  }
0x7f: {  	[tilespmem:s16], [sflag:$0x3] =	stream.indirect.gather [hbm4b:s1+s11], $0x80, s29, s11, $0xb8;
	[tilespmem:$0x1FEC0] =	vst v63  }
0x80: {  	_ =	swait.ge [sflag:s17], $0x4000  }
0x81: {  	[sflag:s17] =	ssyncset.done $0x0  }
0x82: {  	[sflag:s17] =	ssyncadd.s32 $0xFFFFC000  }
0x83: {  	[spmem:s3] =	stream.indirect.scatter.add.f32 [tilespmem:s12], [sflag:$0x9], $0x80, s31, s11, $0xb8;
	[tilespmem:$0x1FEC0] =	vst v63  }
0x84: {  	_ =	swait.ge [sflag:s7], $0x4000  }
0x85: {  	[sflag:s7] =	ssyncset.done $0x0  }
0x86: {  	s6 =	rddreg [dreg:$0x15];
	[sflag:s7] =	ssyncadd.s32 $0xFFFFC000  }
0x87: {  	[tilespmem:s8], [sflag:$0x5] =	stream.linear.gather [hbm4b:s6+s4], $0x100, $0x38;
	[tilespmem:$0x1FEC0] =	vst v63  }
0x88: {  	s22 =	rddreg [dreg:$0x16]  }
0x89: {  	[tilespmem:s14], [sflag:$0x8] =	stream.linear.gather [hbm4b:s22+s4], $0x100, $0x38;
	[tilespmem:$0x1FEC0] =	vst v63  }
0x8a: {  	_ =	swait.ge [sflag:s2], $0x100  }
0x8b: {  	[sflag:s2] =	ssyncset.done $0x0  }
0x8c: {  	[sflag:s2] =	ssyncadd.s32 $0xFFFFFF00  }
0x8d: {  	[tilespmem:s12], [sflag:$0x1] =	stream.indirect.gather [hbm4b:s1+s11], $0x80, s4, s11, $0xb8;
	[tilespmem:$0x1FEC0] =	vst v63  }
0x8e: {  	_ =	swait.ge [sflag:s20], $0x4000  }
0x8f: {  	[sflag:s20] =	ssyncset.done $0x0  }
0x90: {  	[sflag:s20] =	ssyncadd.s32 $0xFFFFC000  }
0x91: {  	_ =	swait.ge [sflag:s18], $0x100  }
0x92: {  	[sflag:s18] =	ssyncset.done $0x0  }
0x93: {  	[sflag:s18] =	ssyncadd.s32 $0xFFFFFF00  }
0x94: {  	[spmem:s3] =	stream.indirect.scatter.add.f32 [tilespmem:s13], [sflag:$0x9], $0x80, s10, s11, $0xb8;
	[tilespmem:$0x1FEC0] =	vst v63  }
0x95: {  	_ =	swait.ge [sflag:s7], $0x4000  }
0x96: {  	[sflag:s7] =	ssyncset.done $0x0  }
0x97: {  	[sflag:s7] =	ssyncadd.s32 $0xFFFFC000  }
0x98: {  	[tilespmem:s13], [sflag:$0x2] =	stream.indirect.gather [hbm4b:s1+s11], $0x80, s11, s11, $0xb8;
	[tilespmem:$0x1FEC0] =	vst v63  }
0x99: {  	_ =	swait.ge [sflag:s25], $0x4000  }
0x9a: {  	[sflag:s25] =	ssyncset.done $0x0  }
0x9b: {  	[sflag:s25] =	ssyncadd.s32 $0xFFFFC000  }
0x9c: {  	[spmem:s3] =	stream.indirect.scatter.add.f32 [tilespmem:s16], [sflag:$0x9], $0x80, s23, s11, $0xb8;
	[tilespmem:$0x1FEC0] =	vst v63  }
0x9d: {  	_ =	swait.ge [sflag:s7], $0x4000  }
0x9e: {  	[sflag:s7] =	ssyncset.done $0x0  }
0x9f: {  	s28 =	rddreg [dreg:$0x17];
	[sflag:s7] =	ssyncadd.s32 $0xFFFFC000  }
0xa0: {  	[tilespmem:s9], [sflag:$0x6] =	stream.linear.gather [hbm4b:s28+s4], $0x100, $0x38;
	[tilespmem:$0x1FEC0] =	vst v63  }
0xa1: {  	s6 =	rddreg [dreg:$0x18]  }
0xa2: {  	[tilespmem:s10], [sflag:$0x7] =	stream.linear.gather [hbm4b:s6+s4], $0x100, $0x38;
	[tilespmem:$0x1FEC0] =	vst v63  }
0xa3: {  	_ =	swait.ge [sflag:s15], $0x100  }
0xa4: {  	[sflag:s15] =	ssyncset.done $0x0  }
0xa5: {  	[sflag:s15] =	ssyncadd.s32 $0xFFFFFF00  }
0xa6: {  	[tilespmem:s16], [sflag:$0x3] =	stream.indirect.gather [hbm4b:s1+s11], $0x80, s8, s11, $0xb8;
	[tilespmem:$0x1FEC0] =	vst v63  }
0xa7: {  	_ =	swait.ge [sflag:s17], $0x4000  }
0xa8: {  	[sflag:s17] =	ssyncset.done $0x0  }
0xa9: {  	[sflag:s17] =	ssyncadd.s32 $0xFFFFC000  }
0xaa: {  	_ =	swait.ge [sflag:s26], $0x100  }
0xab: {  	[sflag:s26] =	ssyncset.done $0x0  }
0xac: {  	[sflag:s26] =	ssyncadd.s32 $0xFFFFFF00  }
0xad: {  	[spmem:s3] =	stream.indirect.scatter.add.f32 [tilespmem:s12], [sflag:$0x9], $0x80, s14, s11, $0xb8;
	[tilespmem:$0x1FEC0] =	vst v63  }
0xae: {  	_ =	swait.ge [sflag:s7], $0x4000  }
0xaf: {  	[sflag:s7] =	ssyncset.done $0x0  }
0xb0: {  	[sflag:s7] =	ssyncadd.s32 $0xFFFFC000  }
0xb1: {  	[tilespmem:s12], [sflag:$0x1] =	stream.indirect.gather [hbm4b:s1+s11], $0x80, s19, s11, $0xb8;
	[tilespmem:$0x1FEC0] =	vst v63  }
0xb2: {  	_ =	swait.ge [sflag:s20], $0x4000  }
0xb3: {  	[sflag:s20] =	ssyncset.done $0x0  }
0xb4: {  	[sflag:s20] =	ssyncadd.s32 $0xFFFFC000  }
0xb5: {  	[spmem:s3] =	stream.indirect.scatter.add.f32 [tilespmem:s13], [sflag:$0x9], $0x80, s31, s11, $0xb8;
	[tilespmem:$0x1FEC0] =	vst v63  }
0xb6: {  	_ =	swait.ge [sflag:s7], $0x4000  }
0xb7: {  	[sflag:s7] =	ssyncset.done $0x0  }
0xb8: {  	s22 =	rddreg [dreg:$0x19];
	[sflag:s7] =	ssyncadd.s32 $0xFFFFC000  }
0xb9: {  	[tilespmem:s4], [sflag:$0x4] =	stream.linear.gather [hbm4b:s22+s4], $0x100, $0x38;
	[tilespmem:$0x1FEC0] =	vst v63  }
0xba: {  	s28 =	rddreg [dreg:$0x1a]  }
0xbb: {  	[tilespmem:s14], [sflag:$0x8] =	stream.linear.gather [hbm4b:s28+s4], $0x100, $0x38;
	[tilespmem:$0x1FEC0] =	vst v63  }
0xbc: {  	_ =	swait.ge [sflag:s24], $0x100  }
0xbd: {  	[sflag:s24] =	ssyncset.done $0x0  }
0xbe: {  	[sflag:s24] =	ssyncadd.s32 $0xFFFFFF00  }
0xbf: {  	[tilespmem:s13], [sflag:$0x2] =	stream.indirect.gather [hbm4b:s1+s11], $0x80, s9, s11, $0xb8;
	[tilespmem:$0x1FEC0] =	vst v63  }
0xc0: {  	_ =	swait.ge [sflag:s25], $0x4000  }
0xc1: {  	[sflag:s25] =	ssyncset.done $0x0  }
0xc2: {  	[sflag:s25] =	ssyncadd.s32 $0xFFFFC000  }
0xc3: {  	_ =	swait.ge [sflag:s18], $0x100  }
0xc4: {  	[sflag:s18] =	ssyncset.done $0x0  }
0xc5: {  	[sflag:s18] =	ssyncadd.s32 $0xFFFFFF00  }
0xc6: {  	[spmem:s3] =	stream.indirect.scatter.add.f32 [tilespmem:s16], [sflag:$0x9], $0x80, s10, s11, $0xb8;
	[tilespmem:$0x1FEC0] =	vst v63  }
0xc7: {  	_ =	swait.ge [sflag:s7], $0x4000  }
0xc8: {  	[sflag:s7] =	ssyncset.done $0x0  }
0xc9: {  	[sflag:s7] =	ssyncadd.s32 $0xFFFFC000  }
0xca: {  	[tilespmem:s16], [sflag:$0x3] =	stream.indirect.gather [hbm4b:s1+s11], $0x80, s29, s11, $0xb8;
	[tilespmem:$0x1FEC0] =	vst v63  }
0xcb: {  	_ =	swait.ge [sflag:s17], $0x4000  }
0xcc: {  	[sflag:s17] =	ssyncset.done $0x0  }
0xcd: {  	[sflag:s17] =	ssyncadd.s32 $0xFFFFC000  }
0xce: {  	[spmem:s3] =	stream.indirect.scatter.add.f32 [tilespmem:s12], [sflag:$0x9], $0x80, s23, s11, $0xb8;
	[tilespmem:$0x1FEC0] =	vst v63  }
0xcf: {  	_ =	swait.ge [sflag:s7], $0x4000  }
0xd0: {  	s6 =	sld [smem:$0x7FB]  }
0xd1: {  	[sflag:s7] =	ssyncset.done $0x0  }
0xd2: {  	[sflag:s7] =	ssyncadd.s32 $0xFFFFC000  }
0xd3: {  	[tilespmem:s8], [sflag:$0x5] =	stream.linear.gather [hbm4b:s6+s4], $0x100, $0x38;
	[tilespmem:$0x1FEC0] =	vst v63  }
0xd4: {  	s22 =	rddreg [dreg:$0x1b]  }
0xd5: {  	[tilespmem:s10], [sflag:$0x7] =	stream.linear.gather [hbm4b:s22+s4], $0x100, $0x38;
	[tilespmem:$0x1FEC0] =	vst v63  }
0xd6: {  	_ =	swait.ge [sflag:s2], $0x100  }
0xd7: {  	[sflag:s2] =	ssyncset.done $0x0  }
0xd8: {  	[sflag:s2] =	ssyncadd.s32 $0xFFFFFF00  }
0xd9: {  	[tilespmem:s12], [sflag:$0x1] =	stream.indirect.gather [hbm4b:s1+s11], $0x80, s4, s11, $0xb8;
	[tilespmem:$0x1FEC0] =	vst v63  }
0xda: {  	_ =	swait.ge [sflag:s20], $0x4000  }
0xdb: {  	[sflag:s20] =	ssyncset.done $0x0  }
0xdc: {  	[sflag:s20] =	ssyncadd.s32 $0xFFFFC000  }
0xdd: {  	_ =	swait.ge [sflag:s26], $0x100  }
0xde: {  	[sflag:s26] =	ssyncset.done $0x0  }
0xdf: {  	[sflag:s26] =	ssyncadd.s32 $0xFFFFFF00  }
0xe0: {  	[spmem:s3] =	stream.indirect.scatter.add.f32 [tilespmem:s13], [sflag:$0x9], $0x80, s14, s11, $0xb8;
	[tilespmem:$0x1FEC0] =	vst v63  }
0xe1: {  	_ =	swait.ge [sflag:s7], $0x4000  }
0xe2: {  	[sflag:s7] =	ssyncset.done $0x0  }
0xe3: {  	[sflag:s7] =	ssyncadd.s32 $0xFFFFC000  }
0xe4: {  	[tilespmem:s13], [sflag:$0x2] =	stream.indirect.gather [hbm4b:s1+s11], $0x80, s11, s11, $0xb8;
	[tilespmem:$0x1FEC0] =	vst v63  }
0xe5: {  	_ =	swait.ge [sflag:s25], $0x4000  }
0xe6: {  	[sflag:s25] =	ssyncset.done $0x0  }
0xe7: {  	[sflag:s25] =	ssyncadd.s32 $0xFFFFC000  }
0xe8: {  	[spmem:s3] =	stream.indirect.scatter.add.f32 [tilespmem:s16], [sflag:$0x9], $0x80, s31, s11, $0xb8;
	[tilespmem:$0x1FEC0] =	vst v63  }
0xe9: {  	_ =	swait.ge [sflag:s7], $0x4000  }
0xea: {  	s28 =	rddreg [dreg:$0xf];
	[sflag:s7] =	ssyncset.done $0x0  }
0xeb: {  	s6 =	rddreg [dreg:$0xd];
	[sflag:s7] =	ssyncadd.s32 $0xFFFFC000;
	s5 =	sadd.s32 $0x0, s28  }
0xec: {  	[tilespmem:s9], [sflag:$0x6] =	stream.linear.gather [hbm4b:s5+s4], $0x100, $0x38;
	[tilespmem:$0x1FEC0] =	vst v63  }
0xed: {  	s22 =	sadd.s32 $0x0, s6  }
0xee: {  	[tilespmem:s14], [sflag:$0x8] =	stream.linear.gather [hbm4b:s22+s4], $0x100, $0x38;
	[tilespmem:$0x1FEC0] =	vst v63  }
0xef: {  	_ =	swait.ge [sflag:s15], $0x100  }
0xf0: {  	[sflag:s15] =	ssyncset.done $0x0  }
0xf1: {  	[sflag:s15] =	ssyncadd.s32 $0xFFFFFF00  }
0xf2: {  	[tilespmem:s16], [sflag:$0x3] =	stream.indirect.gather [hbm4b:s1+s11], $0x80, s8, s11, $0xb8;
	[tilespmem:$0x1FEC0] =	vst v63  }
0xf3: {  	_ =	swait.ge [sflag:s17], $0x4000  }
0xf4: {  	[sflag:s17] =	ssyncset.done $0x0  }
0xf5: {  	[sflag:s17] =	ssyncadd.s32 $0xFFFFC000  }
0xf6: {  	_ =	swait.ge [sflag:s18], $0x100  }
0xf7: {  	[sflag:s18] =	ssyncset.done $0x0  }
0xf8: {  	[sflag:s18] =	ssyncadd.s32 $0xFFFFFF00  }
0xf9: {  	[spmem:s3] =	stream.indirect.scatter.add.f32 [tilespmem:s12], [sflag:$0x9], $0x80, s10, s11, $0xb8;
	[tilespmem:$0x1FEC0] =	vst v63  }
0xfa: {  	_ =	swait.ge [sflag:s7], $0x4000  }
0xfb: {  	[sflag:s7] =	ssyncset.done $0x0  }
0xfc: {  	[sflag:s7] =	ssyncadd.s32 $0xFFFFC000  }
0xfd: {  	[tilespmem:s12], [sflag:$0x1] =	stream.indirect.gather [hbm4b:s1+s11], $0x80, s19, s11, $0xb8;
	[tilespmem:$0x1FEC0] =	vst v63  }
0xfe: {  	_ =	swait.ge [sflag:s20], $0x4000  }
0xff: {  	[sflag:s20] =	ssyncset.done $0x0  }
0x100: {  	[sflag:s20] =	ssyncadd.s32 $0xFFFFC000  }
0x101: {  	[spmem:s3] =	stream.indirect.scatter.add.f32 [tilespmem:s13], [sflag:$0x9], $0x80, s23, s11, $0xb8;
	[tilespmem:$0x1FEC0] =	vst v63  }
0x102: {  	_ =	swait.ge [sflag:s7], $0x4000  }
0x103: {  	s28 =	rddreg [dreg:$0xc];
	[sflag:s7] =	ssyncset.done $0x0  }
0x104: {  	s6 =	rddreg [dreg:$0xe];
	[sflag:s7] =	ssyncadd.s32 $0xFFFFC000;
	s5 =	sadd.s32 $0x0, s28  }
0x105: {  	[tilespmem:s4], [sflag:$0x4] =	stream.linear.gather [hbm4b:s5+s4], $0x100, $0x38;
	[tilespmem:$0x1FEC0] =	vst v63  }
0x106: {  	s22 =	sadd.s32 $0x0, s6  }
0x107: {  	[tilespmem:s10], [sflag:$0x7] =	stream.linear.gather [hbm4b:s22+s4], $0x100, $0x38;
	[tilespmem:$0x1FEC0] =	vst v63  }
0x108: {  	_ =	swait.ge [sflag:s24], $0x100  }
0x109: {  	[sflag:s24] =	ssyncset.done $0x0  }
0x10a: {  	[sflag:s24] =	ssyncadd.s32 $0xFFFFFF00  }
0x10b: {  	[tilespmem:s13], [sflag:$0x2] =	stream.indirect.gather [hbm4b:s1+s11], $0x80, s9, s11, $0xb8;
	[tilespmem:$0x1FEC0] =	vst v63  }
0x10c: {  	_ =	swait.ge [sflag:s25], $0x4000  }
0x10d: {  	[sflag:s25] =	ssyncset.done $0x0  }
0x10e: {  	[sflag:s25] =	ssyncadd.s32 $0xFFFFC000  }
0x10f: {  	_ =	swait.ge [sflag:s26], $0x100  }
0x110: {  	[sflag:s26] =	ssyncset.done $0x0  }
0x111: {  	[sflag:s26] =	ssyncadd.s32 $0xFFFFFF00  }
0x112: {  	[spmem:s3] =	stream.indirect.scatter.add.f32 [tilespmem:s16], [sflag:$0x9], $0x80, s14, s11, $0xb8;
	[tilespmem:$0x1FEC0] =	vst v63  }
0x113: {  	_ =	swait.ge [sflag:s7], $0x4000  }
0x114: {  	[sflag:s7] =	ssyncset.done $0x0  }
0x115: {  	[sflag:s7] =	ssyncadd.s32 $0xFFFFC000  }
0x116: {  	[tilespmem:s16], [sflag:$0x3] =	stream.indirect.gather [hbm4b:s1+s11], $0x80, s29, s11, $0xb8;
	[tilespmem:$0x1FEC0] =	vst v63  }
0x117: {  	_ =	swait.ge [sflag:s17], $0x4000  }
0x118: {  	[sflag:s17] =	ssyncset.done $0x0  }
0x119: {  	[sflag:s17] =	ssyncadd.s32 $0xFFFFC000  }
0x11a: {  	[spmem:s3] =	stream.indirect.scatter.add.f32 [tilespmem:s12], [sflag:$0x9], $0x80, s31, s11, $0xb8;
	[tilespmem:$0x1FEC0] =	vst v63  }
0x11b: {  	_ =	swait.ge [sflag:s7], $0x4000  }
0x11c: {  	s28 =	rddreg [dreg:$0xa];
	[sflag:s7] =	ssyncset.done $0x0  }
0x11d: {  	s6 =	rddreg [dreg:$0xb];
	[sflag:s7] =	ssyncadd.s32 $0xFFFFC000;
	s5 =	sadd.s32 $0x0, s28  }
0x11e: {  	[tilespmem:s8], [sflag:$0x5] =	stream.linear.gather [hbm4b:s5+s4], $0x100, $0x38;
	[tilespmem:$0x1FEC0] =	vst v63  }
0x11f: {  	s22 =	sadd.s32 $0x0, s6  }
0x120: {  	[tilespmem:s14], [sflag:$0x8] =	stream.linear.gather [hbm4b:s22+s4], $0x100, $0x38;
	[tilespmem:$0x1FEC0] =	vst v63  }
0x121: {  	_ =	swait.ge [sflag:s2], $0x100  }
0x122: {  	[sflag:s2] =	ssyncset.done $0x0  }
0x123: {  	[sflag:s2] =	ssyncadd.s32 $0xFFFFFF00  }
0x124: {  	[tilespmem:s12], [sflag:$0x1] =	stream.indirect.gather [hbm4b:s1+s11], $0x80, s4, s11, $0xb8;
	[tilespmem:$0x1FEC0] =	vst v63  }
0x125: {  	_ =	swait.ge [sflag:s20], $0x4000  }
0x126: {  	[sflag:s20] =	ssyncset.done $0x0  }
0x127: {  	[sflag:s20] =	ssyncadd.s32 $0xFFFFC000  }
0x128: {  	_ =	swait.ge [sflag:s18], $0x100  }
0x129: {  	[sflag:s18] =	ssyncset.done $0x0  }
0x12a: {  	[sflag:s18] =	ssyncadd.s32 $0xFFFFFF00  }
0x12b: {  	[spmem:s3] =	stream.indirect.scatter.add.f32 [tilespmem:s13], [sflag:$0x9], $0x80, s10, s11, $0xb8;
	[tilespmem:$0x1FEC0] =	vst v63  }
0x12c: {  	_ =	swait.ge [sflag:s7], $0x4000  }
0x12d: {  	[sflag:s7] =	ssyncset.done $0x0  }
0x12e: {  	[sflag:s7] =	ssyncadd.s32 $0xFFFFC000  }
0x12f: {  	[tilespmem:s13], [sflag:$0x2] =	stream.indirect.gather [hbm4b:s1+s11], $0x80, s11, s11, $0xb8;
	[tilespmem:$0x1FEC0] =	vst v63  }
0x130: {  	_ =	swait.ge [sflag:s25], $0x4000  }
0x131: {  	[sflag:s25] =	ssyncset.done $0x0  }
0x132: {  	[sflag:s25] =	ssyncadd.s32 $0xFFFFC000  }
0x133: {  	[spmem:s3] =	stream.indirect.scatter.add.f32 [tilespmem:s16], [sflag:$0x9], $0x80, s23, s11, $0xb8;
	[tilespmem:$0x1FEC0] =	vst v63  }
0x134: {  	_ =	swait.ge [sflag:s7], $0x4000  }
0x135: {  	s28 =	rddreg [dreg:$0x8];
	[sflag:s7] =	ssyncset.done $0x0  }
0x136: {  	s6 =	rddreg [dreg:$0x9];
	[sflag:s7] =	ssyncadd.s32 $0xFFFFC000;
	s5 =	sadd.s32 $0x0, s28  }
0x137: {  	[tilespmem:s9], [sflag:$0x6] =	stream.linear.gather [hbm4b:s5+s4], $0x100, $0x38;
	[tilespmem:$0x1FEC0] =	vst v63  }
0x138: {  	s22 =	sadd.s32 $0x0, s6  }
0x139: {  	[tilespmem:s10], [sflag:$0x7] =	stream.linear.gather [hbm4b:s22+s4], $0x100, $0x38;
	[tilespmem:$0x1FEC0] =	vst v63  }
0x13a: {  	_ =	swait.ge [sflag:s15], $0x100  }
0x13b: {  	[sflag:s15] =	ssyncset.done $0x0  }
0x13c: {  	[sflag:s15] =	ssyncadd.s32 $0xFFFFFF00  }
0x13d: {  	[tilespmem:s16], [sflag:$0x3] =	stream.indirect.gather [hbm4b:s1+s11], $0x80, s8, s11, $0xb8;
	[tilespmem:$0x1FEC0] =	vst v63  }
0x13e: {  	_ =	swait.ge [sflag:s17], $0x4000  }
0x13f: {  	[sflag:s17] =	ssyncset.done $0x0  }
0x140: {  	[sflag:s17] =	ssyncadd.s32 $0xFFFFC000  }
0x141: {  	_ =	swait.ge [sflag:s26], $0x100  }
0x142: {  	[sflag:s26] =	ssyncset.done $0x0  }
0x143: {  	[sflag:s26] =	ssyncadd.s32 $0xFFFFFF00  }
0x144: {  	[spmem:s3] =	stream.indirect.scatter.add.f32 [tilespmem:s12], [sflag:$0x9], $0x80, s14, s11, $0xb8;
	[tilespmem:$0x1FEC0] =	vst v63  }
0x145: {  	_ =	swait.ge [sflag:s7], $0x4000  }
0x146: {  	[sflag:s7] =	ssyncset.done $0x0  }
0x147: {  	[sflag:s7] =	ssyncadd.s32 $0xFFFFC000  }
0x148: {  	[tilespmem:s12], [sflag:$0x1] =	stream.indirect.gather [hbm4b:s1+s11], $0x80, s19, s11, $0xb8;
	[tilespmem:$0x1FEC0] =	vst v63  }
0x149: {  	_ =	swait.ge [sflag:s20], $0x4000  }
0x14a: {  	[sflag:s20] =	ssyncset.done $0x0  }
0x14b: {  	[sflag:s20] =	ssyncadd.s32 $0xFFFFC000  }
0x14c: {  	[spmem:s3] =	stream.indirect.scatter.add.f32 [tilespmem:s13], [sflag:$0x9], $0x80, s31, s11, $0xb8;
	[tilespmem:$0x1FEC0] =	vst v63  }
0x14d: {  	_ =	swait.ge [sflag:s7], $0x4000  }
0x14e: {  	s28 =	rddreg [dreg:$0x6];
	[sflag:s7] =	ssyncset.done $0x0  }
0x14f: {  	s6 =	rddreg [dreg:$0x7];
	[sflag:s7] =	ssyncadd.s32 $0xFFFFC000;
	s5 =	sadd.s32 $0x0, s28  }
0x150: {  	[tilespmem:s4], [sflag:$0x4] =	stream.linear.gather [hbm4b:s5+s4], $0x100, $0x38;
	[tilespmem:$0x1FEC0] =	vst v63  }
0x151: {  	s22 =	sadd.s32 $0x0, s6  }
0x152: {  	[tilespmem:s14], [sflag:$0x8] =	stream.linear.gather [hbm4b:s22+s4], $0x100, $0x38;
	[tilespmem:$0x1FEC0] =	vst v63  }
0x153: {  	_ =	swait.ge [sflag:s24], $0x100  }
0x154: {  	[sflag:s24] =	ssyncset.done $0x0  }
0x155: {  	[sflag:s24] =	ssyncadd.s32 $0xFFFFFF00  }
0x156: {  	[tilespmem:s13], [sflag:$0x2] =	stream.indirect.gather [hbm4b:s1+s11], $0x80, s9, s11, $0xb8;
	[tilespmem:$0x1FEC0] =	vst v63  }
0x157: {  	_ =	swait.ge [sflag:s25], $0x4000  }
0x158: {  	[sflag:s25] =	ssyncset.done $0x0  }
0x159: {  	[sflag:s25] =	ssyncadd.s32 $0xFFFFC000  }
0x15a: {  	_ =	swait.ge [sflag:s18], $0x100  }
0x15b: {  	[sflag:s18] =	ssyncset.done $0x0  }
0x15c: {  	[sflag:s18] =	ssyncadd.s32 $0xFFFFFF00  }
0x15d: {  	[spmem:s3] =	stream.indirect.scatter.add.f32 [tilespmem:s16], [sflag:$0x9], $0x80, s10, s11, $0xb8;
	[tilespmem:$0x1FEC0] =	vst v63  }
0x15e: {  	_ =	swait.ge [sflag:s7], $0x4000  }
0x15f: {  	[sflag:s7] =	ssyncset.done $0x0  }
0x160: {  	[sflag:s7] =	ssyncadd.s32 $0xFFFFC000  }
0x161: {  	[tilespmem:s16], [sflag:$0x3] =	stream.indirect.gather [hbm4b:s1+s11], $0x80, s29, s11, $0xb8;
	[tilespmem:$0x1FEC0] =	vst v63  }
0x162: {  	_ =	swait.ge [sflag:s17], $0x4000  }
0x163: {  	[sflag:s17] =	ssyncset.done $0x0  }
0x164: {  	[sflag:s17] =	ssyncadd.s32 $0xFFFFC000  }
0x165: {  	[spmem:s3] =	stream.indirect.scatter.add.f32 [tilespmem:s12], [sflag:$0x9], $0x80, s23, s11, $0xb8;
	[tilespmem:$0x1FEC0] =	vst v63  }
0x166: {  	_ =	swait.ge [sflag:s7], $0x4000  }
0x167: {  	s28 =	rddreg [dreg:$0x4];
	[sflag:s7] =	ssyncset.done $0x0  }
0x168: {  	s6 =	rddreg [dreg:$0x5];
	[sflag:s7] =	ssyncadd.s32 $0xFFFFC000;
	s5 =	sadd.s32 $0x0, s28  }
0x169: {  	[tilespmem:s8], [sflag:$0x5] =	stream.linear.gather [hbm4b:s5+s4], $0x100, $0x38;
	[tilespmem:$0x1FEC0] =	vst v63  }
0x16a: {  	s28 =	sadd.s32 $0x0, s6  }
0x16b: {  	[tilespmem:s10], [sflag:$0x7] =	stream.linear.gather [hbm4b:s28+s4], $0x100, $0x38;
	[tilespmem:$0x1FEC0] =	vst v63  }
0x16c: {  	_ =	swait.ge [sflag:s2], $0x100  }
0x16d: {  	[sflag:s2] =	ssyncset.done $0x0  }
0x16e: {  	[sflag:s2] =	ssyncadd.s32 $0xFFFFFF00  }
0x16f: {  	[tilespmem:s12], [sflag:$0x1] =	stream.indirect.gather [hbm4b:s1+s11], $0x80, s4, s11, $0xb8;
	[tilespmem:$0x1FEC0] =	vst v63  }
0x170: {  	_ =	swait.ge [sflag:s20], $0x4000  }
0x171: {  	[sflag:s20] =	ssyncset.done $0x0  }
0x172: {  	[sflag:s20] =	ssyncadd.s32 $0xFFFFC000  }
0x173: {  	_ =	swait.ge [sflag:s26], $0x100  }
0x174: {  	[sflag:s26] =	ssyncset.done $0x0  }
0x175: {  	[sflag:s26] =	ssyncadd.s32 $0xFFFFFF00  }
0x176: {  	[spmem:s3] =	stream.indirect.scatter.add.f32 [tilespmem:s13], [sflag:$0x9], $0x80, s14, s11, $0xb8;
	[tilespmem:$0x1FEC0] =	vst v63  }
0x177: {  	_ =	swait.ge [sflag:s7], $0x4000  }
0x178: {  	[sflag:s7] =	ssyncset.done $0x0  }
0x179: {  	[sflag:s7] =	ssyncadd.s32 $0xFFFFC000  }
0x17a: {  	[tilespmem:s13], [sflag:$0x2] =	stream.indirect.gather [hbm4b:s1+s11], $0x80, s11, s11, $0xb8;
	[tilespmem:$0x1FEC0] =	vst v63  }
0x17b: {  	_ =	swait.ge [sflag:s25], $0x4000  }
0x17c: {  	[sflag:s25] =	ssyncset.done $0x0  }
0x17d: {  	[sflag:s25] =	ssyncadd.s32 $0xFFFFC000  }
0x17e: {  	[spmem:s3] =	stream.indirect.scatter.add.f32 [tilespmem:s16], [sflag:$0x9], $0x80, s31, s11, $0xb8;
	[tilespmem:$0x1FEC0] =	vst v63  }
0x17f: {  	s30 =	simm.s32 $0x180;
	_ =	swait.ge [sflag:s7], $0x4000  }
0x180: {  	s22 =	simm.s32 $0xC0;
	s5 =	rddreg [dreg:$0xf];
	[sflag:s7] =	ssyncset.done $0x0  }
.LBB2_2:
0x181: {  	[sflag:s7] =	ssyncadd.s32 $0xFFFFC000;
	s6 =	rddreg [dreg:$0xd];
	s5 =	sadd.s32 s22, s5  }
0x182: {  	[tilespmem:s9], [sflag:$0x6] =	stream.linear.gather [hbm4b:s5+s4], $0x100, $0x38;
	[tilespmem:$0x1FEC0] =	vst v63  }
0x183: {  	s6 =	sadd.s32 s22, s6  }
0x184: {  	[tilespmem:s14], [sflag:$0x8] =	stream.linear.gather [hbm4b:s6+s4], $0x100, $0x38;
	[tilespmem:$0x1FEC0] =	vst v63  }
0x185: {  	_ =	swait.ge [sflag:s15], $0x100  }
0x186: {  	[sflag:s15] =	ssyncset.done $0x0  }
0x187: {  	[sflag:s15] =	ssyncadd.s32 $0xFFFFFF00  }
0x188: {  	[tilespmem:s16], [sflag:$0x3] =	stream.indirect.gather [hbm4b:s1+s11], $0x80, s8, s11, $0xb8;
	[tilespmem:$0x1FEC0] =	vst v63  }
0x189: {  	_ =	swait.ge [sflag:s17], $0x4000  }
0x18a: {  	[sflag:s17] =	ssyncset.done $0x0  }
0x18b: {  	[sflag:s17] =	ssyncadd.s32 $0xFFFFC000  }
0x18c: {  	_ =	swait.ge [sflag:s18], $0x100  }
0x18d: {  	[sflag:s18] =	ssyncset.done $0x0  }
0x18e: {  	[sflag:s18] =	ssyncadd.s32 $0xFFFFFF00  }
0x18f: {  	[spmem:s3] =	stream.indirect.scatter.add.f32 [tilespmem:s12], [sflag:$0x9], $0x80, s10, s11, $0xb8;
	[tilespmem:$0x1FEC0] =	vst v63  }
0x190: {  	_ =	swait.ge [sflag:s7], $0x4000  }
0x191: {  	[sflag:s7] =	ssyncset.done $0x0  }
0x192: {  	[sflag:s7] =	ssyncadd.s32 $0xFFFFC000  }
0x193: {  	[tilespmem:s12], [sflag:$0x1] =	stream.indirect.gather [hbm4b:s1+s11], $0x80, s19, s11, $0xb8;
	[tilespmem:$0x1FEC0] =	vst v63  }
0x194: {  	_ =	swait.ge [sflag:s20], $0x4000  }
0x195: {  	[sflag:s20] =	ssyncset.done $0x0  }
0x196: {  	[sflag:s20] =	ssyncadd.s32 $0xFFFFC000  }
0x197: {  	[spmem:s3] =	stream.indirect.scatter.add.f32 [tilespmem:s13], [sflag:$0x9], $0x80, s23, s11, $0xb8;
	[tilespmem:$0x1FEC0] =	vst v63  }
0x198: {  	_ =	swait.ge [sflag:s7], $0x4000  }
0x199: {  	s5 =	rddreg [dreg:$0xc];
	[sflag:s7] =	ssyncset.done $0x0  }
0x19a: {  	s6 =	rddreg [dreg:$0xe];
	[sflag:s7] =	ssyncadd.s32 $0xFFFFC000;
	s5 =	sadd.s32 s22, s5  }
0x19b: {  	[tilespmem:s4], [sflag:$0x4] =	stream.linear.gather [hbm4b:s5+s4], $0x100, $0x38;
	[tilespmem:$0x1FEC0] =	vst v63  }
0x19c: {  	s6 =	sadd.s32 s22, s6  }
0x19d: {  	[tilespmem:s10], [sflag:$0x7] =	stream.linear.gather [hbm4b:s6+s4], $0x100, $0x38;
	[tilespmem:$0x1FEC0] =	vst v63  }
0x19e: {  	_ =	swait.ge [sflag:s24], $0x100  }
0x19f: {  	[sflag:s24] =	ssyncset.done $0x0  }
0x1a0: {  	[sflag:s24] =	ssyncadd.s32 $0xFFFFFF00  }
0x1a1: {  	[tilespmem:s13], [sflag:$0x2] =	stream.indirect.gather [hbm4b:s1+s11], $0x80, s9, s11, $0xb8;
	[tilespmem:$0x1FEC0] =	vst v63  }
0x1a2: {  	_ =	swait.ge [sflag:s25], $0x4000  }
0x1a3: {  	[sflag:s25] =	ssyncset.done $0x0  }
0x1a4: {  	[sflag:s25] =	ssyncadd.s32 $0xFFFFC000  }
0x1a5: {  	_ =	swait.ge [sflag:s26], $0x100  }
0x1a6: {  	[sflag:s26] =	ssyncset.done $0x0  }
0x1a7: {  	[sflag:s26] =	ssyncadd.s32 $0xFFFFFF00  }
0x1a8: {  	[spmem:s3] =	stream.indirect.scatter.add.f32 [tilespmem:s16], [sflag:$0x9], $0x80, s14, s11, $0xb8;
	[tilespmem:$0x1FEC0] =	vst v63  }
0x1a9: {  	_ =	swait.ge [sflag:s7], $0x4000  }
0x1aa: {  	[sflag:s7] =	ssyncset.done $0x0  }
0x1ab: {  	[sflag:s7] =	ssyncadd.s32 $0xFFFFC000  }
0x1ac: {  	[tilespmem:s16], [sflag:$0x3] =	stream.indirect.gather [hbm4b:s1+s11], $0x80, s29, s11, $0xb8;
	[tilespmem:$0x1FEC0] =	vst v63  }
0x1ad: {  	_ =	swait.ge [sflag:s17], $0x4000  }
0x1ae: {  	[sflag:s17] =	ssyncset.done $0x0  }
0x1af: {  	[sflag:s17] =	ssyncadd.s32 $0xFFFFC000  }
0x1b0: {  	[spmem:s3] =	stream.indirect.scatter.add.f32 [tilespmem:s12], [sflag:$0x9], $0x80, s31, s11, $0xb8;
	[tilespmem:$0x1FEC0] =	vst v63  }
0x1b1: {  	_ =	swait.ge [sflag:s7], $0x4000  }
0x1b2: {  	s5 =	rddreg [dreg:$0xa];
	[sflag:s7] =	ssyncset.done $0x0  }
0x1b3: {  	s6 =	rddreg [dreg:$0xb];
	[sflag:s7] =	ssyncadd.s32 $0xFFFFC000;
	s5 =	sadd.s32 s22, s5  }
0x1b4: {  	[tilespmem:s8], [sflag:$0x5] =	stream.linear.gather [hbm4b:s5+s4], $0x100, $0x38;
	[tilespmem:$0x1FEC0] =	vst v63  }
0x1b5: {  	s6 =	sadd.s32 s22, s6  }
0x1b6: {  	[tilespmem:s14], [sflag:$0x8] =	stream.linear.gather [hbm4b:s6+s4], $0x100, $0x38;
	[tilespmem:$0x1FEC0] =	vst v63  }
0x1b7: {  	_ =	swait.ge [sflag:s2], $0x100  }
0x1b8: {  	[sflag:s2] =	ssyncset.done $0x0  }
0x1b9: {  	[sflag:s2] =	ssyncadd.s32 $0xFFFFFF00  }
0x1ba: {  	[tilespmem:s12], [sflag:$0x1] =	stream.indirect.gather [hbm4b:s1+s11], $0x80, s4, s11, $0xb8;
	[tilespmem:$0x1FEC0] =	vst v63  }
0x1bb: {  	_ =	swait.ge [sflag:s20], $0x4000  }
0x1bc: {  	[sflag:s20] =	ssyncset.done $0x0  }
0x1bd: {  	[sflag:s20] =	ssyncadd.s32 $0xFFFFC000  }
0x1be: {  	_ =	swait.ge [sflag:s18], $0x100  }
0x1bf: {  	[sflag:s18] =	ssyncset.done $0x0  }
0x1c0: {  	[sflag:s18] =	ssyncadd.s32 $0xFFFFFF00  }
0x1c1: {  	[spmem:s3] =	stream.indirect.scatter.add.f32 [tilespmem:s13], [sflag:$0x9], $0x80, s10, s11, $0xb8;
	[tilespmem:$0x1FEC0] =	vst v63  }
0x1c2: {  	_ =	swait.ge [sflag:s7], $0x4000  }
0x1c3: {  	[sflag:s7] =	ssyncset.done $0x0  }
0x1c4: {  	[sflag:s7] =	ssyncadd.s32 $0xFFFFC000  }
0x1c5: {  	[tilespmem:s13], [sflag:$0x2] =	stream.indirect.gather [hbm4b:s1+s11], $0x80, s11, s11, $0xb8;
	[tilespmem:$0x1FEC0] =	vst v63  }
0x1c6: {  	_ =	swait.ge [sflag:s25], $0x4000  }
0x1c7: {  	[sflag:s25] =	ssyncset.done $0x0  }
0x1c8: {  	[sflag:s25] =	ssyncadd.s32 $0xFFFFC000  }
0x1c9: {  	[spmem:s3] =	stream.indirect.scatter.add.f32 [tilespmem:s16], [sflag:$0x9], $0x80, s23, s11, $0xb8;
	[tilespmem:$0x1FEC0] =	vst v63  }
0x1ca: {  	_ =	swait.ge [sflag:s7], $0x4000  }
0x1cb: {  	s5 =	rddreg [dreg:$0x8];
	[sflag:s7] =	ssyncset.done $0x0  }
0x1cc: {  	s6 =	rddreg [dreg:$0x9];
	[sflag:s7] =	ssyncadd.s32 $0xFFFFC000;
	s5 =	sadd.s32 s22, s5  }
0x1cd: {  	[tilespmem:s9], [sflag:$0x6] =	stream.linear.gather [hbm4b:s5+s4], $0x100, $0x38;
	[tilespmem:$0x1FEC0] =	vst v63  }
0x1ce: {  	s6 =	sadd.s32 s22, s6  }
0x1cf: {  	[tilespmem:s10], [sflag:$0x7] =	stream.linear.gather [hbm4b:s6+s4], $0x100, $0x38;
	[tilespmem:$0x1FEC0] =	vst v63  }
0x1d0: {  	_ =	swait.ge [sflag:s15], $0x100  }
0x1d1: {  	[sflag:s15] =	ssyncset.done $0x0  }
0x1d2: {  	[sflag:s15] =	ssyncadd.s32 $0xFFFFFF00  }
0x1d3: {  	[tilespmem:s16], [sflag:$0x3] =	stream.indirect.gather [hbm4b:s1+s11], $0x80, s8, s11, $0xb8;
	[tilespmem:$0x1FEC0] =	vst v63  }
0x1d4: {  	_ =	swait.ge [sflag:s17], $0x4000  }
0x1d5: {  	[sflag:s17] =	ssyncset.done $0x0  }
0x1d6: {  	[sflag:s17] =	ssyncadd.s32 $0xFFFFC000  }
0x1d7: {  	_ =	swait.ge [sflag:s26], $0x100  }
0x1d8: {  	[sflag:s26] =	ssyncset.done $0x0  }
0x1d9: {  	[sflag:s26] =	ssyncadd.s32 $0xFFFFFF00  }
0x1da: {  	[spmem:s3] =	stream.indirect.scatter.add.f32 [tilespmem:s12], [sflag:$0x9], $0x80, s14, s11, $0xb8;
	[tilespmem:$0x1FEC0] =	vst v63  }
0x1db: {  	_ =	swait.ge [sflag:s7], $0x4000  }
0x1dc: {  	[sflag:s7] =	ssyncset.done $0x0  }
0x1dd: {  	[sflag:s7] =	ssyncadd.s32 $0xFFFFC000  }
0x1de: {  	[tilespmem:s12], [sflag:$0x1] =	stream.indirect.gather [hbm4b:s1+s11], $0x80, s19, s11, $0xb8;
	[tilespmem:$0x1FEC0] =	vst v63  }
0x1df: {  	_ =	swait.ge [sflag:s20], $0x4000  }
0x1e0: {  	[sflag:s20] =	ssyncset.done $0x0  }
0x1e1: {  	[sflag:s20] =	ssyncadd.s32 $0xFFFFC000  }
0x1e2: {  	[spmem:s3] =	stream.indirect.scatter.add.f32 [tilespmem:s13], [sflag:$0x9], $0x80, s31, s11, $0xb8;
	[tilespmem:$0x1FEC0] =	vst v63  }
0x1e3: {  	_ =	swait.ge [sflag:s7], $0x4000  }
0x1e4: {  	s5 =	rddreg [dreg:$0x6];
	[sflag:s7] =	ssyncset.done $0x0  }
0x1e5: {  	s6 =	rddreg [dreg:$0x7];
	[sflag:s7] =	ssyncadd.s32 $0xFFFFC000;
	s5 =	sadd.s32 s22, s5  }
0x1e6: {  	[tilespmem:s4], [sflag:$0x4] =	stream.linear.gather [hbm4b:s5+s4], $0x100, $0x38;
	[tilespmem:$0x1FEC0] =	vst v63  }
0x1e7: {  	s6 =	sadd.s32 s22, s6  }
0x1e8: {  	[tilespmem:s14], [sflag:$0x8] =	stream.linear.gather [hbm4b:s6+s4], $0x100, $0x38;
	[tilespmem:$0x1FEC0] =	vst v63  }
0x1e9: {  	_ =	swait.ge [sflag:s24], $0x100  }
0x1ea: {  	[sflag:s24] =	ssyncset.done $0x0  }
0x1eb: {  	[sflag:s24] =	ssyncadd.s32 $0xFFFFFF00  }
0x1ec: {  	[tilespmem:s13], [sflag:$0x2] =	stream.indirect.gather [hbm4b:s1+s11], $0x80, s9, s11, $0xb8;
	[tilespmem:$0x1FEC0] =	vst v63  }
0x1ed: {  	_ =	swait.ge [sflag:s25], $0x4000  }
0x1ee: {  	[sflag:s25] =	ssyncset.done $0x0  }
0x1ef: {  	[sflag:s25] =	ssyncadd.s32 $0xFFFFC000  }
0x1f0: {  	_ =	swait.ge [sflag:s18], $0x100  }
0x1f1: {  	[sflag:s18] =	ssyncset.done $0x0  }
0x1f2: {  	[sflag:s18] =	ssyncadd.s32 $0xFFFFFF00  }
0x1f3: {  	[spmem:s3] =	stream.indirect.scatter.add.f32 [tilespmem:s16], [sflag:$0x9], $0x80, s10, s11, $0xb8;
	[tilespmem:$0x1FEC0] =	vst v63  }
0x1f4: {  	_ =	swait.ge [sflag:s7], $0x4000  }
0x1f5: {  	[sflag:s7] =	ssyncset.done $0x0  }
0x1f6: {  	[sflag:s7] =	ssyncadd.s32 $0xFFFFC000  }
0x1f7: {  	[tilespmem:s16], [sflag:$0x3] =	stream.indirect.gather [hbm4b:s1+s11], $0x80, s29, s11, $0xb8;
	[tilespmem:$0x1FEC0] =	vst v63  }
0x1f8: {  	_ =	swait.ge [sflag:s17], $0x4000  }
0x1f9: {  	[sflag:s17] =	ssyncset.done $0x0  }
0x1fa: {  	[sflag:s17] =	ssyncadd.s32 $0xFFFFC000  }
0x1fb: {  	[spmem:s3] =	stream.indirect.scatter.add.f32 [tilespmem:s12], [sflag:$0x9], $0x80, s23, s11, $0xb8;
	[tilespmem:$0x1FEC0] =	vst v63  }
0x1fc: {  	_ =	swait.ge [sflag:s7], $0x4000  }
0x1fd: {  	s5 =	rddreg [dreg:$0x4];
	[sflag:s7] =	ssyncset.done $0x0  }
0x1fe: {  	s6 =	rddreg [dreg:$0x5];
	[sflag:s7] =	ssyncadd.s32 $0xFFFFC000;
	s5 =	sadd.s32 s22, s5  }
0x1ff: {  	[tilespmem:s8], [sflag:$0x5] =	stream.linear.gather [hbm4b:s5+s4], $0x100, $0x38;
	[tilespmem:$0x1FEC0] =	vst v63  }
0x200: {  	s6 =	sadd.s32 s22, s6  }
0x201: {  	[tilespmem:s10], [sflag:$0x7] =	stream.linear.gather [hbm4b:s6+s4], $0x100, $0x38;
	[tilespmem:$0x1FEC0] =	vst v63  }
0x202: {  	_ =	swait.ge [sflag:s2], $0x100  }
0x203: {  	[sflag:s2] =	ssyncset.done $0x0  }
0x204: {  	[sflag:s2] =	ssyncadd.s32 $0xFFFFFF00  }
0x205: {  	[tilespmem:s12], [sflag:$0x1] =	stream.indirect.gather [hbm4b:s1+s11], $0x80, s4, s11, $0xb8;
	[tilespmem:$0x1FEC0] =	vst v63  }
0x206: {  	_ =	swait.ge [sflag:s20], $0x4000  }
0x207: {  	[sflag:s20] =	ssyncset.done $0x0  }
0x208: {  	[sflag:s20] =	ssyncadd.s32 $0xFFFFC000  }
0x209: {  	_ =	swait.ge [sflag:s26], $0x100  }
0x20a: {  	[sflag:s26] =	ssyncset.done $0x0  }
0x20b: {  	[sflag:s26] =	ssyncadd.s32 $0xFFFFFF00  }
0x20c: {  	[spmem:s3] =	stream.indirect.scatter.add.f32 [tilespmem:s13], [sflag:$0x9], $0x80, s14, s11, $0xb8;
	[tilespmem:$0x1FEC0] =	vst v63  }
0x20d: {  	_ =	swait.ge [sflag:s7], $0x4000  }
0x20e: {  	[sflag:s7] =	ssyncset.done $0x0  }
0x20f: {  	[sflag:s7] =	ssyncadd.s32 $0xFFFFC000  }
0x210: {  	[tilespmem:s13], [sflag:$0x2] =	stream.indirect.gather [hbm4b:s1+s11], $0x80, s11, s11, $0xb8;
	[tilespmem:$0x1FEC0] =	vst v63  }
0x211: {  	p1 =	sne.s32 s30, $0x300;
	_ =	swait.ge [sflag:s25], $0x4000  }
.Ltmp0:
0x212: {  	[sflag:s25] =	ssyncset.done $0x0;
	(pc) =	sbr.rel @p1 .LBB2_2-.Ltmp0, $4  }
0x213: {  	[sflag:s25] =	ssyncadd.s32 $0xFFFFC000  }
0x214: {  	[spmem:s3] =	stream.indirect.scatter.add.f32 [tilespmem:s16], [sflag:$0x9], $0x80, s31, s11, $0xb8;
	[tilespmem:$0x1FEC0] =	vst v63  }
0x215: {  	s28 =	smov.u32 s30;
	s30 =	sadd.s32 $0xC0, s30;
	_ =	swait.ge [sflag:s7], $0x4000  }
0x216: {  	s22 =	smov.u32 s28;
	s5 =	rddreg [dreg:$0xf];
	[sflag:s7] =	ssyncset.done $0x0  }
0x217: {  	s6 =	rddreg [dreg:$0xd];
	[sflag:s7] =	ssyncadd.s32 $0xFFFFC000;
	s5 =	sadd.s32 s22, s5  }
0x218: {  	[tilespmem:s9], [sflag:$0x6] =	stream.linear.gather [hbm4b:s5+s4], $0x100, $0x38;
	[tilespmem:$0x1FEC0] =	vst v63  }
0x219: {  	s6 =	sadd.s32 s22, s6  }
0x21a: {  	[tilespmem:s14], [sflag:$0x8] =	stream.linear.gather [hbm4b:s6+s4], $0x100, $0x38;
	[tilespmem:$0x1FEC0] =	vst v63  }
0x21b: {  	_ =	swait.ge [sflag:s15], $0x100  }
0x21c: {  	[sflag:s15] =	ssyncset.done $0x0  }
0x21d: {  	[sflag:s15] =	ssyncadd.s32 $0xFFFFFF00  }
0x21e: {  	[tilespmem:s16], [sflag:$0x3] =	stream.indirect.gather [hbm4b:s1+s11], $0x80, s8, s11, $0xb8;
	[tilespmem:$0x1FEC0] =	vst v63  }
0x21f: {  	_ =	swait.ge [sflag:s17], $0x4000  }
0x220: {  	[sflag:s17] =	ssyncset.done $0x0  }
0x221: {  	[sflag:s17] =	ssyncadd.s32 $0xFFFFC000  }
0x222: {  	_ =	swait.ge [sflag:s18], $0x100  }
0x223: {  	[sflag:s18] =	ssyncset.done $0x0  }
0x224: {  	[sflag:s18] =	ssyncadd.s32 $0xFFFFFF00  }
0x225: {  	[spmem:s3] =	stream.indirect.scatter.add.f32 [tilespmem:s12], [sflag:$0x9], $0x80, s10, s11, $0xb8;
	[tilespmem:$0x1FEC0] =	vst v63  }
0x226: {  	_ =	swait.ge [sflag:s7], $0x4000  }
0x227: {  	[sflag:s7] =	ssyncset.done $0x0  }
0x228: {  	[sflag:s7] =	ssyncadd.s32 $0xFFFFC000  }
0x229: {  	[tilespmem:s12], [sflag:$0x1] =	stream.indirect.gather [hbm4b:s1+s11], $0x80, s19, s11, $0xb8;
	[tilespmem:$0x1FEC0] =	vst v63  }
0x22a: {  	_ =	swait.ge [sflag:s20], $0x4000  }
0x22b: {  	[sflag:s20] =	ssyncset.done $0x0  }
0x22c: {  	[sflag:s20] =	ssyncadd.s32 $0xFFFFC000  }
0x22d: {  	[spmem:s3] =	stream.indirect.scatter.add.f32 [tilespmem:s13], [sflag:$0x9], $0x80, s23, s11, $0xb8;
	[tilespmem:$0x1FEC0] =	vst v63  }
0x22e: {  	_ =	swait.ge [sflag:s7], $0x4000  }
0x22f: {  	s28 =	rddreg [dreg:$0xc];
	[sflag:s7] =	ssyncset.done $0x0  }
0x230: {  	s30 =	rddreg [dreg:$0xe];
	[sflag:s7] =	ssyncadd.s32 $0xFFFFC000;
	s5 =	sadd.s32 s22, s28  }
0x231: {  	[tilespmem:s4], [sflag:$0x4] =	stream.linear.gather [hbm4b:s5+s4], $0x100, $0x38;
	[tilespmem:$0x1FEC0] =	vst v63  }
0x232: {  	s6 =	sadd.s32 s22, s30  }
0x233: {  	[tilespmem:s10], [sflag:$0x7] =	stream.linear.gather [hbm4b:s6+s4], $0x100, $0x38;
	[tilespmem:$0x1FEC0] =	vst v63  }
0x234: {  	_ =	swait.ge [sflag:s24], $0x100  }
0x235: {  	[sflag:s24] =	ssyncset.done $0x0  }
0x236: {  	[sflag:s24] =	ssyncadd.s32 $0xFFFFFF00  }
0x237: {  	[tilespmem:s13], [sflag:$0x2] =	stream.indirect.gather [hbm4b:s1+s11], $0x80, s9, s11, $0xb8;
	[tilespmem:$0x1FEC0] =	vst v63  }
0x238: {  	_ =	swait.ge [sflag:s25], $0x4000  }
0x239: {  	[sflag:s25] =	ssyncset.done $0x0  }
0x23a: {  	[sflag:s25] =	ssyncadd.s32 $0xFFFFC000  }
0x23b: {  	_ =	swait.ge [sflag:s26], $0x100  }
0x23c: {  	[sflag:s26] =	ssyncset.done $0x0  }
0x23d: {  	[sflag:s26] =	ssyncadd.s32 $0xFFFFFF00  }
0x23e: {  	[spmem:s3] =	stream.indirect.scatter.add.f32 [tilespmem:s16], [sflag:$0x9], $0x80, s14, s11, $0xb8;
	[tilespmem:$0x1FEC0] =	vst v63  }
0x23f: {  	_ =	swait.ge [sflag:s7], $0x4000  }
0x240: {  	[sflag:s7] =	ssyncset.done $0x0  }
0x241: {  	[sflag:s7] =	ssyncadd.s32 $0xFFFFC000  }
0x242: {  	[tilespmem:s16], [sflag:$0x3] =	stream.indirect.gather [hbm4b:s1+s11], $0x80, s29, s11, $0xb8;
	[tilespmem:$0x1FEC0] =	vst v63  }
0x243: {  	_ =	swait.ge [sflag:s17], $0x4000  }
0x244: {  	[sflag:s17] =	ssyncset.done $0x0  }
0x245: {  	[sflag:s17] =	ssyncadd.s32 $0xFFFFC000  }
0x246: {  	[spmem:s3] =	stream.indirect.scatter.add.f32 [tilespmem:s12], [sflag:$0x9], $0x80, s31, s11, $0xb8;
	[tilespmem:$0x1FEC0] =	vst v63  }
0x247: {  	_ =	swait.ge [sflag:s7], $0x4000  }
0x248: {  	s28 =	rddreg [dreg:$0xa];
	[sflag:s7] =	ssyncset.done $0x0  }
0x249: {  	s30 =	rddreg [dreg:$0xb];
	[sflag:s7] =	ssyncadd.s32 $0xFFFFC000;
	s5 =	sadd.s32 s22, s28  }
0x24a: {  	[tilespmem:s8], [sflag:$0x5] =	stream.linear.gather [hbm4b:s5+s4], $0x100, $0x38;
	[tilespmem:$0x1FEC0] =	vst v63  }
0x24b: {  	s6 =	sadd.s32 s22, s30  }
0x24c: {  	[tilespmem:s14], [sflag:$0x8] =	stream.linear.gather [hbm4b:s6+s4], $0x100, $0x38;
	[tilespmem:$0x1FEC0] =	vst v63  }
0x24d: {  	_ =	swait.ge [sflag:s2], $0x100  }
0x24e: {  	[sflag:s2] =	ssyncset.done $0x0  }
0x24f: {  	[sflag:s2] =	ssyncadd.s32 $0xFFFFFF00  }
0x250: {  	[tilespmem:s12], [sflag:$0x1] =	stream.indirect.gather [hbm4b:s1+s11], $0x80, s4, s11, $0xb8;
	[tilespmem:$0x1FEC0] =	vst v63  }
0x251: {  	_ =	swait.ge [sflag:s20], $0x4000  }
0x252: {  	[sflag:s20] =	ssyncset.done $0x0  }
0x253: {  	[sflag:s20] =	ssyncadd.s32 $0xFFFFC000  }
0x254: {  	_ =	swait.ge [sflag:s18], $0x100  }
0x255: {  	[sflag:s18] =	ssyncset.done $0x0  }
0x256: {  	[sflag:s18] =	ssyncadd.s32 $0xFFFFFF00  }
0x257: {  	[spmem:s3] =	stream.indirect.scatter.add.f32 [tilespmem:s13], [sflag:$0x9], $0x80, s10, s11, $0xb8;
	[tilespmem:$0x1FEC0] =	vst v63  }
0x258: {  	_ =	swait.ge [sflag:s7], $0x4000  }
0x259: {  	[sflag:s7] =	ssyncset.done $0x0  }
0x25a: {  	[sflag:s7] =	ssyncadd.s32 $0xFFFFC000  }
0x25b: {  	[tilespmem:s13], [sflag:$0x2] =	stream.indirect.gather [hbm4b:s1+s11], $0x80, s11, s11, $0xb8;
	[tilespmem:$0x1FEC0] =	vst v63  }
0x25c: {  	_ =	swait.ge [sflag:s25], $0x4000  }
0x25d: {  	[sflag:s25] =	ssyncset.done $0x0  }
0x25e: {  	[sflag:s25] =	ssyncadd.s32 $0xFFFFC000  }
0x25f: {  	[spmem:s3] =	stream.indirect.scatter.add.f32 [tilespmem:s16], [sflag:$0x9], $0x80, s23, s11, $0xb8;
	[tilespmem:$0x1FEC0] =	vst v63  }
0x260: {  	_ =	swait.ge [sflag:s7], $0x4000  }
0x261: {  	s28 =	rddreg [dreg:$0x8];
	[sflag:s7] =	ssyncset.done $0x0  }
0x262: {  	s30 =	rddreg [dreg:$0x9];
	[sflag:s7] =	ssyncadd.s32 $0xFFFFC000;
	s5 =	sadd.s32 s22, s28  }
0x263: {  	[tilespmem:s9], [sflag:$0x6] =	stream.linear.gather [hbm4b:s5+s4], $0x100, $0x38;
	[tilespmem:$0x1FEC0] =	vst v63  }
0x264: {  	s6 =	sadd.s32 s22, s30  }
0x265: {  	[tilespmem:s10], [sflag:$0x7] =	stream.linear.gather [hbm4b:s6+s4], $0x100, $0x38;
	[tilespmem:$0x1FEC0] =	vst v63  }
0x266: {  	_ =	swait.ge [sflag:s15], $0x100  }
0x267: {  	[sflag:s15] =	ssyncset.done $0x0  }
0x268: {  	[sflag:s15] =	ssyncadd.s32 $0xFFFFFF00  }
0x269: {  	[tilespmem:s16], [sflag:$0x3] =	stream.indirect.gather [hbm4b:s1+s11], $0x80, s8, s11, $0xb8;
	[tilespmem:$0x1FEC0] =	vst v63  }
0x26a: {  	_ =	swait.ge [sflag:s17], $0x4000  }
0x26b: {  	[sflag:s17] =	ssyncset.done $0x0  }
0x26c: {  	[sflag:s17] =	ssyncadd.s32 $0xFFFFC000  }
0x26d: {  	_ =	swait.ge [sflag:s26], $0x100  }
0x26e: {  	[sflag:s26] =	ssyncset.done $0x0  }
0x26f: {  	[sflag:s26] =	ssyncadd.s32 $0xFFFFFF00  }
0x270: {  	[spmem:s3] =	stream.indirect.scatter.add.f32 [tilespmem:s12], [sflag:$0x9], $0x80, s14, s11, $0xb8;
	[tilespmem:$0x1FEC0] =	vst v63  }
0x271: {  	_ =	swait.ge [sflag:s7], $0x4000  }
0x272: {  	[sflag:s7] =	ssyncset.done $0x0  }
0x273: {  	[sflag:s7] =	ssyncadd.s32 $0xFFFFC000  }
0x274: {  	[tilespmem:s12], [sflag:$0x1] =	stream.indirect.gather [hbm4b:s1+s11], $0x80, s19, s11, $0xb8;
	[tilespmem:$0x1FEC0] =	vst v63  }
0x275: {  	_ =	swait.ge [sflag:s20], $0x4000  }
0x276: {  	[sflag:s20] =	ssyncset.done $0x0  }
0x277: {  	[sflag:s20] =	ssyncadd.s32 $0xFFFFC000  }
0x278: {  	[spmem:s3] =	stream.indirect.scatter.add.f32 [tilespmem:s13], [sflag:$0x9], $0x80, s31, s11, $0xb8;
	[tilespmem:$0x1FEC0] =	vst v63  }
0x279: {  	_ =	swait.ge [sflag:s7], $0x4000  }
0x27a: {  	s28 =	rddreg [dreg:$0x6];
	[sflag:s7] =	ssyncset.done $0x0  }
0x27b: {  	s30 =	rddreg [dreg:$0x7];
	[sflag:s7] =	ssyncadd.s32 $0xFFFFC000;
	s5 =	sadd.s32 s22, s28  }
0x27c: {  	[tilespmem:s4], [sflag:$0x4] =	stream.linear.gather [hbm4b:s5+s4], $0x100, $0x38;
	[tilespmem:$0x1FEC0] =	vst v63  }
0x27d: {  	s6 =	sadd.s32 s22, s30  }
0x27e: {  	[tilespmem:s14], [sflag:$0x8] =	stream.linear.gather [hbm4b:s6+s4], $0x100, $0x38;
	[tilespmem:$0x1FEC0] =	vst v63  }
0x27f: {  	_ =	swait.ge [sflag:s24], $0x100  }
0x280: {  	[sflag:s24] =	ssyncset.done $0x0  }
0x281: {  	[sflag:s24] =	ssyncadd.s32 $0xFFFFFF00  }
0x282: {  	[tilespmem:s13], [sflag:$0x2] =	stream.indirect.gather [hbm4b:s1+s11], $0x80, s9, s11, $0xb8;
	[tilespmem:$0x1FEC0] =	vst v63  }
0x283: {  	_ =	swait.ge [sflag:s25], $0x4000  }
0x284: {  	[sflag:s25] =	ssyncset.done $0x0  }
0x285: {  	[sflag:s25] =	ssyncadd.s32 $0xFFFFC000  }
0x286: {  	_ =	swait.ge [sflag:s18], $0x100  }
0x287: {  	[sflag:s18] =	ssyncset.done $0x0  }
0x288: {  	[sflag:s18] =	ssyncadd.s32 $0xFFFFFF00  }
0x289: {  	[spmem:s3] =	stream.indirect.scatter.add.f32 [tilespmem:s16], [sflag:$0x9], $0x80, s10, s11, $0xb8;
	[tilespmem:$0x1FEC0] =	vst v63  }
0x28a: {  	_ =	swait.ge [sflag:s7], $0x4000  }
0x28b: {  	[sflag:s7] =	ssyncset.done $0x0  }
0x28c: {  	[sflag:s7] =	ssyncadd.s32 $0xFFFFC000  }
0x28d: {  	[tilespmem:s16], [sflag:$0x3] =	stream.indirect.gather [hbm4b:s1+s11], $0x80, s29, s11, $0xb8;
	[tilespmem:$0x1FEC0] =	vst v63  }
0x28e: {  	_ =	swait.ge [sflag:s17], $0x4000  }
0x28f: {  	[sflag:s17] =	ssyncset.done $0x0  }
0x290: {  	[sflag:s17] =	ssyncadd.s32 $0xFFFFC000  }
0x291: {  	[spmem:s3] =	stream.indirect.scatter.add.f32 [tilespmem:s12], [sflag:$0x9], $0x80, s23, s11, $0xb8;
	[tilespmem:$0x1FEC0] =	vst v63  }
0x292: {  	_ =	swait.ge [sflag:s7], $0x4000  }
0x293: {  	s28 =	rddreg [dreg:$0x4];
	[sflag:s7] =	ssyncset.done $0x0  }
0x294: {  	s30 =	rddreg [dreg:$0x5];
	[sflag:s7] =	ssyncadd.s32 $0xFFFFC000;
	s5 =	sadd.s32 s22, s28  }
0x295: {  	[tilespmem:s8], [sflag:$0x5] =	stream.linear.gather [hbm4b:s5+s4], $0x100, $0x38;
	[tilespmem:$0x1FEC0] =	vst v63  }
0x296: {  	s22 =	sadd.s32 s22, s30  }
0x297: {  	[tilespmem:s10], [sflag:$0x7] =	stream.linear.gather [hbm4b:s22+s4], $0x100, $0x38;
	[tilespmem:$0x1FEC0] =	vst v63  }
0x298: {  	_ =	swait.ge [sflag:s2], $0x100  }
0x299: {  	[sflag:s2] =	ssyncset.done $0x0  }
0x29a: {  	[sflag:s2] =	ssyncadd.s32 $0xFFFFFF00  }
0x29b: {  	[tilespmem:s12], [sflag:$0x1] =	stream.indirect.gather [hbm4b:s1+s11], $0x80, s4, s11, $0xb8;
	[tilespmem:$0x1FEC0] =	vst v63  }
0x29c: {  	_ =	swait.ge [sflag:s20], $0x4000  }
0x29d: {  	[sflag:s20] =	ssyncset.done $0x0  }
0x29e: {  	[sflag:s20] =	ssyncadd.s32 $0xFFFFC000  }
0x29f: {  	_ =	swait.ge [sflag:s26], $0x100  }
0x2a0: {  	[sflag:s26] =	ssyncset.done $0x0  }
0x2a1: {  	[sflag:s26] =	ssyncadd.s32 $0xFFFFFF00  }
0x2a2: {  	[spmem:s3] =	stream.indirect.scatter.add.f32 [tilespmem:s13], [sflag:$0x9], $0x80, s14, s11, $0xb8;
	[tilespmem:$0x1FEC0] =	vst v63  }
0x2a3: {  	_ =	swait.ge [sflag:s7], $0x4000  }
0x2a4: {  	[sflag:s7] =	ssyncset.done $0x0  }
0x2a5: {  	[sflag:s7] =	ssyncadd.s32 $0xFFFFC000  }
0x2a6: {  	[tilespmem:s13], [sflag:$0x2] =	stream.indirect.gather [hbm4b:s1+s11], $0x80, s11, s11, $0xb8;
	[tilespmem:$0x1FEC0] =	vst v63  }
0x2a7: {  	_ =	swait.ge [sflag:s25], $0x4000  }
0x2a8: {  	[sflag:s25] =	ssyncset.done $0x0  }
0x2a9: {  	[sflag:s25] =	ssyncadd.s32 $0xFFFFC000  }
0x2aa: {  	[spmem:s3] =	stream.indirect.scatter.add.f32 [tilespmem:s16], [sflag:$0x9], $0x80, s31, s11, $0xb8;
	[tilespmem:$0x1FEC0] =	vst v63  }
0x2ab: {  	_ =	swait.ge [sflag:s7], $0x4000  }
0x2ac: {  	[sflag:s7] =	ssyncset.done $0x0;
	s28 =	rddreg [dreg:$0x1c]  }
0x2ad: {  	s30 =	sld [smem:$0x7FD];
	[sflag:s7] =	ssyncadd.s32 $0xFFFFC000  }
0x2ae: {  	[tilespmem:s9], [sflag:$0x6] =	stream.linear.gather [hbm4b:s28+s4], $0x100, $0x38;
	[tilespmem:$0x1FEC0] =	vst v63  }
0x2af: {  	_ = 	snop  }
0x2b0: {  	[tilespmem:s14], [sflag:$0x8] =	stream.linear.gather [hbm4b:s30+s4], $0x100, $0x38;
	[tilespmem:$0x1FEC0] =	vst v63  }
0x2b1: {  	_ =	swait.ge [sflag:s15], $0x100  }
0x2b2: {  	[sflag:s15] =	ssyncset.done $0x0  }
0x2b3: {  	[sflag:s15] =	ssyncadd.s32 $0xFFFFFF00  }
0x2b4: {  	[tilespmem:s16], [sflag:$0x3] =	stream.indirect.gather [hbm4b:s1+s11], $0x80, s8, s11, $0xb8;
	[tilespmem:$0x1FEC0] =	vst v63  }
0x2b5: {  	_ =	swait.ge [sflag:s17], $0x4000  }
0x2b6: {  	[sflag:s17] =	ssyncset.done $0x0  }
0x2b7: {  	[sflag:s17] =	ssyncadd.s32 $0xFFFFC000  }
0x2b8: {  	_ =	swait.ge [sflag:s18], $0x100  }
0x2b9: {  	[sflag:s18] =	ssyncset.done $0x0  }
0x2ba: {  	[sflag:s18] =	ssyncadd.s32 $0xFFFFFF00  }
0x2bb: {  	[spmem:s3] =	stream.indirect.scatter.add.f32 [tilespmem:s12], [sflag:$0x9], $0x80, s10, s11, $0xb8;
	[tilespmem:$0x1FEC0] =	vst v63  }
0x2bc: {  	_ =	swait.ge [sflag:s7], $0x4000  }
0x2bd: {  	[sflag:s7] =	ssyncset.done $0x0  }
0x2be: {  	[sflag:s7] =	ssyncadd.s32 $0xFFFFC000  }
0x2bf: {  	[tilespmem:s12], [sflag:$0x1] =	stream.indirect.gather [hbm4b:s1+s11], $0x80, s19, s11, $0xb8;
	[tilespmem:$0x1FEC0] =	vst v63  }
0x2c0: {  	_ =	swait.ge [sflag:s20], $0x4000  }
0x2c1: {  	[sflag:s20] =	ssyncset.done $0x0  }
0x2c2: {  	[sflag:s20] =	ssyncadd.s32 $0xFFFFC000  }
0x2c3: {  	[spmem:s3] =	stream.indirect.scatter.add.f32 [tilespmem:s13], [sflag:$0x9], $0x80, s23, s11, $0xb8;
	[tilespmem:$0x1FEC0] =	vst v63  }
0x2c4: {  	_ =	swait.ge [sflag:s7], $0x4000  }
0x2c5: {  	[sflag:s7] =	ssyncset.done $0x0  }
0x2c6: {  	s6 =	rddreg [dreg:$0x1e];
	[sflag:s7] =	ssyncadd.s32 $0xFFFFC000  }
0x2c7: {  	[tilespmem:s4], [sflag:$0x4] =	stream.linear.gather [hbm4b:s6+s4], $0x100, $0x38;
	[tilespmem:$0x1FEC0] =	vst v63  }
0x2c8: {  	s22 =	rddreg [dreg:$0x1d]  }
0x2c9: {  	[tilespmem:s10], [sflag:$0x7] =	stream.linear.gather [hbm4b:s22+s4], $0x100, $0x38;
	[tilespmem:$0x1FEC0] =	vst v63  }
0x2ca: {  	_ =	swait.ge [sflag:s24], $0x100  }
0x2cb: {  	[sflag:s24] =	ssyncset.done $0x0  }
0x2cc: {  	[sflag:s24] =	ssyncadd.s32 $0xFFFFFF00  }
0x2cd: {  	[tilespmem:s13], [sflag:$0x2] =	stream.indirect.gather [hbm4b:s1+s11], $0x80, s9, s11, $0xb8;
	[tilespmem:$0x1FEC0] =	vst v63  }
0x2ce: {  	_ =	swait.ge [sflag:s25], $0x4000  }
0x2cf: {  	[sflag:s25] =	ssyncset.done $0x0  }
0x2d0: {  	[sflag:s25] =	ssyncadd.s32 $0xFFFFC000  }
0x2d1: {  	_ =	swait.ge [sflag:s26], $0x100  }
0x2d2: {  	[sflag:s26] =	ssyncset.done $0x0  }
0x2d3: {  	[sflag:s26] =	ssyncadd.s32 $0xFFFFFF00  }
0x2d4: {  	[spmem:s3] =	stream.indirect.scatter.add.f32 [tilespmem:s16], [sflag:$0x9], $0x80, s14, s11, $0xb8;
	[tilespmem:$0x1FEC0] =	vst v63  }
0x2d5: {  	_ =	swait.ge [sflag:s7], $0x4000  }
0x2d6: {  	[sflag:s7] =	ssyncset.done $0x0  }
0x2d7: {  	[sflag:s7] =	ssyncadd.s32 $0xFFFFC000  }
0x2d8: {  	[tilespmem:s16], [sflag:$0x3] =	stream.indirect.gather [hbm4b:s1+s11], $0x80, s29, s11, $0xb8;
	[tilespmem:$0x1FEC0] =	vst v63  }
0x2d9: {  	_ =	swait.ge [sflag:s17], $0x4000  }
0x2da: {  	[sflag:s17] =	ssyncset.done $0x0  }
0x2db: {  	[sflag:s17] =	ssyncadd.s32 $0xFFFFC000  }
0x2dc: {  	[spmem:s3] =	stream.indirect.scatter.add.f32 [tilespmem:s12], [sflag:$0x9], $0x80, s31, s11, $0xb8;
	[tilespmem:$0x1FEC0] =	vst v63  }
0x2dd: {  	_ =	swait.ge [sflag:s7], $0x4000  }
0x2de: {  	s28 =	sld [smem:$0x7F0]  }
0x2df: {  	[sflag:s7] =	ssyncset.done $0x0  }
0x2e0: {  	[sflag:s7] =	ssyncadd.s32 $0xFFFFC000  }
0x2e1: {  	[tilespmem:s8], [sflag:$0x5] =	stream.linear.gather [hbm4b:s28+s4], $0x100, $0x38;
	[tilespmem:$0x1FEC0] =	vst v63  }
0x2e2: {  	s30 =	rddreg [dreg:$0x1f]  }
0x2e3: {  	[tilespmem:s14], [sflag:$0x8] =	stream.linear.gather [hbm4b:s30+s4], $0x100, $0x38;
	[tilespmem:$0x1FEC0] =	vst v63  }
0x2e4: {  	_ =	swait.ge [sflag:s2], $0x100  }
0x2e5: {  	[sflag:s2] =	ssyncset.done $0x0  }
0x2e6: {  	[sflag:s2] =	ssyncadd.s32 $0xFFFFFF00  }
0x2e7: {  	[tilespmem:s12], [sflag:$0x1] =	stream.indirect.gather [hbm4b:s1+s11], $0x80, s4, s11, $0xb8;
	[tilespmem:$0x1FEC0] =	vst v63  }
0x2e8: {  	_ =	swait.ge [sflag:s20], $0x4000  }
0x2e9: {  	[sflag:s20] =	ssyncset.done $0x0  }
0x2ea: {  	[sflag:s20] =	ssyncadd.s32 $0xFFFFC000  }
0x2eb: {  	_ =	swait.ge [sflag:s18], $0x100  }
0x2ec: {  	[sflag:s18] =	ssyncset.done $0x0  }
0x2ed: {  	[sflag:s18] =	ssyncadd.s32 $0xFFFFFF00  }
0x2ee: {  	[spmem:s3] =	stream.indirect.scatter.add.f32 [tilespmem:s13], [sflag:$0x9], $0x80, s10, s11, $0xb8;
	[tilespmem:$0x1FEC0] =	vst v63  }
0x2ef: {  	_ =	swait.ge [sflag:s7], $0x4000  }
0x2f0: {  	[sflag:s7] =	ssyncset.done $0x0  }
0x2f1: {  	[sflag:s7] =	ssyncadd.s32 $0xFFFFC000  }
0x2f2: {  	[tilespmem:s13], [sflag:$0x2] =	stream.indirect.gather [hbm4b:s1+s11], $0x80, s11, s11, $0xb8;
	[tilespmem:$0x1FEC0] =	vst v63  }
0x2f3: {  	_ =	swait.ge [sflag:s25], $0x4000  }
0x2f4: {  	[sflag:s25] =	ssyncset.done $0x0  }
0x2f5: {  	[sflag:s25] =	ssyncadd.s32 $0xFFFFC000  }
0x2f6: {  	[spmem:s3] =	stream.indirect.scatter.add.f32 [tilespmem:s16], [sflag:$0x9], $0x80, s23, s11, $0xb8;
	[tilespmem:$0x1FEC0] =	vst v63  }
0x2f7: {  	_ =	swait.ge [sflag:s7], $0x4000  }
0x2f8: {  	s6 =	sld [smem:$0x7F1]  }
0x2f9: {  	[sflag:s7] =	ssyncset.done $0x0  }
0x2fa: {  	s22 =	sld [smem:$0x7F2];
	[sflag:s7] =	ssyncadd.s32 $0xFFFFC000  }
0x2fb: {  	[tilespmem:s9], [sflag:$0x6] =	stream.linear.gather [hbm4b:s6+s4], $0x100, $0x38;
	[tilespmem:$0x1FEC0] =	vst v63  }
0x2fc: {  	_ = 	snop  }
0x2fd: {  	[tilespmem:s10], [sflag:$0x7] =	stream.linear.gather [hbm4b:s22+s4], $0x100, $0x38;
	[tilespmem:$0x1FEC0] =	vst v63  }
0x2fe: {  	_ =	swait.ge [sflag:s15], $0x100  }
0x2ff: {  	[sflag:s15] =	ssyncset.done $0x0  }
0x300: {  	[sflag:s15] =	ssyncadd.s32 $0xFFFFFF00  }
0x301: {  	[tilespmem:s16], [sflag:$0x3] =	stream.indirect.gather [hbm4b:s1+s11], $0x80, s8, s11, $0xb8;
	[tilespmem:$0x1FEC0] =	vst v63  }
0x302: {  	_ =	swait.ge [sflag:s17], $0x4000  }
0x303: {  	[sflag:s17] =	ssyncset.done $0x0  }
0x304: {  	[sflag:s17] =	ssyncadd.s32 $0xFFFFC000  }
0x305: {  	_ =	swait.ge [sflag:s26], $0x100  }
0x306: {  	[sflag:s26] =	ssyncset.done $0x0  }
0x307: {  	[sflag:s26] =	ssyncadd.s32 $0xFFFFFF00  }
0x308: {  	[spmem:s3] =	stream.indirect.scatter.add.f32 [tilespmem:s12], [sflag:$0x9], $0x80, s14, s11, $0xb8;
	[tilespmem:$0x1FEC0] =	vst v63  }
0x309: {  	_ =	swait.ge [sflag:s7], $0x4000  }
0x30a: {  	[sflag:s7] =	ssyncset.done $0x0  }
0x30b: {  	[sflag:s7] =	ssyncadd.s32 $0xFFFFC000  }
0x30c: {  	[tilespmem:s12], [sflag:$0x1] =	stream.indirect.gather [hbm4b:s1+s11], $0x80, s19, s11, $0xb8;
	[tilespmem:$0x1FEC0] =	vst v63  }
0x30d: {  	_ =	swait.ge [sflag:s20], $0x4000  }
0x30e: {  	[sflag:s20] =	ssyncset.done $0x0  }
0x30f: {  	[sflag:s20] =	ssyncadd.s32 $0xFFFFC000  }
0x310: {  	[spmem:s3] =	stream.indirect.scatter.add.f32 [tilespmem:s13], [sflag:$0x9], $0x80, s31, s11, $0xb8;
	[tilespmem:$0x1FEC0] =	vst v63  }
0x311: {  	_ =	swait.ge [sflag:s7], $0x4000  }
0x312: {  	s28 =	sld [smem:$0x7F3]  }
0x313: {  	[sflag:s7] =	ssyncset.done $0x0  }
0x314: {  	[sflag:s7] =	ssyncadd.s32 $0xFFFFC000  }
0x315: {  	[tilespmem:s14], [sflag:$0x8] =	stream.linear.gather [hbm4b:s28+s4], $0x100, $0x38;
	[tilespmem:$0x1FEC0] =	vst v63  }
0x316: {  	_ =	swait.ge [sflag:s24], $0x100  }
0x317: {  	[sflag:s24] =	ssyncset.done $0x0  }
0x318: {  	[sflag:s24] =	ssyncadd.s32 $0xFFFFFF00  }
0x319: {  	[tilespmem:s13], [sflag:$0x2] =	stream.indirect.gather [hbm4b:s1+s11], $0x80, s9, s11, $0xb8;
	[tilespmem:$0x1FEC0] =	vst v63  }
0x31a: {  	_ =	swait.ge [sflag:s25], $0x4000  }
0x31b: {  	[sflag:s25] =	ssyncset.done $0x0  }
0x31c: {  	[sflag:s25] =	ssyncadd.s32 $0xFFFFC000  }
0x31d: {  	_ =	swait.ge [sflag:s18], $0x100  }
0x31e: {  	[sflag:s18] =	ssyncset.done $0x0  }
0x31f: {  	[sflag:s18] =	ssyncadd.s32 $0xFFFFFF00  }
0x320: {  	[spmem:s3] =	stream.indirect.scatter.add.f32 [tilespmem:s16], [sflag:$0x9], $0x80, s10, s11, $0xb8;
	[tilespmem:$0x1FEC0] =	vst v63  }
0x321: {  	_ =	swait.ge [sflag:s7], $0x4000  }
0x322: {  	[sflag:s7] =	ssyncset.done $0x0  }
0x323: {  	[sflag:s7] =	ssyncadd.s32 $0xFFFFC000  }
0x324: {  	[tilespmem:s16], [sflag:$0x3] =	stream.indirect.gather [hbm4b:s1+s11], $0x80, s29, s11, $0xb8;
	[tilespmem:$0x1FEC0] =	vst v63  }
0x325: {  	_ =	swait.ge [sflag:s17], $0x4000  }
0x326: {  	[sflag:s17] =	ssyncset.done $0x0  }
0x327: {  	[sflag:s17] =	ssyncadd.s32 $0xFFFFC000  }
0x328: {  	[spmem:s3] =	stream.indirect.scatter.add.f32 [tilespmem:s12], [sflag:$0x9], $0x80, s23, s11, $0xb8;
	[tilespmem:$0x1FEC0] =	vst v63  }
0x329: {  	_ =	swait.ge [sflag:s7], $0x4000  }
0x32a: {  	[sflag:s7] =	ssyncset.done $0x0  }
0x32b: {  	[sflag:s7] =	ssyncadd.s32 $0xFFFFC000  }
0x32c: {  	_ =	swait.ge [sflag:s20], $0x4000  }
0x32d: {  	[sflag:s20] =	ssyncset.done $0x0  }
0x32e: {  	[sflag:s20] =	ssyncadd.s32 $0xFFFFC000  }
0x32f: {  	_ =	swait.ge [sflag:s26], $0x100  }
0x330: {  	[sflag:s26] =	ssyncset.done $0x0  }
0x331: {  	[sflag:s26] =	ssyncadd.s32 $0xFFFFFF00  }
0x332: {  	[spmem:s3] =	stream.indirect.scatter.add.f32 [tilespmem:s13], [sflag:$0x9], $0x80, s14, s11, $0xb8;
	[tilespmem:$0x1FEC0] =	vst v63  }
0x333: {  	_ =	swait.ge [sflag:s7], $0x4000  }
0x334: {  	[sflag:s7] =	ssyncset.done $0x0  }
0x335: {  	[sflag:s7] =	ssyncadd.s32 $0xFFFFC000  }
0x336: {  	_ =	swait.ge [sflag:s25], $0x4000  }
0x337: {  	[sflag:s25] =	ssyncset.done $0x0  }
0x338: {  	[sflag:s25] =	ssyncadd.s32 $0xFFFFC000  }
0x339: {  	[spmem:s3] =	stream.indirect.scatter.add.f32 [tilespmem:s16], [sflag:$0x9], $0x80, s31, s11, $0xb8;
	[tilespmem:$0x1FEC0] =	vst v63  }
0x33a: {  	_ =	swait.ge [sflag:s7], $0x4000  }
0x33b: {  	[sflag:s7] =	ssyncset.done $0x0  }
0x33c: {  	[sflag:s7] =	ssyncadd.s32 $0xFFFFC000  }
0x33d: {  	[bflag:$0x0] =	sbarrier.arrive $0xFFFF  }
0x33e: {  	s5 =	sld [smem:$0x7F7]  }
0x33f: {  	s22 =	sld [smem:$0x7EE];
	_ =	sdelay $0x1  }
0x340: {  	s6 =	simm.s32 @p0 $0x1FC9;
	s5 =	sadd.s32 @p0 $0x25080, s5  }
0x341: {  	[hbm:s5], [sflag:s6] =	dma.local @p0 [spmem:s22], $0x2300  }
0x342: {  	s5 =	simm.s32 @p0 $0x9  }
0x343: {  	_ =	swait.ge @p0 [sflag:s5], $0x2300  }
0x344: {  	[sflag:s5] =	ssyncset.done @p0 $0x0;
	s6 =	sld [smem:$0x7EF]  }
0x345: {  	[sflag:s5] =	ssyncadd.s32 @p0 $0xFFFFDD00;
	s5 =	sld [smem:$0x7F8];
	_ =	sdelay $0x2  }
0x346: {  	[hbm:s5], [sflag:s6] =	dma.local @!p0 [spmem:s21], $0x2780  }
0x347: {  	s5 =	simm.s32 @!p0 $0x9  }
0x348: {  	_ =	swait.ge @!p0 [sflag:s5], $0x2780  }
0x349: {  	s30 =	sld [smem:$0x7F6];
	_ =	sdelay $0x1  }
0x34a: {  	s0 =	sadd.s32 $0x1, s0  }
0x34b: {  	p1 =	sne.s32 s0, s30  }
.Ltmp1:
0x34c: {  	_ = 	snop;
	(pc) =	sbr.rel @p1 .LBB2_1-.Ltmp1, $3  }
0x34d: {  	_ =	sdelay $0x1  }
0x34e: {  	[sflag:s5] =	ssyncset.done @!p0 $0x0  }
0x34f: {  	[sflag:s5] =	ssyncadd.s32 @!p0 $0xFFFFD880  }
0x350: {  	_ =	sfence.sel $0x180000  }
0x351: {  	[bflag:$0x0] =	sbarrier.arrive $0xFFFF  }
0x352: {  	_ =	strace $0x90000047  }
0x353: {  	s0 =	stileid.u32;
	[bflag:$0x2] =	sbarrier.arrive $0xFFFF  }
0x354: {  	p0 =	sne.s32 s0, $0x0;
	s0 =	rddreg [dreg:$0x3]  }
0x355: {  	s0 =	sadd.s32 @!p0 $0x100000, s0  }
0x356: {  	[sflag:s0] =	ssyncadd.tile.s32 @!p0 $0x1;
	_ =	shalt  }
.Lfunc_end2:
_tile_overlayer_lowered:
.L_overlay_start_2:
0x357: {  	(tag) =	ssettag $0x2  }
0x358: {  	s0 =	rddreg [dreg:$0x0];
	s2 =	stileid.u32  }
0x359: {  	s1 =	rddreg [dreg:$0x1];
	p0 =	sne.s32 s2, $0x0  }
0x35a: {  	s3 =	rddreg [dreg:$0x2];
	[bflag:$0x3] =	sbarrier.arrive $0xFFFF;
	s2 =	simm.s32 @!p0 $0x1C09  }
0x35b: {  	[timem:s3], [sflag:s2] =	dma.local @!p0 [hbm:s0], s1  }
0x35c: {  	s0 =	simm.s32 @!p0 $0x9  }
0x35d: {  	_ =	swait.ge @!p0 [sflag:s0], s1  }
0x35e: {  	s1 =	ssub.s32 @!p0 $0x0, s1;
	[sflag:s0] =	ssyncset.done @!p0 $0x0  }
0x35f: {  	[sflag:s0] =	ssyncadd.s32 @!p0 s1  }
0x360: {  	[bflag:$0x3] =	sbarrier.arrive $0xFFFF  }
0x361: {  	_ =	shalt  }

</sc_bundles>
